<compile_context>
chip_gen: v7x
topology: tpu7x:2x2x1
jax: 0.10.2.dev20260603
libtpu: 0.0.44.dev20260713+nightly
codegen_flags: <defaults>
</compile_context>

<pallas_src>
import functools

import jax
import jax.numpy as jnp
from jax import lax
from jax.experimental import pallas as pl
from jax.experimental.pallas import tpu as pltpu
from jax.experimental.pallas import tpu_sc as plsc

_info = plsc.get_sparse_core_info()
_NC, _NS, _L = _info.num_cores, _info.num_subcores, _info.num_lanes
_NW = _NC * _NS
_SB = 128


def _transpose_kernel(vocab: int, dim: int, units_per_w: int,
                      table_t_hbm, tail_hbm, table2_hbm, src, dst,
                      gsems, osems):
    wid = lax.axis_index("s") * _NC + lax.axis_index("c")
    lane0 = lax.iota(jnp.int32, _L)
    zero16 = lane0 * 0
    n_full = vocab // _SB

    def block_off(k):
        off = jnp.minimum(k * _NW + wid, n_full - 1) * _SB
        return pl.multiple_of(off, _SB)

    def fire(k, b):
        off_v = block_off(k)
        pltpu.async_copy(table_t_hbm.at[:, pl.ds(off_v, _SB)], src[b],
                         gsems[b])

    fire(0, 0)
    fire(1, 1)

    def pair_body(i, _):
        for b in range(2):
            k = i * 2 + b
            off_v = block_off(k)
            dst_hbm = table2_hbm.at[
                pl.ds(pl.multiple_of(off_v // 2, _SB // 2), _SB // 2)]
            pltpu.make_async_copy(table_t_hbm.at[:, pl.ds(off_v, _SB)],
                                  src[b], gsems[b]).wait()

            @pl.when(i > 0)
            def _():
                pltpu.make_async_copy(dst[b], dst_hbm, osems[b]).wait()

            for kk in range(2 * dim // _L):
                p = kk // (dim // _L)
                dvec = lane0 + (kk % (dim // _L)) * _L

                @plsc.parallel_loop(0, _SB // 2, unroll=8)
                def rbody(r, p=p, dvec=dvec, b=b, kk=kk):
                    dcol = zero16 + (2 * r + p)
                    v = plsc.load_gather(src[b], [dvec, dcol])
                    dst[b][r, pl.ds(kk * _L, _L)] = v

            pltpu.async_copy(dst[b], dst_hbm, osems[b])

            @pl.when(k + 2 < units_per_w)
            def _():
                fire(k + 2, b)

        return 0

    lax.fori_loop(0, units_per_w // 2, pair_body, 0)

    for b in range(2):
        k = units_per_w - 2 + b
        off_v = block_off(k)
        dst_hbm = table2_hbm.at[
            pl.ds(pl.multiple_of(off_v // 2, _SB // 2), _SB // 2)]
        pltpu.make_async_copy(dst[b], dst_hbm, osems[b]).wait()

    tail = vocab - n_full * _SB

    if tail:
        @pl.when(wid == 0)
        def _():
            pltpu.sync_copy(tail_hbm, dst[0].at[pl.ds(0, tail // 2)])
            pltpu.sync_copy(dst[0].at[pl.ds(0, tail // 2)],
                            table2_hbm.at[pl.ds(vocab // 2 - tail // 2,
                                                tail // 2)])


def _emb_kernel(n_tok: int, dim: int, blocks_per_w: int,
                table2_hbm, tok_hbm, out_hbm,
                idx_all, idx2, pcol, rows, outt, gsems, osems):
    wid = lax.axis_index("s") * _NC + lax.axis_index("c")
    seq0 = pl.multiple_of(wid * (blocks_per_w * _SB), blocks_per_w * _SB)
    units_per_w = n_tok * blocks_per_w
    lane0 = lax.iota(jnp.int32, _L)

    pltpu.sync_copy(tok_hbm.at[:, pl.ds(seq0, blocks_per_w * _SB)], idx_all)

    def unit_coords(k):
        t = k // blocks_per_w
        sbl = k % blocks_per_w
        return t, sbl

    def prep_and_fire(k, b):
        t, sbl = unit_coords(k)
        for j in range(_SB // _L):
            v = idx_all[t, pl.ds(sbl * _SB + j * _L, _L)]
            idx2[b][pl.ds(j * _L, _L)] = v >> 1
            pcol[b][pl.ds(j * _L, _L)] = (v & 1) << 6
        pltpu.async_copy(table2_hbm.at[idx2[b]], rows[b], gsems[b])

    prep_and_fire(0, 0)
    prep_and_fire(1, 1)

    def pair_body(i, _):
        for b in range(2):
            k = i * 2 + b
            t, sbl = unit_coords(k)
            dst = out_hbm.at[
                t, :, pl.ds(pl.multiple_of(seq0 + sbl * _SB, _SB), _SB)]
            pltpu.make_async_copy(table2_hbm.at[idx2[b]], rows[b],
                                  gsems[b]).wait()

            @pl.when(i > 0)
            def _():
                pltpu.make_async_copy(outt[b], dst, osems[b]).wait()

            for lg in range(_SB // _L):
                lanes = lane0 + lg * _L
                pv = pcol[b][pl.ds(lg * _L, _L)]

                @plsc.parallel_loop(0, dim, unroll=8)
                def dbody(d, lanes=lanes, pv=pv, b=b, lg=lg):
                    cols = pv + d
                    v = plsc.load_gather(rows[b], [lanes, cols])
                    outt[b][d, pl.ds(lg * _L, _L)] = v * 8.0

            pltpu.async_copy(outt[b], dst, osems[b])

            @pl.when(k + 2 < units_per_w)
            def _():
                prep_and_fire(k + 2, b)

        return 0

    lax.fori_loop(0, units_per_w // 2, pair_body, 0)

    for b in range(2):
        k = units_per_w - 2 + b
        t, sbl = unit_coords(k)
        dst = out_hbm.at[t, :, pl.ds(seq0 + sbl * _SB, _SB)]
        pltpu.make_async_copy(outt[b], dst, osems[b]).wait()


def kernel(tokens, table):
    n_seq, n_tok = tokens.shape
    vocab, dim = table.shape
    blocks_per_w = n_seq // _SB // _NW

    tok_t = tokens.T.astype(jnp.int32)
    table_t = table.T
    n_full = vocab // _SB
    tail = vocab - n_full * _SB
    if tail:
        tail_src = table[n_full * _SB:].reshape(tail // 2, 2 * dim)
    else:
        tail_src = jnp.zeros((1, 2 * dim), table.dtype)

    mesh = plsc.VectorSubcoreMesh(core_axis_name="c", subcore_axis_name="s")

    units_a = -(-(vocab // _SB) // _NW)
    units_a += units_a % 2
    ka = pl.kernel(
        functools.partial(_transpose_kernel, vocab, dim, units_a),
        mesh=mesh,
        out_type=jax.ShapeDtypeStruct((vocab // 2, 2 * dim), jnp.float32),
        scratch_types=[
            [pltpu.VMEM((dim, _SB), jnp.float32) for _ in range(2)],
            [pltpu.VMEM((_SB // 2, 2 * dim), jnp.float32) for _ in range(2)],
            [pltpu.SemaphoreType.DMA for _ in range(2)],
            [pltpu.SemaphoreType.DMA for _ in range(2)],
        ],
        compiler_params=pltpu.CompilerParams(use_tc_tiling_on_sc=True,
                                             needs_layout_passes=False),
    )
    table2 = ka(table_t, tail_src)
    k = pl.kernel(
        functools.partial(_emb_kernel, n_tok, dim, blocks_per_w),
        mesh=mesh,
        out_type=jax.ShapeDtypeStruct((n_tok, dim, n_seq), jnp.float32),
        scratch_types=[
            pltpu.VMEM((n_tok, blocks_per_w * _SB), jnp.int32),
            [pltpu.VMEM((_SB,), jnp.int32) for _ in range(2)],
            [pltpu.VMEM((_SB,), jnp.int32) for _ in range(2)],
            [pltpu.VMEM((_SB, 2 * dim), jnp.float32) for _ in range(2)],
            [pltpu.VMEM((dim, _SB), jnp.float32) for _ in range(2)],
            [pltpu.SemaphoreType.DMA for _ in range(2)],
            [pltpu.SemaphoreType.DMA for _ in range(2)],
        ],
        compiler_params=pltpu.CompilerParams(use_tc_tiling_on_sc=True,
                                             needs_layout_passes=False),
    )
    out3d = k(table2, tok_t)
    return out3d.transpose(2, 0, 1)

# --- scband reference (transcript-rebuilt; emitter-appended) ---
"""Pipeline reference for scband-token-embedding-45741401702923 (READ-ONLY COPY).

The authoritative reference and input builder live on the scoring server;
editing this copy changes nothing except your own understanding.
"""

import jax, jax.numpy as jnp
import numpy as np
import math

DIM_VOCAB = 1000000
DIM_EMB = 64

def setup_inputs(seed: int = 0) -> dict:
    key = jax.random.key(seed)
    k1, k2 = jax.random.split(key)
    tokens = jax.random.randint(k1, (16384, 20), 0, DIM_VOCAB, dtype=jnp.int64 if jax.config.jax_enable_x64 else jnp.int32)
    table = jax.random.normal(k2, (DIM_VOCAB, DIM_EMB), dtype=jnp.float32)
    return {"tokens": tokens, "table": table}

def reference(tokens, table):
    # TokenEmbedding.forward: embedding(tokens) * sqrt(dim_emb)
    emb = jnp.take(table, tokens, axis=0)
    return emb * math.sqrt(DIM_EMB)

if __name__ == "__main__":
    import jax
    _d = setup_inputs()
    print(jax.jit(kernel)(*tuple(_d.values())))

</pallas_src>

<mosaic_0001>
#map = affine_map<(d0, d1) -> (0, 0)>
#map1 = affine_map<(d0, d1) -> (0, 0, 0)>
module attributes {stable_mosaic.version = 14 : i64} {
  func.func @_emb_kernel(%arg0: i32, %arg1: i32, %arg2: memref<500000x128xf32, #tpu.memory_space<hbm>>, %arg3: memref<20x16384xi32, #tpu.memory_space<hbm>>, %arg4: memref<20x64x16384xf32, #tpu.memory_space<hbm>>, %arg5: memref<20x512xi32, #tpu.memory_space<vmem>>, %arg6: memref<128xi32, #tpu.memory_space<vmem>>, %arg7: memref<128xi32, #tpu.memory_space<vmem>>, %arg8: memref<128xi32, #tpu.memory_space<vmem>>, %arg9: memref<128xi32, #tpu.memory_space<vmem>>, %arg10: memref<128x128xf32, #tpu.memory_space<vmem>>, %arg11: memref<128x128xf32, #tpu.memory_space<vmem>>, %arg12: memref<64x128xf32, #tpu.memory_space<vmem>>, %arg13: memref<64x128xf32, #tpu.memory_space<vmem>>, %arg14: memref<!tpu.dma_semaphore, #tpu.memory_space<semaphore_mem>>, %arg15: memref<!tpu.dma_semaphore, #tpu.memory_space<semaphore_mem>>, %arg16: memref<!tpu.dma_semaphore, #tpu.memory_space<semaphore_mem>>, %arg17: memref<!tpu.dma_semaphore, #tpu.memory_space<semaphore_mem>>) attributes {dimension_semantics = [#tpu.dimension_semantics<core_parallel>, #tpu.dimension_semantics<subcore_parallel>], iteration_bounds = array<i64: 2, 16>, scalar_prefetch = 0 : i64, scratch_operands = 13 : i64, tpu.core_type = #tpu.core_type<sc_vector_subcore>, window_params = [{transform_indices = #map}, {transform_indices = #map}, {transform_indices = #map1}]} {
    %mul3A = arith.constant 2 : i32
    %mul3A_0 = arith.muli %arg1, %mul3A : i32
    %add3A = arith.addi %mul3A_0, %arg0 : i32
    %mul3A_1 = arith.constant 512 : i32
    %mul3A_2 = arith.muli %add3A, %mul3A_1 : i32
    %multiple_of3A = tpu.assume_multiple %mul3A_2, 512 : i32
    %iota3A = tpu.iota {dimensions = array<i32: 0>} : vector<16xi32>
    "tpu.region"() ({
      %run_scoped3A = tpu.sem_alloc : memref<!tpu.dma_semaphore, #tpu.memory_space<semaphore_mem>>
      %dma_start3A_298 = arith.constant 0 : i32
      %dma_start3A_299 = tpu.memref_slice %arg3[%dma_start3A_298, %multiple_of3A] : memref<20x16384xi32, #tpu.memory_space<hbm>> -> memref<20x512xi32, #tpu.memory_space<hbm>>
      %dma_start3A_300 = arith.constant 0 : i32
      %dma_start3A_301 = tpu.memref_slice %arg3[%dma_start3A_300, %multiple_of3A] : memref<20x16384xi32, #tpu.memory_space<hbm>> -> memref<20x512xi32, #tpu.memory_space<hbm>>
      tpu.enqueue_dma source(%dma_start3A_301 : memref<20x512xi32, #tpu.memory_space<hbm>>) target(%arg5 : memref<20x512xi32, #tpu.memory_space<vmem>>) target_semaphore(%run_scoped3A : memref<!tpu.dma_semaphore, #tpu.memory_space<semaphore_mem>>)
      %dma_wait3A_302 = arith.constant 0 : i32
      %dma_wait3A_303 = tpu.memref_slice %arg3[%dma_wait3A_302, %multiple_of3A] : memref<20x16384xi32, #tpu.memory_space<hbm>> -> memref<20x512xi32, #tpu.memory_space<hbm>>
      %dma_wait3A_304 = arith.constant 0 : i32
      %dma_wait3A_305 = tpu.memref_slice %arg3[%dma_wait3A_304, %multiple_of3A] : memref<20x16384xi32, #tpu.memory_space<hbm>> -> memref<20x512xi32, #tpu.memory_space<hbm>>
      tpu.wait_dma2 semaphore(%run_scoped3A : memref<!tpu.dma_semaphore, #tpu.memory_space<semaphore_mem>>) src(%dma_wait3A_305 : memref<20x512xi32, #tpu.memory_space<hbm>>) dst(%arg5 : memref<20x512xi32, #tpu.memory_space<vmem>>)
      tpu.yield
    }) : () -> ()
    %get3A = arith.constant 0 : i32
    %get3A_3 = arith.index_cast %get3A : i32 to index
    %get3A_4 = arith.constant 0 : index
    %get3A_5 = tpu.vector_load %arg5[%get3A_3, %get3A_4] {strides = array<i32>} : memref<20x512xi32, #tpu.memory_space<vmem>>, vector<16xi32>,
    %shift_right_arithmetic3A = arith.constant 1 : i32
    %shift_right_arithmetic3A_6 = vector.broadcast %shift_right_arithmetic3A : i32 to vector<16xi32>
    %shift_right_arithmetic3A_7 = arith.shrsi %get3A_5, %shift_right_arithmetic3A_6 : vector<16xi32>
    %swap3A = arith.constant 0 : index
    %swap3A_8 = tpu.vector_load %arg6[%swap3A] {strides = array<i32>} : memref<128xi32, #tpu.memory_space<vmem>>, vector<16xi32>,
    tpu.vector_store %arg6[%swap3A], %shift_right_arithmetic3A_7 {strides = array<i32>} : memref<128xi32, #tpu.memory_space<vmem>>, vector<16xi32>,
    %and3A = arith.constant 1 : i32
    %and3A_9 = vector.broadcast %and3A : i32 to vector<16xi32>
    %and3A_10 = arith.andi %get3A_5, %and3A_9 : vector<16xi32>
    %shift_left3A = arith.constant 6 : i32
    %shift_left3A_11 = vector.broadcast %shift_left3A : i32 to vector<16xi32>
    %shift_left3A_12 = arith.shli %and3A_10, %shift_left3A_11 : vector<16xi32>
    %swap3A_13 = arith.constant 0 : index
    %swap3A_14 = tpu.vector_load %arg8[%swap3A_13] {strides = array<i32>} : memref<128xi32, #tpu.memory_space<vmem>>, vector<16xi32>,
    tpu.vector_store %arg8[%swap3A_13], %shift_left3A_12 {strides = array<i32>} : memref<128xi32, #tpu.memory_space<vmem>>, vector<16xi32>,
    %get3A_15 = arith.constant 0 : i32
    %get3A_16 = arith.index_cast %get3A_15 : i32 to index
    %get3A_17 = arith.constant 16 : index
    %get3A_18 = tpu.vector_load %arg5[%get3A_16, %get3A_17] {strides = array<i32>} : memref<20x512xi32, #tpu.memory_space<vmem>>, vector<16xi32>,
    %shift_right_arithmetic3A_19 = arith.constant 1 : i32
    %shift_right_arithmetic3A_20 = vector.broadcast %shift_right_arithmetic3A_19 : i32 to vector<16xi32>
    %shift_right_arithmetic3A_21 = arith.shrsi %get3A_18, %shift_right_arithmetic3A_20 : vector<16xi32>
    %swap3A_22 = arith.constant 16 : index
    %swap3A_23 = tpu.vector_load %arg6[%swap3A_22] {strides = array<i32>} : memref<128xi32, #tpu.memory_space<vmem>>, vector<16xi32>,
    tpu.vector_store %arg6[%swap3A_22], %shift_right_arithmetic3A_21 {strides = array<i32>} : memref<128xi32, #tpu.memory_space<vmem>>, vector<16xi32>,
    %and3A_24 = arith.constant 1 : i32
    %and3A_25 = vector.broadcast %and3A_24 : i32 to vector<16xi32>
    %and3A_26 = arith.andi %get3A_18, %and3A_25 : vector<16xi32>
    %shift_left3A_27 = arith.constant 6 : i32
    %shift_left3A_28 = vector.broadcast %shift_left3A_27 : i32 to vector<16xi32>
    %shift_left3A_29 = arith.shli %and3A_26, %shift_left3A_28 : vector<16xi32>
    %swap3A_30 = arith.constant 16 : index
    %swap3A_31 = tpu.vector_load %arg8[%swap3A_30] {strides = array<i32>} : memref<128xi32, #tpu.memory_space<vmem>>, vector<16xi32>,
    tpu.vector_store %arg8[%swap3A_30], %shift_left3A_29 {strides = array<i32>} : memref<128xi32, #tpu.memory_space<vmem>>, vector<16xi32>,
    %get3A_32 = arith.constant 0 : i32
    %get3A_33 = arith.index_cast %get3A_32 : i32 to index
    %get3A_34 = arith.constant 32 : index
    %get3A_35 = tpu.vector_load %arg5[%get3A_33, %get3A_34] {strides = array<i32>} : memref<20x512xi32, #tpu.memory_space<vmem>>, vector<16xi32>,
    %shift_right_arithmetic3A_36 = arith.constant 1 : i32
    %shift_right_arithmetic3A_37 = vector.broadcast %shift_right_arithmetic3A_36 : i32 to vector<16xi32>
    %shift_right_arithmetic3A_38 = arith.shrsi %get3A_35, %shift_right_arithmetic3A_37 : vector<16xi32>
    %swap3A_39 = arith.constant 32 : index
    %swap3A_40 = tpu.vector_load %arg6[%swap3A_39] {strides = array<i32>} : memref<128xi32, #tpu.memory_space<vmem>>, vector<16xi32>,
    tpu.vector_store %arg6[%swap3A_39], %shift_right_arithmetic3A_38 {strides = array<i32>} : memref<128xi32, #tpu.memory_space<vmem>>, vector<16xi32>,
    %and3A_41 = arith.constant 1 : i32
    %and3A_42 = vector.broadcast %and3A_41 : i32 to vector<16xi32>
    %and3A_43 = arith.andi %get3A_35, %and3A_42 : vector<16xi32>
    %shift_left3A_44 = arith.constant 6 : i32
    %shift_left3A_45 = vector.broadcast %shift_left3A_44 : i32 to vector<16xi32>
    %shift_left3A_46 = arith.shli %and3A_43, %shift_left3A_45 : vector<16xi32>
    %swap3A_47 = arith.constant 32 : index
    %swap3A_48 = tpu.vector_load %arg8[%swap3A_47] {strides = array<i32>} : memref<128xi32, #tpu.memory_space<vmem>>, vector<16xi32>,
    tpu.vector_store %arg8[%swap3A_47], %shift_left3A_46 {strides = array<i32>} : memref<128xi32, #tpu.memory_space<vmem>>, vector<16xi32>,
    %get3A_49 = arith.constant 0 : i32
    %get3A_50 = arith.index_cast %get3A_49 : i32 to index
    %get3A_51 = arith.constant 48 : index
    %get3A_52 = tpu.vector_load %arg5[%get3A_50, %get3A_51] {strides = array<i32>} : memref<20x512xi32, #tpu.memory_space<vmem>>, vector<16xi32>,
    %shift_right_arithmetic3A_53 = arith.constant 1 : i32
    %shift_right_arithmetic3A_54 = vector.broadcast %shift_right_arithmetic3A_53 : i32 to vector<16xi32>
    %shift_right_arithmetic3A_55 = arith.shrsi %get3A_52, %shift_right_arithmetic3A_54 : vector<16xi32>
    %swap3A_56 = arith.constant 48 : index
    %swap3A_57 = tpu.vector_load %arg6[%swap3A_56] {strides = array<i32>} : memref<128xi32, #tpu.memory_space<vmem>>, vector<16xi32>,
    tpu.vector_store %arg6[%swap3A_56], %shift_right_arithmetic3A_55 {strides = array<i32>} : memref<128xi32, #tpu.memory_space<vmem>>, vector<16xi32>,
    %and3A_58 = arith.constant 1 : i32
    %and3A_59 = vector.broadcast %and3A_58 : i32 to vector<16xi32>
    %and3A_60 = arith.andi %get3A_52, %and3A_59 : vector<16xi32>
    %shift_left3A_61 = arith.constant 6 : i32
    %shift_left3A_62 = vector.broadcast %shift_left3A_61 : i32 to vector<16xi32>
    %shift_left3A_63 = arith.shli %and3A_60, %shift_left3A_62 : vector<16xi32>
    %swap3A_64 = arith.constant 48 : index
    %swap3A_65 = tpu.vector_load %arg8[%swap3A_64] {strides = array<i32>} : memref<128xi32, #tpu.memory_space<vmem>>, vector<16xi32>,
    tpu.vector_store %arg8[%swap3A_64], %shift_left3A_63 {strides = array<i32>} : memref<128xi32, #tpu.memory_space<vmem>>, vector<16xi32>,
    %get3A_66 = arith.constant 0 : i32
    %get3A_67 = arith.index_cast %get3A_66 : i32 to index
    %get3A_68 = arith.constant 64 : index
    %get3A_69 = tpu.vector_load %arg5[%get3A_67, %get3A_68] {strides = array<i32>} : memref<20x512xi32, #tpu.memory_space<vmem>>, vector<16xi32>,
    %shift_right_arithmetic3A_70 = arith.constant 1 : i32
    %shift_right_arithmetic3A_71 = vector.broadcast %shift_right_arithmetic3A_70 : i32 to vector<16xi32>
    %shift_right_arithmetic3A_72 = arith.shrsi %get3A_69, %shift_right_arithmetic3A_71 : vector<16xi32>
    %swap3A_73 = arith.constant 64 : index
    %swap3A_74 = tpu.vector_load %arg6[%swap3A_73] {strides = array<i32>} : memref<128xi32, #tpu.memory_space<vmem>>, vector<16xi32>,
    tpu.vector_store %arg6[%swap3A_73], %shift_right_arithmetic3A_72 {strides = array<i32>} : memref<128xi32, #tpu.memory_space<vmem>>, vector<16xi32>,
    %and3A_75 = arith.constant 1 : i32
    %and3A_76 = vector.broadcast %and3A_75 : i32 to vector<16xi32>
    %and3A_77 = arith.andi %get3A_69, %and3A_76 : vector<16xi32>
    %shift_left3A_78 = arith.constant 6 : i32
    %shift_left3A_79 = vector.broadcast %shift_left3A_78 : i32 to vector<16xi32>
    %shift_left3A_80 = arith.shli %and3A_77, %shift_left3A_79 : vector<16xi32>
    %swap3A_81 = arith.constant 64 : index
    %swap3A_82 = tpu.vector_load %arg8[%swap3A_81] {strides = array<i32>} : memref<128xi32, #tpu.memory_space<vmem>>, vector<16xi32>,
    tpu.vector_store %arg8[%swap3A_81], %shift_left3A_80 {strides = array<i32>} : memref<128xi32, #tpu.memory_space<vmem>>, vector<16xi32>,
    %get3A_83 = arith.constant 0 : i32
    %get3A_84 = arith.index_cast %get3A_83 : i32 to index
    %get3A_85 = arith.constant 80 : index
    %get3A_86 = tpu.vector_load %arg5[%get3A_84, %get3A_85] {strides = array<i32>} : memref<20x512xi32, #tpu.memory_space<vmem>>, vector<16xi32>,
    %shift_right_arithmetic3A_87 = arith.constant 1 : i32
    %shift_right_arithmetic3A_88 = vector.broadcast %shift_right_arithmetic3A_87 : i32 to vector<16xi32>
    %shift_right_arithmetic3A_89 = arith.shrsi %get3A_86, %shift_right_arithmetic3A_88 : vector<16xi32>
    %swap3A_90 = arith.constant 80 : index
    %swap3A_91 = tpu.vector_load %arg6[%swap3A_90] {strides = array<i32>} : memref<128xi32, #tpu.memory_space<vmem>>, vector<16xi32>,
    tpu.vector_store %arg6[%swap3A_90], %shift_right_arithmetic3A_89 {strides = array<i32>} : memref<128xi32, #tpu.memory_space<vmem>>, vector<16xi32>,
    %and3A_92 = arith.constant 1 : i32
    %and3A_93 = vector.broadcast %and3A_92 : i32 to vector<16xi32>
    %and3A_94 = arith.andi %get3A_86, %and3A_93 : vector<16xi32>
    %shift_left3A_95 = arith.constant 6 : i32
    %shift_left3A_96 = vector.broadcast %shift_left3A_95 : i32 to vector<16xi32>
    %shift_left3A_97 = arith.shli %and3A_94, %shift_left3A_96 : vector<16xi32>
    %swap3A_98 = arith.constant 80 : index
    %swap3A_99 = tpu.vector_load %arg8[%swap3A_98] {strides = array<i32>} : memref<128xi32, #tpu.memory_space<vmem>>, vector<16xi32>,
    tpu.vector_store %arg8[%swap3A_98], %shift_left3A_97 {strides = array<i32>} : memref<128xi32, #tpu.memory_space<vmem>>, vector<16xi32>,
    %get3A_100 = arith.constant 0 : i32
    %get3A_101 = arith.index_cast %get3A_100 : i32 to index
    %get3A_102 = arith.constant 96 : index
    %get3A_103 = tpu.vector_load %arg5[%get3A_101, %get3A_102] {strides = array<i32>} : memref<20x512xi32, #tpu.memory_space<vmem>>, vector<16xi32>,
    %shift_right_arithmetic3A_104 = arith.constant 1 : i32
    %shift_right_arithmetic3A_105 = vector.broadcast %shift_right_arithmetic3A_104 : i32 to vector<16xi32>
    %shift_right_arithmetic3A_106 = arith.shrsi %get3A_103, %shift_right_arithmetic3A_105 : vector<16xi32>
    %swap3A_107 = arith.constant 96 : index
    %swap3A_108 = tpu.vector_load %arg6[%swap3A_107] {strides = array<i32>} : memref<128xi32, #tpu.memory_space<vmem>>, vector<16xi32>,
    tpu.vector_store %arg6[%swap3A_107], %shift_right_arithmetic3A_106 {strides = array<i32>} : memref<128xi32, #tpu.memory_space<vmem>>, vector<16xi32>,
    %and3A_109 = arith.constant 1 : i32
    %and3A_110 = vector.broadcast %and3A_109 : i32 to vector<16xi32>
    %and3A_111 = arith.andi %get3A_103, %and3A_110 : vector<16xi32>
    %shift_left3A_112 = arith.constant 6 : i32
    %shift_left3A_113 = vector.broadcast %shift_left3A_112 : i32 to vector<16xi32>
    %shift_left3A_114 = arith.shli %and3A_111, %shift_left3A_113 : vector<16xi32>
    %swap3A_115 = arith.constant 96 : index
    %swap3A_116 = tpu.vector_load %arg8[%swap3A_115] {strides = array<i32>} : memref<128xi32, #tpu.memory_space<vmem>>, vector<16xi32>,
    tpu.vector_store %arg8[%swap3A_115], %shift_left3A_114 {strides = array<i32>} : memref<128xi32, #tpu.memory_space<vmem>>, vector<16xi32>,
    %get3A_117 = arith.constant 0 : i32
    %get3A_118 = arith.index_cast %get3A_117 : i32 to index
    %get3A_119 = arith.constant 112 : index
    %get3A_120 = tpu.vector_load %arg5[%get3A_118, %get3A_119] {strides = array<i32>} : memref<20x512xi32, #tpu.memory_space<vmem>>, vector<16xi32>,
    %shift_right_arithmetic3A_121 = arith.constant 1 : i32
    %shift_right_arithmetic3A_122 = vector.broadcast %shift_right_arithmetic3A_121 : i32 to vector<16xi32>
    %shift_right_arithmetic3A_123 = arith.shrsi %get3A_120, %shift_right_arithmetic3A_122 : vector<16xi32>
    %swap3A_124 = arith.constant 112 : index
    %swap3A_125 = tpu.vector_load %arg6[%swap3A_124] {strides = array<i32>} : memref<128xi32, #tpu.memory_space<vmem>>, vector<16xi32>,
    tpu.vector_store %arg6[%swap3A_124], %shift_right_arithmetic3A_123 {strides = array<i32>} : memref<128xi32, #tpu.memory_space<vmem>>, vector<16xi32>,
    %and3A_126 = arith.constant 1 : i32
    %and3A_127 = vector.broadcast %and3A_126 : i32 to vector<16xi32>
    %and3A_128 = arith.andi %get3A_120, %and3A_127 : vector<16xi32>
    %shift_left3A_129 = arith.constant 6 : i32
    %shift_left3A_130 = vector.broadcast %shift_left3A_129 : i32 to vector<16xi32>
    %shift_left3A_131 = arith.shli %and3A_128, %shift_left3A_130 : vector<16xi32>
    %swap3A_132 = arith.constant 112 : index
    %swap3A_133 = tpu.vector_load %arg8[%swap3A_132] {strides = array<i32>} : memref<128xi32, #tpu.memory_space<vmem>>, vector<16xi32>,
    tpu.vector_store %arg8[%swap3A_132], %shift_left3A_131 {strides = array<i32>} : memref<128xi32, #tpu.memory_space<vmem>>, vector<16xi32>,
    %dma_start3A = arith.constant 0 : i32
    %dma_start3A_134 = arith.constant 0 : i32
    %dma_start3A_135 = tpu.memref_slice %arg2[%dma_start3A, %dma_start3A_134] : memref<500000x128xf32, #tpu.memory_space<hbm>> -> memref<500000x128xf32, #tpu.memory_space<hbm>>
    tpu.enqueue_indirect_dma source(%dma_start3A_135 : memref<500000x128xf32, #tpu.memory_space<hbm>>) target(%arg10 : memref<128x128xf32, #tpu.memory_space<vmem>>) offsets(%arg6 : memref<128xi32, #tpu.memory_space<vmem>>) semaphore(%arg14 : memref<!tpu.dma_semaphore, #tpu.memory_space<semaphore_mem>>)
    %get3A_136 = arith.constant 0 : i32
    %get3A_137 = arith.index_cast %get3A_136 : i32 to index
    %get3A_138 = arith.constant 128 : index
    %get3A_139 = tpu.vector_load %arg5[%get3A_137, %get3A_138] {strides = array<i32>} : memref<20x512xi32, #tpu.memory_space<vmem>>, vector<16xi32>,
    %shift_right_arithmetic3A_140 = arith.constant 1 : i32
    %shift_right_arithmetic3A_141 = vector.broadcast %shift_right_arithmetic3A_140 : i32 to vector<16xi32>
    %shift_right_arithmetic3A_142 = arith.shrsi %get3A_139, %shift_right_arithmetic3A_141 : vector<16xi32>
    %swap3A_143 = arith.constant 0 : index
    %swap3A_144 = tpu.vector_load %arg7[%swap3A_143] {strides = array<i32>} : memref<128xi32, #tpu.memory_space<vmem>>, vector<16xi32>,
    tpu.vector_store %arg7[%swap3A_143], %shift_right_arithmetic3A_142 {strides = array<i32>} : memref<128xi32, #tpu.memory_space<vmem>>, vector<16xi32>,
    %and3A_145 = arith.constant 1 : i32
    %and3A_146 = vector.broadcast %and3A_145 : i32 to vector<16xi32>
    %and3A_147 = arith.andi %get3A_139, %and3A_146 : vector<16xi32>
    %shift_left3A_148 = arith.constant 6 : i32
    %shift_left3A_149 = vector.broadcast %shift_left3A_148 : i32 to vector<16xi32>
    %shift_left3A_150 = arith.shli %and3A_147, %shift_left3A_149 : vector<16xi32>
    %swap3A_151 = arith.constant 0 : index
    %swap3A_152 = tpu.vector_load %arg9[%swap3A_151] {strides = array<i32>} : memref<128xi32, #tpu.memory_space<vmem>>, vector<16xi32>,
    tpu.vector_store %arg9[%swap3A_151], %shift_left3A_150 {strides = array<i32>} : memref<128xi32, #tpu.memory_space<vmem>>, vector<16xi32>,
    %get3A_153 = arith.constant 0 : i32
    %get3A_154 = arith.index_cast %get3A_153 : i32 to index
    %get3A_155 = arith.constant 144 : index
    %get3A_156 = tpu.vector_load %arg5[%get3A_154, %get3A_155] {strides = array<i32>} : memref<20x512xi32, #tpu.memory_space<vmem>>, vector<16xi32>,
    %shift_right_arithmetic3A_157 = arith.constant 1 : i32
    %shift_right_arithmetic3A_158 = vector.broadcast %shift_right_arithmetic3A_157 : i32 to vector<16xi32>
    %shift_right_arithmetic3A_159 = arith.shrsi %get3A_156, %shift_right_arithmetic3A_158 : vector<16xi32>
    %swap3A_160 = arith.constant 16 : index
    %swap3A_161 = tpu.vector_load %arg7[%swap3A_160] {strides = array<i32>} : memref<128xi32, #tpu.memory_space<vmem>>, vector<16xi32>,
    tpu.vector_store %arg7[%swap3A_160], %shift_right_arithmetic3A_159 {strides = array<i32>} : memref<128xi32, #tpu.memory_space<vmem>>, vector<16xi32>,
    %and3A_162 = arith.constant 1 : i32
    %and3A_163 = vector.broadcast %and3A_162 : i32 to vector<16xi32>
    %and3A_164 = arith.andi %get3A_156, %and3A_163 : vector<16xi32>
    %shift_left3A_165 = arith.constant 6 : i32
    %shift_left3A_166 = vector.broadcast %shift_left3A_165 : i32 to vector<16xi32>
    %shift_left3A_167 = arith.shli %and3A_164, %shift_left3A_166 : vector<16xi32>
    %swap3A_168 = arith.constant 16 : index
    %swap3A_169 = tpu.vector_load %arg9[%swap3A_168] {strides = array<i32>} : memref<128xi32, #tpu.memory_space<vmem>>, vector<16xi32>,
    tpu.vector_store %arg9[%swap3A_168], %shift_left3A_167 {strides = array<i32>} : memref<128xi32, #tpu.memory_space<vmem>>, vector<16xi32>,
    %get3A_170 = arith.constant 0 : i32
    %get3A_171 = arith.index_cast %get3A_170 : i32 to index
    %get3A_172 = arith.constant 160 : index
    %get3A_173 = tpu.vector_load %arg5[%get3A_171, %get3A_172] {strides = array<i32>} : memref<20x512xi32, #tpu.memory_space<vmem>>, vector<16xi32>,
    %shift_right_arithmetic3A_174 = arith.constant 1 : i32
    %shift_right_arithmetic3A_175 = vector.broadcast %shift_right_arithmetic3A_174 : i32 to vector<16xi32>
    %shift_right_arithmetic3A_176 = arith.shrsi %get3A_173, %shift_right_arithmetic3A_175 : vector<16xi32>
    %swap3A_177 = arith.constant 32 : index
    %swap3A_178 = tpu.vector_load %arg7[%swap3A_177] {strides = array<i32>} : memref<128xi32, #tpu.memory_space<vmem>>, vector<16xi32>,
    tpu.vector_store %arg7[%swap3A_177], %shift_right_arithmetic3A_176 {strides = array<i32>} : memref<128xi32, #tpu.memory_space<vmem>>, vector<16xi32>,
    %and3A_179 = arith.constant 1 : i32
    %and3A_180 = vector.broadcast %and3A_179 : i32 to vector<16xi32>
    %and3A_181 = arith.andi %get3A_173, %and3A_180 : vector<16xi32>
    %shift_left3A_182 = arith.constant 6 : i32
    %shift_left3A_183 = vector.broadcast %shift_left3A_182 : i32 to vector<16xi32>
    %shift_left3A_184 = arith.shli %and3A_181, %shift_left3A_183 : vector<16xi32>
    %swap3A_185 = arith.constant 32 : index
    %swap3A_186 = tpu.vector_load %arg9[%swap3A_185] {strides = array<i32>} : memref<128xi32, #tpu.memory_space<vmem>>, vector<16xi32>,
    tpu.vector_store %arg9[%swap3A_185], %shift_left3A_184 {strides = array<i32>} : memref<128xi32, #tpu.memory_space<vmem>>, vector<16xi32>,
    %get3A_187 = arith.constant 0 : i32
    %get3A_188 = arith.index_cast %get3A_187 : i32 to index
    %get3A_189 = arith.constant 176 : index
    %get3A_190 = tpu.vector_load %arg5[%get3A_188, %get3A_189] {strides = array<i32>} : memref<20x512xi32, #tpu.memory_space<vmem>>, vector<16xi32>,
    %shift_right_arithmetic3A_191 = arith.constant 1 : i32
    %shift_right_arithmetic3A_192 = vector.broadcast %shift_right_arithmetic3A_191 : i32 to vector<16xi32>
    %shift_right_arithmetic3A_193 = arith.shrsi %get3A_190, %shift_right_arithmetic3A_192 : vector<16xi32>
    %swap3A_194 = arith.constant 48 : index
    %swap3A_195 = tpu.vector_load %arg7[%swap3A_194] {strides = array<i32>} : memref<128xi32, #tpu.memory_space<vmem>>, vector<16xi32>,
    tpu.vector_store %arg7[%swap3A_194], %shift_right_arithmetic3A_193 {strides = array<i32>} : memref<128xi32, #tpu.memory_space<vmem>>, vector<16xi32>,
    %and3A_196 = arith.constant 1 : i32
    %and3A_197 = vector.broadcast %and3A_196 : i32 to vector<16xi32>
    %and3A_198 = arith.andi %get3A_190, %and3A_197 : vector<16xi32>
    %shift_left3A_199 = arith.constant 6 : i32
    %shift_left3A_200 = vector.broadcast %shift_left3A_199 : i32 to vector<16xi32>
    %shift_left3A_201 = arith.shli %and3A_198, %shift_left3A_200 : vector<16xi32>
    %swap3A_202 = arith.constant 48 : index
    %swap3A_203 = tpu.vector_load %arg9[%swap3A_202] {strides = array<i32>} : memref<128xi32, #tpu.memory_space<vmem>>, vector<16xi32>,
    tpu.vector_store %arg9[%swap3A_202], %shift_left3A_201 {strides = array<i32>} : memref<128xi32, #tpu.memory_space<vmem>>, vector<16xi32>,
    %get3A_204 = arith.constant 0 : i32
    %get3A_205 = arith.index_cast %get3A_204 : i32 to index
    %get3A_206 = arith.constant 192 : index
    %get3A_207 = tpu.vector_load %arg5[%get3A_205, %get3A_206] {strides = array<i32>} : memref<20x512xi32, #tpu.memory_space<vmem>>, vector<16xi32>,
    %shift_right_arithmetic3A_208 = arith.constant 1 : i32
    %shift_right_arithmetic3A_209 = vector.broadcast %shift_right_arithmetic3A_208 : i32 to vector<16xi32>
    %shift_right_arithmetic3A_210 = arith.shrsi %get3A_207, %shift_right_arithmetic3A_209 : vector<16xi32>
    %swap3A_211 = arith.constant 64 : index
    %swap3A_212 = tpu.vector_load %arg7[%swap3A_211] {strides = array<i32>} : memref<128xi32, #tpu.memory_space<vmem>>, vector<16xi32>,
    tpu.vector_store %arg7[%swap3A_211], %shift_right_arithmetic3A_210 {strides = array<i32>} : memref<128xi32, #tpu.memory_space<vmem>>, vector<16xi32>,
    %and3A_213 = arith.constant 1 : i32
    %and3A_214 = vector.broadcast %and3A_213 : i32 to vector<16xi32>
    %and3A_215 = arith.andi %get3A_207, %and3A_214 : vector<16xi32>
    %shift_left3A_216 = arith.constant 6 : i32
    %shift_left3A_217 = vector.broadcast %shift_left3A_216 : i32 to vector<16xi32>
    %shift_left3A_218 = arith.shli %and3A_215, %shift_left3A_217 : vector<16xi32>
    %swap3A_219 = arith.constant 64 : index
    %swap3A_220 = tpu.vector_load %arg9[%swap3A_219] {strides = array<i32>} : memref<128xi32, #tpu.memory_space<vmem>>, vector<16xi32>,
    tpu.vector_store %arg9[%swap3A_219], %shift_left3A_218 {strides = array<i32>} : memref<128xi32, #tpu.memory_space<vmem>>, vector<16xi32>,
    %get3A_221 = arith.constant 0 : i32
    %get3A_222 = arith.index_cast %get3A_221 : i32 to index
    %get3A_223 = arith.constant 208 : index
    %get3A_224 = tpu.vector_load %arg5[%get3A_222, %get3A_223] {strides = array<i32>} : memref<20x512xi32, #tpu.memory_space<vmem>>, vector<16xi32>,
    %shift_right_arithmetic3A_225 = arith.constant 1 : i32
    %shift_right_arithmetic3A_226 = vector.broadcast %shift_right_arithmetic3A_225 : i32 to vector<16xi32>
    %shift_right_arithmetic3A_227 = arith.shrsi %get3A_224, %shift_right_arithmetic3A_226 : vector<16xi32>
    %swap3A_228 = arith.constant 80 : index
    %swap3A_229 = tpu.vector_load %arg7[%swap3A_228] {strides = array<i32>} : memref<128xi32, #tpu.memory_space<vmem>>, vector<16xi32>,
    tpu.vector_store %arg7[%swap3A_228], %shift_right_arithmetic3A_227 {strides = array<i32>} : memref<128xi32, #tpu.memory_space<vmem>>, vector<16xi32>,
    %and3A_230 = arith.constant 1 : i32
    %and3A_231 = vector.broadcast %and3A_230 : i32 to vector<16xi32>
    %and3A_232 = arith.andi %get3A_224, %and3A_231 : vector<16xi32>
    %shift_left3A_233 = arith.constant 6 : i32
    %shift_left3A_234 = vector.broadcast %shift_left3A_233 : i32 to vector<16xi32>
    %shift_left3A_235 = arith.shli %and3A_232, %shift_left3A_234 : vector<16xi32>
    %swap3A_236 = arith.constant 80 : index
    %swap3A_237 = tpu.vector_load %arg9[%swap3A_236] {strides = array<i32>} : memref<128xi32, #tpu.memory_space<vmem>>, vector<16xi32>,
    tpu.vector_store %arg9[%swap3A_236], %shift_left3A_235 {strides = array<i32>} : memref<128xi32, #tpu.memory_space<vmem>>, vector<16xi32>,
    %get3A_238 = arith.constant 0 : i32
    %get3A_239 = arith.index_cast %get3A_238 : i32 to index
    %get3A_240 = arith.constant 224 : index
    %get3A_241 = tpu.vector_load %arg5[%get3A_239, %get3A_240] {strides = array<i32>} : memref<20x512xi32, #tpu.memory_space<vmem>>, vector<16xi32>,
    %shift_right_arithmetic3A_242 = arith.constant 1 : i32
    %shift_right_arithmetic3A_243 = vector.broadcast %shift_right_arithmetic3A_242 : i32 to vector<16xi32>
    %shift_right_arithmetic3A_244 = arith.shrsi %get3A_241, %shift_right_arithmetic3A_243 : vector<16xi32>
    %swap3A_245 = arith.constant 96 : index
    %swap3A_246 = tpu.vector_load %arg7[%swap3A_245] {strides = array<i32>} : memref<128xi32, #tpu.memory_space<vmem>>, vector<16xi32>,
    tpu.vector_store %arg7[%swap3A_245], %shift_right_arithmetic3A_244 {strides = array<i32>} : memref<128xi32, #tpu.memory_space<vmem>>, vector<16xi32>,
    %and3A_247 = arith.constant 1 : i32
    %and3A_248 = vector.broadcast %and3A_247 : i32 to vector<16xi32>
    %and3A_249 = arith.andi %get3A_241, %and3A_248 : vector<16xi32>
    %shift_left3A_250 = arith.constant 6 : i32
    %shift_left3A_251 = vector.broadcast %shift_left3A_250 : i32 to vector<16xi32>
    %shift_left3A_252 = arith.shli %and3A_249, %shift_left3A_251 : vector<16xi32>
    %swap3A_253 = arith.constant 96 : index
    %swap3A_254 = tpu.vector_load %arg9[%swap3A_253] {strides = array<i32>} : memref<128xi32, #tpu.memory_space<vmem>>, vector<16xi32>,
    tpu.vector_store %arg9[%swap3A_253], %shift_left3A_252 {strides = array<i32>} : memref<128xi32, #tpu.memory_space<vmem>>, vector<16xi32>,
    %get3A_255 = arith.constant 0 : i32
    %get3A_256 = arith.index_cast %get3A_255 : i32 to index
    %get3A_257 = arith.constant 240 : index
    %get3A_258 = tpu.vector_load %arg5[%get3A_256, %get3A_257] {strides = array<i32>} : memref<20x512xi32, #tpu.memory_space<vmem>>, vector<16xi32>,
    %shift_right_arithmetic3A_259 = arith.constant 1 : i32
    %shift_right_arithmetic3A_260 = vector.broadcast %shift_right_arithmetic3A_259 : i32 to vector<16xi32>
    %shift_right_arithmetic3A_261 = arith.shrsi %get3A_258, %shift_right_arithmetic3A_260 : vector<16xi32>
    %swap3A_262 = arith.constant 112 : index
    %swap3A_263 = tpu.vector_load %arg7[%swap3A_262] {strides = array<i32>} : memref<128xi32, #tpu.memory_space<vmem>>, vector<16xi32>,
    tpu.vector_store %arg7[%swap3A_262], %shift_right_arithmetic3A_261 {strides = array<i32>} : memref<128xi32, #tpu.memory_space<vmem>>, vector<16xi32>,
    %and3A_264 = arith.constant 1 : i32
    %and3A_265 = vector.broadcast %and3A_264 : i32 to vector<16xi32>
    %and3A_266 = arith.andi %get3A_258, %and3A_265 : vector<16xi32>
    %shift_left3A_267 = arith.constant 6 : i32
    %shift_left3A_268 = vector.broadcast %shift_left3A_267 : i32 to vector<16xi32>
    %shift_left3A_269 = arith.shli %and3A_266, %shift_left3A_268 : vector<16xi32>
    %swap3A_270 = arith.constant 112 : index
    %swap3A_271 = tpu.vector_load %arg9[%swap3A_270] {strides = array<i32>} : memref<128xi32, #tpu.memory_space<vmem>>, vector<16xi32>,
    tpu.vector_store %arg9[%swap3A_270], %shift_left3A_269 {strides = array<i32>} : memref<128xi32, #tpu.memory_space<vmem>>, vector<16xi32>,
    %dma_start3A_272 = arith.constant 0 : i32
    %dma_start3A_273 = arith.constant 0 : i32
    %dma_start3A_274 = tpu.memref_slice %arg2[%dma_start3A_272, %dma_start3A_273] : memref<500000x128xf32, #tpu.memory_space<hbm>> -> memref<500000x128xf32, #tpu.memory_space<hbm>>
    tpu.enqueue_indirect_dma source(%dma_start3A_274 : memref<500000x128xf32, #tpu.memory_space<hbm>>) target(%arg11 : memref<128x128xf32, #tpu.memory_space<vmem>>) offsets(%arg7 : memref<128xi32, #tpu.memory_space<vmem>>) semaphore(%arg15 : memref<!tpu.dma_semaphore, #tpu.memory_space<semaphore_mem>>)
    %scan3A = arith.constant 0 : i32
    %scan3A_275 = arith.constant 0 : i32
    %scan3A_276 = arith.constant 40 : i32
    %scan3A_277 = arith.addi %scan3A_275, %scan3A_276 : i32
    %scan3A_278 = arith.constant 1 : i32
    %scan3A_279 = scf.for %scan3A_298 = %scan3A_275 to %scan3A_277 step %scan3A_278 iter_args(%scan3A_299 = %scan3A) -> (i32)  : i32 {
      %mul3A_300 = arith.constant 2 : i32
      %mul3A_301 = arith.muli %scan3A_298, %mul3A_300 : i32
      %add3A_302 = arith.constant 0 : i32
      %add3A_303 = arith.addi %mul3A_301, %add3A_302 : i32
      %jit3A = arith.constant 4 : i32
      %div3A = arith.divsi %add3A_303, %jit3A : i32
      %sign3A = arith.constant 0 : i32
      %sign3A_304 = arith.cmpi sgt, %add3A_303, %sign3A : i32
      %sign3A_305 = arith.extui %sign3A_304 : i1 to i32
      %sign3A_306 = arith.constant 0 : i32
      %sign3A_307 = arith.cmpi slt, %add3A_303, %sign3A_306 : i32
      %sign3A_308 = arith.extui %sign3A_307 : i1 to i32
      %sign3A_309 = arith.subi %sign3A_305, %sign3A_308 : i32
      %sign3A_310 = arith.constant 0 : i32
      %sign3A_311 = arith.cmpi sgt, %jit3A, %sign3A_310 : i32
      %sign3A_312 = arith.extui %sign3A_311 : i1 to i32
      %sign3A_313 = arith.constant 0 : i32
      %sign3A_314 = arith.cmpi slt, %jit3A, %sign3A_313 : i32
      %sign3A_315 = arith.extui %sign3A_314 : i1 to i32
      %sign3A_316 = arith.subi %sign3A_312, %sign3A_315 : i32
      %ne3A = arith.cmpi ne, %sign3A_309, %sign3A_316 : i32
      %rem3A = arith.remsi %add3A_303, %jit3A : i32
      %ne3A_317 = arith.constant 0 : i32
      %ne3A_318 = arith.cmpi ne, %rem3A, %ne3A_317 : i32
      %and3A_319 = arith.andi %ne3A, %ne3A_318 : i1
      %sub3A = arith.constant 1 : i32
      %sub3A_320 = arith.subi %div3A, %sub3A : i32
      %select_n3A = arith.select %and3A_319, %sub3A_320, %div3A : i32
      %jit3A_321 = arith.constant 4 : i32
      %eq3A = arith.constant 0 : i32
      %eq3A_322 = arith.cmpi eq, %jit3A_321, %eq3A : i32
      %jit3A_323 = arith.constant 1 : i32
      %select_n3A_324 = arith.select %eq3A_322, %jit3A_323, %jit3A_321 : i32
      %rem3A_325 = arith.remsi %add3A_303, %select_n3A_324 : i32
      %ne3A_326 = arith.constant 0 : i32
      %ne3A_327 = arith.cmpi ne, %rem3A_325, %ne3A_326 : i32
      %lt3A = arith.constant 0 : i32
      %lt3A_328 = arith.cmpi slt, %rem3A_325, %lt3A : i32
      %lt3A_329 = arith.constant 0 : i32
      %lt3A_330 = arith.cmpi slt, %select_n3A_324, %lt3A_329 : i32
      %ne3A_331 = arith.xori %lt3A_328, %lt3A_330 : i1
      %and3A_332 = arith.andi %ne3A_331, %ne3A_327 : i1
      %add3A_333 = arith.addi %rem3A_325, %select_n3A_324 : i32
      %select_n3A_334 = arith.select %and3A_332, %add3A_333, %rem3A_325 : i32
      %mul3A_335 = arith.constant 128 : i32
      %mul3A_336 = arith.muli %select_n3A_334, %mul3A_335 : i32
      %add3A_337 = arith.addi %multiple_of3A, %mul3A_336 : i32
      %multiple_of3A_338 = tpu.assume_multiple %add3A_337, 128 : i32
      %dma_wait3A_339 = arith.constant 0 : i32
      %dma_wait3A_340 = arith.constant 0 : i32
      %dma_wait3A_341 = tpu.memref_slice %arg2[%dma_wait3A_339, %dma_wait3A_340] : memref<500000x128xf32, #tpu.memory_space<hbm>> -> memref<500000x128xf32, #tpu.memory_space<hbm>>
      tpu.wait_indirect_dma semaphore(%arg14 : memref<!tpu.dma_semaphore, #tpu.memory_space<semaphore_mem>>) src(%dma_wait3A_341 : memref<500000x128xf32, #tpu.memory_space<hbm>>) dst(%arg10 : memref<128x128xf32, #tpu.memory_space<vmem>>)
      %gt3A = arith.constant 0 : i32
      %gt3A_342 = arith.cmpi sgt, %scan3A_298, %gt3A : i32
      %convert_element_type3A = arith.extui %gt3A_342 : i1 to i32
      %cond3A = arith.constant 0 : i32
      %cond3A_343 = arith.cmpi ne, %convert_element_type3A, %cond3A : i32
      scf.if %cond3A_343 {
        %dma_wait3A_554 = arith.constant 0 : i32
        %dma_wait3A_555 = tpu.memref_slice %arg4[%select_n3A, %dma_wait3A_554, %multiple_of3A_338] : memref<20x64x16384xf32, #tpu.memory_space<hbm>> -> memref<1x64x128xf32, #tpu.memory_space<hbm>>
        %dma_wait3A_556 = tpu.memref_squeeze %dma_wait3A_555 : memref<1x64x128xf32, #tpu.memory_space<hbm>> -> memref<64x128xf32, #tpu.memory_space<hbm>>
        %dma_wait3A_557 = arith.constant 0 : i32
        %dma_wait3A_558 = tpu.memref_slice %arg4[%select_n3A, %dma_wait3A_557, %multiple_of3A_338] : memref<20x64x16384xf32, #tpu.memory_space<hbm>> -> memref<1x64x128xf32, #tpu.memory_space<hbm>>
        %dma_wait3A_559 = tpu.memref_squeeze %dma_wait3A_558 : memref<1x64x128xf32, #tpu.memory_space<hbm>> -> memref<64x128xf32, #tpu.memory_space<hbm>>
        tpu.wait_dma2 semaphore(%arg16 : memref<!tpu.dma_semaphore, #tpu.memory_space<semaphore_mem>>) src(%arg12 : memref<64x128xf32, #tpu.memory_space<vmem>>) dst(%dma_wait3A_559 : memref<64x128xf32, #tpu.memory_space<hbm>>)
      } else {
      }
      %add3A_344 = arith.constant 0 : i32
      %add3A_345 = vector.broadcast %add3A_344 : i32 to vector<16xi32>
      %add3A_346 = arith.addi %iota3A, %add3A_345 : vector<16xi32>
      %get3A_347 = arith.constant 0 : index
      %get3A_348 = tpu.vector_load %arg8[%get3A_347] {strides = array<i32>} : memref<128xi32, #tpu.memory_space<vmem>>, vector<16xi32>,
      %parallel_loop3A = arith.constant 0 : i32
      %parallel_loop3A_349 = arith.constant 64 : i32
      %parallel_loop3A_350 = arith.constant 1 : i32
      scf.for %parallel_loop3A_554 = %parallel_loop3A to %parallel_loop3A_349 step %parallel_loop3A_350  : i32 {
        %parallel_loop3A_555 = vector.broadcast %parallel_loop3A_554 : i32 to vector<16xi32>
        %parallel_loop3A_556 = arith.addi %get3A_348, %parallel_loop3A_555 : vector<16xi32>
        %parallel_loop3A_557 = tpu.vector_load_idx %arg10[%add3A_346, %parallel_loop3A_556] : memref<128x128xf32, #tpu.memory_space<vmem>>[vector<16xi32>, vector<16xi32>], vector<16xf32>,
        %parallel_loop3A_558 = arith.constant 8.000000e+00 : f32
        %parallel_loop3A_559 = vector.broadcast %parallel_loop3A_558 : f32 to vector<16xf32>
        %parallel_loop3A_560 = arith.mulf %parallel_loop3A_557, %parallel_loop3A_559 : vector<16xf32>
        %parallel_loop3A_561 = arith.index_cast %parallel_loop3A_554 : i32 to index
        %parallel_loop3A_562 = arith.constant 0 : index
        %parallel_loop3A_563 = tpu.vector_load %arg12[%parallel_loop3A_561, %parallel_loop3A_562] {strides = array<i32>} : memref<64x128xf32, #tpu.memory_space<vmem>>, vector<16xf32>,
        tpu.vector_store %arg12[%parallel_loop3A_561, %parallel_loop3A_562], %parallel_loop3A_560 {strides = array<i32>} : memref<64x128xf32, #tpu.memory_space<vmem>>, vector<16xf32>,
      } {sc.loop_unroll_factor = 8 : i64, sc.parallel_access}
      %add3A_351 = arith.constant 16 : i32
      %add3A_352 = vector.broadcast %add3A_351 : i32 to vector<16xi32>
      %add3A_353 = arith.addi %iota3A, %add3A_352 : vector<16xi32>
      %get3A_354 = arith.constant 16 : index
      %get3A_355 = tpu.vector_load %arg8[%get3A_354] {strides = array<i32>} : memref<128xi32, #tpu.memory_space<vmem>>, vector<16xi32>,
      %parallel_loop3A_356 = arith.constant 0 : i32
      %parallel_loop3A_357 = arith.constant 64 : i32
      %parallel_loop3A_358 = arith.constant 1 : i32
      scf.for %parallel_loop3A_554 = %parallel_loop3A_356 to %parallel_loop3A_357 step %parallel_loop3A_358  : i32 {
        %parallel_loop3A_555 = vector.broadcast %parallel_loop3A_554 : i32 to vector<16xi32>
        %parallel_loop3A_556 = arith.addi %get3A_355, %parallel_loop3A_555 : vector<16xi32>
        %parallel_loop3A_557 = tpu.vector_load_idx %arg10[%add3A_353, %parallel_loop3A_556] : memref<128x128xf32, #tpu.memory_space<vmem>>[vector<16xi32>, vector<16xi32>], vector<16xf32>,
        %parallel_loop3A_558 = arith.constant 8.000000e+00 : f32
        %parallel_loop3A_559 = vector.broadcast %parallel_loop3A_558 : f32 to vector<16xf32>
        %parallel_loop3A_560 = arith.mulf %parallel_loop3A_557, %parallel_loop3A_559 : vector<16xf32>
        %parallel_loop3A_561 = arith.index_cast %parallel_loop3A_554 : i32 to index
        %parallel_loop3A_562 = arith.constant 16 : index
        %parallel_loop3A_563 = tpu.vector_load %arg12[%parallel_loop3A_561, %parallel_loop3A_562] {strides = array<i32>} : memref<64x128xf32, #tpu.memory_space<vmem>>, vector<16xf32>,
        tpu.vector_store %arg12[%parallel_loop3A_561, %parallel_loop3A_562], %parallel_loop3A_560 {strides = array<i32>} : memref<64x128xf32, #tpu.memory_space<vmem>>, vector<16xf32>,
      } {sc.loop_unroll_factor = 8 : i64, sc.parallel_access}
      %add3A_359 = arith.constant 32 : i32
      %add3A_360 = vector.broadcast %add3A_359 : i32 to vector<16xi32>
      %add3A_361 = arith.addi %iota3A, %add3A_360 : vector<16xi32>
      %get3A_362 = arith.constant 32 : index
      %get3A_363 = tpu.vector_load %arg8[%get3A_362] {strides = array<i32>} : memref<128xi32, #tpu.memory_space<vmem>>, vector<16xi32>,
      %parallel_loop3A_364 = arith.constant 0 : i32
      %parallel_loop3A_365 = arith.constant 64 : i32
      %parallel_loop3A_366 = arith.constant 1 : i32
      scf.for %parallel_loop3A_554 = %parallel_loop3A_364 to %parallel_loop3A_365 step %parallel_loop3A_366  : i32 {
        %parallel_loop3A_555 = vector.broadcast %parallel_loop3A_554 : i32 to vector<16xi32>
        %parallel_loop3A_556 = arith.addi %get3A_363, %parallel_loop3A_555 : vector<16xi32>
        %parallel_loop3A_557 = tpu.vector_load_idx %arg10[%add3A_361, %parallel_loop3A_556] : memref<128x128xf32, #tpu.memory_space<vmem>>[vector<16xi32>, vector<16xi32>], vector<16xf32>,
        %parallel_loop3A_558 = arith.constant 8.000000e+00 : f32
        %parallel_loop3A_559 = vector.broadcast %parallel_loop3A_558 : f32 to vector<16xf32>
        %parallel_loop3A_560 = arith.mulf %parallel_loop3A_557, %parallel_loop3A_559 : vector<16xf32>
        %parallel_loop3A_561 = arith.index_cast %parallel_loop3A_554 : i32 to index
        %parallel_loop3A_562 = arith.constant 32 : index
        %parallel_loop3A_563 = tpu.vector_load %arg12[%parallel_loop3A_561, %parallel_loop3A_562] {strides = array<i32>} : memref<64x128xf32, #tpu.memory_space<vmem>>, vector<16xf32>,
        tpu.vector_store %arg12[%parallel_loop3A_561, %parallel_loop3A_562], %parallel_loop3A_560 {strides = array<i32>} : memref<64x128xf32, #tpu.memory_space<vmem>>, vector<16xf32>,
      } {sc.loop_unroll_factor = 8 : i64, sc.parallel_access}
      %add3A_367 = arith.constant 48 : i32
      %add3A_368 = vector.broadcast %add3A_367 : i32 to vector<16xi32>
      %add3A_369 = arith.addi %iota3A, %add3A_368 : vector<16xi32>
      %get3A_370 = arith.constant 48 : index
      %get3A_371 = tpu.vector_load %arg8[%get3A_370] {strides = array<i32>} : memref<128xi32, #tpu.memory_space<vmem>>, vector<16xi32>,
      %parallel_loop3A_372 = arith.constant 0 : i32
      %parallel_loop3A_373 = arith.constant 64 : i32
      %parallel_loop3A_374 = arith.constant 1 : i32
      scf.for %parallel_loop3A_554 = %parallel_loop3A_372 to %parallel_loop3A_373 step %parallel_loop3A_374  : i32 {
        %parallel_loop3A_555 = vector.broadcast %parallel_loop3A_554 : i32 to vector<16xi32>
        %parallel_loop3A_556 = arith.addi %get3A_371, %parallel_loop3A_555 : vector<16xi32>
        %parallel_loop3A_557 = tpu.vector_load_idx %arg10[%add3A_369, %parallel_loop3A_556] : memref<128x128xf32, #tpu.memory_space<vmem>>[vector<16xi32>, vector<16xi32>], vector<16xf32>,
        %parallel_loop3A_558 = arith.constant 8.000000e+00 : f32
        %parallel_loop3A_559 = vector.broadcast %parallel_loop3A_558 : f32 to vector<16xf32>
        %parallel_loop3A_560 = arith.mulf %parallel_loop3A_557, %parallel_loop3A_559 : vector<16xf32>
        %parallel_loop3A_561 = arith.index_cast %parallel_loop3A_554 : i32 to index
        %parallel_loop3A_562 = arith.constant 48 : index
        %parallel_loop3A_563 = tpu.vector_load %arg12[%parallel_loop3A_561, %parallel_loop3A_562] {strides = array<i32>} : memref<64x128xf32, #tpu.memory_space<vmem>>, vector<16xf32>,
        tpu.vector_store %arg12[%parallel_loop3A_561, %parallel_loop3A_562], %parallel_loop3A_560 {strides = array<i32>} : memref<64x128xf32, #tpu.memory_space<vmem>>, vector<16xf32>,
      } {sc.loop_unroll_factor = 8 : i64, sc.parallel_access}
      %add3A_375 = arith.constant 64 : i32
      %add3A_376 = vector.broadcast %add3A_375 : i32 to vector<16xi32>
      %add3A_377 = arith.addi %iota3A, %add3A_376 : vector<16xi32>
      %get3A_378 = arith.constant 64 : index
      %get3A_379 = tpu.vector_load %arg8[%get3A_378] {strides = array<i32>} : memref<128xi32, #tpu.memory_space<vmem>>, vector<16xi32>,
      %parallel_loop3A_380 = arith.constant 0 : i32
      %parallel_loop3A_381 = arith.constant 64 : i32
      %parallel_loop3A_382 = arith.constant 1 : i32
      scf.for %parallel_loop3A_554 = %parallel_loop3A_380 to %parallel_loop3A_381 step %parallel_loop3A_382  : i32 {
        %parallel_loop3A_555 = vector.broadcast %parallel_loop3A_554 : i32 to vector<16xi32>
        %parallel_loop3A_556 = arith.addi %get3A_379, %parallel_loop3A_555 : vector<16xi32>
        %parallel_loop3A_557 = tpu.vector_load_idx %arg10[%add3A_377, %parallel_loop3A_556] : memref<128x128xf32, #tpu.memory_space<vmem>>[vector<16xi32>, vector<16xi32>], vector<16xf32>,
        %parallel_loop3A_558 = arith.constant 8.000000e+00 : f32
        %parallel_loop3A_559 = vector.broadcast %parallel_loop3A_558 : f32 to vector<16xf32>
        %parallel_loop3A_560 = arith.mulf %parallel_loop3A_557, %parallel_loop3A_559 : vector<16xf32>
        %parallel_loop3A_561 = arith.index_cast %parallel_loop3A_554 : i32 to index
        %parallel_loop3A_562 = arith.constant 64 : index
        %parallel_loop3A_563 = tpu.vector_load %arg12[%parallel_loop3A_561, %parallel_loop3A_562] {strides = array<i32>} : memref<64x128xf32, #tpu.memory_space<vmem>>, vector<16xf32>,
        tpu.vector_store %arg12[%parallel_loop3A_561, %parallel_loop3A_562], %parallel_loop3A_560 {strides = array<i32>} : memref<64x128xf32, #tpu.memory_space<vmem>>, vector<16xf32>,
      } {sc.loop_unroll_factor = 8 : i64, sc.parallel_access}
      %add3A_383 = arith.constant 80 : i32
      %add3A_384 = vector.broadcast %add3A_383 : i32 to vector<16xi32>
      %add3A_385 = arith.addi %iota3A, %add3A_384 : vector<16xi32>
      %get3A_386 = arith.constant 80 : index
      %get3A_387 = tpu.vector_load %arg8[%get3A_386] {strides = array<i32>} : memref<128xi32, #tpu.memory_space<vmem>>, vector<16xi32>,
      %parallel_loop3A_388 = arith.constant 0 : i32
      %parallel_loop3A_389 = arith.constant 64 : i32
      %parallel_loop3A_390 = arith.constant 1 : i32
      scf.for %parallel_loop3A_554 = %parallel_loop3A_388 to %parallel_loop3A_389 step %parallel_loop3A_390  : i32 {
        %parallel_loop3A_555 = vector.broadcast %parallel_loop3A_554 : i32 to vector<16xi32>
        %parallel_loop3A_556 = arith.addi %get3A_387, %parallel_loop3A_555 : vector<16xi32>
        %parallel_loop3A_557 = tpu.vector_load_idx %arg10[%add3A_385, %parallel_loop3A_556] : memref<128x128xf32, #tpu.memory_space<vmem>>[vector<16xi32>, vector<16xi32>], vector<16xf32>,
        %parallel_loop3A_558 = arith.constant 8.000000e+00 : f32
        %parallel_loop3A_559 = vector.broadcast %parallel_loop3A_558 : f32 to vector<16xf32>
        %parallel_loop3A_560 = arith.mulf %parallel_loop3A_557, %parallel_loop3A_559 : vector<16xf32>
        %parallel_loop3A_561 = arith.index_cast %parallel_loop3A_554 : i32 to index
        %parallel_loop3A_562 = arith.constant 80 : index
        %parallel_loop3A_563 = tpu.vector_load %arg12[%parallel_loop3A_561, %parallel_loop3A_562] {strides = array<i32>} : memref<64x128xf32, #tpu.memory_space<vmem>>, vector<16xf32>,
        tpu.vector_store %arg12[%parallel_loop3A_561, %parallel_loop3A_562], %parallel_loop3A_560 {strides = array<i32>} : memref<64x128xf32, #tpu.memory_space<vmem>>, vector<16xf32>,
      } {sc.loop_unroll_factor = 8 : i64, sc.parallel_access}
      %add3A_391 = arith.constant 96 : i32
      %add3A_392 = vector.broadcast %add3A_391 : i32 to vector<16xi32>
      %add3A_393 = arith.addi %iota3A, %add3A_392 : vector<16xi32>
      %get3A_394 = arith.constant 96 : index
      %get3A_395 = tpu.vector_load %arg8[%get3A_394] {strides = array<i32>} : memref<128xi32, #tpu.memory_space<vmem>>, vector<16xi32>,
      %parallel_loop3A_396 = arith.constant 0 : i32
      %parallel_loop3A_397 = arith.constant 64 : i32
      %parallel_loop3A_398 = arith.constant 1 : i32
      scf.for %parallel_loop3A_554 = %parallel_loop3A_396 to %parallel_loop3A_397 step %parallel_loop3A_398  : i32 {
        %parallel_loop3A_555 = vector.broadcast %parallel_loop3A_554 : i32 to vector<16xi32>
        %parallel_loop3A_556 = arith.addi %get3A_395, %parallel_loop3A_555 : vector<16xi32>
        %parallel_loop3A_557 = tpu.vector_load_idx %arg10[%add3A_393, %parallel_loop3A_556] : memref<128x128xf32, #tpu.memory_space<vmem>>[vector<16xi32>, vector<16xi32>], vector<16xf32>,
        %parallel_loop3A_558 = arith.constant 8.000000e+00 : f32
        %parallel_loop3A_559 = vector.broadcast %parallel_loop3A_558 : f32 to vector<16xf32>
        %parallel_loop3A_560 = arith.mulf %parallel_loop3A_557, %parallel_loop3A_559 : vector<16xf32>
        %parallel_loop3A_561 = arith.index_cast %parallel_loop3A_554 : i32 to index
        %parallel_loop3A_562 = arith.constant 96 : index
        %parallel_loop3A_563 = tpu.vector_load %arg12[%parallel_loop3A_561, %parallel_loop3A_562] {strides = array<i32>} : memref<64x128xf32, #tpu.memory_space<vmem>>, vector<16xf32>,
        tpu.vector_store %arg12[%parallel_loop3A_561, %parallel_loop3A_562], %parallel_loop3A_560 {strides = array<i32>} : memref<64x128xf32, #tpu.memory_space<vmem>>, vector<16xf32>,
      } {sc.loop_unroll_factor = 8 : i64, sc.parallel_access}
      %add3A_399 = arith.constant 112 : i32
      %add3A_400 = vector.broadcast %add3A_399 : i32 to vector<16xi32>
      %add3A_401 = arith.addi %iota3A, %add3A_400 : vector<16xi32>
      %get3A_402 = arith.constant 112 : index
      %get3A_403 = tpu.vector_load %arg8[%get3A_402] {strides = array<i32>} : memref<128xi32, #tpu.memory_space<vmem>>, vector<16xi32>,
      %parallel_loop3A_404 = arith.constant 0 : i32
      %parallel_loop3A_405 = arith.constant 64 : i32
      %parallel_loop3A_406 = arith.constant 1 : i32
      scf.for %parallel_loop3A_554 = %parallel_loop3A_404 to %parallel_loop3A_405 step %parallel_loop3A_406  : i32 {
        %parallel_loop3A_555 = vector.broadcast %parallel_loop3A_554 : i32 to vector<16xi32>
        %parallel_loop3A_556 = arith.addi %get3A_403, %parallel_loop3A_555 : vector<16xi32>
        %parallel_loop3A_557 = tpu.vector_load_idx %arg10[%add3A_401, %parallel_loop3A_556] : memref<128x128xf32, #tpu.memory_space<vmem>>[vector<16xi32>, vector<16xi32>], vector<16xf32>,
        %parallel_loop3A_558 = arith.constant 8.000000e+00 : f32
        %parallel_loop3A_559 = vector.broadcast %parallel_loop3A_558 : f32 to vector<16xf32>
        %parallel_loop3A_560 = arith.mulf %parallel_loop3A_557, %parallel_loop3A_559 : vector<16xf32>
        %parallel_loop3A_561 = arith.index_cast %parallel_loop3A_554 : i32 to index
        %parallel_loop3A_562 = arith.constant 112 : index
        %parallel_loop3A_563 = tpu.vector_load %arg12[%parallel_loop3A_561, %parallel_loop3A_562] {strides = array<i32>} : memref<64x128xf32, #tpu.memory_space<vmem>>, vector<16xf32>,
        tpu.vector_store %arg12[%parallel_loop3A_561, %parallel_loop3A_562], %parallel_loop3A_560 {strides = array<i32>} : memref<64x128xf32, #tpu.memory_space<vmem>>, vector<16xf32>,
      } {sc.loop_unroll_factor = 8 : i64, sc.parallel_access}
      %dma_start3A_407 = arith.constant 0 : i32
      %dma_start3A_408 = tpu.memref_slice %arg4[%select_n3A, %dma_start3A_407, %multiple_of3A_338] : memref<20x64x16384xf32, #tpu.memory_space<hbm>> -> memref<1x64x128xf32, #tpu.memory_space<hbm>>
      %dma_start3A_409 = tpu.memref_squeeze %dma_start3A_408 : memref<1x64x128xf32, #tpu.memory_space<hbm>> -> memref<64x128xf32, #tpu.memory_space<hbm>>
      %dma_start3A_410 = arith.constant 0 : i32
      %dma_start3A_411 = tpu.memref_slice %arg4[%select_n3A, %dma_start3A_410, %multiple_of3A_338] : memref<20x64x16384xf32, #tpu.memory_space<hbm>> -> memref<1x64x128xf32, #tpu.memory_space<hbm>>
      %dma_start3A_412 = tpu.memref_squeeze %dma_start3A_411 : memref<1x64x128xf32, #tpu.memory_space<hbm>> -> memref<64x128xf32, #tpu.memory_space<hbm>>
      tpu.enqueue_dma source(%arg12 : memref<64x128xf32, #tpu.memory_space<vmem>>) target(%dma_start3A_412 : memref<64x128xf32, #tpu.memory_space<hbm>>) target_semaphore(%arg16 : memref<!tpu.dma_semaphore, #tpu.memory_space<semaphore_mem>>)
      %add3A_413 = arith.constant 2 : i32
      %add3A_414 = arith.addi %add3A_303, %add3A_413 : i32
      %lt3A_415 = arith.constant 80 : i32
      %lt3A_416 = arith.cmpi slt, %add3A_414, %lt3A_415 : i32
      %convert_element_type3A_417 = arith.extui %lt3A_416 : i1 to i32
      %cond3A_418 = arith.constant 0 : i32
      %cond3A_419 = arith.cmpi ne, %convert_element_type3A_417, %cond3A_418 : i32
      scf.if %cond3A_419 {
        %add3A_554 = arith.constant 2 : i32
        %add3A_555 = arith.addi %add3A_303, %add3A_554 : i32
        %jit3A_556 = arith.constant 4 : i32
        %div3A_557 = arith.divsi %add3A_555, %jit3A_556 : i32
        %sign3A_558 = arith.constant 0 : i32
        %sign3A_559 = arith.cmpi sgt, %add3A_555, %sign3A_558 : i32
        %sign3A_560 = arith.extui %sign3A_559 : i1 to i32
        %sign3A_561 = arith.constant 0 : i32
        %sign3A_562 = arith.cmpi slt, %add3A_555, %sign3A_561 : i32
        %sign3A_563 = arith.extui %sign3A_562 : i1 to i32
        %sign3A_564 = arith.subi %sign3A_560, %sign3A_563 : i32
        %sign3A_565 = arith.constant 0 : i32
        %sign3A_566 = arith.cmpi sgt, %jit3A_556, %sign3A_565 : i32
        %sign3A_567 = arith.extui %sign3A_566 : i1 to i32
        %sign3A_568 = arith.constant 0 : i32
        %sign3A_569 = arith.cmpi slt, %jit3A_556, %sign3A_568 : i32
        %sign3A_570 = arith.extui %sign3A_569 : i1 to i32
        %sign3A_571 = arith.subi %sign3A_567, %sign3A_570 : i32
        %ne3A_572 = arith.cmpi ne, %sign3A_564, %sign3A_571 : i32
        %rem3A_573 = arith.remsi %add3A_555, %jit3A_556 : i32
        %ne3A_574 = arith.constant 0 : i32
        %ne3A_575 = arith.cmpi ne, %rem3A_573, %ne3A_574 : i32
        %and3A_576 = arith.andi %ne3A_572, %ne3A_575 : i1
        %sub3A_577 = arith.constant 1 : i32
        %sub3A_578 = arith.subi %div3A_557, %sub3A_577 : i32
        %select_n3A_579 = arith.select %and3A_576, %sub3A_578, %div3A_557 : i32
        %jit3A_580 = arith.constant 4 : i32
        %eq3A_581 = arith.constant 0 : i32
        %eq3A_582 = arith.cmpi eq, %jit3A_580, %eq3A_581 : i32
        %jit3A_583 = arith.constant 1 : i32
        %select_n3A_584 = arith.select %eq3A_582, %jit3A_583, %jit3A_580 : i32
        %rem3A_585 = arith.remsi %add3A_555, %select_n3A_584 : i32
        %ne3A_586 = arith.constant 0 : i32
        %ne3A_587 = arith.cmpi ne, %rem3A_585, %ne3A_586 : i32
        %lt3A_588 = arith.constant 0 : i32
        %lt3A_589 = arith.cmpi slt, %rem3A_585, %lt3A_588 : i32
        %lt3A_590 = arith.constant 0 : i32
        %lt3A_591 = arith.cmpi slt, %select_n3A_584, %lt3A_590 : i32
        %ne3A_592 = arith.xori %lt3A_589, %lt3A_591 : i1
        %and3A_593 = arith.andi %ne3A_592, %ne3A_587 : i1
        %add3A_594 = arith.addi %rem3A_585, %select_n3A_584 : i32
        %select_n3A_595 = arith.select %and3A_593, %add3A_594, %rem3A_585 : i32
        %mul3A_596 = arith.constant 128 : i32
        %mul3A_597 = arith.muli %select_n3A_595, %mul3A_596 : i32
        %add3A_598 = arith.constant 0 : i32
        %add3A_599 = arith.addi %mul3A_597, %add3A_598 : i32
        %get3A_600 = arith.index_cast %select_n3A_579 : i32 to index
        %get3A_601 = arith.index_cast %add3A_599 : i32 to index
        %get3A_602 = tpu.vector_load %arg5[%get3A_600, %get3A_601] {strides = array<i32>} : memref<20x512xi32, #tpu.memory_space<vmem>>, vector<16xi32>,
        %shift_right_arithmetic3A_603 = arith.constant 1 : i32
        %shift_right_arithmetic3A_604 = vector.broadcast %shift_right_arithmetic3A_603 : i32 to vector<16xi32>
        %shift_right_arithmetic3A_605 = arith.shrsi %get3A_602, %shift_right_arithmetic3A_604 : vector<16xi32>
        %swap3A_606 = arith.constant 0 : index
        %swap3A_607 = tpu.vector_load %arg6[%swap3A_606] {strides = array<i32>} : memref<128xi32, #tpu.memory_space<vmem>>, vector<16xi32>,
        tpu.vector_store %arg6[%swap3A_606], %shift_right_arithmetic3A_605 {strides = array<i32>} : memref<128xi32, #tpu.memory_space<vmem>>, vector<16xi32>,
        %and3A_608 = arith.constant 1 : i32
        %and3A_609 = vector.broadcast %and3A_608 : i32 to vector<16xi32>
        %and3A_610 = arith.andi %get3A_602, %and3A_609 : vector<16xi32>
        %shift_left3A_611 = arith.constant 6 : i32
        %shift_left3A_612 = vector.broadcast %shift_left3A_611 : i32 to vector<16xi32>
        %shift_left3A_613 = arith.shli %and3A_610, %shift_left3A_612 : vector<16xi32>
        %swap3A_614 = arith.constant 0 : index
        %swap3A_615 = tpu.vector_load %arg8[%swap3A_614] {strides = array<i32>} : memref<128xi32, #tpu.memory_space<vmem>>, vector<16xi32>,
        tpu.vector_store %arg8[%swap3A_614], %shift_left3A_613 {strides = array<i32>} : memref<128xi32, #tpu.memory_space<vmem>>, vector<16xi32>,
        %mul3A_616 = arith.constant 128 : i32
        %mul3A_617 = arith.muli %select_n3A_595, %mul3A_616 : i32
        %add3A_618 = arith.constant 16 : i32
        %add3A_619 = arith.addi %mul3A_617, %add3A_618 : i32
        %get3A_620 = arith.index_cast %select_n3A_579 : i32 to index
        %get3A_621 = arith.index_cast %add3A_619 : i32 to index
        %get3A_622 = tpu.vector_load %arg5[%get3A_620, %get3A_621] {strides = array<i32>} : memref<20x512xi32, #tpu.memory_space<vmem>>, vector<16xi32>,
        %shift_right_arithmetic3A_623 = arith.constant 1 : i32
        %shift_right_arithmetic3A_624 = vector.broadcast %shift_right_arithmetic3A_623 : i32 to vector<16xi32>
        %shift_right_arithmetic3A_625 = arith.shrsi %get3A_622, %shift_right_arithmetic3A_624 : vector<16xi32>
        %swap3A_626 = arith.constant 16 : index
        %swap3A_627 = tpu.vector_load %arg6[%swap3A_626] {strides = array<i32>} : memref<128xi32, #tpu.memory_space<vmem>>, vector<16xi32>,
        tpu.vector_store %arg6[%swap3A_626], %shift_right_arithmetic3A_625 {strides = array<i32>} : memref<128xi32, #tpu.memory_space<vmem>>, vector<16xi32>,
        %and3A_628 = arith.constant 1 : i32
        %and3A_629 = vector.broadcast %and3A_628 : i32 to vector<16xi32>
        %and3A_630 = arith.andi %get3A_622, %and3A_629 : vector<16xi32>
        %shift_left3A_631 = arith.constant 6 : i32
        %shift_left3A_632 = vector.broadcast %shift_left3A_631 : i32 to vector<16xi32>
        %shift_left3A_633 = arith.shli %and3A_630, %shift_left3A_632 : vector<16xi32>
        %swap3A_634 = arith.constant 16 : index
        %swap3A_635 = tpu.vector_load %arg8[%swap3A_634] {strides = array<i32>} : memref<128xi32, #tpu.memory_space<vmem>>, vector<16xi32>,
        tpu.vector_store %arg8[%swap3A_634], %shift_left3A_633 {strides = array<i32>} : memref<128xi32, #tpu.memory_space<vmem>>, vector<16xi32>,
        %mul3A_636 = arith.constant 128 : i32
        %mul3A_637 = arith.muli %select_n3A_595, %mul3A_636 : i32
        %add3A_638 = arith.constant 32 : i32
        %add3A_639 = arith.addi %mul3A_637, %add3A_638 : i32
        %get3A_640 = arith.index_cast %select_n3A_579 : i32 to index
        %get3A_641 = arith.index_cast %add3A_639 : i32 to index
        %get3A_642 = tpu.vector_load %arg5[%get3A_640, %get3A_641] {strides = array<i32>} : memref<20x512xi32, #tpu.memory_space<vmem>>, vector<16xi32>,
        %shift_right_arithmetic3A_643 = arith.constant 1 : i32
        %shift_right_arithmetic3A_644 = vector.broadcast %shift_right_arithmetic3A_643 : i32 to vector<16xi32>
        %shift_right_arithmetic3A_645 = arith.shrsi %get3A_642, %shift_right_arithmetic3A_644 : vector<16xi32>
        %swap3A_646 = arith.constant 32 : index
        %swap3A_647 = tpu.vector_load %arg6[%swap3A_646] {strides = array<i32>} : memref<128xi32, #tpu.memory_space<vmem>>, vector<16xi32>,
        tpu.vector_store %arg6[%swap3A_646], %shift_right_arithmetic3A_645 {strides = array<i32>} : memref<128xi32, #tpu.memory_space<vmem>>, vector<16xi32>,
        %and3A_648 = arith.constant 1 : i32
        %and3A_649 = vector.broadcast %and3A_648 : i32 to vector<16xi32>
        %and3A_650 = arith.andi %get3A_642, %and3A_649 : vector<16xi32>
        %shift_left3A_651 = arith.constant 6 : i32
        %shift_left3A_652 = vector.broadcast %shift_left3A_651 : i32 to vector<16xi32>
        %shift_left3A_653 = arith.shli %and3A_650, %shift_left3A_652 : vector<16xi32>
        %swap3A_654 = arith.constant 32 : index
        %swap3A_655 = tpu.vector_load %arg8[%swap3A_654] {strides = array<i32>} : memref<128xi32, #tpu.memory_space<vmem>>, vector<16xi32>,
        tpu.vector_store %arg8[%swap3A_654], %shift_left3A_653 {strides = array<i32>} : memref<128xi32, #tpu.memory_space<vmem>>, vector<16xi32>,
        %mul3A_656 = arith.constant 128 : i32
        %mul3A_657 = arith.muli %select_n3A_595, %mul3A_656 : i32
        %add3A_658 = arith.constant 48 : i32
        %add3A_659 = arith.addi %mul3A_657, %add3A_658 : i32
        %get3A_660 = arith.index_cast %select_n3A_579 : i32 to index
        %get3A_661 = arith.index_cast %add3A_659 : i32 to index
        %get3A_662 = tpu.vector_load %arg5[%get3A_660, %get3A_661] {strides = array<i32>} : memref<20x512xi32, #tpu.memory_space<vmem>>, vector<16xi32>,
        %shift_right_arithmetic3A_663 = arith.constant 1 : i32
        %shift_right_arithmetic3A_664 = vector.broadcast %shift_right_arithmetic3A_663 : i32 to vector<16xi32>
        %shift_right_arithmetic3A_665 = arith.shrsi %get3A_662, %shift_right_arithmetic3A_664 : vector<16xi32>
        %swap3A_666 = arith.constant 48 : index
        %swap3A_667 = tpu.vector_load %arg6[%swap3A_666] {strides = array<i32>} : memref<128xi32, #tpu.memory_space<vmem>>, vector<16xi32>,
        tpu.vector_store %arg6[%swap3A_666], %shift_right_arithmetic3A_665 {strides = array<i32>} : memref<128xi32, #tpu.memory_space<vmem>>, vector<16xi32>,
        %and3A_668 = arith.constant 1 : i32
        %and3A_669 = vector.broadcast %and3A_668 : i32 to vector<16xi32>
        %and3A_670 = arith.andi %get3A_662, %and3A_669 : vector<16xi32>
        %shift_left3A_671 = arith.constant 6 : i32
        %shift_left3A_672 = vector.broadcast %shift_left3A_671 : i32 to vector<16xi32>
        %shift_left3A_673 = arith.shli %and3A_670, %shift_left3A_672 : vector<16xi32>
        %swap3A_674 = arith.constant 48 : index
        %swap3A_675 = tpu.vector_load %arg8[%swap3A_674] {strides = array<i32>} : memref<128xi32, #tpu.memory_space<vmem>>, vector<16xi32>,
        tpu.vector_store %arg8[%swap3A_674], %shift_left3A_673 {strides = array<i32>} : memref<128xi32, #tpu.memory_space<vmem>>, vector<16xi32>,
        %mul3A_676 = arith.constant 128 : i32
        %mul3A_677 = arith.muli %select_n3A_595, %mul3A_676 : i32
        %add3A_678 = arith.constant 64 : i32
        %add3A_679 = arith.addi %mul3A_677, %add3A_678 : i32
        %get3A_680 = arith.index_cast %select_n3A_579 : i32 to index
        %get3A_681 = arith.index_cast %add3A_679 : i32 to index
        %get3A_682 = tpu.vector_load %arg5[%get3A_680, %get3A_681] {strides = array<i32>} : memref<20x512xi32, #tpu.memory_space<vmem>>, vector<16xi32>,
        %shift_right_arithmetic3A_683 = arith.constant 1 : i32
        %shift_right_arithmetic3A_684 = vector.broadcast %shift_right_arithmetic3A_683 : i32 to vector<16xi32>
        %shift_right_arithmetic3A_685 = arith.shrsi %get3A_682, %shift_right_arithmetic3A_684 : vector<16xi32>
        %swap3A_686 = arith.constant 64 : index
        %swap3A_687 = tpu.vector_load %arg6[%swap3A_686] {strides = array<i32>} : memref<128xi32, #tpu.memory_space<vmem>>, vector<16xi32>,
        tpu.vector_store %arg6[%swap3A_686], %shift_right_arithmetic3A_685 {strides = array<i32>} : memref<128xi32, #tpu.memory_space<vmem>>, vector<16xi32>,
        %and3A_688 = arith.constant 1 : i32
        %and3A_689 = vector.broadcast %and3A_688 : i32 to vector<16xi32>
        %and3A_690 = arith.andi %get3A_682, %and3A_689 : vector<16xi32>
        %shift_left3A_691 = arith.constant 6 : i32
        %shift_left3A_692 = vector.broadcast %shift_left3A_691 : i32 to vector<16xi32>
        %shift_left3A_693 = arith.shli %and3A_690, %shift_left3A_692 : vector<16xi32>
        %swap3A_694 = arith.constant 64 : index
        %swap3A_695 = tpu.vector_load %arg8[%swap3A_694] {strides = array<i32>} : memref<128xi32, #tpu.memory_space<vmem>>, vector<16xi32>,
        tpu.vector_store %arg8[%swap3A_694], %shift_left3A_693 {strides = array<i32>} : memref<128xi32, #tpu.memory_space<vmem>>, vector<16xi32>,
        %mul3A_696 = arith.constant 128 : i32
        %mul3A_697 = arith.muli %select_n3A_595, %mul3A_696 : i32
        %add3A_698 = arith.constant 80 : i32
        %add3A_699 = arith.addi %mul3A_697, %add3A_698 : i32
        %get3A_700 = arith.index_cast %select_n3A_579 : i32 to index
        %get3A_701 = arith.index_cast %add3A_699 : i32 to index
        %get3A_702 = tpu.vector_load %arg5[%get3A_700, %get3A_701] {strides = array<i32>} : memref<20x512xi32, #tpu.memory_space<vmem>>, vector<16xi32>,
        %shift_right_arithmetic3A_703 = arith.constant 1 : i32
        %shift_right_arithmetic3A_704 = vector.broadcast %shift_right_arithmetic3A_703 : i32 to vector<16xi32>
        %shift_right_arithmetic3A_705 = arith.shrsi %get3A_702, %shift_right_arithmetic3A_704 : vector<16xi32>
        %swap3A_706 = arith.constant 80 : index
        %swap3A_707 = tpu.vector_load %arg6[%swap3A_706] {strides = array<i32>} : memref<128xi32, #tpu.memory_space<vmem>>, vector<16xi32>,
        tpu.vector_store %arg6[%swap3A_706], %shift_right_arithmetic3A_705 {strides = array<i32>} : memref<128xi32, #tpu.memory_space<vmem>>, vector<16xi32>,
        %and3A_708 = arith.constant 1 : i32
        %and3A_709 = vector.broadcast %and3A_708 : i32 to vector<16xi32>
        %and3A_710 = arith.andi %get3A_702, %and3A_709 : vector<16xi32>
        %shift_left3A_711 = arith.constant 6 : i32
        %shift_left3A_712 = vector.broadcast %shift_left3A_711 : i32 to vector<16xi32>
        %shift_left3A_713 = arith.shli %and3A_710, %shift_left3A_712 : vector<16xi32>
        %swap3A_714 = arith.constant 80 : index
        %swap3A_715 = tpu.vector_load %arg8[%swap3A_714] {strides = array<i32>} : memref<128xi32, #tpu.memory_space<vmem>>, vector<16xi32>,
        tpu.vector_store %arg8[%swap3A_714], %shift_left3A_713 {strides = array<i32>} : memref<128xi32, #tpu.memory_space<vmem>>, vector<16xi32>,
        %mul3A_716 = arith.constant 128 : i32
        %mul3A_717 = arith.muli %select_n3A_595, %mul3A_716 : i32
        %add3A_718 = arith.constant 96 : i32
        %add3A_719 = arith.addi %mul3A_717, %add3A_718 : i32
        %get3A_720 = arith.index_cast %select_n3A_579 : i32 to index
        %get3A_721 = arith.index_cast %add3A_719 : i32 to index
        %get3A_722 = tpu.vector_load %arg5[%get3A_720, %get3A_721] {strides = array<i32>} : memref<20x512xi32, #tpu.memory_space<vmem>>, vector<16xi32>,
        %shift_right_arithmetic3A_723 = arith.constant 1 : i32
        %shift_right_arithmetic3A_724 = vector.broadcast %shift_right_arithmetic3A_723 : i32 to vector<16xi32>
        %shift_right_arithmetic3A_725 = arith.shrsi %get3A_722, %shift_right_arithmetic3A_724 : vector<16xi32>
        %swap3A_726 = arith.constant 96 : index
        %swap3A_727 = tpu.vector_load %arg6[%swap3A_726] {strides = array<i32>} : memref<128xi32, #tpu.memory_space<vmem>>, vector<16xi32>,
        tpu.vector_store %arg6[%swap3A_726], %shift_right_arithmetic3A_725 {strides = array<i32>} : memref<128xi32, #tpu.memory_space<vmem>>, vector<16xi32>,
        %and3A_728 = arith.constant 1 : i32
        %and3A_729 = vector.broadcast %and3A_728 : i32 to vector<16xi32>
        %and3A_730 = arith.andi %get3A_722, %and3A_729 : vector<16xi32>
        %shift_left3A_731 = arith.constant 6 : i32
        %shift_left3A_732 = vector.broadcast %shift_left3A_731 : i32 to vector<16xi32>
        %shift_left3A_733 = arith.shli %and3A_730, %shift_left3A_732 : vector<16xi32>
        %swap3A_734 = arith.constant 96 : index
        %swap3A_735 = tpu.vector_load %arg8[%swap3A_734] {strides = array<i32>} : memref<128xi32, #tpu.memory_space<vmem>>, vector<16xi32>,
        tpu.vector_store %arg8[%swap3A_734], %shift_left3A_733 {strides = array<i32>} : memref<128xi32, #tpu.memory_space<vmem>>, vector<16xi32>,
        %mul3A_736 = arith.constant 128 : i32
        %mul3A_737 = arith.muli %select_n3A_595, %mul3A_736 : i32
        %add3A_738 = arith.constant 112 : i32
        %add3A_739 = arith.addi %mul3A_737, %add3A_738 : i32
        %get3A_740 = arith.index_cast %select_n3A_579 : i32 to index
        %get3A_741 = arith.index_cast %add3A_739 : i32 to index
        %get3A_742 = tpu.vector_load %arg5[%get3A_740, %get3A_741] {strides = array<i32>} : memref<20x512xi32, #tpu.memory_space<vmem>>, vector<16xi32>,
        %shift_right_arithmetic3A_743 = arith.constant 1 : i32
        %shift_right_arithmetic3A_744 = vector.broadcast %shift_right_arithmetic3A_743 : i32 to vector<16xi32>
        %shift_right_arithmetic3A_745 = arith.shrsi %get3A_742, %shift_right_arithmetic3A_744 : vector<16xi32>
        %swap3A_746 = arith.constant 112 : index
        %swap3A_747 = tpu.vector_load %arg6[%swap3A_746] {strides = array<i32>} : memref<128xi32, #tpu.memory_space<vmem>>, vector<16xi32>,
        tpu.vector_store %arg6[%swap3A_746], %shift_right_arithmetic3A_745 {strides = array<i32>} : memref<128xi32, #tpu.memory_space<vmem>>, vector<16xi32>,
        %and3A_748 = arith.constant 1 : i32
        %and3A_749 = vector.broadcast %and3A_748 : i32 to vector<16xi32>
        %and3A_750 = arith.andi %get3A_742, %and3A_749 : vector<16xi32>
        %shift_left3A_751 = arith.constant 6 : i32
        %shift_left3A_752 = vector.broadcast %shift_left3A_751 : i32 to vector<16xi32>
        %shift_left3A_753 = arith.shli %and3A_750, %shift_left3A_752 : vector<16xi32>
        %swap3A_754 = arith.constant 112 : index
        %swap3A_755 = tpu.vector_load %arg8[%swap3A_754] {strides = array<i32>} : memref<128xi32, #tpu.memory_space<vmem>>, vector<16xi32>,
        tpu.vector_store %arg8[%swap3A_754], %shift_left3A_753 {strides = array<i32>} : memref<128xi32, #tpu.memory_space<vmem>>, vector<16xi32>,
        %dma_start3A_756 = arith.constant 0 : i32
        %dma_start3A_757 = arith.constant 0 : i32
        %dma_start3A_758 = tpu.memref_slice %arg2[%dma_start3A_756, %dma_start3A_757] : memref<500000x128xf32, #tpu.memory_space<hbm>> -> memref<500000x128xf32, #tpu.memory_space<hbm>>
        tpu.enqueue_indirect_dma source(%dma_start3A_758 : memref<500000x128xf32, #tpu.memory_space<hbm>>) target(%arg10 : memref<128x128xf32, #tpu.memory_space<vmem>>) offsets(%arg6 : memref<128xi32, #tpu.memory_space<vmem>>) semaphore(%arg14 : memref<!tpu.dma_semaphore, #tpu.memory_space<semaphore_mem>>)
      } else {
      }
      %mul3A_420 = arith.constant 2 : i32
      %mul3A_421 = arith.muli %scan3A_298, %mul3A_420 : i32
      %add3A_422 = arith.constant 1 : i32
      %add3A_423 = arith.addi %mul3A_421, %add3A_422 : i32
      %jit3A_424 = arith.constant 4 : i32
      %div3A_425 = arith.divsi %add3A_423, %jit3A_424 : i32
      %sign3A_426 = arith.constant 0 : i32
      %sign3A_427 = arith.cmpi sgt, %add3A_423, %sign3A_426 : i32
      %sign3A_428 = arith.extui %sign3A_427 : i1 to i32
      %sign3A_429 = arith.constant 0 : i32
      %sign3A_430 = arith.cmpi slt, %add3A_423, %sign3A_429 : i32
      %sign3A_431 = arith.extui %sign3A_430 : i1 to i32
      %sign3A_432 = arith.subi %sign3A_428, %sign3A_431 : i32
      %sign3A_433 = arith.constant 0 : i32
      %sign3A_434 = arith.cmpi sgt, %jit3A_424, %sign3A_433 : i32
      %sign3A_435 = arith.extui %sign3A_434 : i1 to i32
      %sign3A_436 = arith.constant 0 : i32
      %sign3A_437 = arith.cmpi slt, %jit3A_424, %sign3A_436 : i32
      %sign3A_438 = arith.extui %sign3A_437 : i1 to i32
      %sign3A_439 = arith.subi %sign3A_435, %sign3A_438 : i32
      %ne3A_440 = arith.cmpi ne, %sign3A_432, %sign3A_439 : i32
      %rem3A_441 = arith.remsi %add3A_423, %jit3A_424 : i32
      %ne3A_442 = arith.constant 0 : i32
      %ne3A_443 = arith.cmpi ne, %rem3A_441, %ne3A_442 : i32
      %and3A_444 = arith.andi %ne3A_440, %ne3A_443 : i1
      %sub3A_445 = arith.constant 1 : i32
      %sub3A_446 = arith.subi %div3A_425, %sub3A_445 : i32
      %select_n3A_447 = arith.select %and3A_444, %sub3A_446, %div3A_425 : i32
      %jit3A_448 = arith.constant 4 : i32
      %eq3A_449 = arith.constant 0 : i32
      %eq3A_450 = arith.cmpi eq, %jit3A_448, %eq3A_449 : i32
      %jit3A_451 = arith.constant 1 : i32
      %select_n3A_452 = arith.select %eq3A_450, %jit3A_451, %jit3A_448 : i32
      %rem3A_453 = arith.remsi %add3A_423, %select_n3A_452 : i32
      %ne3A_454 = arith.constant 0 : i32
      %ne3A_455 = arith.cmpi ne, %rem3A_453, %ne3A_454 : i32
      %lt3A_456 = arith.constant 0 : i32
      %lt3A_457 = arith.cmpi slt, %rem3A_453, %lt3A_456 : i32
      %lt3A_458 = arith.constant 0 : i32
      %lt3A_459 = arith.cmpi slt, %select_n3A_452, %lt3A_458 : i32
      %ne3A_460 = arith.xori %lt3A_457, %lt3A_459 : i1
      %and3A_461 = arith.andi %ne3A_460, %ne3A_455 : i1
      %add3A_462 = arith.addi %rem3A_453, %select_n3A_452 : i32
      %select_n3A_463 = arith.select %and3A_461, %add3A_462, %rem3A_453 : i32
      %mul3A_464 = arith.constant 128 : i32
      %mul3A_465 = arith.muli %select_n3A_463, %mul3A_464 : i32
      %add3A_466 = arith.addi %multiple_of3A, %mul3A_465 : i32
      %multiple_of3A_467 = tpu.assume_multiple %add3A_466, 128 : i32
      %dma_wait3A_468 = arith.constant 0 : i32
      %dma_wait3A_469 = arith.constant 0 : i32
      %dma_wait3A_470 = tpu.memref_slice %arg2[%dma_wait3A_468, %dma_wait3A_469] : memref<500000x128xf32, #tpu.memory_space<hbm>> -> memref<500000x128xf32, #tpu.memory_space<hbm>>
      tpu.wait_indirect_dma semaphore(%arg15 : memref<!tpu.dma_semaphore, #tpu.memory_space<semaphore_mem>>) src(%dma_wait3A_470 : memref<500000x128xf32, #tpu.memory_space<hbm>>) dst(%arg11 : memref<128x128xf32, #tpu.memory_space<vmem>>)
      %gt3A_471 = arith.constant 0 : i32
      %gt3A_472 = arith.cmpi sgt, %scan3A_298, %gt3A_471 : i32
      %convert_element_type3A_473 = arith.extui %gt3A_472 : i1 to i32
      %cond3A_474 = arith.constant 0 : i32
      %cond3A_475 = arith.cmpi ne, %convert_element_type3A_473, %cond3A_474 : i32
      scf.if %cond3A_475 {
        %dma_wait3A_554 = arith.constant 0 : i32
        %dma_wait3A_555 = tpu.memref_slice %arg4[%select_n3A_447, %dma_wait3A_554, %multiple_of3A_467] : memref<20x64x16384xf32, #tpu.memory_space<hbm>> -> memref<1x64x128xf32, #tpu.memory_space<hbm>>
        %dma_wait3A_556 = tpu.memref_squeeze %dma_wait3A_555 : memref<1x64x128xf32, #tpu.memory_space<hbm>> -> memref<64x128xf32, #tpu.memory_space<hbm>>
        %dma_wait3A_557 = arith.constant 0 : i32
        %dma_wait3A_558 = tpu.memref_slice %arg4[%select_n3A_447, %dma_wait3A_557, %multiple_of3A_467] : memref<20x64x16384xf32, #tpu.memory_space<hbm>> -> memref<1x64x128xf32, #tpu.memory_space<hbm>>
        %dma_wait3A_559 = tpu.memref_squeeze %dma_wait3A_558 : memref<1x64x128xf32, #tpu.memory_space<hbm>> -> memref<64x128xf32, #tpu.memory_space<hbm>>
        tpu.wait_dma2 semaphore(%arg17 : memref<!tpu.dma_semaphore, #tpu.memory_space<semaphore_mem>>) src(%arg13 : memref<64x128xf32, #tpu.memory_space<vmem>>) dst(%dma_wait3A_559 : memref<64x128xf32, #tpu.memory_space<hbm>>)
      } else {
      }
      %add3A_476 = arith.constant 0 : i32
      %add3A_477 = vector.broadcast %add3A_476 : i32 to vector<16xi32>
      %add3A_478 = arith.addi %iota3A, %add3A_477 : vector<16xi32>
      %get3A_479 = arith.constant 0 : index
      %get3A_480 = tpu.vector_load %arg9[%get3A_479] {strides = array<i32>} : memref<128xi32, #tpu.memory_space<vmem>>, vector<16xi32>,
      %parallel_loop3A_481 = arith.constant 0 : i32
      %parallel_loop3A_482 = arith.constant 64 : i32
      %parallel_loop3A_483 = arith.constant 1 : i32
      scf.for %parallel_loop3A_554 = %parallel_loop3A_481 to %parallel_loop3A_482 step %parallel_loop3A_483  : i32 {
        %parallel_loop3A_555 = vector.broadcast %parallel_loop3A_554 : i32 to vector<16xi32>
        %parallel_loop3A_556 = arith.addi %get3A_480, %parallel_loop3A_555 : vector<16xi32>
        %parallel_loop3A_557 = tpu.vector_load_idx %arg11[%add3A_478, %parallel_loop3A_556] : memref<128x128xf32, #tpu.memory_space<vmem>>[vector<16xi32>, vector<16xi32>], vector<16xf32>,
        %parallel_loop3A_558 = arith.constant 8.000000e+00 : f32
        %parallel_loop3A_559 = vector.broadcast %parallel_loop3A_558 : f32 to vector<16xf32>
        %parallel_loop3A_560 = arith.mulf %parallel_loop3A_557, %parallel_loop3A_559 : vector<16xf32>
        %parallel_loop3A_561 = arith.index_cast %parallel_loop3A_554 : i32 to index
        %parallel_loop3A_562 = arith.constant 0 : index
        %parallel_loop3A_563 = tpu.vector_load %arg13[%parallel_loop3A_561, %parallel_loop3A_562] {strides = array<i32>} : memref<64x128xf32, #tpu.memory_space<vmem>>, vector<16xf32>,
        tpu.vector_store %arg13[%parallel_loop3A_561, %parallel_loop3A_562], %parallel_loop3A_560 {strides = array<i32>} : memref<64x128xf32, #tpu.memory_space<vmem>>, vector<16xf32>,
      } {sc.loop_unroll_factor = 8 : i64, sc.parallel_access}
      %add3A_484 = arith.constant 16 : i32
      %add3A_485 = vector.broadcast %add3A_484 : i32 to vector<16xi32>
      %add3A_486 = arith.addi %iota3A, %add3A_485 : vector<16xi32>
      %get3A_487 = arith.constant 16 : index
      %get3A_488 = tpu.vector_load %arg9[%get3A_487] {strides = array<i32>} : memref<128xi32, #tpu.memory_space<vmem>>, vector<16xi32>,
      %parallel_loop3A_489 = arith.constant 0 : i32
      %parallel_loop3A_490 = arith.constant 64 : i32
      %parallel_loop3A_491 = arith.constant 1 : i32
      scf.for %parallel_loop3A_554 = %parallel_loop3A_489 to %parallel_loop3A_490 step %parallel_loop3A_491  : i32 {
        %parallel_loop3A_555 = vector.broadcast %parallel_loop3A_554 : i32 to vector<16xi32>
        %parallel_loop3A_556 = arith.addi %get3A_488, %parallel_loop3A_555 : vector<16xi32>
        %parallel_loop3A_557 = tpu.vector_load_idx %arg11[%add3A_486, %parallel_loop3A_556] : memref<128x128xf32, #tpu.memory_space<vmem>>[vector<16xi32>, vector<16xi32>], vector<16xf32>,
        %parallel_loop3A_558 = arith.constant 8.000000e+00 : f32
        %parallel_loop3A_559 = vector.broadcast %parallel_loop3A_558 : f32 to vector<16xf32>
        %parallel_loop3A_560 = arith.mulf %parallel_loop3A_557, %parallel_loop3A_559 : vector<16xf32>
        %parallel_loop3A_561 = arith.index_cast %parallel_loop3A_554 : i32 to index
        %parallel_loop3A_562 = arith.constant 16 : index
        %parallel_loop3A_563 = tpu.vector_load %arg13[%parallel_loop3A_561, %parallel_loop3A_562] {strides = array<i32>} : memref<64x128xf32, #tpu.memory_space<vmem>>, vector<16xf32>,
        tpu.vector_store %arg13[%parallel_loop3A_561, %parallel_loop3A_562], %parallel_loop3A_560 {strides = array<i32>} : memref<64x128xf32, #tpu.memory_space<vmem>>, vector<16xf32>,
      } {sc.loop_unroll_factor = 8 : i64, sc.parallel_access}
      %add3A_492 = arith.constant 32 : i32
      %add3A_493 = vector.broadcast %add3A_492 : i32 to vector<16xi32>
      %add3A_494 = arith.addi %iota3A, %add3A_493 : vector<16xi32>
      %get3A_495 = arith.constant 32 : index
      %get3A_496 = tpu.vector_load %arg9[%get3A_495] {strides = array<i32>} : memref<128xi32, #tpu.memory_space<vmem>>, vector<16xi32>,
      %parallel_loop3A_497 = arith.constant 0 : i32
      %parallel_loop3A_498 = arith.constant 64 : i32
      %parallel_loop3A_499 = arith.constant 1 : i32
      scf.for %parallel_loop3A_554 = %parallel_loop3A_497 to %parallel_loop3A_498 step %parallel_loop3A_499  : i32 {
        %parallel_loop3A_555 = vector.broadcast %parallel_loop3A_554 : i32 to vector<16xi32>
        %parallel_loop3A_556 = arith.addi %get3A_496, %parallel_loop3A_555 : vector<16xi32>
        %parallel_loop3A_557 = tpu.vector_load_idx %arg11[%add3A_494, %parallel_loop3A_556] : memref<128x128xf32, #tpu.memory_space<vmem>>[vector<16xi32>, vector<16xi32>], vector<16xf32>,
        %parallel_loop3A_558 = arith.constant 8.000000e+00 : f32
        %parallel_loop3A_559 = vector.broadcast %parallel_loop3A_558 : f32 to vector<16xf32>
        %parallel_loop3A_560 = arith.mulf %parallel_loop3A_557, %parallel_loop3A_559 : vector<16xf32>
        %parallel_loop3A_561 = arith.index_cast %parallel_loop3A_554 : i32 to index
        %parallel_loop3A_562 = arith.constant 32 : index
        %parallel_loop3A_563 = tpu.vector_load %arg13[%parallel_loop3A_561, %parallel_loop3A_562] {strides = array<i32>} : memref<64x128xf32, #tpu.memory_space<vmem>>, vector<16xf32>,
        tpu.vector_store %arg13[%parallel_loop3A_561, %parallel_loop3A_562], %parallel_loop3A_560 {strides = array<i32>} : memref<64x128xf32, #tpu.memory_space<vmem>>, vector<16xf32>,
      } {sc.loop_unroll_factor = 8 : i64, sc.parallel_access}
      %add3A_500 = arith.constant 48 : i32
      %add3A_501 = vector.broadcast %add3A_500 : i32 to vector<16xi32>
      %add3A_502 = arith.addi %iota3A, %add3A_501 : vector<16xi32>
      %get3A_503 = arith.constant 48 : index
      %get3A_504 = tpu.vector_load %arg9[%get3A_503] {strides = array<i32>} : memref<128xi32, #tpu.memory_space<vmem>>, vector<16xi32>,
      %parallel_loop3A_505 = arith.constant 0 : i32
      %parallel_loop3A_506 = arith.constant 64 : i32
      %parallel_loop3A_507 = arith.constant 1 : i32
      scf.for %parallel_loop3A_554 = %parallel_loop3A_505 to %parallel_loop3A_506 step %parallel_loop3A_507  : i32 {
        %parallel_loop3A_555 = vector.broadcast %parallel_loop3A_554 : i32 to vector<16xi32>
        %parallel_loop3A_556 = arith.addi %get3A_504, %parallel_loop3A_555 : vector<16xi32>
        %parallel_loop3A_557 = tpu.vector_load_idx %arg11[%add3A_502, %parallel_loop3A_556] : memref<128x128xf32, #tpu.memory_space<vmem>>[vector<16xi32>, vector<16xi32>], vector<16xf32>,
        %parallel_loop3A_558 = arith.constant 8.000000e+00 : f32
        %parallel_loop3A_559 = vector.broadcast %parallel_loop3A_558 : f32 to vector<16xf32>
        %parallel_loop3A_560 = arith.mulf %parallel_loop3A_557, %parallel_loop3A_559 : vector<16xf32>
        %parallel_loop3A_561 = arith.index_cast %parallel_loop3A_554 : i32 to index
        %parallel_loop3A_562 = arith.constant 48 : index
        %parallel_loop3A_563 = tpu.vector_load %arg13[%parallel_loop3A_561, %parallel_loop3A_562] {strides = array<i32>} : memref<64x128xf32, #tpu.memory_space<vmem>>, vector<16xf32>,
        tpu.vector_store %arg13[%parallel_loop3A_561, %parallel_loop3A_562], %parallel_loop3A_560 {strides = array<i32>} : memref<64x128xf32, #tpu.memory_space<vmem>>, vector<16xf32>,
      } {sc.loop_unroll_factor = 8 : i64, sc.parallel_access}
      %add3A_508 = arith.constant 64 : i32
      %add3A_509 = vector.broadcast %add3A_508 : i32 to vector<16xi32>
      %add3A_510 = arith.addi %iota3A, %add3A_509 : vector<16xi32>
      %get3A_511 = arith.constant 64 : index
      %get3A_512 = tpu.vector_load %arg9[%get3A_511] {strides = array<i32>} : memref<128xi32, #tpu.memory_space<vmem>>, vector<16xi32>,
      %parallel_loop3A_513 = arith.constant 0 : i32
      %parallel_loop3A_514 = arith.constant 64 : i32
      %parallel_loop3A_515 = arith.constant 1 : i32
      scf.for %parallel_loop3A_554 = %parallel_loop3A_513 to %parallel_loop3A_514 step %parallel_loop3A_515  : i32 {
        %parallel_loop3A_555 = vector.broadcast %parallel_loop3A_554 : i32 to vector<16xi32>
        %parallel_loop3A_556 = arith.addi %get3A_512, %parallel_loop3A_555 : vector<16xi32>
        %parallel_loop3A_557 = tpu.vector_load_idx %arg11[%add3A_510, %parallel_loop3A_556] : memref<128x128xf32, #tpu.memory_space<vmem>>[vector<16xi32>, vector<16xi32>], vector<16xf32>,
        %parallel_loop3A_558 = arith.constant 8.000000e+00 : f32
        %parallel_loop3A_559 = vector.broadcast %parallel_loop3A_558 : f32 to vector<16xf32>
        %parallel_loop3A_560 = arith.mulf %parallel_loop3A_557, %parallel_loop3A_559 : vector<16xf32>
        %parallel_loop3A_561 = arith.index_cast %parallel_loop3A_554 : i32 to index
        %parallel_loop3A_562 = arith.constant 64 : index
        %parallel_loop3A_563 = tpu.vector_load %arg13[%parallel_loop3A_561, %parallel_loop3A_562] {strides = array<i32>} : memref<64x128xf32, #tpu.memory_space<vmem>>, vector<16xf32>,
        tpu.vector_store %arg13[%parallel_loop3A_561, %parallel_loop3A_562], %parallel_loop3A_560 {strides = array<i32>} : memref<64x128xf32, #tpu.memory_space<vmem>>, vector<16xf32>,
      } {sc.loop_unroll_factor = 8 : i64, sc.parallel_access}
      %add3A_516 = arith.constant 80 : i32
      %add3A_517 = vector.broadcast %add3A_516 : i32 to vector<16xi32>
      %add3A_518 = arith.addi %iota3A, %add3A_517 : vector<16xi32>
      %get3A_519 = arith.constant 80 : index
      %get3A_520 = tpu.vector_load %arg9[%get3A_519] {strides = array<i32>} : memref<128xi32, #tpu.memory_space<vmem>>, vector<16xi32>,
      %parallel_loop3A_521 = arith.constant 0 : i32
      %parallel_loop3A_522 = arith.constant 64 : i32
      %parallel_loop3A_523 = arith.constant 1 : i32
      scf.for %parallel_loop3A_554 = %parallel_loop3A_521 to %parallel_loop3A_522 step %parallel_loop3A_523  : i32 {
        %parallel_loop3A_555 = vector.broadcast %parallel_loop3A_554 : i32 to vector<16xi32>
        %parallel_loop3A_556 = arith.addi %get3A_520, %parallel_loop3A_555 : vector<16xi32>
        %parallel_loop3A_557 = tpu.vector_load_idx %arg11[%add3A_518, %parallel_loop3A_556] : memref<128x128xf32, #tpu.memory_space<vmem>>[vector<16xi32>, vector<16xi32>], vector<16xf32>,
        %parallel_loop3A_558 = arith.constant 8.000000e+00 : f32
        %parallel_loop3A_559 = vector.broadcast %parallel_loop3A_558 : f32 to vector<16xf32>
        %parallel_loop3A_560 = arith.mulf %parallel_loop3A_557, %parallel_loop3A_559 : vector<16xf32>
        %parallel_loop3A_561 = arith.index_cast %parallel_loop3A_554 : i32 to index
        %parallel_loop3A_562 = arith.constant 80 : index
        %parallel_loop3A_563 = tpu.vector_load %arg13[%parallel_loop3A_561, %parallel_loop3A_562] {strides = array<i32>} : memref<64x128xf32, #tpu.memory_space<vmem>>, vector<16xf32>,
        tpu.vector_store %arg13[%parallel_loop3A_561, %parallel_loop3A_562], %parallel_loop3A_560 {strides = array<i32>} : memref<64x128xf32, #tpu.memory_space<vmem>>, vector<16xf32>,
      } {sc.loop_unroll_factor = 8 : i64, sc.parallel_access}
      %add3A_524 = arith.constant 96 : i32
      %add3A_525 = vector.broadcast %add3A_524 : i32 to vector<16xi32>
      %add3A_526 = arith.addi %iota3A, %add3A_525 : vector<16xi32>
      %get3A_527 = arith.constant 96 : index
      %get3A_528 = tpu.vector_load %arg9[%get3A_527] {strides = array<i32>} : memref<128xi32, #tpu.memory_space<vmem>>, vector<16xi32>,
      %parallel_loop3A_529 = arith.constant 0 : i32
      %parallel_loop3A_530 = arith.constant 64 : i32
      %parallel_loop3A_531 = arith.constant 1 : i32
      scf.for %parallel_loop3A_554 = %parallel_loop3A_529 to %parallel_loop3A_530 step %parallel_loop3A_531  : i32 {
        %parallel_loop3A_555 = vector.broadcast %parallel_loop3A_554 : i32 to vector<16xi32>
        %parallel_loop3A_556 = arith.addi %get3A_528, %parallel_loop3A_555 : vector<16xi32>
        %parallel_loop3A_557 = tpu.vector_load_idx %arg11[%add3A_526, %parallel_loop3A_556] : memref<128x128xf32, #tpu.memory_space<vmem>>[vector<16xi32>, vector<16xi32>], vector<16xf32>,
        %parallel_loop3A_558 = arith.constant 8.000000e+00 : f32
        %parallel_loop3A_559 = vector.broadcast %parallel_loop3A_558 : f32 to vector<16xf32>
        %parallel_loop3A_560 = arith.mulf %parallel_loop3A_557, %parallel_loop3A_559 : vector<16xf32>
        %parallel_loop3A_561 = arith.index_cast %parallel_loop3A_554 : i32 to index
        %parallel_loop3A_562 = arith.constant 96 : index
        %parallel_loop3A_563 = tpu.vector_load %arg13[%parallel_loop3A_561, %parallel_loop3A_562] {strides = array<i32>} : memref<64x128xf32, #tpu.memory_space<vmem>>, vector<16xf32>,
        tpu.vector_store %arg13[%parallel_loop3A_561, %parallel_loop3A_562], %parallel_loop3A_560 {strides = array<i32>} : memref<64x128xf32, #tpu.memory_space<vmem>>, vector<16xf32>,
      } {sc.loop_unroll_factor = 8 : i64, sc.parallel_access}
      %add3A_532 = arith.constant 112 : i32
      %add3A_533 = vector.broadcast %add3A_532 : i32 to vector<16xi32>
      %add3A_534 = arith.addi %iota3A, %add3A_533 : vector<16xi32>
      %get3A_535 = arith.constant 112 : index
      %get3A_536 = tpu.vector_load %arg9[%get3A_535] {strides = array<i32>} : memref<128xi32, #tpu.memory_space<vmem>>, vector<16xi32>,
      %parallel_loop3A_537 = arith.constant 0 : i32
      %parallel_loop3A_538 = arith.constant 64 : i32
      %parallel_loop3A_539 = arith.constant 1 : i32
      scf.for %parallel_loop3A_554 = %parallel_loop3A_537 to %parallel_loop3A_538 step %parallel_loop3A_539  : i32 {
        %parallel_loop3A_555 = vector.broadcast %parallel_loop3A_554 : i32 to vector<16xi32>
        %parallel_loop3A_556 = arith.addi %get3A_536, %parallel_loop3A_555 : vector<16xi32>
        %parallel_loop3A_557 = tpu.vector_load_idx %arg11[%add3A_534, %parallel_loop3A_556] : memref<128x128xf32, #tpu.memory_space<vmem>>[vector<16xi32>, vector<16xi32>], vector<16xf32>,
        %parallel_loop3A_558 = arith.constant 8.000000e+00 : f32
        %parallel_loop3A_559 = vector.broadcast %parallel_loop3A_558 : f32 to vector<16xf32>
        %parallel_loop3A_560 = arith.mulf %parallel_loop3A_557, %parallel_loop3A_559 : vector<16xf32>
        %parallel_loop3A_561 = arith.index_cast %parallel_loop3A_554 : i32 to index
        %parallel_loop3A_562 = arith.constant 112 : index
        %parallel_loop3A_563 = tpu.vector_load %arg13[%parallel_loop3A_561, %parallel_loop3A_562] {strides = array<i32>} : memref<64x128xf32, #tpu.memory_space<vmem>>, vector<16xf32>,
        tpu.vector_store %arg13[%parallel_loop3A_561, %parallel_loop3A_562], %parallel_loop3A_560 {strides = array<i32>} : memref<64x128xf32, #tpu.memory_space<vmem>>, vector<16xf32>,
      } {sc.loop_unroll_factor = 8 : i64, sc.parallel_access}
      %dma_start3A_540 = arith.constant 0 : i32
      %dma_start3A_541 = tpu.memref_slice %arg4[%select_n3A_447, %dma_start3A_540, %multiple_of3A_467] : memref<20x64x16384xf32, #tpu.memory_space<hbm>> -> memref<1x64x128xf32, #tpu.memory_space<hbm>>
      %dma_start3A_542 = tpu.memref_squeeze %dma_start3A_541 : memref<1x64x128xf32, #tpu.memory_space<hbm>> -> memref<64x128xf32, #tpu.memory_space<hbm>>
      %dma_start3A_543 = arith.constant 0 : i32
      %dma_start3A_544 = tpu.memref_slice %arg4[%select_n3A_447, %dma_start3A_543, %multiple_of3A_467] : memref<20x64x16384xf32, #tpu.memory_space<hbm>> -> memref<1x64x128xf32, #tpu.memory_space<hbm>>
      %dma_start3A_545 = tpu.memref_squeeze %dma_start3A_544 : memref<1x64x128xf32, #tpu.memory_space<hbm>> -> memref<64x128xf32, #tpu.memory_space<hbm>>
      tpu.enqueue_dma source(%arg13 : memref<64x128xf32, #tpu.memory_space<vmem>>) target(%dma_start3A_545 : memref<64x128xf32, #tpu.memory_space<hbm>>) target_semaphore(%arg17 : memref<!tpu.dma_semaphore, #tpu.memory_space<semaphore_mem>>)
      %add3A_546 = arith.constant 2 : i32
      %add3A_547 = arith.addi %add3A_423, %add3A_546 : i32
      %lt3A_548 = arith.constant 80 : i32
      %lt3A_549 = arith.cmpi slt, %add3A_547, %lt3A_548 : i32
      %convert_element_type3A_550 = arith.extui %lt3A_549 : i1 to i32
      %cond3A_551 = arith.constant 0 : i32
      %cond3A_552 = arith.cmpi ne, %convert_element_type3A_550, %cond3A_551 : i32
      scf.if %cond3A_552 {
        %add3A_554 = arith.constant 2 : i32
        %add3A_555 = arith.addi %add3A_423, %add3A_554 : i32
        %jit3A_556 = arith.constant 4 : i32
        %div3A_557 = arith.divsi %add3A_555, %jit3A_556 : i32
        %sign3A_558 = arith.constant 0 : i32
        %sign3A_559 = arith.cmpi sgt, %add3A_555, %sign3A_558 : i32
        %sign3A_560 = arith.extui %sign3A_559 : i1 to i32
        %sign3A_561 = arith.constant 0 : i32
        %sign3A_562 = arith.cmpi slt, %add3A_555, %sign3A_561 : i32
        %sign3A_563 = arith.extui %sign3A_562 : i1 to i32
        %sign3A_564 = arith.subi %sign3A_560, %sign3A_563 : i32
        %sign3A_565 = arith.constant 0 : i32
        %sign3A_566 = arith.cmpi sgt, %jit3A_556, %sign3A_565 : i32
        %sign3A_567 = arith.extui %sign3A_566 : i1 to i32
        %sign3A_568 = arith.constant 0 : i32
        %sign3A_569 = arith.cmpi slt, %jit3A_556, %sign3A_568 : i32
        %sign3A_570 = arith.extui %sign3A_569 : i1 to i32
        %sign3A_571 = arith.subi %sign3A_567, %sign3A_570 : i32
        %ne3A_572 = arith.cmpi ne, %sign3A_564, %sign3A_571 : i32
        %rem3A_573 = arith.remsi %add3A_555, %jit3A_556 : i32
        %ne3A_574 = arith.constant 0 : i32
        %ne3A_575 = arith.cmpi ne, %rem3A_573, %ne3A_574 : i32
        %and3A_576 = arith.andi %ne3A_572, %ne3A_575 : i1
        %sub3A_577 = arith.constant 1 : i32
        %sub3A_578 = arith.subi %div3A_557, %sub3A_577 : i32
        %select_n3A_579 = arith.select %and3A_576, %sub3A_578, %div3A_557 : i32
        %jit3A_580 = arith.constant 4 : i32
        %eq3A_581 = arith.constant 0 : i32
        %eq3A_582 = arith.cmpi eq, %jit3A_580, %eq3A_581 : i32
        %jit3A_583 = arith.constant 1 : i32
        %select_n3A_584 = arith.select %eq3A_582, %jit3A_583, %jit3A_580 : i32
        %rem3A_585 = arith.remsi %add3A_555, %select_n3A_584 : i32
        %ne3A_586 = arith.constant 0 : i32
        %ne3A_587 = arith.cmpi ne, %rem3A_585, %ne3A_586 : i32
        %lt3A_588 = arith.constant 0 : i32
        %lt3A_589 = arith.cmpi slt, %rem3A_585, %lt3A_588 : i32
        %lt3A_590 = arith.constant 0 : i32
        %lt3A_591 = arith.cmpi slt, %select_n3A_584, %lt3A_590 : i32
        %ne3A_592 = arith.xori %lt3A_589, %lt3A_591 : i1
        %and3A_593 = arith.andi %ne3A_592, %ne3A_587 : i1
        %add3A_594 = arith.addi %rem3A_585, %select_n3A_584 : i32
        %select_n3A_595 = arith.select %and3A_593, %add3A_594, %rem3A_585 : i32
        %mul3A_596 = arith.constant 128 : i32
        %mul3A_597 = arith.muli %select_n3A_595, %mul3A_596 : i32
        %add3A_598 = arith.constant 0 : i32
        %add3A_599 = arith.addi %mul3A_597, %add3A_598 : i32
        %get3A_600 = arith.index_cast %select_n3A_579 : i32 to index
        %get3A_601 = arith.index_cast %add3A_599 : i32 to index
        %get3A_602 = tpu.vector_load %arg5[%get3A_600, %get3A_601] {strides = array<i32>} : memref<20x512xi32, #tpu.memory_space<vmem>>, vector<16xi32>,
        %shift_right_arithmetic3A_603 = arith.constant 1 : i32
        %shift_right_arithmetic3A_604 = vector.broadcast %shift_right_arithmetic3A_603 : i32 to vector<16xi32>
        %shift_right_arithmetic3A_605 = arith.shrsi %get3A_602, %shift_right_arithmetic3A_604 : vector<16xi32>
        %swap3A_606 = arith.constant 0 : index
        %swap3A_607 = tpu.vector_load %arg7[%swap3A_606] {strides = array<i32>} : memref<128xi32, #tpu.memory_space<vmem>>, vector<16xi32>,
        tpu.vector_store %arg7[%swap3A_606], %shift_right_arithmetic3A_605 {strides = array<i32>} : memref<128xi32, #tpu.memory_space<vmem>>, vector<16xi32>,
        %and3A_608 = arith.constant 1 : i32
        %and3A_609 = vector.broadcast %and3A_608 : i32 to vector<16xi32>
        %and3A_610 = arith.andi %get3A_602, %and3A_609 : vector<16xi32>
        %shift_left3A_611 = arith.constant 6 : i32
        %shift_left3A_612 = vector.broadcast %shift_left3A_611 : i32 to vector<16xi32>
        %shift_left3A_613 = arith.shli %and3A_610, %shift_left3A_612 : vector<16xi32>
        %swap3A_614 = arith.constant 0 : index
        %swap3A_615 = tpu.vector_load %arg9[%swap3A_614] {strides = array<i32>} : memref<128xi32, #tpu.memory_space<vmem>>, vector<16xi32>,
        tpu.vector_store %arg9[%swap3A_614], %shift_left3A_613 {strides = array<i32>} : memref<128xi32, #tpu.memory_space<vmem>>, vector<16xi32>,
        %mul3A_616 = arith.constant 128 : i32
        %mul3A_617 = arith.muli %select_n3A_595, %mul3A_616 : i32
        %add3A_618 = arith.constant 16 : i32
        %add3A_619 = arith.addi %mul3A_617, %add3A_618 : i32
        %get3A_620 = arith.index_cast %select_n3A_579 : i32 to index
        %get3A_621 = arith.index_cast %add3A_619 : i32 to index
        %get3A_622 = tpu.vector_load %arg5[%get3A_620, %get3A_621] {strides = array<i32>} : memref<20x512xi32, #tpu.memory_space<vmem>>, vector<16xi32>,
        %shift_right_arithmetic3A_623 = arith.constant 1 : i32
        %shift_right_arithmetic3A_624 = vector.broadcast %shift_right_arithmetic3A_623 : i32 to vector<16xi32>
        %shift_right_arithmetic3A_625 = arith.shrsi %get3A_622, %shift_right_arithmetic3A_624 : vector<16xi32>
        %swap3A_626 = arith.constant 16 : index
        %swap3A_627 = tpu.vector_load %arg7[%swap3A_626] {strides = array<i32>} : memref<128xi32, #tpu.memory_space<vmem>>, vector<16xi32>,
        tpu.vector_store %arg7[%swap3A_626], %shift_right_arithmetic3A_625 {strides = array<i32>} : memref<128xi32, #tpu.memory_space<vmem>>, vector<16xi32>,
        %and3A_628 = arith.constant 1 : i32
        %and3A_629 = vector.broadcast %and3A_628 : i32 to vector<16xi32>
        %and3A_630 = arith.andi %get3A_622, %and3A_629 : vector<16xi32>
        %shift_left3A_631 = arith.constant 6 : i32
        %shift_left3A_632 = vector.broadcast %shift_left3A_631 : i32 to vector<16xi32>
        %shift_left3A_633 = arith.shli %and3A_630, %shift_left3A_632 : vector<16xi32>
        %swap3A_634 = arith.constant 16 : index
        %swap3A_635 = tpu.vector_load %arg9[%swap3A_634] {strides = array<i32>} : memref<128xi32, #tpu.memory_space<vmem>>, vector<16xi32>,
        tpu.vector_store %arg9[%swap3A_634], %shift_left3A_633 {strides = array<i32>} : memref<128xi32, #tpu.memory_space<vmem>>, vector<16xi32>,
        %mul3A_636 = arith.constant 128 : i32
        %mul3A_637 = arith.muli %select_n3A_595, %mul3A_636 : i32
        %add3A_638 = arith.constant 32 : i32
        %add3A_639 = arith.addi %mul3A_637, %add3A_638 : i32
        %get3A_640 = arith.index_cast %select_n3A_579 : i32 to index
        %get3A_641 = arith.index_cast %add3A_639 : i32 to index
        %get3A_642 = tpu.vector_load %arg5[%get3A_640, %get3A_641] {strides = array<i32>} : memref<20x512xi32, #tpu.memory_space<vmem>>, vector<16xi32>,
        %shift_right_arithmetic3A_643 = arith.constant 1 : i32
        %shift_right_arithmetic3A_644 = vector.broadcast %shift_right_arithmetic3A_643 : i32 to vector<16xi32>
        %shift_right_arithmetic3A_645 = arith.shrsi %get3A_642, %shift_right_arithmetic3A_644 : vector<16xi32>
        %swap3A_646 = arith.constant 32 : index
        %swap3A_647 = tpu.vector_load %arg7[%swap3A_646] {strides = array<i32>} : memref<128xi32, #tpu.memory_space<vmem>>, vector<16xi32>,
        tpu.vector_store %arg7[%swap3A_646], %shift_right_arithmetic3A_645 {strides = array<i32>} : memref<128xi32, #tpu.memory_space<vmem>>, vector<16xi32>,
        %and3A_648 = arith.constant 1 : i32
        %and3A_649 = vector.broadcast %and3A_648 : i32 to vector<16xi32>
        %and3A_650 = arith.andi %get3A_642, %and3A_649 : vector<16xi32>
        %shift_left3A_651 = arith.constant 6 : i32
        %shift_left3A_652 = vector.broadcast %shift_left3A_651 : i32 to vector<16xi32>
        %shift_left3A_653 = arith.shli %and3A_650, %shift_left3A_652 : vector<16xi32>
        %swap3A_654 = arith.constant 32 : index
        %swap3A_655 = tpu.vector_load %arg9[%swap3A_654] {strides = array<i32>} : memref<128xi32, #tpu.memory_space<vmem>>, vector<16xi32>,
        tpu.vector_store %arg9[%swap3A_654], %shift_left3A_653 {strides = array<i32>} : memref<128xi32, #tpu.memory_space<vmem>>, vector<16xi32>,
        %mul3A_656 = arith.constant 128 : i32
        %mul3A_657 = arith.muli %select_n3A_595, %mul3A_656 : i32
        %add3A_658 = arith.constant 48 : i32
        %add3A_659 = arith.addi %mul3A_657, %add3A_658 : i32
        %get3A_660 = arith.index_cast %select_n3A_579 : i32 to index
        %get3A_661 = arith.index_cast %add3A_659 : i32 to index
        %get3A_662 = tpu.vector_load %arg5[%get3A_660, %get3A_661] {strides = array<i32>} : memref<20x512xi32, #tpu.memory_space<vmem>>, vector<16xi32>,
        %shift_right_arithmetic3A_663 = arith.constant 1 : i32
        %shift_right_arithmetic3A_664 = vector.broadcast %shift_right_arithmetic3A_663 : i32 to vector<16xi32>
        %shift_right_arithmetic3A_665 = arith.shrsi %get3A_662, %shift_right_arithmetic3A_664 : vector<16xi32>
        %swap3A_666 = arith.constant 48 : index
        %swap3A_667 = tpu.vector_load %arg7[%swap3A_666] {strides = array<i32>} : memref<128xi32, #tpu.memory_space<vmem>>, vector<16xi32>,
        tpu.vector_store %arg7[%swap3A_666], %shift_right_arithmetic3A_665 {strides = array<i32>} : memref<128xi32, #tpu.memory_space<vmem>>, vector<16xi32>,
        %and3A_668 = arith.constant 1 : i32
        %and3A_669 = vector.broadcast %and3A_668 : i32 to vector<16xi32>
        %and3A_670 = arith.andi %get3A_662, %and3A_669 : vector<16xi32>
        %shift_left3A_671 = arith.constant 6 : i32
        %shift_left3A_672 = vector.broadcast %shift_left3A_671 : i32 to vector<16xi32>
        %shift_left3A_673 = arith.shli %and3A_670, %shift_left3A_672 : vector<16xi32>
        %swap3A_674 = arith.constant 48 : index
        %swap3A_675 = tpu.vector_load %arg9[%swap3A_674] {strides = array<i32>} : memref<128xi32, #tpu.memory_space<vmem>>, vector<16xi32>,
        tpu.vector_store %arg9[%swap3A_674], %shift_left3A_673 {strides = array<i32>} : memref<128xi32, #tpu.memory_space<vmem>>, vector<16xi32>,
        %mul3A_676 = arith.constant 128 : i32
        %mul3A_677 = arith.muli %select_n3A_595, %mul3A_676 : i32
        %add3A_678 = arith.constant 64 : i32
        %add3A_679 = arith.addi %mul3A_677, %add3A_678 : i32
        %get3A_680 = arith.index_cast %select_n3A_579 : i32 to index
        %get3A_681 = arith.index_cast %add3A_679 : i32 to index
        %get3A_682 = tpu.vector_load %arg5[%get3A_680, %get3A_681] {strides = array<i32>} : memref<20x512xi32, #tpu.memory_space<vmem>>, vector<16xi32>,
        %shift_right_arithmetic3A_683 = arith.constant 1 : i32
        %shift_right_arithmetic3A_684 = vector.broadcast %shift_right_arithmetic3A_683 : i32 to vector<16xi32>
        %shift_right_arithmetic3A_685 = arith.shrsi %get3A_682, %shift_right_arithmetic3A_684 : vector<16xi32>
        %swap3A_686 = arith.constant 64 : index
        %swap3A_687 = tpu.vector_load %arg7[%swap3A_686] {strides = array<i32>} : memref<128xi32, #tpu.memory_space<vmem>>, vector<16xi32>,
        tpu.vector_store %arg7[%swap3A_686], %shift_right_arithmetic3A_685 {strides = array<i32>} : memref<128xi32, #tpu.memory_space<vmem>>, vector<16xi32>,
        %and3A_688 = arith.constant 1 : i32
        %and3A_689 = vector.broadcast %and3A_688 : i32 to vector<16xi32>
        %and3A_690 = arith.andi %get3A_682, %and3A_689 : vector<16xi32>
        %shift_left3A_691 = arith.constant 6 : i32
        %shift_left3A_692 = vector.broadcast %shift_left3A_691 : i32 to vector<16xi32>
        %shift_left3A_693 = arith.shli %and3A_690, %shift_left3A_692 : vector<16xi32>
        %swap3A_694 = arith.constant 64 : index
        %swap3A_695 = tpu.vector_load %arg9[%swap3A_694] {strides = array<i32>} : memref<128xi32, #tpu.memory_space<vmem>>, vector<16xi32>,
        tpu.vector_store %arg9[%swap3A_694], %shift_left3A_693 {strides = array<i32>} : memref<128xi32, #tpu.memory_space<vmem>>, vector<16xi32>,
        %mul3A_696 = arith.constant 128 : i32
        %mul3A_697 = arith.muli %select_n3A_595, %mul3A_696 : i32
        %add3A_698 = arith.constant 80 : i32
        %add3A_699 = arith.addi %mul3A_697, %add3A_698 : i32
        %get3A_700 = arith.index_cast %select_n3A_579 : i32 to index
        %get3A_701 = arith.index_cast %add3A_699 : i32 to index
        %get3A_702 = tpu.vector_load %arg5[%get3A_700, %get3A_701] {strides = array<i32>} : memref<20x512xi32, #tpu.memory_space<vmem>>, vector<16xi32>,
        %shift_right_arithmetic3A_703 = arith.constant 1 : i32
        %shift_right_arithmetic3A_704 = vector.broadcast %shift_right_arithmetic3A_703 : i32 to vector<16xi32>
        %shift_right_arithmetic3A_705 = arith.shrsi %get3A_702, %shift_right_arithmetic3A_704 : vector<16xi32>
        %swap3A_706 = arith.constant 80 : index
        %swap3A_707 = tpu.vector_load %arg7[%swap3A_706] {strides = array<i32>} : memref<128xi32, #tpu.memory_space<vmem>>, vector<16xi32>,
        tpu.vector_store %arg7[%swap3A_706], %shift_right_arithmetic3A_705 {strides = array<i32>} : memref<128xi32, #tpu.memory_space<vmem>>, vector<16xi32>,
        %and3A_708 = arith.constant 1 : i32
        %and3A_709 = vector.broadcast %and3A_708 : i32 to vector<16xi32>
        %and3A_710 = arith.andi %get3A_702, %and3A_709 : vector<16xi32>
        %shift_left3A_711 = arith.constant 6 : i32
        %shift_left3A_712 = vector.broadcast %shift_left3A_711 : i32 to vector<16xi32>
        %shift_left3A_713 = arith.shli %and3A_710, %shift_left3A_712 : vector<16xi32>
        %swap3A_714 = arith.constant 80 : index
        %swap3A_715 = tpu.vector_load %arg9[%swap3A_714] {strides = array<i32>} : memref<128xi32, #tpu.memory_space<vmem>>, vector<16xi32>,
        tpu.vector_store %arg9[%swap3A_714], %shift_left3A_713 {strides = array<i32>} : memref<128xi32, #tpu.memory_space<vmem>>, vector<16xi32>,
        %mul3A_716 = arith.constant 128 : i32
        %mul3A_717 = arith.muli %select_n3A_595, %mul3A_716 : i32
        %add3A_718 = arith.constant 96 : i32
        %add3A_719 = arith.addi %mul3A_717, %add3A_718 : i32
        %get3A_720 = arith.index_cast %select_n3A_579 : i32 to index
        %get3A_721 = arith.index_cast %add3A_719 : i32 to index
        %get3A_722 = tpu.vector_load %arg5[%get3A_720, %get3A_721] {strides = array<i32>} : memref<20x512xi32, #tpu.memory_space<vmem>>, vector<16xi32>,
        %shift_right_arithmetic3A_723 = arith.constant 1 : i32
        %shift_right_arithmetic3A_724 = vector.broadcast %shift_right_arithmetic3A_723 : i32 to vector<16xi32>
        %shift_right_arithmetic3A_725 = arith.shrsi %get3A_722, %shift_right_arithmetic3A_724 : vector<16xi32>
        %swap3A_726 = arith.constant 96 : index
        %swap3A_727 = tpu.vector_load %arg7[%swap3A_726] {strides = array<i32>} : memref<128xi32, #tpu.memory_space<vmem>>, vector<16xi32>,
        tpu.vector_store %arg7[%swap3A_726], %shift_right_arithmetic3A_725 {strides = array<i32>} : memref<128xi32, #tpu.memory_space<vmem>>, vector<16xi32>,
        %and3A_728 = arith.constant 1 : i32
        %and3A_729 = vector.broadcast %and3A_728 : i32 to vector<16xi32>
        %and3A_730 = arith.andi %get3A_722, %and3A_729 : vector<16xi32>
        %shift_left3A_731 = arith.constant 6 : i32
        %shift_left3A_732 = vector.broadcast %shift_left3A_731 : i32 to vector<16xi32>
        %shift_left3A_733 = arith.shli %and3A_730, %shift_left3A_732 : vector<16xi32>
        %swap3A_734 = arith.constant 96 : index
        %swap3A_735 = tpu.vector_load %arg9[%swap3A_734] {strides = array<i32>} : memref<128xi32, #tpu.memory_space<vmem>>, vector<16xi32>,
        tpu.vector_store %arg9[%swap3A_734], %shift_left3A_733 {strides = array<i32>} : memref<128xi32, #tpu.memory_space<vmem>>, vector<16xi32>,
        %mul3A_736 = arith.constant 128 : i32
        %mul3A_737 = arith.muli %select_n3A_595, %mul3A_736 : i32
        %add3A_738 = arith.constant 112 : i32
        %add3A_739 = arith.addi %mul3A_737, %add3A_738 : i32
        %get3A_740 = arith.index_cast %select_n3A_579 : i32 to index
        %get3A_741 = arith.index_cast %add3A_739 : i32 to index
        %get3A_742 = tpu.vector_load %arg5[%get3A_740, %get3A_741] {strides = array<i32>} : memref<20x512xi32, #tpu.memory_space<vmem>>, vector<16xi32>,
        %shift_right_arithmetic3A_743 = arith.constant 1 : i32
        %shift_right_arithmetic3A_744 = vector.broadcast %shift_right_arithmetic3A_743 : i32 to vector<16xi32>
        %shift_right_arithmetic3A_745 = arith.shrsi %get3A_742, %shift_right_arithmetic3A_744 : vector<16xi32>
        %swap3A_746 = arith.constant 112 : index
        %swap3A_747 = tpu.vector_load %arg7[%swap3A_746] {strides = array<i32>} : memref<128xi32, #tpu.memory_space<vmem>>, vector<16xi32>,
        tpu.vector_store %arg7[%swap3A_746], %shift_right_arithmetic3A_745 {strides = array<i32>} : memref<128xi32, #tpu.memory_space<vmem>>, vector<16xi32>,
        %and3A_748 = arith.constant 1 : i32
        %and3A_749 = vector.broadcast %and3A_748 : i32 to vector<16xi32>
        %and3A_750 = arith.andi %get3A_742, %and3A_749 : vector<16xi32>
        %shift_left3A_751 = arith.constant 6 : i32
        %shift_left3A_752 = vector.broadcast %shift_left3A_751 : i32 to vector<16xi32>
        %shift_left3A_753 = arith.shli %and3A_750, %shift_left3A_752 : vector<16xi32>
        %swap3A_754 = arith.constant 112 : index
        %swap3A_755 = tpu.vector_load %arg9[%swap3A_754] {strides = array<i32>} : memref<128xi32, #tpu.memory_space<vmem>>, vector<16xi32>,
        tpu.vector_store %arg9[%swap3A_754], %shift_left3A_753 {strides = array<i32>} : memref<128xi32, #tpu.memory_space<vmem>>, vector<16xi32>,
        %dma_start3A_756 = arith.constant 0 : i32
        %dma_start3A_757 = arith.constant 0 : i32
        %dma_start3A_758 = tpu.memref_slice %arg2[%dma_start3A_756, %dma_start3A_757] : memref<500000x128xf32, #tpu.memory_space<hbm>> -> memref<500000x128xf32, #tpu.memory_space<hbm>>
        tpu.enqueue_indirect_dma source(%dma_start3A_758 : memref<500000x128xf32, #tpu.memory_space<hbm>>) target(%arg11 : memref<128x128xf32, #tpu.memory_space<vmem>>) offsets(%arg7 : memref<128xi32, #tpu.memory_space<vmem>>) semaphore(%arg15 : memref<!tpu.dma_semaphore, #tpu.memory_space<semaphore_mem>>)
      } else {
      }
      %scan3A_553 = arith.constant 0 : i32
      scf.yield %scan3A_553 : i32
    }
    %scan3A_280 = arith.constant 40 : i32
    %add3A_281 = arith.constant 256 : i32
    %add3A_282 = arith.addi %multiple_of3A, %add3A_281 : i32
    %dma_wait3A = arith.constant 19 : i32
    %dma_wait3A_283 = arith.constant 0 : i32
    %dma_wait3A_284 = tpu.memref_slice %arg4[%dma_wait3A, %dma_wait3A_283, %add3A_282] : memref<20x64x16384xf32, #tpu.memory_space<hbm>> -> memref<1x64x128xf32, #tpu.memory_space<hbm>>
    %dma_wait3A_285 = tpu.memref_squeeze %dma_wait3A_284 : memref<1x64x128xf32, #tpu.memory_space<hbm>> -> memref<64x128xf32, #tpu.memory_space<hbm>>
    %dma_wait3A_286 = arith.constant 0 : i32
    %dma_wait3A_287 = tpu.memref_slice %arg4[%dma_wait3A, %dma_wait3A_286, %add3A_282] : memref<20x64x16384xf32, #tpu.memory_space<hbm>> -> memref<1x64x128xf32, #tpu.memory_space<hbm>>
    %dma_wait3A_288 = tpu.memref_squeeze %dma_wait3A_287 : memref<1x64x128xf32, #tpu.memory_space<hbm>> -> memref<64x128xf32, #tpu.memory_space<hbm>>
    tpu.wait_dma2 semaphore(%arg16 : memref<!tpu.dma_semaphore, #tpu.memory_space<semaphore_mem>>) src(%arg12 : memref<64x128xf32, #tpu.memory_space<vmem>>) dst(%dma_wait3A_288 : memref<64x128xf32, #tpu.memory_space<hbm>>)
    %add3A_289 = arith.constant 384 : i32
    %add3A_290 = arith.addi %multiple_of3A, %add3A_289 : i32
    %dma_wait3A_291 = arith.constant 19 : i32
    %dma_wait3A_292 = arith.constant 0 : i32
    %dma_wait3A_293 = tpu.memref_slice %arg4[%dma_wait3A_291, %dma_wait3A_292, %add3A_290] : memref<20x64x16384xf32, #tpu.memory_space<hbm>> -> memref<1x64x128xf32, #tpu.memory_space<hbm>>
    %dma_wait3A_294 = tpu.memref_squeeze %dma_wait3A_293 : memref<1x64x128xf32, #tpu.memory_space<hbm>> -> memref<64x128xf32, #tpu.memory_space<hbm>>
    %dma_wait3A_295 = arith.constant 0 : i32
    %dma_wait3A_296 = tpu.memref_slice %arg4[%dma_wait3A_291, %dma_wait3A_295, %add3A_290] : memref<20x64x16384xf32, #tpu.memory_space<hbm>> -> memref<1x64x128xf32, #tpu.memory_space<hbm>>
    %dma_wait3A_297 = tpu.memref_squeeze %dma_wait3A_296 : memref<1x64x128xf32, #tpu.memory_space<hbm>> -> memref<64x128xf32, #tpu.memory_space<hbm>>
    tpu.wait_dma2 semaphore(%arg17 : memref<!tpu.dma_semaphore, #tpu.memory_space<semaphore_mem>>) src(%arg13 : memref<64x128xf32, #tpu.memory_space<vmem>>) dst(%dma_wait3A_297 : memref<64x128xf32, #tpu.memory_space<hbm>>)
    return
  }
}

#map = affine_map<(d0, d1) -> (0, 0)>
module attributes {stable_mosaic.version = 14 : i64} {
  func.func @_transpose_kernel(%arg0: i32, %arg1: i32, %arg2: memref<64x1000000xf32, #tpu.memory_space<hbm>>, %arg3: memref<32x128xf32, #tpu.memory_space<hbm>>, %arg4: memref<500000x128xf32, #tpu.memory_space<hbm>>, %arg5: memref<64x128xf32, #tpu.memory_space<vmem>>, %arg6: memref<64x128xf32, #tpu.memory_space<vmem>>, %arg7: memref<64x128xf32, #tpu.memory_space<vmem>>, %arg8: memref<64x128xf32, #tpu.memory_space<vmem>>, %arg9: memref<!tpu.dma_semaphore, #tpu.memory_space<semaphore_mem>>, %arg10: memref<!tpu.dma_semaphore, #tpu.memory_space<semaphore_mem>>, %arg11: memref<!tpu.dma_semaphore, #tpu.memory_space<semaphore_mem>>, %arg12: memref<!tpu.dma_semaphore, #tpu.memory_space<semaphore_mem>>) attributes {dimension_semantics = [#tpu.dimension_semantics<core_parallel>, #tpu.dimension_semantics<subcore_parallel>], iteration_bounds = array<i64: 2, 16>, scalar_prefetch = 0 : i64, scratch_operands = 8 : i64, tpu.core_type = #tpu.core_type<sc_vector_subcore>, window_params = [{transform_indices = #map}, {transform_indices = #map}, {transform_indices = #map}]} {
    %mul3A = arith.constant 2 : i32
    %mul3A_0 = arith.muli %arg1, %mul3A : i32
    %add3A = arith.addi %mul3A_0, %arg0 : i32
    %iota3A = tpu.iota {dimensions = array<i32: 0>} : vector<16xi32>
    %mul3A_1 = arith.constant 0 : i32
    %mul3A_2 = vector.broadcast %mul3A_1 : i32 to vector<16xi32>
    %mul3A_3 = arith.muli %iota3A, %mul3A_2 : vector<16xi32>
    %add3A_4 = arith.constant 0 : i32
    %add3A_5 = arith.addi %add3A_4, %add3A : i32
    %min3A = arith.constant 7811 : i32
    %min3A_6 = arith.minsi %add3A_5, %min3A : i32
    %mul3A_7 = arith.constant 128 : i32
    %mul3A_8 = arith.muli %min3A_6, %mul3A_7 : i32
    %multiple_of3A = tpu.assume_multiple %mul3A_8, 128 : i32
    %dma_start3A = arith.constant 0 : i32
    %dma_start3A_9 = tpu.memref_slice %arg2[%dma_start3A, %multiple_of3A] : memref<64x1000000xf32, #tpu.memory_space<hbm>> -> memref<64x128xf32, #tpu.memory_space<hbm>>
    %dma_start3A_10 = arith.constant 0 : i32
    %dma_start3A_11 = tpu.memref_slice %arg2[%dma_start3A_10, %multiple_of3A] : memref<64x1000000xf32, #tpu.memory_space<hbm>> -> memref<64x128xf32, #tpu.memory_space<hbm>>
    tpu.enqueue_dma source(%dma_start3A_11 : memref<64x128xf32, #tpu.memory_space<hbm>>) target(%arg5 : memref<64x128xf32, #tpu.memory_space<vmem>>) target_semaphore(%arg9 : memref<!tpu.dma_semaphore, #tpu.memory_space<semaphore_mem>>)
    %add3A_12 = arith.constant 32 : i32
    %add3A_13 = arith.addi %add3A_12, %add3A : i32
    %min3A_14 = arith.constant 7811 : i32
    %min3A_15 = arith.minsi %add3A_13, %min3A_14 : i32
    %mul3A_16 = arith.constant 128 : i32
    %mul3A_17 = arith.muli %min3A_15, %mul3A_16 : i32
    %multiple_of3A_18 = tpu.assume_multiple %mul3A_17, 128 : i32
    %dma_start3A_19 = arith.constant 0 : i32
    %dma_start3A_20 = tpu.memref_slice %arg2[%dma_start3A_19, %multiple_of3A_18] : memref<64x1000000xf32, #tpu.memory_space<hbm>> -> memref<64x128xf32, #tpu.memory_space<hbm>>
    %dma_start3A_21 = arith.constant 0 : i32
    %dma_start3A_22 = tpu.memref_slice %arg2[%dma_start3A_21, %multiple_of3A_18] : memref<64x1000000xf32, #tpu.memory_space<hbm>> -> memref<64x128xf32, #tpu.memory_space<hbm>>
    tpu.enqueue_dma source(%dma_start3A_22 : memref<64x128xf32, #tpu.memory_space<hbm>>) target(%arg6 : memref<64x128xf32, #tpu.memory_space<vmem>>) target_semaphore(%arg10 : memref<!tpu.dma_semaphore, #tpu.memory_space<semaphore_mem>>)
    %scan3A = arith.constant 0 : i32
    %scan3A_23 = arith.constant 0 : i32
    %scan3A_24 = arith.constant 123 : i32
    %scan3A_25 = arith.addi %scan3A_23, %scan3A_24 : i32
    %scan3A_26 = arith.constant 1 : i32
    %scan3A_27 = scf.for %scan3A_94 = %scan3A_23 to %scan3A_25 step %scan3A_26 iter_args(%scan3A_95 = %scan3A) -> (i32)  : i32 {
      %mul3A_96 = arith.constant 2 : i32
      %mul3A_97 = arith.muli %scan3A_94, %mul3A_96 : i32
      %add3A_98 = arith.constant 0 : i32
      %add3A_99 = arith.addi %mul3A_97, %add3A_98 : i32
      %mul3A_100 = arith.constant 32 : i32
      %mul3A_101 = arith.muli %add3A_99, %mul3A_100 : i32
      %add3A_102 = arith.addi %mul3A_101, %add3A : i32
      %min3A_103 = arith.constant 7811 : i32
      %min3A_104 = arith.minsi %add3A_102, %min3A_103 : i32
      %mul3A_105 = arith.constant 128 : i32
      %mul3A_106 = arith.muli %min3A_104, %mul3A_105 : i32
      %multiple_of3A_107 = tpu.assume_multiple %mul3A_106, 128 : i32
      %jit3A_108 = arith.constant 2 : i32
      %div3A_109 = arith.divsi %multiple_of3A_107, %jit3A_108 : i32
      %sign3A_110 = arith.constant 0 : i32
      %sign3A_111 = arith.cmpi sgt, %multiple_of3A_107, %sign3A_110 : i32
      %sign3A_112 = arith.extui %sign3A_111 : i1 to i32
      %sign3A_113 = arith.constant 0 : i32
      %sign3A_114 = arith.cmpi slt, %multiple_of3A_107, %sign3A_113 : i32
      %sign3A_115 = arith.extui %sign3A_114 : i1 to i32
      %sign3A_116 = arith.subi %sign3A_112, %sign3A_115 : i32
      %sign3A_117 = arith.constant 0 : i32
      %sign3A_118 = arith.cmpi sgt, %jit3A_108, %sign3A_117 : i32
      %sign3A_119 = arith.extui %sign3A_118 : i1 to i32
      %sign3A_120 = arith.constant 0 : i32
      %sign3A_121 = arith.cmpi slt, %jit3A_108, %sign3A_120 : i32
      %sign3A_122 = arith.extui %sign3A_121 : i1 to i32
      %sign3A_123 = arith.subi %sign3A_119, %sign3A_122 : i32
      %ne3A_124 = arith.cmpi ne, %sign3A_116, %sign3A_123 : i32
      %rem3A_125 = arith.remsi %multiple_of3A_107, %jit3A_108 : i32
      %ne3A_126 = arith.constant 0 : i32
      %ne3A_127 = arith.cmpi ne, %rem3A_125, %ne3A_126 : i32
      %and3A_128 = arith.andi %ne3A_124, %ne3A_127 : i1
      %sub3A_129 = arith.constant 1 : i32
      %sub3A_130 = arith.subi %div3A_109, %sub3A_129 : i32
      %select_n3A_131 = arith.select %and3A_128, %sub3A_130, %div3A_109 : i32
      %multiple_of3A_132 = tpu.assume_multiple %select_n3A_131, 64 : i32
      %dma_wait3A_133 = arith.constant 0 : i32
      %dma_wait3A_134 = tpu.memref_slice %arg2[%dma_wait3A_133, %multiple_of3A_107] : memref<64x1000000xf32, #tpu.memory_space<hbm>> -> memref<64x128xf32, #tpu.memory_space<hbm>>
      %dma_wait3A_135 = arith.constant 0 : i32
      %dma_wait3A_136 = tpu.memref_slice %arg2[%dma_wait3A_135, %multiple_of3A_107] : memref<64x1000000xf32, #tpu.memory_space<hbm>> -> memref<64x128xf32, #tpu.memory_space<hbm>>
      tpu.wait_dma2 semaphore(%arg9 : memref<!tpu.dma_semaphore, #tpu.memory_space<semaphore_mem>>) src(%dma_wait3A_136 : memref<64x128xf32, #tpu.memory_space<hbm>>) dst(%arg5 : memref<64x128xf32, #tpu.memory_space<vmem>>)
      %gt3A = arith.constant 0 : i32
      %gt3A_137 = arith.cmpi sgt, %scan3A_94, %gt3A : i32
      %convert_element_type3A_138 = arith.extui %gt3A_137 : i1 to i32
      %cond3A_139 = arith.constant 0 : i32
      %cond3A_140 = arith.cmpi ne, %convert_element_type3A_138, %cond3A_139 : i32
      scf.if %cond3A_140 {
        %dma_wait3A_304 = arith.constant 0 : i32
        %dma_wait3A_305 = tpu.memref_slice %arg4[%multiple_of3A_132, %dma_wait3A_304] : memref<500000x128xf32, #tpu.memory_space<hbm>> -> memref<64x128xf32, #tpu.memory_space<hbm>>
        %dma_wait3A_306 = arith.constant 0 : i32
        %dma_wait3A_307 = tpu.memref_slice %arg4[%multiple_of3A_132, %dma_wait3A_306] : memref<500000x128xf32, #tpu.memory_space<hbm>> -> memref<64x128xf32, #tpu.memory_space<hbm>>
        tpu.wait_dma2 semaphore(%arg11 : memref<!tpu.dma_semaphore, #tpu.memory_space<semaphore_mem>>) src(%arg7 : memref<64x128xf32, #tpu.memory_space<vmem>>) dst(%dma_wait3A_307 : memref<64x128xf32, #tpu.memory_space<hbm>>)
      } else {
      }
      %add3A_141 = arith.constant 0 : i32
      %add3A_142 = vector.broadcast %add3A_141 : i32 to vector<16xi32>
      %add3A_143 = arith.addi %iota3A, %add3A_142 : vector<16xi32>
      %parallel_loop3A = arith.constant 0 : i32
      %parallel_loop3A_144 = arith.constant 64 : i32
      %parallel_loop3A_145 = arith.constant 1 : i32
      scf.for %parallel_loop3A_304 = %parallel_loop3A to %parallel_loop3A_144 step %parallel_loop3A_145  : i32 {
        %parallel_loop3A_305 = arith.constant 2 : i32
        %parallel_loop3A_306 = arith.muli %parallel_loop3A_305, %parallel_loop3A_304 : i32
        %parallel_loop3A_307 = arith.constant 0 : i32
        %parallel_loop3A_308 = arith.addi %parallel_loop3A_306, %parallel_loop3A_307 : i32
        %parallel_loop3A_309 = vector.broadcast %parallel_loop3A_308 : i32 to vector<16xi32>
        %parallel_loop3A_310 = arith.addi %mul3A_3, %parallel_loop3A_309 : vector<16xi32>
        %parallel_loop3A_311 = tpu.vector_load_idx %arg5[%add3A_143, %parallel_loop3A_310] : memref<64x128xf32, #tpu.memory_space<vmem>>[vector<16xi32>, vector<16xi32>], vector<16xf32>,
        %parallel_loop3A_312 = arith.index_cast %parallel_loop3A_304 : i32 to index
        %parallel_loop3A_313 = arith.constant 0 : index
        %parallel_loop3A_314 = tpu.vector_load %arg7[%parallel_loop3A_312, %parallel_loop3A_313] {strides = array<i32>} : memref<64x128xf32, #tpu.memory_space<vmem>>, vector<16xf32>,
        tpu.vector_store %arg7[%parallel_loop3A_312, %parallel_loop3A_313], %parallel_loop3A_311 {strides = array<i32>} : memref<64x128xf32, #tpu.memory_space<vmem>>, vector<16xf32>,
      } {sc.loop_unroll_factor = 8 : i64, sc.parallel_access}
      %add3A_146 = arith.constant 16 : i32
      %add3A_147 = vector.broadcast %add3A_146 : i32 to vector<16xi32>
      %add3A_148 = arith.addi %iota3A, %add3A_147 : vector<16xi32>
      %parallel_loop3A_149 = arith.constant 0 : i32
      %parallel_loop3A_150 = arith.constant 64 : i32
      %parallel_loop3A_151 = arith.constant 1 : i32
      scf.for %parallel_loop3A_304 = %parallel_loop3A_149 to %parallel_loop3A_150 step %parallel_loop3A_151  : i32 {
        %parallel_loop3A_305 = arith.constant 2 : i32
        %parallel_loop3A_306 = arith.muli %parallel_loop3A_305, %parallel_loop3A_304 : i32
        %parallel_loop3A_307 = arith.constant 0 : i32
        %parallel_loop3A_308 = arith.addi %parallel_loop3A_306, %parallel_loop3A_307 : i32
        %parallel_loop3A_309 = vector.broadcast %parallel_loop3A_308 : i32 to vector<16xi32>
        %parallel_loop3A_310 = arith.addi %mul3A_3, %parallel_loop3A_309 : vector<16xi32>
        %parallel_loop3A_311 = tpu.vector_load_idx %arg5[%add3A_148, %parallel_loop3A_310] : memref<64x128xf32, #tpu.memory_space<vmem>>[vector<16xi32>, vector<16xi32>], vector<16xf32>,
        %parallel_loop3A_312 = arith.index_cast %parallel_loop3A_304 : i32 to index
        %parallel_loop3A_313 = arith.constant 16 : index
        %parallel_loop3A_314 = tpu.vector_load %arg7[%parallel_loop3A_312, %parallel_loop3A_313] {strides = array<i32>} : memref<64x128xf32, #tpu.memory_space<vmem>>, vector<16xf32>,
        tpu.vector_store %arg7[%parallel_loop3A_312, %parallel_loop3A_313], %parallel_loop3A_311 {strides = array<i32>} : memref<64x128xf32, #tpu.memory_space<vmem>>, vector<16xf32>,
      } {sc.loop_unroll_factor = 8 : i64, sc.parallel_access}
      %add3A_152 = arith.constant 32 : i32
      %add3A_153 = vector.broadcast %add3A_152 : i32 to vector<16xi32>
      %add3A_154 = arith.addi %iota3A, %add3A_153 : vector<16xi32>
      %parallel_loop3A_155 = arith.constant 0 : i32
      %parallel_loop3A_156 = arith.constant 64 : i32
      %parallel_loop3A_157 = arith.constant 1 : i32
      scf.for %parallel_loop3A_304 = %parallel_loop3A_155 to %parallel_loop3A_156 step %parallel_loop3A_157  : i32 {
        %parallel_loop3A_305 = arith.constant 2 : i32
        %parallel_loop3A_306 = arith.muli %parallel_loop3A_305, %parallel_loop3A_304 : i32
        %parallel_loop3A_307 = arith.constant 0 : i32
        %parallel_loop3A_308 = arith.addi %parallel_loop3A_306, %parallel_loop3A_307 : i32
        %parallel_loop3A_309 = vector.broadcast %parallel_loop3A_308 : i32 to vector<16xi32>
        %parallel_loop3A_310 = arith.addi %mul3A_3, %parallel_loop3A_309 : vector<16xi32>
        %parallel_loop3A_311 = tpu.vector_load_idx %arg5[%add3A_154, %parallel_loop3A_310] : memref<64x128xf32, #tpu.memory_space<vmem>>[vector<16xi32>, vector<16xi32>], vector<16xf32>,
        %parallel_loop3A_312 = arith.index_cast %parallel_loop3A_304 : i32 to index
        %parallel_loop3A_313 = arith.constant 32 : index
        %parallel_loop3A_314 = tpu.vector_load %arg7[%parallel_loop3A_312, %parallel_loop3A_313] {strides = array<i32>} : memref<64x128xf32, #tpu.memory_space<vmem>>, vector<16xf32>,
        tpu.vector_store %arg7[%parallel_loop3A_312, %parallel_loop3A_313], %parallel_loop3A_311 {strides = array<i32>} : memref<64x128xf32, #tpu.memory_space<vmem>>, vector<16xf32>,
      } {sc.loop_unroll_factor = 8 : i64, sc.parallel_access}
      %add3A_158 = arith.constant 48 : i32
      %add3A_159 = vector.broadcast %add3A_158 : i32 to vector<16xi32>
      %add3A_160 = arith.addi %iota3A, %add3A_159 : vector<16xi32>
      %parallel_loop3A_161 = arith.constant 0 : i32
      %parallel_loop3A_162 = arith.constant 64 : i32
      %parallel_loop3A_163 = arith.constant 1 : i32
      scf.for %parallel_loop3A_304 = %parallel_loop3A_161 to %parallel_loop3A_162 step %parallel_loop3A_163  : i32 {
        %parallel_loop3A_305 = arith.constant 2 : i32
        %parallel_loop3A_306 = arith.muli %parallel_loop3A_305, %parallel_loop3A_304 : i32
        %parallel_loop3A_307 = arith.constant 0 : i32
        %parallel_loop3A_308 = arith.addi %parallel_loop3A_306, %parallel_loop3A_307 : i32
        %parallel_loop3A_309 = vector.broadcast %parallel_loop3A_308 : i32 to vector<16xi32>
        %parallel_loop3A_310 = arith.addi %mul3A_3, %parallel_loop3A_309 : vector<16xi32>
        %parallel_loop3A_311 = tpu.vector_load_idx %arg5[%add3A_160, %parallel_loop3A_310] : memref<64x128xf32, #tpu.memory_space<vmem>>[vector<16xi32>, vector<16xi32>], vector<16xf32>,
        %parallel_loop3A_312 = arith.index_cast %parallel_loop3A_304 : i32 to index
        %parallel_loop3A_313 = arith.constant 48 : index
        %parallel_loop3A_314 = tpu.vector_load %arg7[%parallel_loop3A_312, %parallel_loop3A_313] {strides = array<i32>} : memref<64x128xf32, #tpu.memory_space<vmem>>, vector<16xf32>,
        tpu.vector_store %arg7[%parallel_loop3A_312, %parallel_loop3A_313], %parallel_loop3A_311 {strides = array<i32>} : memref<64x128xf32, #tpu.memory_space<vmem>>, vector<16xf32>,
      } {sc.loop_unroll_factor = 8 : i64, sc.parallel_access}
      %add3A_164 = arith.constant 0 : i32
      %add3A_165 = vector.broadcast %add3A_164 : i32 to vector<16xi32>
      %add3A_166 = arith.addi %iota3A, %add3A_165 : vector<16xi32>
      %parallel_loop3A_167 = arith.constant 0 : i32
      %parallel_loop3A_168 = arith.constant 64 : i32
      %parallel_loop3A_169 = arith.constant 1 : i32
      scf.for %parallel_loop3A_304 = %parallel_loop3A_167 to %parallel_loop3A_168 step %parallel_loop3A_169  : i32 {
        %parallel_loop3A_305 = arith.constant 2 : i32
        %parallel_loop3A_306 = arith.muli %parallel_loop3A_305, %parallel_loop3A_304 : i32
        %parallel_loop3A_307 = arith.constant 1 : i32
        %parallel_loop3A_308 = arith.addi %parallel_loop3A_306, %parallel_loop3A_307 : i32
        %parallel_loop3A_309 = vector.broadcast %parallel_loop3A_308 : i32 to vector<16xi32>
        %parallel_loop3A_310 = arith.addi %mul3A_3, %parallel_loop3A_309 : vector<16xi32>
        %parallel_loop3A_311 = tpu.vector_load_idx %arg5[%add3A_166, %parallel_loop3A_310] : memref<64x128xf32, #tpu.memory_space<vmem>>[vector<16xi32>, vector<16xi32>], vector<16xf32>,
        %parallel_loop3A_312 = arith.index_cast %parallel_loop3A_304 : i32 to index
        %parallel_loop3A_313 = arith.constant 64 : index
        %parallel_loop3A_314 = tpu.vector_load %arg7[%parallel_loop3A_312, %parallel_loop3A_313] {strides = array<i32>} : memref<64x128xf32, #tpu.memory_space<vmem>>, vector<16xf32>,
        tpu.vector_store %arg7[%parallel_loop3A_312, %parallel_loop3A_313], %parallel_loop3A_311 {strides = array<i32>} : memref<64x128xf32, #tpu.memory_space<vmem>>, vector<16xf32>,
      } {sc.loop_unroll_factor = 8 : i64, sc.parallel_access}
      %add3A_170 = arith.constant 16 : i32
      %add3A_171 = vector.broadcast %add3A_170 : i32 to vector<16xi32>
      %add3A_172 = arith.addi %iota3A, %add3A_171 : vector<16xi32>
      %parallel_loop3A_173 = arith.constant 0 : i32
      %parallel_loop3A_174 = arith.constant 64 : i32
      %parallel_loop3A_175 = arith.constant 1 : i32
      scf.for %parallel_loop3A_304 = %parallel_loop3A_173 to %parallel_loop3A_174 step %parallel_loop3A_175  : i32 {
        %parallel_loop3A_305 = arith.constant 2 : i32
        %parallel_loop3A_306 = arith.muli %parallel_loop3A_305, %parallel_loop3A_304 : i32
        %parallel_loop3A_307 = arith.constant 1 : i32
        %parallel_loop3A_308 = arith.addi %parallel_loop3A_306, %parallel_loop3A_307 : i32
        %parallel_loop3A_309 = vector.broadcast %parallel_loop3A_308 : i32 to vector<16xi32>
        %parallel_loop3A_310 = arith.addi %mul3A_3, %parallel_loop3A_309 : vector<16xi32>
        %parallel_loop3A_311 = tpu.vector_load_idx %arg5[%add3A_172, %parallel_loop3A_310] : memref<64x128xf32, #tpu.memory_space<vmem>>[vector<16xi32>, vector<16xi32>], vector<16xf32>,
        %parallel_loop3A_312 = arith.index_cast %parallel_loop3A_304 : i32 to index
        %parallel_loop3A_313 = arith.constant 80 : index
        %parallel_loop3A_314 = tpu.vector_load %arg7[%parallel_loop3A_312, %parallel_loop3A_313] {strides = array<i32>} : memref<64x128xf32, #tpu.memory_space<vmem>>, vector<16xf32>,
        tpu.vector_store %arg7[%parallel_loop3A_312, %parallel_loop3A_313], %parallel_loop3A_311 {strides = array<i32>} : memref<64x128xf32, #tpu.memory_space<vmem>>, vector<16xf32>,
      } {sc.loop_unroll_factor = 8 : i64, sc.parallel_access}
      %add3A_176 = arith.constant 32 : i32
      %add3A_177 = vector.broadcast %add3A_176 : i32 to vector<16xi32>
      %add3A_178 = arith.addi %iota3A, %add3A_177 : vector<16xi32>
      %parallel_loop3A_179 = arith.constant 0 : i32
      %parallel_loop3A_180 = arith.constant 64 : i32
      %parallel_loop3A_181 = arith.constant 1 : i32
      scf.for %parallel_loop3A_304 = %parallel_loop3A_179 to %parallel_loop3A_180 step %parallel_loop3A_181  : i32 {
        %parallel_loop3A_305 = arith.constant 2 : i32
        %parallel_loop3A_306 = arith.muli %parallel_loop3A_305, %parallel_loop3A_304 : i32
        %parallel_loop3A_307 = arith.constant 1 : i32
        %parallel_loop3A_308 = arith.addi %parallel_loop3A_306, %parallel_loop3A_307 : i32
        %parallel_loop3A_309 = vector.broadcast %parallel_loop3A_308 : i32 to vector<16xi32>
        %parallel_loop3A_310 = arith.addi %mul3A_3, %parallel_loop3A_309 : vector<16xi32>
        %parallel_loop3A_311 = tpu.vector_load_idx %arg5[%add3A_178, %parallel_loop3A_310] : memref<64x128xf32, #tpu.memory_space<vmem>>[vector<16xi32>, vector<16xi32>], vector<16xf32>,
        %parallel_loop3A_312 = arith.index_cast %parallel_loop3A_304 : i32 to index
        %parallel_loop3A_313 = arith.constant 96 : index
        %parallel_loop3A_314 = tpu.vector_load %arg7[%parallel_loop3A_312, %parallel_loop3A_313] {strides = array<i32>} : memref<64x128xf32, #tpu.memory_space<vmem>>, vector<16xf32>,
        tpu.vector_store %arg7[%parallel_loop3A_312, %parallel_loop3A_313], %parallel_loop3A_311 {strides = array<i32>} : memref<64x128xf32, #tpu.memory_space<vmem>>, vector<16xf32>,
      } {sc.loop_unroll_factor = 8 : i64, sc.parallel_access}
      %add3A_182 = arith.constant 48 : i32
      %add3A_183 = vector.broadcast %add3A_182 : i32 to vector<16xi32>
      %add3A_184 = arith.addi %iota3A, %add3A_183 : vector<16xi32>
      %parallel_loop3A_185 = arith.constant 0 : i32
      %parallel_loop3A_186 = arith.constant 64 : i32
      %parallel_loop3A_187 = arith.constant 1 : i32
      scf.for %parallel_loop3A_304 = %parallel_loop3A_185 to %parallel_loop3A_186 step %parallel_loop3A_187  : i32 {
        %parallel_loop3A_305 = arith.constant 2 : i32
        %parallel_loop3A_306 = arith.muli %parallel_loop3A_305, %parallel_loop3A_304 : i32
        %parallel_loop3A_307 = arith.constant 1 : i32
        %parallel_loop3A_308 = arith.addi %parallel_loop3A_306, %parallel_loop3A_307 : i32
        %parallel_loop3A_309 = vector.broadcast %parallel_loop3A_308 : i32 to vector<16xi32>
        %parallel_loop3A_310 = arith.addi %mul3A_3, %parallel_loop3A_309 : vector<16xi32>
        %parallel_loop3A_311 = tpu.vector_load_idx %arg5[%add3A_184, %parallel_loop3A_310] : memref<64x128xf32, #tpu.memory_space<vmem>>[vector<16xi32>, vector<16xi32>], vector<16xf32>,
        %parallel_loop3A_312 = arith.index_cast %parallel_loop3A_304 : i32 to index
        %parallel_loop3A_313 = arith.constant 112 : index
        %parallel_loop3A_314 = tpu.vector_load %arg7[%parallel_loop3A_312, %parallel_loop3A_313] {strides = array<i32>} : memref<64x128xf32, #tpu.memory_space<vmem>>, vector<16xf32>,
        tpu.vector_store %arg7[%parallel_loop3A_312, %parallel_loop3A_313], %parallel_loop3A_311 {strides = array<i32>} : memref<64x128xf32, #tpu.memory_space<vmem>>, vector<16xf32>,
      } {sc.loop_unroll_factor = 8 : i64, sc.parallel_access}
      %dma_start3A_188 = arith.constant 0 : i32
      %dma_start3A_189 = tpu.memref_slice %arg4[%multiple_of3A_132, %dma_start3A_188] : memref<500000x128xf32, #tpu.memory_space<hbm>> -> memref<64x128xf32, #tpu.memory_space<hbm>>
      %dma_start3A_190 = arith.constant 0 : i32
      %dma_start3A_191 = tpu.memref_slice %arg4[%multiple_of3A_132, %dma_start3A_190] : memref<500000x128xf32, #tpu.memory_space<hbm>> -> memref<64x128xf32, #tpu.memory_space<hbm>>
      tpu.enqueue_dma source(%arg7 : memref<64x128xf32, #tpu.memory_space<vmem>>) target(%dma_start3A_191 : memref<64x128xf32, #tpu.memory_space<hbm>>) target_semaphore(%arg11 : memref<!tpu.dma_semaphore, #tpu.memory_space<semaphore_mem>>)
      %add3A_192 = arith.constant 2 : i32
      %add3A_193 = arith.addi %add3A_99, %add3A_192 : i32
      %lt3A = arith.constant 246 : i32
      %lt3A_194 = arith.cmpi slt, %add3A_193, %lt3A : i32
      %convert_element_type3A_195 = arith.extui %lt3A_194 : i1 to i32
      %cond3A_196 = arith.constant 0 : i32
      %cond3A_197 = arith.cmpi ne, %convert_element_type3A_195, %cond3A_196 : i32
      scf.if %cond3A_197 {
        %add3A_304 = arith.constant 2 : i32
        %add3A_305 = arith.addi %add3A_99, %add3A_304 : i32
        %mul3A_306 = arith.constant 32 : i32
        %mul3A_307 = arith.muli %add3A_305, %mul3A_306 : i32
        %add3A_308 = arith.addi %mul3A_307, %add3A : i32
        %min3A_309 = arith.constant 7811 : i32
        %min3A_310 = arith.minsi %add3A_308, %min3A_309 : i32
        %mul3A_311 = arith.constant 128 : i32
        %mul3A_312 = arith.muli %min3A_310, %mul3A_311 : i32
        %multiple_of3A_313 = tpu.assume_multiple %mul3A_312, 128 : i32
        %dma_start3A_314 = arith.constant 0 : i32
        %dma_start3A_315 = tpu.memref_slice %arg2[%dma_start3A_314, %multiple_of3A_313] : memref<64x1000000xf32, #tpu.memory_space<hbm>> -> memref<64x128xf32, #tpu.memory_space<hbm>>
        %dma_start3A_316 = arith.constant 0 : i32
        %dma_start3A_317 = tpu.memref_slice %arg2[%dma_start3A_316, %multiple_of3A_313] : memref<64x1000000xf32, #tpu.memory_space<hbm>> -> memref<64x128xf32, #tpu.memory_space<hbm>>
        tpu.enqueue_dma source(%dma_start3A_317 : memref<64x128xf32, #tpu.memory_space<hbm>>) target(%arg5 : memref<64x128xf32, #tpu.memory_space<vmem>>) target_semaphore(%arg9 : memref<!tpu.dma_semaphore, #tpu.memory_space<semaphore_mem>>)
      } else {
      }
      %mul3A_198 = arith.constant 2 : i32
      %mul3A_199 = arith.muli %scan3A_94, %mul3A_198 : i32
      %add3A_200 = arith.constant 1 : i32
      %add3A_201 = arith.addi %mul3A_199, %add3A_200 : i32
      %mul3A_202 = arith.constant 32 : i32
      %mul3A_203 = arith.muli %add3A_201, %mul3A_202 : i32
      %add3A_204 = arith.addi %mul3A_203, %add3A : i32
      %min3A_205 = arith.constant 7811 : i32
      %min3A_206 = arith.minsi %add3A_204, %min3A_205 : i32
      %mul3A_207 = arith.constant 128 : i32
      %mul3A_208 = arith.muli %min3A_206, %mul3A_207 : i32
      %multiple_of3A_209 = tpu.assume_multiple %mul3A_208, 128 : i32
      %jit3A_210 = arith.constant 2 : i32
      %div3A_211 = arith.divsi %multiple_of3A_209, %jit3A_210 : i32
      %sign3A_212 = arith.constant 0 : i32
      %sign3A_213 = arith.cmpi sgt, %multiple_of3A_209, %sign3A_212 : i32
      %sign3A_214 = arith.extui %sign3A_213 : i1 to i32
      %sign3A_215 = arith.constant 0 : i32
      %sign3A_216 = arith.cmpi slt, %multiple_of3A_209, %sign3A_215 : i32
      %sign3A_217 = arith.extui %sign3A_216 : i1 to i32
      %sign3A_218 = arith.subi %sign3A_214, %sign3A_217 : i32
      %sign3A_219 = arith.constant 0 : i32
      %sign3A_220 = arith.cmpi sgt, %jit3A_210, %sign3A_219 : i32
      %sign3A_221 = arith.extui %sign3A_220 : i1 to i32
      %sign3A_222 = arith.constant 0 : i32
      %sign3A_223 = arith.cmpi slt, %jit3A_210, %sign3A_222 : i32
      %sign3A_224 = arith.extui %sign3A_223 : i1 to i32
      %sign3A_225 = arith.subi %sign3A_221, %sign3A_224 : i32
      %ne3A_226 = arith.cmpi ne, %sign3A_218, %sign3A_225 : i32
      %rem3A_227 = arith.remsi %multiple_of3A_209, %jit3A_210 : i32
      %ne3A_228 = arith.constant 0 : i32
      %ne3A_229 = arith.cmpi ne, %rem3A_227, %ne3A_228 : i32
      %and3A_230 = arith.andi %ne3A_226, %ne3A_229 : i1
      %sub3A_231 = arith.constant 1 : i32
      %sub3A_232 = arith.subi %div3A_211, %sub3A_231 : i32
      %select_n3A_233 = arith.select %and3A_230, %sub3A_232, %div3A_211 : i32
      %multiple_of3A_234 = tpu.assume_multiple %select_n3A_233, 64 : i32
      %dma_wait3A_235 = arith.constant 0 : i32
      %dma_wait3A_236 = tpu.memref_slice %arg2[%dma_wait3A_235, %multiple_of3A_209] : memref<64x1000000xf32, #tpu.memory_space<hbm>> -> memref<64x128xf32, #tpu.memory_space<hbm>>
      %dma_wait3A_237 = arith.constant 0 : i32
      %dma_wait3A_238 = tpu.memref_slice %arg2[%dma_wait3A_237, %multiple_of3A_209] : memref<64x1000000xf32, #tpu.memory_space<hbm>> -> memref<64x128xf32, #tpu.memory_space<hbm>>
      tpu.wait_dma2 semaphore(%arg10 : memref<!tpu.dma_semaphore, #tpu.memory_space<semaphore_mem>>) src(%dma_wait3A_238 : memref<64x128xf32, #tpu.memory_space<hbm>>) dst(%arg6 : memref<64x128xf32, #tpu.memory_space<vmem>>)
      %gt3A_239 = arith.constant 0 : i32
      %gt3A_240 = arith.cmpi sgt, %scan3A_94, %gt3A_239 : i32
      %convert_element_type3A_241 = arith.extui %gt3A_240 : i1 to i32
      %cond3A_242 = arith.constant 0 : i32
      %cond3A_243 = arith.cmpi ne, %convert_element_type3A_241, %cond3A_242 : i32
      scf.if %cond3A_243 {
        %dma_wait3A_304 = arith.constant 0 : i32
        %dma_wait3A_305 = tpu.memref_slice %arg4[%multiple_of3A_234, %dma_wait3A_304] : memref<500000x128xf32, #tpu.memory_space<hbm>> -> memref<64x128xf32, #tpu.memory_space<hbm>>
        %dma_wait3A_306 = arith.constant 0 : i32
        %dma_wait3A_307 = tpu.memref_slice %arg4[%multiple_of3A_234, %dma_wait3A_306] : memref<500000x128xf32, #tpu.memory_space<hbm>> -> memref<64x128xf32, #tpu.memory_space<hbm>>
        tpu.wait_dma2 semaphore(%arg12 : memref<!tpu.dma_semaphore, #tpu.memory_space<semaphore_mem>>) src(%arg8 : memref<64x128xf32, #tpu.memory_space<vmem>>) dst(%dma_wait3A_307 : memref<64x128xf32, #tpu.memory_space<hbm>>)
      } else {
      }
      %add3A_244 = arith.constant 0 : i32
      %add3A_245 = vector.broadcast %add3A_244 : i32 to vector<16xi32>
      %add3A_246 = arith.addi %iota3A, %add3A_245 : vector<16xi32>
      %parallel_loop3A_247 = arith.constant 0 : i32
      %parallel_loop3A_248 = arith.constant 64 : i32
      %parallel_loop3A_249 = arith.constant 1 : i32
      scf.for %parallel_loop3A_304 = %parallel_loop3A_247 to %parallel_loop3A_248 step %parallel_loop3A_249  : i32 {
        %parallel_loop3A_305 = arith.constant 2 : i32
        %parallel_loop3A_306 = arith.muli %parallel_loop3A_305, %parallel_loop3A_304 : i32
        %parallel_loop3A_307 = arith.constant 0 : i32
        %parallel_loop3A_308 = arith.addi %parallel_loop3A_306, %parallel_loop3A_307 : i32
        %parallel_loop3A_309 = vector.broadcast %parallel_loop3A_308 : i32 to vector<16xi32>
        %parallel_loop3A_310 = arith.addi %mul3A_3, %parallel_loop3A_309 : vector<16xi32>
        %parallel_loop3A_311 = tpu.vector_load_idx %arg6[%add3A_246, %parallel_loop3A_310] : memref<64x128xf32, #tpu.memory_space<vmem>>[vector<16xi32>, vector<16xi32>], vector<16xf32>,
        %parallel_loop3A_312 = arith.index_cast %parallel_loop3A_304 : i32 to index
        %parallel_loop3A_313 = arith.constant 0 : index
        %parallel_loop3A_314 = tpu.vector_load %arg8[%parallel_loop3A_312, %parallel_loop3A_313] {strides = array<i32>} : memref<64x128xf32, #tpu.memory_space<vmem>>, vector<16xf32>,
        tpu.vector_store %arg8[%parallel_loop3A_312, %parallel_loop3A_313], %parallel_loop3A_311 {strides = array<i32>} : memref<64x128xf32, #tpu.memory_space<vmem>>, vector<16xf32>,
      } {sc.loop_unroll_factor = 8 : i64, sc.parallel_access}
      %add3A_250 = arith.constant 16 : i32
      %add3A_251 = vector.broadcast %add3A_250 : i32 to vector<16xi32>
      %add3A_252 = arith.addi %iota3A, %add3A_251 : vector<16xi32>
      %parallel_loop3A_253 = arith.constant 0 : i32
      %parallel_loop3A_254 = arith.constant 64 : i32
      %parallel_loop3A_255 = arith.constant 1 : i32
      scf.for %parallel_loop3A_304 = %parallel_loop3A_253 to %parallel_loop3A_254 step %parallel_loop3A_255  : i32 {
        %parallel_loop3A_305 = arith.constant 2 : i32
        %parallel_loop3A_306 = arith.muli %parallel_loop3A_305, %parallel_loop3A_304 : i32
        %parallel_loop3A_307 = arith.constant 0 : i32
        %parallel_loop3A_308 = arith.addi %parallel_loop3A_306, %parallel_loop3A_307 : i32
        %parallel_loop3A_309 = vector.broadcast %parallel_loop3A_308 : i32 to vector<16xi32>
        %parallel_loop3A_310 = arith.addi %mul3A_3, %parallel_loop3A_309 : vector<16xi32>
        %parallel_loop3A_311 = tpu.vector_load_idx %arg6[%add3A_252, %parallel_loop3A_310] : memref<64x128xf32, #tpu.memory_space<vmem>>[vector<16xi32>, vector<16xi32>], vector<16xf32>,
        %parallel_loop3A_312 = arith.index_cast %parallel_loop3A_304 : i32 to index
        %parallel_loop3A_313 = arith.constant 16 : index
        %parallel_loop3A_314 = tpu.vector_load %arg8[%parallel_loop3A_312, %parallel_loop3A_313] {strides = array<i32>} : memref<64x128xf32, #tpu.memory_space<vmem>>, vector<16xf32>,
        tpu.vector_store %arg8[%parallel_loop3A_312, %parallel_loop3A_313], %parallel_loop3A_311 {strides = array<i32>} : memref<64x128xf32, #tpu.memory_space<vmem>>, vector<16xf32>,
      } {sc.loop_unroll_factor = 8 : i64, sc.parallel_access}
      %add3A_256 = arith.constant 32 : i32
      %add3A_257 = vector.broadcast %add3A_256 : i32 to vector<16xi32>
      %add3A_258 = arith.addi %iota3A, %add3A_257 : vector<16xi32>
      %parallel_loop3A_259 = arith.constant 0 : i32
      %parallel_loop3A_260 = arith.constant 64 : i32
      %parallel_loop3A_261 = arith.constant 1 : i32
      scf.for %parallel_loop3A_304 = %parallel_loop3A_259 to %parallel_loop3A_260 step %parallel_loop3A_261  : i32 {
        %parallel_loop3A_305 = arith.constant 2 : i32
        %parallel_loop3A_306 = arith.muli %parallel_loop3A_305, %parallel_loop3A_304 : i32
        %parallel_loop3A_307 = arith.constant 0 : i32
        %parallel_loop3A_308 = arith.addi %parallel_loop3A_306, %parallel_loop3A_307 : i32
        %parallel_loop3A_309 = vector.broadcast %parallel_loop3A_308 : i32 to vector<16xi32>
        %parallel_loop3A_310 = arith.addi %mul3A_3, %parallel_loop3A_309 : vector<16xi32>
        %parallel_loop3A_311 = tpu.vector_load_idx %arg6[%add3A_258, %parallel_loop3A_310] : memref<64x128xf32, #tpu.memory_space<vmem>>[vector<16xi32>, vector<16xi32>], vector<16xf32>,
        %parallel_loop3A_312 = arith.index_cast %parallel_loop3A_304 : i32 to index
        %parallel_loop3A_313 = arith.constant 32 : index
        %parallel_loop3A_314 = tpu.vector_load %arg8[%parallel_loop3A_312, %parallel_loop3A_313] {strides = array<i32>} : memref<64x128xf32, #tpu.memory_space<vmem>>, vector<16xf32>,
        tpu.vector_store %arg8[%parallel_loop3A_312, %parallel_loop3A_313], %parallel_loop3A_311 {strides = array<i32>} : memref<64x128xf32, #tpu.memory_space<vmem>>, vector<16xf32>,
      } {sc.loop_unroll_factor = 8 : i64, sc.parallel_access}
      %add3A_262 = arith.constant 48 : i32
      %add3A_263 = vector.broadcast %add3A_262 : i32 to vector<16xi32>
      %add3A_264 = arith.addi %iota3A, %add3A_263 : vector<16xi32>
      %parallel_loop3A_265 = arith.constant 0 : i32
      %parallel_loop3A_266 = arith.constant 64 : i32
      %parallel_loop3A_267 = arith.constant 1 : i32
      scf.for %parallel_loop3A_304 = %parallel_loop3A_265 to %parallel_loop3A_266 step %parallel_loop3A_267  : i32 {
        %parallel_loop3A_305 = arith.constant 2 : i32
        %parallel_loop3A_306 = arith.muli %parallel_loop3A_305, %parallel_loop3A_304 : i32
        %parallel_loop3A_307 = arith.constant 0 : i32
        %parallel_loop3A_308 = arith.addi %parallel_loop3A_306, %parallel_loop3A_307 : i32
        %parallel_loop3A_309 = vector.broadcast %parallel_loop3A_308 : i32 to vector<16xi32>
        %parallel_loop3A_310 = arith.addi %mul3A_3, %parallel_loop3A_309 : vector<16xi32>
        %parallel_loop3A_311 = tpu.vector_load_idx %arg6[%add3A_264, %parallel_loop3A_310] : memref<64x128xf32, #tpu.memory_space<vmem>>[vector<16xi32>, vector<16xi32>], vector<16xf32>,
        %parallel_loop3A_312 = arith.index_cast %parallel_loop3A_304 : i32 to index
        %parallel_loop3A_313 = arith.constant 48 : index
        %parallel_loop3A_314 = tpu.vector_load %arg8[%parallel_loop3A_312, %parallel_loop3A_313] {strides = array<i32>} : memref<64x128xf32, #tpu.memory_space<vmem>>, vector<16xf32>,
        tpu.vector_store %arg8[%parallel_loop3A_312, %parallel_loop3A_313], %parallel_loop3A_311 {strides = array<i32>} : memref<64x128xf32, #tpu.memory_space<vmem>>, vector<16xf32>,
      } {sc.loop_unroll_factor = 8 : i64, sc.parallel_access}
      %add3A_268 = arith.constant 0 : i32
      %add3A_269 = vector.broadcast %add3A_268 : i32 to vector<16xi32>
      %add3A_270 = arith.addi %iota3A, %add3A_269 : vector<16xi32>
      %parallel_loop3A_271 = arith.constant 0 : i32
      %parallel_loop3A_272 = arith.constant 64 : i32
      %parallel_loop3A_273 = arith.constant 1 : i32
      scf.for %parallel_loop3A_304 = %parallel_loop3A_271 to %parallel_loop3A_272 step %parallel_loop3A_273  : i32 {
        %parallel_loop3A_305 = arith.constant 2 : i32
        %parallel_loop3A_306 = arith.muli %parallel_loop3A_305, %parallel_loop3A_304 : i32
        %parallel_loop3A_307 = arith.constant 1 : i32
        %parallel_loop3A_308 = arith.addi %parallel_loop3A_306, %parallel_loop3A_307 : i32
        %parallel_loop3A_309 = vector.broadcast %parallel_loop3A_308 : i32 to vector<16xi32>
        %parallel_loop3A_310 = arith.addi %mul3A_3, %parallel_loop3A_309 : vector<16xi32>
        %parallel_loop3A_311 = tpu.vector_load_idx %arg6[%add3A_270, %parallel_loop3A_310] : memref<64x128xf32, #tpu.memory_space<vmem>>[vector<16xi32>, vector<16xi32>], vector<16xf32>,
        %parallel_loop3A_312 = arith.index_cast %parallel_loop3A_304 : i32 to index
        %parallel_loop3A_313 = arith.constant 64 : index
        %parallel_loop3A_314 = tpu.vector_load %arg8[%parallel_loop3A_312, %parallel_loop3A_313] {strides = array<i32>} : memref<64x128xf32, #tpu.memory_space<vmem>>, vector<16xf32>,
        tpu.vector_store %arg8[%parallel_loop3A_312, %parallel_loop3A_313], %parallel_loop3A_311 {strides = array<i32>} : memref<64x128xf32, #tpu.memory_space<vmem>>, vector<16xf32>,
      } {sc.loop_unroll_factor = 8 : i64, sc.parallel_access}
      %add3A_274 = arith.constant 16 : i32
      %add3A_275 = vector.broadcast %add3A_274 : i32 to vector<16xi32>
      %add3A_276 = arith.addi %iota3A, %add3A_275 : vector<16xi32>
      %parallel_loop3A_277 = arith.constant 0 : i32
      %parallel_loop3A_278 = arith.constant 64 : i32
      %parallel_loop3A_279 = arith.constant 1 : i32
      scf.for %parallel_loop3A_304 = %parallel_loop3A_277 to %parallel_loop3A_278 step %parallel_loop3A_279  : i32 {
        %parallel_loop3A_305 = arith.constant 2 : i32
        %parallel_loop3A_306 = arith.muli %parallel_loop3A_305, %parallel_loop3A_304 : i32
        %parallel_loop3A_307 = arith.constant 1 : i32
        %parallel_loop3A_308 = arith.addi %parallel_loop3A_306, %parallel_loop3A_307 : i32
        %parallel_loop3A_309 = vector.broadcast %parallel_loop3A_308 : i32 to vector<16xi32>
        %parallel_loop3A_310 = arith.addi %mul3A_3, %parallel_loop3A_309 : vector<16xi32>
        %parallel_loop3A_311 = tpu.vector_load_idx %arg6[%add3A_276, %parallel_loop3A_310] : memref<64x128xf32, #tpu.memory_space<vmem>>[vector<16xi32>, vector<16xi32>], vector<16xf32>,
        %parallel_loop3A_312 = arith.index_cast %parallel_loop3A_304 : i32 to index
        %parallel_loop3A_313 = arith.constant 80 : index
        %parallel_loop3A_314 = tpu.vector_load %arg8[%parallel_loop3A_312, %parallel_loop3A_313] {strides = array<i32>} : memref<64x128xf32, #tpu.memory_space<vmem>>, vector<16xf32>,
        tpu.vector_store %arg8[%parallel_loop3A_312, %parallel_loop3A_313], %parallel_loop3A_311 {strides = array<i32>} : memref<64x128xf32, #tpu.memory_space<vmem>>, vector<16xf32>,
      } {sc.loop_unroll_factor = 8 : i64, sc.parallel_access}
      %add3A_280 = arith.constant 32 : i32
      %add3A_281 = vector.broadcast %add3A_280 : i32 to vector<16xi32>
      %add3A_282 = arith.addi %iota3A, %add3A_281 : vector<16xi32>
      %parallel_loop3A_283 = arith.constant 0 : i32
      %parallel_loop3A_284 = arith.constant 64 : i32
      %parallel_loop3A_285 = arith.constant 1 : i32
      scf.for %parallel_loop3A_304 = %parallel_loop3A_283 to %parallel_loop3A_284 step %parallel_loop3A_285  : i32 {
        %parallel_loop3A_305 = arith.constant 2 : i32
        %parallel_loop3A_306 = arith.muli %parallel_loop3A_305, %parallel_loop3A_304 : i32
        %parallel_loop3A_307 = arith.constant 1 : i32
        %parallel_loop3A_308 = arith.addi %parallel_loop3A_306, %parallel_loop3A_307 : i32
        %parallel_loop3A_309 = vector.broadcast %parallel_loop3A_308 : i32 to vector<16xi32>
        %parallel_loop3A_310 = arith.addi %mul3A_3, %parallel_loop3A_309 : vector<16xi32>
        %parallel_loop3A_311 = tpu.vector_load_idx %arg6[%add3A_282, %parallel_loop3A_310] : memref<64x128xf32, #tpu.memory_space<vmem>>[vector<16xi32>, vector<16xi32>], vector<16xf32>,
        %parallel_loop3A_312 = arith.index_cast %parallel_loop3A_304 : i32 to index
        %parallel_loop3A_313 = arith.constant 96 : index
        %parallel_loop3A_314 = tpu.vector_load %arg8[%parallel_loop3A_312, %parallel_loop3A_313] {strides = array<i32>} : memref<64x128xf32, #tpu.memory_space<vmem>>, vector<16xf32>,
        tpu.vector_store %arg8[%parallel_loop3A_312, %parallel_loop3A_313], %parallel_loop3A_311 {strides = array<i32>} : memref<64x128xf32, #tpu.memory_space<vmem>>, vector<16xf32>,
      } {sc.loop_unroll_factor = 8 : i64, sc.parallel_access}
      %add3A_286 = arith.constant 48 : i32
      %add3A_287 = vector.broadcast %add3A_286 : i32 to vector<16xi32>
      %add3A_288 = arith.addi %iota3A, %add3A_287 : vector<16xi32>
      %parallel_loop3A_289 = arith.constant 0 : i32
      %parallel_loop3A_290 = arith.constant 64 : i32
      %parallel_loop3A_291 = arith.constant 1 : i32
      scf.for %parallel_loop3A_304 = %parallel_loop3A_289 to %parallel_loop3A_290 step %parallel_loop3A_291  : i32 {
        %parallel_loop3A_305 = arith.constant 2 : i32
        %parallel_loop3A_306 = arith.muli %parallel_loop3A_305, %parallel_loop3A_304 : i32
        %parallel_loop3A_307 = arith.constant 1 : i32
        %parallel_loop3A_308 = arith.addi %parallel_loop3A_306, %parallel_loop3A_307 : i32
        %parallel_loop3A_309 = vector.broadcast %parallel_loop3A_308 : i32 to vector<16xi32>
        %parallel_loop3A_310 = arith.addi %mul3A_3, %parallel_loop3A_309 : vector<16xi32>
        %parallel_loop3A_311 = tpu.vector_load_idx %arg6[%add3A_288, %parallel_loop3A_310] : memref<64x128xf32, #tpu.memory_space<vmem>>[vector<16xi32>, vector<16xi32>], vector<16xf32>,
        %parallel_loop3A_312 = arith.index_cast %parallel_loop3A_304 : i32 to index
        %parallel_loop3A_313 = arith.constant 112 : index
        %parallel_loop3A_314 = tpu.vector_load %arg8[%parallel_loop3A_312, %parallel_loop3A_313] {strides = array<i32>} : memref<64x128xf32, #tpu.memory_space<vmem>>, vector<16xf32>,
        tpu.vector_store %arg8[%parallel_loop3A_312, %parallel_loop3A_313], %parallel_loop3A_311 {strides = array<i32>} : memref<64x128xf32, #tpu.memory_space<vmem>>, vector<16xf32>,
      } {sc.loop_unroll_factor = 8 : i64, sc.parallel_access}
      %dma_start3A_292 = arith.constant 0 : i32
      %dma_start3A_293 = tpu.memref_slice %arg4[%multiple_of3A_234, %dma_start3A_292] : memref<500000x128xf32, #tpu.memory_space<hbm>> -> memref<64x128xf32, #tpu.memory_space<hbm>>
      %dma_start3A_294 = arith.constant 0 : i32
      %dma_start3A_295 = tpu.memref_slice %arg4[%multiple_of3A_234, %dma_start3A_294] : memref<500000x128xf32, #tpu.memory_space<hbm>> -> memref<64x128xf32, #tpu.memory_space<hbm>>
      tpu.enqueue_dma source(%arg8 : memref<64x128xf32, #tpu.memory_space<vmem>>) target(%dma_start3A_295 : memref<64x128xf32, #tpu.memory_space<hbm>>) target_semaphore(%arg12 : memref<!tpu.dma_semaphore, #tpu.memory_space<semaphore_mem>>)
      %add3A_296 = arith.constant 2 : i32
      %add3A_297 = arith.addi %add3A_201, %add3A_296 : i32
      %lt3A_298 = arith.constant 246 : i32
      %lt3A_299 = arith.cmpi slt, %add3A_297, %lt3A_298 : i32
      %convert_element_type3A_300 = arith.extui %lt3A_299 : i1 to i32
      %cond3A_301 = arith.constant 0 : i32
      %cond3A_302 = arith.cmpi ne, %convert_element_type3A_300, %cond3A_301 : i32
      scf.if %cond3A_302 {
        %add3A_304 = arith.constant 2 : i32
        %add3A_305 = arith.addi %add3A_201, %add3A_304 : i32
        %mul3A_306 = arith.constant 32 : i32
        %mul3A_307 = arith.muli %add3A_305, %mul3A_306 : i32
        %add3A_308 = arith.addi %mul3A_307, %add3A : i32
        %min3A_309 = arith.constant 7811 : i32
        %min3A_310 = arith.minsi %add3A_308, %min3A_309 : i32
        %mul3A_311 = arith.constant 128 : i32
        %mul3A_312 = arith.muli %min3A_310, %mul3A_311 : i32
        %multiple_of3A_313 = tpu.assume_multiple %mul3A_312, 128 : i32
        %dma_start3A_314 = arith.constant 0 : i32
        %dma_start3A_315 = tpu.memref_slice %arg2[%dma_start3A_314, %multiple_of3A_313] : memref<64x1000000xf32, #tpu.memory_space<hbm>> -> memref<64x128xf32, #tpu.memory_space<hbm>>
        %dma_start3A_316 = arith.constant 0 : i32
        %dma_start3A_317 = tpu.memref_slice %arg2[%dma_start3A_316, %multiple_of3A_313] : memref<64x1000000xf32, #tpu.memory_space<hbm>> -> memref<64x128xf32, #tpu.memory_space<hbm>>
        tpu.enqueue_dma source(%dma_start3A_317 : memref<64x128xf32, #tpu.memory_space<hbm>>) target(%arg6 : memref<64x128xf32, #tpu.memory_space<vmem>>) target_semaphore(%arg10 : memref<!tpu.dma_semaphore, #tpu.memory_space<semaphore_mem>>)
      } else {
      }
      %scan3A_303 = arith.constant 0 : i32
      scf.yield %scan3A_303 : i32
    }
    %scan3A_28 = arith.constant 123 : i32
    %add3A_29 = arith.constant 7808 : i32
    %add3A_30 = arith.addi %add3A_29, %add3A : i32
    %min3A_31 = arith.constant 7811 : i32
    %min3A_32 = arith.minsi %add3A_30, %min3A_31 : i32
    %mul3A_33 = arith.constant 128 : i32
    %mul3A_34 = arith.muli %min3A_32, %mul3A_33 : i32
    %multiple_of3A_35 = tpu.assume_multiple %mul3A_34, 128 : i32
    %jit3A = arith.constant 2 : i32
    %div3A = arith.divsi %multiple_of3A_35, %jit3A : i32
    %sign3A = arith.constant 0 : i32
    %sign3A_36 = arith.cmpi sgt, %multiple_of3A_35, %sign3A : i32
    %sign3A_37 = arith.extui %sign3A_36 : i1 to i32
    %sign3A_38 = arith.constant 0 : i32
    %sign3A_39 = arith.cmpi slt, %multiple_of3A_35, %sign3A_38 : i32
    %sign3A_40 = arith.extui %sign3A_39 : i1 to i32
    %sign3A_41 = arith.subi %sign3A_37, %sign3A_40 : i32
    %sign3A_42 = arith.constant 0 : i32
    %sign3A_43 = arith.cmpi sgt, %jit3A, %sign3A_42 : i32
    %sign3A_44 = arith.extui %sign3A_43 : i1 to i32
    %sign3A_45 = arith.constant 0 : i32
    %sign3A_46 = arith.cmpi slt, %jit3A, %sign3A_45 : i32
    %sign3A_47 = arith.extui %sign3A_46 : i1 to i32
    %sign3A_48 = arith.subi %sign3A_44, %sign3A_47 : i32
    %ne3A = arith.cmpi ne, %sign3A_41, %sign3A_48 : i32
    %rem3A = arith.remsi %multiple_of3A_35, %jit3A : i32
    %ne3A_49 = arith.constant 0 : i32
    %ne3A_50 = arith.cmpi ne, %rem3A, %ne3A_49 : i32
    %and3A = arith.andi %ne3A, %ne3A_50 : i1
    %sub3A = arith.constant 1 : i32
    %sub3A_51 = arith.subi %div3A, %sub3A : i32
    %select_n3A = arith.select %and3A, %sub3A_51, %div3A : i32
    %multiple_of3A_52 = tpu.assume_multiple %select_n3A, 64 : i32
    %dma_wait3A = arith.constant 0 : i32
    %dma_wait3A_53 = tpu.memref_slice %arg4[%multiple_of3A_52, %dma_wait3A] : memref<500000x128xf32, #tpu.memory_space<hbm>> -> memref<64x128xf32, #tpu.memory_space<hbm>>
    %dma_wait3A_54 = arith.constant 0 : i32
    %dma_wait3A_55 = tpu.memref_slice %arg4[%multiple_of3A_52, %dma_wait3A_54] : memref<500000x128xf32, #tpu.memory_space<hbm>> -> memref<64x128xf32, #tpu.memory_space<hbm>>
    tpu.wait_dma2 semaphore(%arg11 : memref<!tpu.dma_semaphore, #tpu.memory_space<semaphore_mem>>) src(%arg7 : memref<64x128xf32, #tpu.memory_space<vmem>>) dst(%dma_wait3A_55 : memref<64x128xf32, #tpu.memory_space<hbm>>)
    %add3A_56 = arith.constant 7840 : i32
    %add3A_57 = arith.addi %add3A_56, %add3A : i32
    %min3A_58 = arith.constant 7811 : i32
    %min3A_59 = arith.minsi %add3A_57, %min3A_58 : i32
    %mul3A_60 = arith.constant 128 : i32
    %mul3A_61 = arith.muli %min3A_59, %mul3A_60 : i32
    %multiple_of3A_62 = tpu.assume_multiple %mul3A_61, 128 : i32
    %jit3A_63 = arith.constant 2 : i32
    %div3A_64 = arith.divsi %multiple_of3A_62, %jit3A_63 : i32
    %sign3A_65 = arith.constant 0 : i32
    %sign3A_66 = arith.cmpi sgt, %multiple_of3A_62, %sign3A_65 : i32
    %sign3A_67 = arith.extui %sign3A_66 : i1 to i32
    %sign3A_68 = arith.constant 0 : i32
    %sign3A_69 = arith.cmpi slt, %multiple_of3A_62, %sign3A_68 : i32
    %sign3A_70 = arith.extui %sign3A_69 : i1 to i32
    %sign3A_71 = arith.subi %sign3A_67, %sign3A_70 : i32
    %sign3A_72 = arith.constant 0 : i32
    %sign3A_73 = arith.cmpi sgt, %jit3A_63, %sign3A_72 : i32
    %sign3A_74 = arith.extui %sign3A_73 : i1 to i32
    %sign3A_75 = arith.constant 0 : i32
    %sign3A_76 = arith.cmpi slt, %jit3A_63, %sign3A_75 : i32
    %sign3A_77 = arith.extui %sign3A_76 : i1 to i32
    %sign3A_78 = arith.subi %sign3A_74, %sign3A_77 : i32
    %ne3A_79 = arith.cmpi ne, %sign3A_71, %sign3A_78 : i32
    %rem3A_80 = arith.remsi %multiple_of3A_62, %jit3A_63 : i32
    %ne3A_81 = arith.constant 0 : i32
    %ne3A_82 = arith.cmpi ne, %rem3A_80, %ne3A_81 : i32
    %and3A_83 = arith.andi %ne3A_79, %ne3A_82 : i1
    %sub3A_84 = arith.constant 1 : i32
    %sub3A_85 = arith.subi %div3A_64, %sub3A_84 : i32
    %select_n3A_86 = arith.select %and3A_83, %sub3A_85, %div3A_64 : i32
    %multiple_of3A_87 = tpu.assume_multiple %select_n3A_86, 64 : i32
    %dma_wait3A_88 = arith.constant 0 : i32
    %dma_wait3A_89 = tpu.memref_slice %arg4[%multiple_of3A_87, %dma_wait3A_88] : memref<500000x128xf32, #tpu.memory_space<hbm>> -> memref<64x128xf32, #tpu.memory_space<hbm>>
    %dma_wait3A_90 = arith.constant 0 : i32
    %dma_wait3A_91 = tpu.memref_slice %arg4[%multiple_of3A_87, %dma_wait3A_90] : memref<500000x128xf32, #tpu.memory_space<hbm>> -> memref<64x128xf32, #tpu.memory_space<hbm>>
    tpu.wait_dma2 semaphore(%arg12 : memref<!tpu.dma_semaphore, #tpu.memory_space<semaphore_mem>>) src(%arg8 : memref<64x128xf32, #tpu.memory_space<vmem>>) dst(%dma_wait3A_91 : memref<64x128xf32, #tpu.memory_space<hbm>>)
    %eq3A = arith.constant 0 : i32
    %eq3A_92 = arith.cmpi eq, %add3A, %eq3A : i32
    %convert_element_type3A = arith.extui %eq3A_92 : i1 to i32
    %cond3A = arith.constant 0 : i32
    %cond3A_93 = arith.cmpi ne, %convert_element_type3A, %cond3A : i32
    scf.if %cond3A_93 {
      "tpu.region"() ({
        %run_scoped3A = tpu.sem_alloc : memref<!tpu.dma_semaphore, #tpu.memory_space<semaphore_mem>>
        %dma_start3A_94 = arith.constant 0 : i32
        %dma_start3A_95 = arith.constant 0 : i32
        %dma_start3A_96 = tpu.memref_slice %arg7[%dma_start3A_94, %dma_start3A_95] : memref<64x128xf32, #tpu.memory_space<vmem>> -> memref<32x128xf32, #tpu.memory_space<vmem>>
        %dma_start3A_97 = arith.constant 0 : i32
        %dma_start3A_98 = arith.constant 0 : i32
        %dma_start3A_99 = tpu.memref_slice %arg7[%dma_start3A_97, %dma_start3A_98] : memref<64x128xf32, #tpu.memory_space<vmem>> -> memref<32x128xf32, #tpu.memory_space<vmem>>
        tpu.enqueue_dma source(%arg3 : memref<32x128xf32, #tpu.memory_space<hbm>>) target(%dma_start3A_99 : memref<32x128xf32, #tpu.memory_space<vmem>>) target_semaphore(%run_scoped3A : memref<!tpu.dma_semaphore, #tpu.memory_space<semaphore_mem>>)
        %dma_wait3A_100 = arith.constant 0 : i32
        %dma_wait3A_101 = arith.constant 0 : i32
        %dma_wait3A_102 = tpu.memref_slice %arg7[%dma_wait3A_100, %dma_wait3A_101] : memref<64x128xf32, #tpu.memory_space<vmem>> -> memref<32x128xf32, #tpu.memory_space<vmem>>
        %dma_wait3A_103 = arith.constant 0 : i32
        %dma_wait3A_104 = arith.constant 0 : i32
        %dma_wait3A_105 = tpu.memref_slice %arg7[%dma_wait3A_103, %dma_wait3A_104] : memref<64x128xf32, #tpu.memory_space<vmem>> -> memref<32x128xf32, #tpu.memory_space<vmem>>
        tpu.wait_dma2 semaphore(%run_scoped3A : memref<!tpu.dma_semaphore, #tpu.memory_space<semaphore_mem>>) src(%arg3 : memref<32x128xf32, #tpu.memory_space<hbm>>) dst(%dma_wait3A_105 : memref<32x128xf32, #tpu.memory_space<vmem>>)
        tpu.yield
      }) : () -> ()
      "tpu.region"() ({
        %run_scoped3A = tpu.sem_alloc : memref<!tpu.dma_semaphore, #tpu.memory_space<semaphore_mem>>
        %dma_start3A_94 = arith.constant 0 : i32
        %dma_start3A_95 = arith.constant 0 : i32
        %dma_start3A_96 = tpu.memref_slice %arg7[%dma_start3A_94, %dma_start3A_95] : memref<64x128xf32, #tpu.memory_space<vmem>> -> memref<32x128xf32, #tpu.memory_space<vmem>>
        %dma_start3A_97 = arith.constant 499968 : i32
        %dma_start3A_98 = arith.constant 0 : i32
        %dma_start3A_99 = tpu.memref_slice %arg4[%dma_start3A_97, %dma_start3A_98] : memref<500000x128xf32, #tpu.memory_space<hbm>> -> memref<32x128xf32, #tpu.memory_space<hbm>>
        %dma_start3A_100 = arith.constant 499968 : i32
        %dma_start3A_101 = arith.constant 0 : i32
        %dma_start3A_102 = tpu.memref_slice %arg4[%dma_start3A_100, %dma_start3A_101] : memref<500000x128xf32, #tpu.memory_space<hbm>> -> memref<32x128xf32, #tpu.memory_space<hbm>>
        %dma_start3A_103 = arith.constant 0 : i32
        %dma_start3A_104 = arith.constant 0 : i32
        %dma_start3A_105 = tpu.memref_slice %arg7[%dma_start3A_103, %dma_start3A_104] : memref<64x128xf32, #tpu.memory_space<vmem>> -> memref<32x128xf32, #tpu.memory_space<vmem>>
        tpu.enqueue_dma source(%dma_start3A_105 : memref<32x128xf32, #tpu.memory_space<vmem>>) target(%dma_start3A_102 : memref<32x128xf32, #tpu.memory_space<hbm>>) target_semaphore(%run_scoped3A : memref<!tpu.dma_semaphore, #tpu.memory_space<semaphore_mem>>)
        %dma_wait3A_106 = arith.constant 0 : i32
        %dma_wait3A_107 = arith.constant 0 : i32
        %dma_wait3A_108 = tpu.memref_slice %arg7[%dma_wait3A_106, %dma_wait3A_107] : memref<64x128xf32, #tpu.memory_space<vmem>> -> memref<32x128xf32, #tpu.memory_space<vmem>>
        %dma_wait3A_109 = arith.constant 499968 : i32
        %dma_wait3A_110 = arith.constant 0 : i32
        %dma_wait3A_111 = tpu.memref_slice %arg4[%dma_wait3A_109, %dma_wait3A_110] : memref<500000x128xf32, #tpu.memory_space<hbm>> -> memref<32x128xf32, #tpu.memory_space<hbm>>
        %dma_wait3A_112 = arith.constant 499968 : i32
        %dma_wait3A_113 = arith.constant 0 : i32
        %dma_wait3A_114 = tpu.memref_slice %arg4[%dma_wait3A_112, %dma_wait3A_113] : memref<500000x128xf32, #tpu.memory_space<hbm>> -> memref<32x128xf32, #tpu.memory_space<hbm>>
        %dma_wait3A_115 = arith.constant 0 : i32
        %dma_wait3A_116 = arith.constant 0 : i32
        %dma_wait3A_117 = tpu.memref_slice %arg7[%dma_wait3A_115, %dma_wait3A_116] : memref<64x128xf32, #tpu.memory_space<vmem>> -> memref<32x128xf32, #tpu.memory_space<vmem>>
        tpu.wait_dma2 semaphore(%run_scoped3A : memref<!tpu.dma_semaphore, #tpu.memory_space<semaphore_mem>>) src(%dma_wait3A_117 : memref<32x128xf32, #tpu.memory_space<vmem>>) dst(%dma_wait3A_114 : memref<32x128xf32, #tpu.memory_space<hbm>>)
        tpu.yield
      }) : () -> ()
    } else {
    }
    return
  }
}

</mosaic_0001>

<sc_bundles>
// kernel: kernel.4.cloned.1.call-start
scs
__scs_entry_jumppad:
0x0: {  	(pc) =	sbr.rel $0x88, $3  }
0x1: {  	(tag) =	ssettag $0x0;
	lr =	simm.s32 $0x1  }
0x2: {  	[smem:$0x3F9F] =	sst lr;
	_ =	strace $0xD0000000  }
0x3: {  	_ = 	snop  }
0x4: {  	_ = 	snop  }
0x5: {  	_ = 	snop  }
0x6: {  	_ = 	snop  }
0x7: {  	_ = 	snop  }
__scs_overlays_trampoline_lowered:
0x8: {  	[smem:$0x3FAE] =	sst s0  }
0x9: {  	[smem:$0x3FAF] =	sst s1  }
0xa: {  	[smem:$0x3FB0] =	sst s2  }
0xb: {  	[smem:$0x3FB1] =	sst s3  }
0xc: {  	[smem:$0x3FB2] =	sst s4  }
0xd: {  	[smem:$0x3FB3] =	sst s5  }
0xe: {  	[smem:$0x3FB4] =	sst s6  }
0xf: {  	[smem:$0x3FB5] =	sst s7  }
0x10: {  	[smem:$0x3FB6] =	sst s8  }
0x11: {  	[smem:$0x3FB7] =	sst s9;
	s0 =	simm.s32 @!p0 $0x0  }
0x12: {  	s1 =	sld [smem:$0x3F9D];
	s0 =	simm.s32 @p0 $0x1  }
0x13: {  	[smem:$0x3FB8] =	sst s0;
	s0 =	simm.s32 @!p1 $0x0  }
0x14: {  	s2 =	sld [smem:$0x3F9C];
	s0 =	simm.s32 @p1 $0x1  }
0x15: {  	[smem:$0x3FB9] =	sst s0;
	s0 =	simm.s32 @!p2 $0x0  }
0x16: {  	s3 =	sld [smem:$0x3FDB];
	s0 =	simm.s32 @p2 $0x1  }
0x17: {  	s4 =	simm.s32 $0x1BF5;
	[smem:$0x3FBB] =	sst s0  }
0x18: {  	s0 =	sld [smem:$0x3F9E];
	_ =	swait.ge [sflag:s4], $0x0  }
0x19: {  	s7 =	sld [smem:$0x3F9F]  }
0x1a: {  	s8 =	sadd.s32 $0xFFFFE003, lr  }
0x1b: {  	s9 =	sadd.s32 $0xFFFFFEF7, lr;
	s5 =	simm.s32 $0xFFFFFFFF;
	p2 =	slt.u32 s8, $0xFFFFF086  }
0x1c: {  	p1 =	slt.u32 s9, $0xF7A;
	s5 =	simm.s32 @!p2 $0x0  }
0x1d: {  	s5 =	simm.s32 @p1 $0x1;
	p0 =	seq.s32 s7, s2  }
0x1e: {  	s7 =	smul.u32 @!p0 $0xF7A, s2;
	p2 =	seq.s32 @!p0 s5, $0x0  }
0x1f: {  	s9 =	smul.u32 $0xF7A, s1;
	s8 =	simm.s32 @!p0 $0x1BF5;
	p2 =	por !p2, p0  }
0x20: {  	[sflag:s8] =	ssyncset.s32 @!p0 $0xFFFFF086;
	s6 =	sadd.s32 @!p0 s3, s7;
	s7 =	simm.s32 @!p0 $0x108  }
0x21: {  	s3 =	sadd.s32 s3, s9;
	s6 =	sadd.s32 @!p0 $0x88, s6;
	s7 =	simm.s32 @p2 $0x1082  }
0x22: {  	[simem:s7], [sflag:s8] =	dma.local @!p0 [hbm:s6], $0xF7A  }
0x23: {  	s9 =	sor.u32 $0xD0000000, s2;
	s6 =	simm.s32 $0x108;
	_ =	swait.ge @!p0 [sflag:s8], $0x0  }
0x24: {  	s3 =	sadd.s32 $0x88, s3;
	s6 =	simm.s32 @!p1 $0x1082;
	[sflag:s4] =	ssyncset.s32 $0xFFFFF086  }
0x25: {  	[simem:s6], [sflag:s4] =	dma.local [hbm:s3], $0xF7A  }
0x26: {  	[smem:$0x3F9F] =	sst s1;
	(tag) =	ssettag s2;
	_ =	strace s9  }
0x27: {  	s1 =	sld [smem:$0x3FAF]  }
0x28: {  	s2 =	sld [smem:$0x3FB0]  }
0x29: {  	s4 =	sld [smem:$0x3FB2]  }
0x2a: {  	p0 =	seq.s32 s5, $0x0;
	s5 =	sld [smem:$0x3FB3]  }
0x2b: {  	s6 =	sld [smem:$0x3FB4]  }
0x2c: {  	s7 =	sld [smem:$0x3FB5]  }
0x2d: {  	s3 =	simm.s32 $0x108;
	s8 =	sld [smem:$0x3FB6]  }
0x2e: {  	s3 =	simm.s32 @!p0 $0x1082;
	s9 =	sld [smem:$0x3FB7]  }
0x2f: {  	lr =	sadd.s32 s0, s3;
	s0 =	sld [smem:$0x3FAE]  }
0x30: {  	s3 =	sld [smem:$0x3FB1]  }
0x31: {  	[smem:$0x3FBA] =	sst s10  }
0x32: {  	s10 =	sld [smem:$0x3FB8];
	_ =	sdelay $0x3  }
0x33: {  	p0 =	seq.s32 s10, $0x1;
	s10 =	sld [smem:$0x3FBA];
	_ =	sdelay $0x3  }
0x34: {  	[smem:$0x3FBA] =	sst s10  }
0x35: {  	s10 =	sld [smem:$0x3FB9];
	_ =	sdelay $0x3  }
0x36: {  	p1 =	seq.s32 s10, $0x1;
	s10 =	sld [smem:$0x3FBA];
	_ =	sdelay $0x3  }
0x37: {  	[smem:$0x3FBA] =	sst s10  }
0x38: {  	s10 =	sld [smem:$0x3FBB]  }
0x39: {  	_ = 	snop;
	(pc) =	sbr.ind lr, $3  }
0x3a: {  	_ = 	snop  }
0x3b: {  	_ = 	snop  }
0x3c: {  	p2 =	seq.s32 s10, $0x1;
	s10 =	sld [smem:$0x3FBA]  }
0x3d: {  	_ =	shalt  }
0x3e: {  	_ =	shalt  }
0x3f: {  	_ =	shalt  }
0x40: {  	_ =	shalt  }
0x41: {  	_ =	shalt  }
0x42: {  	_ =	shalt  }
0x43: {  	_ =	shalt  }
0x44: {  	_ =	shalt  }
0x45: {  	_ =	shalt  }
0x46: {  	_ =	shalt  }
0x47: {  	_ =	shalt  }
0x48: {  	_ =	shalt  }
0x49: {  	_ =	shalt  }
0x4a: {  	_ =	shalt  }
0x4b: {  	_ =	shalt  }
0x4c: {  	_ =	shalt  }
0x4d: {  	_ =	shalt  }
0x4e: {  	_ =	shalt  }
0x4f: {  	_ =	shalt  }
0x50: {  	_ =	shalt  }
0x51: {  	_ =	shalt  }
0x52: {  	_ =	shalt  }
0x53: {  	_ =	shalt  }
0x54: {  	_ =	shalt  }
0x55: {  	_ =	shalt  }
0x56: {  	_ =	shalt  }
0x57: {  	_ =	shalt  }
0x58: {  	_ =	shalt  }
0x59: {  	_ =	shalt  }
0x5a: {  	_ =	shalt  }
0x5b: {  	_ =	shalt  }
0x5c: {  	_ =	shalt  }
0x5d: {  	_ =	shalt  }
0x5e: {  	_ =	shalt  }
0x5f: {  	_ =	shalt  }
0x60: {  	_ =	shalt  }
0x61: {  	_ =	shalt  }
0x62: {  	_ =	shalt  }
0x63: {  	_ =	shalt  }
0x64: {  	_ =	shalt  }
0x65: {  	_ =	shalt  }
0x66: {  	_ =	shalt  }
0x67: {  	_ =	shalt  }
0x68: {  	_ =	shalt  }
0x69: {  	_ =	shalt  }
0x6a: {  	_ =	shalt  }
0x6b: {  	_ =	shalt  }
0x6c: {  	_ =	shalt  }
0x6d: {  	_ =	shalt  }
0x6e: {  	_ =	shalt  }
0x6f: {  	_ =	shalt  }
0x70: {  	_ =	shalt  }
0x71: {  	_ =	shalt  }
0x72: {  	_ =	shalt  }
0x73: {  	_ =	shalt  }
0x74: {  	_ =	shalt  }
0x75: {  	_ =	shalt  }
0x76: {  	_ =	shalt  }
0x77: {  	_ =	shalt  }
0x78: {  	_ =	shalt  }
0x79: {  	_ =	shalt  }
0x7a: {  	_ =	shalt  }
0x7b: {  	_ =	shalt  }
0x7c: {  	_ =	shalt  }
0x7d: {  	_ =	shalt  }
0x7e: {  	_ =	shalt  }
0x7f: {  	_ =	shalt  }
0x80: {  	_ =	shalt  }
0x81: {  	_ =	shalt  }
0x82: {  	_ =	shalt  }
0x83: {  	_ =	shalt  }
0x84: {  	_ =	shalt  }
0x85: {  	_ =	shalt  }
0x86: {  	_ =	shalt  }
0x87: {  	_ =	shalt  }
.Lfunc_end0:
.L_simem_size_0:
called_computation_lowered:
.L_overlay_start_0:
0x88: {  	s2 =	sld [smem:$0x3FD9]  }
0x89: {  	s3 =	sld [smem:$0x3FFE];
	_ =	sdelay $0x1  }
0x8a: {  	s1 =	srdreg.scid  }
0x8b: {  	s0 =	sand.u32 $0x1, s1  }
0x8c: {  	s17 =	sshll.u32 s0, $0xA;
	s2 =	sadd.s32 s3, s2  }
0x8d: {  	s2 =	sadd.s32 s2, s17  }
0x8e: {  	[smem:$0x3FC6] =	sst s2  }
0x8f: {  	_ = 	snop  }
0x90: {  	s2 =	sld [smem:$0x3FC8]  }
0x91: {  	s18 =	sld [smem:$0x3FD0];
	(tm) =	ssettm $0x1  }
0x92: {  	s4 =	sld [smem:$0x3FFB];
	_ =	sdelay $0x3  }
0x93: {  	_ =	strace s4  }
0x94: {  	s4 =	sld [smem:$0x3FFC];
	_ =	sdelay $0x3  }
0x95: {  	_ =	strace s4  }
0x96: {  	s4 =	sld [smem:$0x3FFD];
	_ =	sdelay $0x3  }
0x97: {  	_ =	strace s4  }
0x98: {  	_ =	strace $0x8FFFFFFF  }
0x99: {  	s19 =	sld [smem:$0x3FDB];
	_ =	sdelay $0x1  }
0x9a: {  	s5 =	simm.s32 $_scs_section_size  }
0x9b: {  	s6 =	simm.s32 $_size__tile_overlayer_lowered;
	s7 =	simm.s32 $_tile_overlayer_lowered  }
0x9c: {  	s22 =	simm.s32 $0x1BFF;
	s21 =	sshll.u32 s7, $0x1;
	s4 =	sadd.s32 s5, s19  }
0x9d: {  	s8 =	simm.s32 $0x0;
	s20 =	sshll.u32 s6, $0x1;
	s6 =	sadd.s32 s21, s4  }
0x9e: {  	[timem:s8], [sflag:s22] =	dma.local [hbm:s6], s20  }
0x9f: {  	_ =	swait.ge [sflag:s22], s20  }
0xa0: {  	s5 =	ssub.s32 $0x0, s20;
	[sflag:s22] =	ssyncset.done $0x0  }
0xa1: {  	[sflag:s22] =	ssyncadd.s32 s5;
	_ =	sdelay $0x1  }
0xa2: {  	s23 =	simm.s32 $0x1B8B  }
0xa3: {  	_ =	swait.ge [sflag:s23], $0x1  }
0xa4: {  	[sflag:s23] =	ssyncset.done $0x0  }
0xa5: {  	s25 =	simm.s32 $0x1B8E;
	s24 =	sld [smem:$0x3FFE];
	[sflag:s23] =	ssyncadd.s32 $0xFFFFFFFF  }
0xa6: {  	s26 =	simm.s32 $execute0_lowered;
	[smem:$0x3FD2] =	sst s25  }
0xa7: {  	s6 =	sshll.u32 s26, $0x1;
	_ =	strace $0x80000046;
	[dreg:$0x1] =	wrdreg $0xFFFFFFFF  }
0xa8: {  	s28 =	simm.s32 $_size_execute0_lowered;
	s4 =	sadd.s32 s4, s6;
	[dreg:$0x0] =	wrdreg $0x0  }
0xa9: {  	s6 =	sshll.u32 s28, $0x1;
	[dreg:$0x2] =	wrdreg s4  }
0xaa: {  	[dreg:$0x3] =	wrdreg s6  }
0xab: {  	[dreg:$0x4] =	wrdreg $0xC0  }
0xac: {  	_ =	task [dreg:s8], $0x5FFFF  }
0xad: {  	[dreg:$0x1] =	wrdreg $0xFFFFFFFF  }
0xae: {  	[dreg:$0x0] =	wrdreg $0x60  }
0xaf: {  	[dreg:$0x2] =	wrdreg s2  }
0xb0: {  	[dreg:$0x3] =	wrdreg s18  }
0xb1: {  	[dreg:$0x4] =	wrdreg s24  }
0xb2: {  	[dreg:$0x5] =	wrdreg $0x9  }
0xb3: {  	_ =	task.clear_ibuf [dreg:s8], $0x6FFFF;
	_ =	strace $0x90000046  }
0xb4: {  	s29 =	simm.s32 $0x9;
	_ =	strace $0x80000048  }
0xb5: {  	_ =	swait.ge [sflag:s29], $0x1  }
0xb6: {  	[sflag:s29] =	ssyncadd.s32 $0xFFFFFFFF  }
0xb7: {  	_ =	strace $0x90000048  }
0xb8: {  	_ =	sfence  }
0xb9: {  	s30 =	sld [smem:$0x0];
	_ =	sdelay $0x2  }
0xba: {  	s31 =	sshll.u32 s1, $0xD;
	s1 =	sshrl.u32 s1, $0x2  }
0xbb: {  	s3 =	sand.u32 $0x4000, s31;
	s1 =	sadd.s32 s1, s30  }
0xbc: {  	s0 =	sor.u32 s3, s0;
	s1 =	sshll.u32 s1, $0x11  }
0xbd: {  	s0 =	sor.u32 s1, s0  }
0xbe: {  	s0 =	sadd.s32 $0x8F2B, s0  }
0xbf: {  	[sflag:s0] =	ssyncadd.remote.s32 $0x1  }
0xc0: {  	_ =	sfence.sel $0xFFFF  }
0xc1: {  	[dreg:$0x0] =	wrdreg $0xFFFFFFFF;
	(pc) =	sbr.abs _section_cstart, $3  }
0xc2: {  	[dreg:$0x1] =	wrdreg $0xFFFFFFFF  }
0xc3: {  	_ =	task.clear_ibuf [dreg:s8], $0x2FFFF;
	_ =	strace $0x9FFFFFFF  }
0xc4: {  	(tm) =	ssettm $0x7FFFFFFF  }
0xc5: {  	_ =	shalt  }
tec
execute0_lowered:
.L_overlay_start_1:
0x0: {  	(tag) =	ssettag $0x1  }
0x1: {  	s1 =	rddreg [dreg:$0x0];
	s0 =	srdreg.scid  }
0x2: {  	s3 =	stileid.u32;
	s2 =	rddreg [dreg:$0x2];
	s4 =	simm.s32 $0x0  }
0x3: {  	s13 =	simm.s32 $0x400;
	s14 =	simm.s32 $0x7A1400;
	s15 =	simm.s32 $0x2000  }
0x4: {  	s16 =	simm.s32 $0x1;
	s17 =	simm.s32 $0x4000;
	s18 =	simm.s32 $0x2  }
0x5: {  	s19 =	simm.s32 $0x6000;
	s20 =	simm.s32 $0x3;
	s21 =	simm.s32 $0x4  }
0x6: {  	s22 =	simm.s32 $0x0;
	s0 =	sand.u32 $0x1, s0;
	s5 =	sshll.u32 s3, $0x1  }
0x7: {  	[smem:$0x7FF] =	sst s4;
	s7 =	sadd.s32 $0x800, s2;
	s2 =	sadd.s32 $0x7A1800, s2  }
.Ltmp0:
0x8: {  	s5 =	sor.u32 s0, s5;
	s0 =	ssub.s32 $0x2, s0;
	(pc) =	sbr.rel .LBB2_1-.Ltmp0, $4  }
0x9: {  	v0 =	vlaneseq.u32;
	_ =	strace $0x80000047;
	[dreg:$0x5] =	wrdreg s2;
	s6 =	sshll.u32 s5, $0x7  }
0xa: {  	v0 =	vmul.u32 $0x80, v0;
	s8 =	sshrl.u32 s0, $0x1;
	s9 =	sor.u32 $0x40, s5;
	s6 =	sadd.s32 s1, s6  }
0xb: {  	s10 =	sor.u32 $0x60, s5;
	s0 =	ssub.s32 s0, s8;
	s31 =	sadd.s32 $0x1000, s6  }
0xc: {  	p0 =	sne.s32 s5, $0x0;
	v1 =	vor.u32 $0x800, v0;
	v2 =	vor.u32 $0x1000, v0;
	v3 =	vor.u32 $0x1800, v0;
	s12 =	smax.u32 s0, $0x1;
	[dreg:$0x4] =	wrdreg s31  }
.LBB2_72:
0xd: {  	_ =	swait.ge [sflag:s20], $0x2000  }
0xe: {  	[sflag:s20] =	ssyncset.done $0x0  }
0xf: {  	[sflag:s20] =	ssyncadd.s32 $0xFFFFE000  }
0x10: {  	_ =	swait.ge [sflag:s21], $0x2000  }
0x11: {  	[sflag:s21] =	ssyncset.done $0x0  }
0x12: {  	[sflag:s21] =	ssyncadd.s32 $0xFFFFE000  }
0x13: {  	s0 =	simm.s32 @!p0 $0x0;
	s2 =	simm.s32 @!p0 $0x4000;
	s3 =	rddreg [dreg:$0x1]  }
0x14: {  	[tilespmem:s2], [sflag:$0x5] =	stream.linear.gather @!p0 [hbm4b:s3+s0], $0x1000, $0x38;
	[tilespmem:$0x8000] =	vst v63  }
0x15: {  	s3 =	simm.s32 @!p0 $0x5  }
0x16: {  	s22 =	sadd.s32 $0x1, s22;
	_ =	swait.ge @!p0 [sflag:s3], $0x1000  }
0x17: {  	p1 =	sne.s32 s22, s12;
	[sflag:s3] =	ssyncset.done @!p0 $0x0  }
.Ltmp1:
0x18: {  	s8 =	rddreg [dreg:$0x5];
	[sflag:s3] =	ssyncadd.s32 @!p0 $0xFFFFF000;
	(pc) =	sbr.rel @!p1 .LBB2_73-.Ltmp1, $4  }
0x19: {  	[hbm4b:s8+s0] =	stream.linear.scatter @!p0 [tilespmem:s2], [sflag:$0x5], $0x1000, $0x38;
	[tilespmem:$0x8000] =	vst v63  }
0x1a: {  	_ =	swait.ge @!p0 [sflag:s3], $0x1000  }
0x1b: {  	[sflag:s3] =	ssyncset.done @!p0 $0x0  }
0x1c: {  	[sflag:s3] =	ssyncadd.s32 @!p0 $0xFFFFF000  }
.LBB2_1:
0x1d: {  	[tilespmem:s4], [sflag:$0x1] =	stream.strided.gather [hbm4b:s6+s13], $0x2000, s14, s13, $0x38;
	[tilespmem:$0x8000] =	vst v63  }
0x1e: {  	s0 =	rddreg [dreg:$0x4];
	s23 =	simm.s32 $0x0  }
0x1f: {  	[tilespmem:s15], [sflag:$0x2] =	stream.strided.gather [hbm4b:s0+s13], $0x2000, s14, s13, $0x38;
	[tilespmem:$0x8000] =	vst v63  }
.LBB2_2:
0x20: {  	s28 =	simm.s32 $0x0;
	s0 =	simm.s32 $0x2;
	s24 =	simm.s32 $0x4  }
0x21: {  	s11 =	simm.s32 $0x6;
	s25 =	simm.s32 $0x8;
	s26 =	simm.s32 $0xA;
	v4 =	vmov s28;
	v5 =	vmov s0;
	v7 =	vmov s24  }
0x22: {  	s30 =	simm.s32 $0xC;
	s3 =	simm.s32 $0x1E;
	s8 =	simm.s32 $0x12;
	v8 =	vmov s11;
	v9 =	vmov s25;
	v10 =	vmov s26  }
0x23: {  	s2 =	simm.s32 $0xE;
	v11 =	vmov s30;
	v20 =	vmov s3;
	v22 =	vmov s8  }
0x24: {  	v6 =	vand.u32 $0x70, v4;
	v4 =	vmov s2;
	v5 =	vand.u32 $0x72, v5  }
0x25: {  	v7 =	vand.u32 $0x74, v7;
	v8 =	vand.u32 $0x76, v8;
	v4 =	vand.u32 $0x7E, v4  }
0x26: {  	s11 =	simm.s32 $0x14;
	v12 =	vand.u32 $0x78, v9;
	v10 =	vand.u32 $0x7A, v10;
	v4 =	vbroadcast v4, $0x0  }
0x27: {  	_ =	swait.ge [sflag:s16], $0x2000;
	s25 =	simm.s32 $0x16;
	v11 =	vand.u32 $0x7C, v11;
	v23 =	vmov s11;
	v5 =	vbroadcast v5, $0x0  }
0x28: {  	p1 =	seq.s32 s23, $0x0;
	[sflag:s16] =	ssyncset.done $0x0;
	v25 =	vmov s25;
	v7 =	vbroadcast v7, $0x0;
	v13 =	vor.u32 v0, v4  }
0x29: {  	s0 =	simm.s32 @!p1 $0x3;
	s30 =	simm.s32 $0x1A;
	[sflag:s16] =	ssyncadd.s32 $0xFFFFE000;
	v9 =	vbroadcast v8, $0x0;
	v8 =	vbroadcast v12, $0x0;
	v14 =	vor.u32 v0, v5  }
0x2a: {  	v27 =	vmov s30;
	v10 =	vbroadcast v10, $0x0;
	_ =	swait.ge @!p1 [sflag:s0], $0x2000;
	v15 =	vor.u32 v0, v7  }
0x2b: {  	s31 =	simm.s32 $0x10;
	v6 =	vbroadcast v6, $0x0;
	v12 =	vbroadcast v11, $0x0;
	[sflag:s0] =	ssyncset.done @!p1 $0x0;
	v17 =	vor.u32 v0, v8  }
0x2c: {  	v11 =	vmov s31;
	v25 =	vand.u32 $0x76, v25;
	v16 =	vor.u32 v0, v9;
	[sflag:s0] =	ssyncadd.s32 @!p1 $0xFFFFE000  }
0x2d: {  	v31 =	vand.u32 $0x7A, v27;
	v19 =	vor.u32 v0, v12;
	v21 =	vld.idx.msk [tilespmem:v13+s28+$0x0], $0xffff;
	v13 =	vand.u32 $0x7E, v20  }
0x2e: {  	s26 =	simm.s32 $0x18;
	s31 =	simm.s32 $0x1C;
	v11 =	vand.u32 $0x70, v11;
	v18 =	vor.u32 v0, v10;
	v26 =	vld.idx.msk [tilespmem:v14+s28+$0x0], $0xffff;
	v13 =	vbroadcast v13, $0x0  }
0x2f: {  	v29 =	vmov s31;
	v24 =	vor.u32 v0, v6;
	v14 =	vmov s26;
	v28 =	vld.idx.msk [tilespmem:v15+s28+$0x0], $0xffff  }
0x30: {  	v15 =	vand.u32 $0x72, v22;
	v22 =	vand.u32 $0x74, v23;
	v23 =	vld.idx.msk [tilespmem:v17+s28+$0x0], $0xffff;
	v33 =	vor.u32 v0, v13  }
0x31: {  	v20 =	vld.idx.msk [tilespmem:v16+s28+$0x0], $0xffff;
	v30 =	vand.u32 $0x78, v14;
	v16 =	vbroadcast v15, $0x0;
	v17 =	vbroadcast v22, $0x0  }
0x32: {  	s29 =	simm.s32 $0x4200;
	v14 =	vand.u32 $0x7C, v29;
	v15 =	vbroadcast v25, $0x0;
	v22 =	vld.idx.msk [tilespmem:v19+s28+$0x0], $0xffff;
	v19 =	vbroadcast v31, $0x0  }
0x33: {  	s24 =	sshll.u32 s23, $0x6;
	v31 =	vbroadcast v11, $0x0;
	v27 =	vor.u32 v0, v16;
	[tilespmem:s29+$0x180] =	vst v21;
	v21 =	vld.idx.msk [tilespmem:v18+s28+$0x0], $0xffff;
	v18 =	vbroadcast v30, $0x0  }
0x34: {  	s25 =	sor.u32 s5, s24;
	v24 =	vld.idx.msk [tilespmem:v24+s28+$0x0], $0xffff;
	v32 =	vbroadcast v14, $0x0;
	v29 =	vor.u32 v0, v17;
	v25 =	vor.u32 v0, v19;
	[tilespmem:s29+$0xFFFFFE80] =	vst v26  }
0x35: {  	s2 =	simm.s32 $0x8;
	s0 =	simm.s32 $0x20;
	s26 =	smin.u32 s25, $0x1E83;
	[tilespmem:s29+$0xFFFFFF00] =	vst v28;
	v30 =	vor.u32 v0, v15;
	v26 =	vor.u32 v0, v18;
	v28 =	vld.idx.msk [tilespmem:v33+s28+$0x0], $0xffff  }
.LBB2_3:
0x36: {  	v33 =	vmov s0;
	s30 =	sadd.s32 $0x2, s0;
	s31 =	sadd.s32 $0xE, s0;
	s2 =	sadd.s32 $0x8, s2;
	v31 =	vor.u32 v0, v31;
	v32 =	vor.u32 v0, v32;
	[tilespmem:s29+$0xFFFFFF80] =	vst v20  }
0x37: {  	s3 =	sadd.s32 $0x6, s0;
	v33 =	vand.u32 $0x70, v33;
	v20 =	vmov s30;
	s30 =	sadd.s32 $0x4, s0;
	v34 =	vmov s31;
	p2 =	slt.u32 s2, $0x38;
	[tilespmem:s29+$0x0] =	vst v23  }
0x38: {  	v35 =	vmov s3;
	s3 =	sadd.s32 $0x8, s0;
	s31 =	sadd.s32 $0xC, s0;
	v23 =	vmov s30;
	s30 =	sadd.s32 $0xA, s0;
	v34 =	vand.u32 $0x7E, v34;
	v36 =	vld.idx.msk [tilespmem:v27+s28+$0x0], $0xffff;
	[tilespmem:s29+$0x80] =	vst v21  }
0x39: {  	v21 =	vmov s3;
	v27 =	vmov s30;
	v34 =	vbroadcast v34, $0x0;
	v37 =	vld.idx.msk [tilespmem:v29+s28+$0x0], $0xffff;
	[tilespmem:s29+$0x100] =	vst v22  }
0x3a: {  	v38 =	vmov s31;
	v22 =	vand.u32 $0x72, v20;
	v29 =	vand.u32 $0x74, v23;
	v20 =	vld.idx.msk [tilespmem:v30+s28+$0x0], $0xffff;
	[tilespmem:s29+$0xFFFFFE00] =	vst v24;
	s29 =	sadd.s32 $0x400, s29  }
0x3b: {  	v24 =	vand.u32 $0x76, v35;
	v30 =	vand.u32 $0x78, v21;
	v34 =	vor.u32 v0, v34;
	v23 =	vld.idx.msk [tilespmem:v26+s28+$0x0], $0xffff;
	[tilespmem:s29+$0x180] =	vst v28  }
.Ltmp2:
0x3c: {  	v35 =	vand.u32 $0x7C, v38;
	v26 =	vbroadcast v22, $0x0;
	v28 =	vand.u32 $0x7A, v27;
	v21 =	vld.idx.msk [tilespmem:v25+s28+$0x0], $0xffff;
	(pc) =	sbr.rel @p2 .LBB2_3-.Ltmp2, $4  }
0x3d: {  	v38 =	vbroadcast v24, $0x0;
	v25 =	vbroadcast v29, $0x0;
	v22 =	vld.idx.msk [tilespmem:v32+s28+$0x0], $0xffff  }
0x3e: {  	v28 =	vbroadcast v28, $0x0;
	v27 =	vor.u32 v0, v26;
	v26 =	vbroadcast v30, $0x0;
	v24 =	vld.idx.msk [tilespmem:v31+s28+$0x0], $0xffff;
	[tilespmem:s29+$0xFFFFFE80] =	vst v36  }
0x3f: {  	v32 =	vbroadcast v35, $0x0;
	v31 =	vbroadcast v33, $0x0;
	v29 =	vor.u32 v0, v25;
	[tilespmem:s29+$0xFFFFFF00] =	vst v37  }
0x40: {  	s0 =	sadd.s32 $0x10, s0;
	v30 =	vor.u32 v0, v38;
	v25 =	vor.u32 v0, v28;
	v26 =	vor.u32 v0, v26;
	v28 =	vld.idx.msk [tilespmem:v34+s28+$0x0], $0xffff  }
0x41: {  	_ =	sdelay $0x2  }
0x42: {  	[tilespmem:s29+$0xFFFFFF80] =	vst v20  }
0x43: {  	v53 =	vor.u32 v0, v32;
	[tilespmem:s29+$0x0] =	vst v23;
	v54 =	vld.idx.msk [tilespmem:v27+s28+$0x0], $0xffff  }
0x44: {  	v55 =	vor.u32 v0, v31;
	[tilespmem:s29+$0x80] =	vst v21;
	v56 =	vld.idx.msk [tilespmem:v29+s28+$0x0], $0xffff  }
0x45: {  	v57 =	vld.idx.msk [tilespmem:v30+s28+$0x0], $0xffff;
	[tilespmem:s29+$0x100] =	vst v22  }
0x46: {  	s0 =	sadd.s32 $0x400, s29;
	v58 =	vld.idx.msk [tilespmem:v26+s28+$0x0], $0xffff;
	[tilespmem:s29+$0xFFFFFE00] =	vst v24  }
0x47: {  	v25 =	vld.idx.msk [tilespmem:v25+s28+$0x0], $0xffff;
	[tilespmem:s0+$0x180] =	vst v28  }
0x48: {  	v20 =	vld.idx.msk [tilespmem:v53+s28+$0x0], $0xffff;
	[tilespmem:s0+$0xFFFFFE80] =	vst v54  }
0x49: {  	v59 =	vld.idx.msk [tilespmem:v55+s28+$0x0], $0xffff;
	[tilespmem:s0+$0xFFFFFF00] =	vst v56  }
0x4a: {  	v4 =	vor.u32 v1, v4;
	[tilespmem:s0+$0xFFFFFF80] =	vst v57  }
0x4b: {  	v5 =	vor.u32 v1, v5;
	[tilespmem:s0+$0x0] =	vst v58  }
0x4c: {  	v7 =	vor.u32 v1, v7;
	[tilespmem:s0+$0x80] =	vst v25  }
0x4d: {  	v9 =	vor.u32 v1, v9;
	[tilespmem:s0+$0x100] =	vst v20  }
0x4e: {  	v8 =	vor.u32 v1, v8;
	s28 =	simm.s32 $0x0;
	[tilespmem:s0+$0xFFFFFE00] =	vst v59  }
0x4f: {  	v60 =	vor.u32 v1, v10;
	v4 =	vld.idx.msk [tilespmem:v4+s28+$0x0], $0xffff  }
0x50: {  	v61 =	vor.u32 v1, v12;
	v5 =	vld.idx.msk [tilespmem:v5+s28+$0x0], $0xffff  }
0x51: {  	v63 =	vor.u32 v1, v13;
	v23 =	vld.idx.msk [tilespmem:v7+s28+$0x0], $0xffff  }
0x52: {  	v62 =	vor.u32 v1, v6;
	v10 =	vld.idx.msk [tilespmem:v9+s28+$0x0], $0xffff  }
0x53: {  	v12 =	vld.idx.msk [tilespmem:v8+s28+$0x0], $0xffff  }
0x54: {  	s29 =	simm.s32 $0x4210;
	v7 =	vld.idx.msk [tilespmem:v60+s28+$0x0], $0xffff  }
0x55: {  	v13 =	vor.u32 v1, v16;
	v16 =	vbroadcast v11, $0x0;
	v6 =	vld.idx.msk [tilespmem:v61+s28+$0x0], $0xffff;
	[tilespmem:s29+$0x180] =	vst v4  }
0x56: {  	v11 =	vor.u32 v1, v17;
	v17 =	vbroadcast v14, $0x0;
	v14 =	vor.u32 v1, v15;
	v8 =	vld.idx.msk [tilespmem:v63+s28+$0x0], $0xffff;
	[tilespmem:s29+$0xFFFFFE80] =	vst v5  }
0x57: {  	s2 =	simm.s32 $0x8;
	s0 =	simm.s32 $0x20;
	v9 =	vor.u32 v1, v18;
	v5 =	vld.idx.msk [tilespmem:v62+s28+$0x0], $0xffff;
	[tilespmem:s29+$0xFFFFFF00] =	vst v23;
	v4 =	vor.u32 v1, v19  }
.LBB2_5:
0x58: {  	v15 =	vmov s0;
	s3 =	sadd.s32 $0x2, s0;
	s30 =	sadd.s32 $0xE, s0;
	s2 =	sadd.s32 $0x8, s2;
	v16 =	vor.u32 v1, v16;
	v17 =	vor.u32 v1, v17;
	[tilespmem:s29+$0xFFFFFF80] =	vst v10  }
0x59: {  	s31 =	sadd.s32 $0x6, s0;
	v15 =	vand.u32 $0x70, v15;
	v10 =	vmov s3;
	s3 =	sadd.s32 $0x4, s0;
	v18 =	vmov s30;
	p2 =	slt.u32 s2, $0x38;
	[tilespmem:s29+$0x0] =	vst v12  }
0x5a: {  	v19 =	vmov s31;
	s30 =	sadd.s32 $0xA, s0;
	s31 =	sadd.s32 $0xC, s0;
	v12 =	vmov s3;
	s3 =	sadd.s32 $0x8, s0;
	v18 =	vand.u32 $0x7E, v18;
	v20 =	vld.idx.msk [tilespmem:v13+s28+$0x0], $0xffff;
	[tilespmem:s29+$0x80] =	vst v7  }
0x5b: {  	v13 =	vmov s30;
	v7 =	vmov s3;
	v18 =	vbroadcast v18, $0x0;
	v21 =	vld.idx.msk [tilespmem:v11+s28+$0x0], $0xffff;
	[tilespmem:s29+$0x100] =	vst v6  }
0x5c: {  	v22 =	vmov s31;
	v6 =	vand.u32 $0x72, v10;
	v11 =	vand.u32 $0x74, v12;
	v10 =	vld.idx.msk [tilespmem:v14+s28+$0x0], $0xffff;
	[tilespmem:s29+$0xFFFFFE00] =	vst v5;
	s29 =	sadd.s32 $0x400, s29  }
0x5d: {  	v5 =	vand.u32 $0x76, v19;
	v14 =	vand.u32 $0x78, v7;
	v18 =	vor.u32 v1, v18;
	v12 =	vld.idx.msk [tilespmem:v9+s28+$0x0], $0xffff;
	[tilespmem:s29+$0x180] =	vst v8  }
.Ltmp3:
0x5e: {  	v19 =	vand.u32 $0x7C, v22;
	v8 =	vbroadcast v6, $0x0;
	v9 =	vand.u32 $0x7A, v13;
	v7 =	vld.idx.msk [tilespmem:v4+s28+$0x0], $0xffff;
	(pc) =	sbr.rel @p2 .LBB2_5-.Ltmp3, $4  }
0x5f: {  	v22 =	vbroadcast v5, $0x0;
	v4 =	vbroadcast v11, $0x0;
	v6 =	vld.idx.msk [tilespmem:v17+s28+$0x0], $0xffff  }
0x60: {  	v23 =	vbroadcast v9, $0x0;
	v13 =	vor.u32 v1, v8;
	v8 =	vbroadcast v14, $0x0;
	v5 =	vld.idx.msk [tilespmem:v16+s28+$0x0], $0xffff;
	[tilespmem:s29+$0xFFFFFE80] =	vst v20  }
0x61: {  	v17 =	vbroadcast v19, $0x0;
	v16 =	vbroadcast v15, $0x0;
	v11 =	vor.u32 v1, v4;
	[tilespmem:s29+$0xFFFFFF00] =	vst v21  }
0x62: {  	s0 =	sadd.s32 $0x10, s0;
	v14 =	vor.u32 v1, v22;
	v4 =	vor.u32 v1, v23;
	v9 =	vor.u32 v1, v8;
	v8 =	vld.idx.msk [tilespmem:v18+s28+$0x0], $0xffff  }
0x63: {  	_ =	sdelay $0x2  }
0x64: {  	[tilespmem:s29+$0xFFFFFF80] =	vst v10  }
0x65: {  	v10 =	vor.u32 v1, v17;
	[tilespmem:s29+$0x0] =	vst v12;
	v12 =	vld.idx.msk [tilespmem:v13+s28+$0x0], $0xffff  }
0x66: {  	v13 =	vor.u32 v1, v16;
	[tilespmem:s29+$0x80] =	vst v7;
	v7 =	vld.idx.msk [tilespmem:v11+s28+$0x0], $0xffff  }
0x67: {  	v11 =	vld.idx.msk [tilespmem:v14+s28+$0x0], $0xffff;
	s0 =	simm.s32 $0xE;
	s8 =	simm.s32 $0x8;
	[tilespmem:s29+$0x100] =	vst v6;
	v6 =	vmov s28  }
0x68: {  	s2 =	sadd.s32 $0x400, s29;
	s3 =	simm.s32 $0x2;
	v4 =	vld.idx.msk [tilespmem:v4+s28+$0x0], $0xffff;
	s11 =	simm.s32 $0xA;
	v15 =	vmov s8;
	[tilespmem:s29+$0xFFFFFE00] =	vst v5;
	v14 =	vand.u32 $0x70, v6;
	v6 =	vmov s0  }
0x69: {  	v16 =	vmov s11;
	v5 =	vld.idx.msk [tilespmem:v9+s28+$0x0], $0xffff;
	s29 =	simm.s32 $0x4;
	v6 =	vand.u32 $0x7E, v6;
	[tilespmem:s2+$0x180] =	vst v8;
	v8 =	vmov s3;
	s3 =	simm.s32 $0x6  }
0x6a: {  	s31 =	simm.s32 $0xC;
	v9 =	vmov s29;
	v6 =	vbroadcast v6, $0x0;
	v10 =	vld.idx.msk [tilespmem:v10+s28+$0x0], $0xffff;
	[tilespmem:s2+$0xFFFFFE80] =	vst v12;
	v12 =	vmov s3  }
0x6b: {  	v13 =	vld.idx.msk [tilespmem:v13+s28+$0x0], $0xffff;
	[tilespmem:s2+$0xFFFFFF00] =	vst v7;
	v7 =	vand.u32 $0x72, v8;
	v8 =	vand.u32 $0x74, v9;
	v9 =	vmov s31  }
0x6c: {  	p3 =	por $0x1, $0x1;
	[tilespmem:s2+$0xFFFFFF80] =	vst v11;
	v11 =	vand.u32 $0x76, v12;
	v18 =	vor.u32 v2, v6;
	v7 =	vbroadcast v7, $0x0  }
.Ltmp4:
0x6d: {  	[tilespmem:s2+$0x80] =	vst v4;
	v12 =	vand.u32 $0x7A, v16;
	v16 =	vand.u32 $0x7C, v9;
	v9 =	vbroadcast v8, $0x0;
	(pc) =	sbr.rel @!p3 .LBB2_7-.Ltmp4, $4  }
0x6e: {  	[tilespmem:s2+$0x0] =	vst v5;
	v5 =	vand.u32 $0x78, v15;
	v8 =	vbroadcast v11, $0x0;
	v11 =	vbroadcast v12, $0x0  }
0x6f: {  	v4 =	vbroadcast v14, $0x0;
	[tilespmem:s2+$0x100] =	vst v10;
	v10 =	vbroadcast v5, $0x0  }
0x70: {  	v15 =	vor.u32 v2, v7;
	v17 =	vor.u32 v2, v9;
	v12 =	vor.u32 v2, v11;
	[tilespmem:s2+$0xFFFFFE00] =	vst v13  }
0x71: {  	s30 =	simm.s32 $0x4220;
	p2 =	por $0x0, $0x0;
	s29 =	simm.s32 $0x10;
	v5 =	vbroadcast v16, $0x0;
	v16 =	vor.u32 v2, v8;
	v14 =	vld.idx.msk [tilespmem:v18+s28+$0x0], $0xffff;
	v13 =	vor.u32 v2, v10  }
0x72: {  	_ = 	snop  }
0x73: {  	v18 =	vmov s29;
	s0 =	simm.s32 $0x1E;
	v22 =	vor.u32 v2, v4  }
0x74: {  	s2 =	simm.s32 $0x12;
	s3 =	simm.s32 $0x14;
	v21 =	vor.u32 v2, v5;
	v23 =	vand.u32 $0x70, v18;
	v18 =	vmov s0  }
0x75: {  	s8 =	simm.s32 $0x1A;
	v19 =	vmov s2;
	s2 =	simm.s32 $0x16;
	v20 =	vmov s3;
	v18 =	vand.u32 $0x7E, v18  }
0x76: {  	v25 =	vld.idx.msk [tilespmem:v15+s28+$0x0], $0xffff;
	s3 =	simm.s32 $0x18;
	v27 =	vmov s8;
	v24 =	vmov s2;
	v26 =	vbroadcast v18, $0x0  }
0x77: {  	s11 =	simm.s32 $0x1C;
	v28 =	vld.idx.msk [tilespmem:v17+s28+$0x0], $0xffff;
	v15 =	vmov s3;
	v17 =	vand.u32 $0x72, v19;
	v29 =	vand.u32 $0x74, v20  }
0x78: {  	p5 =	por $0x1, $0x1;
	v20 =	vmov s11;
	v18 =	vld.idx.msk [tilespmem:v16+s28+$0x0], $0xffff;
	v16 =	vand.u32 $0x76, v24;
	v26 =	vor.u32 v2, v26  }
.Ltmp5:
0x79: {  	v19 =	vld.idx.msk [tilespmem:v13+s28+$0x0], $0xffff;
	v24 =	vand.u32 $0x78, v15;
	v13 =	vbroadcast v17, $0x0;
	v17 =	vand.u32 $0x7A, v27;
	(pc) =	sbr.rel @!p5 .LBB2_9-.Ltmp5, $4  }
0x7a: {  	[tilespmem:s30+$0x180] =	vst v14;
	v14 =	vand.u32 $0x7C, v20;
	v20 =	vld.idx.msk [tilespmem:v12+s28+$0x0], $0xffff;
	v12 =	vbroadcast v29, $0x0;
	v16 =	vbroadcast v16, $0x0  }
0x7b: {  	v27 =	vbroadcast v17, $0x0;
	v15 =	vor.u32 v2, v13;
	v13 =	vbroadcast v24, $0x0;
	[tilespmem:s30+$0xFFFFFE80] =	vst v25;
	v22 =	vld.idx.msk [tilespmem:v22+s28+$0x0], $0xffff  }
0x7c: {  	p4 =	por $0x1, $0x1;
	v23 =	vbroadcast v23, $0x0;
	v24 =	vbroadcast v14, $0x0;
	[tilespmem:s30+$0xFFFFFF00] =	vst v28;
	v21 =	vld.idx.msk [tilespmem:v21+s28+$0x0], $0xffff;
	v17 =	vor.u32 v2, v12  }
0x7d: {  	s31 =	simm.s32 $0x4220;
	s0 =	simm.s32 $0x20;
	s2 =	simm.s32 $0x8;
	v16 =	vor.u32 v2, v16;
	v12 =	vor.u32 v2, v27;
	v13 =	vor.u32 v2, v13;
	v14 =	vld.idx.msk [tilespmem:v26+s28+$0x0], $0xffff  }
.LBB2_10:
0x7e: {  	v25 =	vmov s0;
	s3 =	sadd.s32 $0x2, s0;
	s8 =	sadd.s32 $0xE, s0;
	s2 =	sadd.s32 $0x8, s2;
	v23 =	vor.u32 v2, v23;
	v24 =	vor.u32 v2, v24;
	[tilespmem:s31+$0xFFFFFF80] =	vst v18  }
0x7f: {  	s11 =	sadd.s32 $0x6, s0;
	v25 =	vand.u32 $0x70, v25;
	v18 =	vmov s3;
	s3 =	sadd.s32 $0x4, s0;
	v26 =	vmov s8;
	p5 =	slt.u32 s2, $0x38;
	[tilespmem:s31+$0x0] =	vst v19  }
0x80: {  	v27 =	vmov s11;
	s8 =	sadd.s32 $0xA, s0;
	s11 =	sadd.s32 $0xC, s0;
	v19 =	vmov s3;
	s3 =	sadd.s32 $0x8, s0;
	v26 =	vand.u32 $0x7E, v26;
	v28 =	vld.idx.msk [tilespmem:v15+s28+$0x0], $0xffff;
	[tilespmem:s31+$0x80] =	vst v20  }
0x81: {  	v20 =	vmov s8;
	v15 =	vmov s3;
	v26 =	vbroadcast v26, $0x0;
	v29 =	vld.idx.msk [tilespmem:v17+s28+$0x0], $0xffff;
	[tilespmem:s31+$0x100] =	vst v21  }
0x82: {  	v30 =	vmov s11;
	v17 =	vand.u32 $0x72, v18;
	v21 =	vand.u32 $0x74, v19;
	v18 =	vld.idx.msk [tilespmem:v16+s28+$0x0], $0xffff;
	[tilespmem:s31+$0xFFFFFE00] =	vst v22;
	s31 =	sadd.s32 $0x400, s31  }
0x83: {  	v16 =	vand.u32 $0x76, v27;
	v22 =	vand.u32 $0x78, v15;
	v26 =	vor.u32 v2, v26;
	v19 =	vld.idx.msk [tilespmem:v13+s28+$0x0], $0xffff;
	[tilespmem:s31+$0x180] =	vst v14  }
.Ltmp6:
0x84: {  	v27 =	vand.u32 $0x7C, v30;
	v13 =	vbroadcast v17, $0x0;
	v14 =	vand.u32 $0x7A, v20;
	v20 =	vld.idx.msk [tilespmem:v12+s28+$0x0], $0xffff;
	(pc) =	sbr.rel @p5 .LBB2_10-.Ltmp6, $4  }
0x85: {  	v16 =	vbroadcast v16, $0x0;
	v12 =	vbroadcast v21, $0x0;
	v21 =	vld.idx.msk [tilespmem:v24+s28+$0x0], $0xffff  }
0x86: {  	v14 =	vbroadcast v14, $0x0;
	v15 =	vor.u32 v2, v13;
	v13 =	vbroadcast v22, $0x0;
	v22 =	vld.idx.msk [tilespmem:v23+s28+$0x0], $0xffff;
	[tilespmem:s31+$0xFFFFFE80] =	vst v28  }
0x87: {  	v24 =	vbroadcast v27, $0x0;
	v23 =	vbroadcast v25, $0x0;
	v17 =	vor.u32 v2, v12;
	[tilespmem:s31+$0xFFFFFF00] =	vst v29  }
0x88: {  	s0 =	sadd.s32 $0x10, s0;
	v16 =	vor.u32 v2, v16;
	v12 =	vor.u32 v2, v14;
	v13 =	vor.u32 v2, v13;
	v14 =	vld.idx.msk [tilespmem:v26+s28+$0x0], $0xffff  }
.LBB2_11:
0x89: {  	_ =	sdelay $0x2  }
0x8a: {  	[tilespmem:s31+$0xFFFFFF80] =	vst @p4 v18  }
0x8b: {  	v61 =	vor.u32 v2, v24;
	[tilespmem:s31+$0x0] =	vst @p4 v19;
	v15 =	vld.idx.msk [tilespmem:v15+s28+$0x0], $0xffff  }
0x8c: {  	v62 =	vor.u32 v2, v23;
	[tilespmem:s31+$0x80] =	vst @p4 v20;
	v17 =	vld.idx.msk [tilespmem:v17+s28+$0x0], $0xffff  }
0x8d: {  	v16 =	vld.idx.msk [tilespmem:v16+s28+$0x0], $0xffff;
	s0 =	sadd.s32 @p4 $0x400, s31;
	[tilespmem:s31+$0x100] =	vst @p4 v21  }
0x8e: {  	v13 =	vld.idx.msk [tilespmem:v13+s28+$0x0], $0xffff;
	s30 =	smov.u32 @p4 s0;
	[tilespmem:s31+$0xFFFFFE00] =	vst @p4 v22  }
0x8f: {  	v12 =	vld.idx.msk [tilespmem:v12+s28+$0x0], $0xffff;
	[tilespmem:s30+$0x180] =	vst v14  }
0x90: {  	v14 =	vld.idx.msk [tilespmem:v61+s28+$0x0], $0xffff;
	[tilespmem:s30+$0xFFFFFE80] =	vst v15  }
0x91: {  	v15 =	vld.idx.msk [tilespmem:v62+s28+$0x0], $0xffff;
	[tilespmem:s30+$0xFFFFFF00] =	vst v17  }
0x92: {  	v63 =	vor.u32 v3, v6;
	[tilespmem:s30+$0xFFFFFF80] =	vst v16  }
.Ltmp7:
0x93: {  	[tilespmem:s30+$0x0] =	vst v13;
	(pc) =	sbr.rel @!p3 .LBB2_12-.Ltmp7, $4  }
0x94: {  	[tilespmem:s30+$0x80] =	vst v12  }
0x95: {  	[tilespmem:s30+$0x100] =	vst v14  }
0x96: {  	v6 =	vor.u32 v3, v11;
	v12 =	vor.u32 v3, v7;
	[tilespmem:s30+$0xFFFFFE00] =	vst v15  }
0x97: {  	v13 =	vor.u32 v3, v9;
	s28 =	simm.s32 $0x4230;
	v9 =	vor.u32 v3, v8;
	v8 =	vor.u32 v3, v10;
	v7 =	vld.idx.msk [tilespmem:v63+s4+$0x0], $0xffff  }
0x98: {  	_ = 	snop  }
0x99: {  	v10 =	vmov s29;
	s0 =	simm.s32 $0x1E;
	v4 =	vor.u32 v3, v4  }
0x9a: {  	s2 =	simm.s32 $0x12;
	v5 =	vor.u32 v3, v5;
	s3 =	simm.s32 $0x14;
	v17 =	vand.u32 $0x70, v10;
	v10 =	vmov s0  }
0x9b: {  	s8 =	simm.s32 $0x16;
	s11 =	simm.s32 $0x18;
	v11 =	vmov s2;
	v14 =	vmov s3;
	v10 =	vand.u32 $0x7E, v10  }
0x9c: {  	s30 =	simm.s32 $0x1A;
	v16 =	vld.idx.msk [tilespmem:v12+s4+$0x0], $0xffff;
	s31 =	simm.s32 $0x1C;
	v15 =	vmov s8;
	v12 =	vmov s11;
	v18 =	vbroadcast v10, $0x0  }
0x9d: {  	v20 =	vld.idx.msk [tilespmem:v13+s4+$0x0], $0xffff;
	v19 =	vmov s30;
	v21 =	vmov s31;
	v11 =	vand.u32 $0x72, v11  }
0x9e: {  	p3 =	por $0x1, $0x1;
	v13 =	vand.u32 $0x74, v14;
	v22 =	vand.u32 $0x78, v12;
	v14 =	vld.idx.msk [tilespmem:v8+s4+$0x0], $0xffff;
	v18 =	vor.u32 v3, v18  }
.Ltmp8:
0x9f: {  	v19 =	vand.u32 $0x7A, v19;
	v10 =	vld.idx.msk [tilespmem:v9+s4+$0x0], $0xffff;
	v9 =	vand.u32 $0x76, v15;
	v8 =	vbroadcast v11, $0x0;
	(pc) =	sbr.rel @!p3 .LBB2_14-.Ltmp8, $4  }
0xa0: {  	v15 =	vld.idx.msk [tilespmem:v6+s4+$0x0], $0xffff;
	v6 =	vbroadcast v13, $0x0;
	v19 =	vbroadcast v19, $0x0;
	[tilespmem:s28+$0x180] =	vst v7;
	v7 =	vand.u32 $0x7C, v21  }
0xa1: {  	v9 =	vbroadcast v9, $0x0;
	v11 =	vld.idx.msk [tilespmem:v5+s4+$0x0], $0xffff;
	v12 =	vor.u32 v3, v8;
	v8 =	vbroadcast v22, $0x0;
	[tilespmem:s28+$0xFFFFFE80] =	vst v16  }
0xa2: {  	p2 =	por $0x1, $0x1;
	v16 =	vld.idx.msk [tilespmem:v4+s4+$0x0], $0xffff;
	v4 =	vbroadcast v17, $0x0;
	v13 =	vor.u32 v3, v6;
	v5 =	vbroadcast v7, $0x0;
	[tilespmem:s28+$0xFFFFFF00] =	vst v20  }
0xa3: {  	s29 =	simm.s32 $0x4230;
	s2 =	simm.s32 $0x8;
	s0 =	simm.s32 $0x20;
	v6 =	vor.u32 v3, v19;
	v9 =	vor.u32 v3, v9;
	v8 =	vor.u32 v3, v8;
	v7 =	vld.idx.msk [tilespmem:v18+s4+$0x0], $0xffff  }
.LBB2_15:
0xa4: {  	v17 =	vmov s0;
	s3 =	sadd.s32 $0x2, s0;
	s8 =	sadd.s32 $0xE, s0;
	s2 =	sadd.s32 $0x8, s2;
	v4 =	vor.u32 v3, v4;
	v5 =	vor.u32 v3, v5;
	[tilespmem:s29+$0xFFFFFF80] =	vst v10  }
0xa5: {  	s11 =	sadd.s32 $0x6, s0;
	v17 =	vand.u32 $0x70, v17;
	v10 =	vmov s3;
	s3 =	sadd.s32 $0x4, s0;
	v18 =	vmov s8;
	p3 =	slt.u32 s2, $0x38;
	[tilespmem:s29+$0x0] =	vst v14  }
0xa6: {  	v19 =	vmov s11;
	s8 =	sadd.s32 $0xA, s0;
	s11 =	sadd.s32 $0xC, s0;
	v14 =	vmov s3;
	s3 =	sadd.s32 $0x8, s0;
	v18 =	vand.u32 $0x7E, v18;
	v20 =	vld.idx.msk [tilespmem:v12+s4+$0x0], $0xffff;
	[tilespmem:s29+$0x80] =	vst v15  }
0xa7: {  	v15 =	vmov s8;
	v12 =	vmov s3;
	v18 =	vbroadcast v18, $0x0;
	v21 =	vld.idx.msk [tilespmem:v13+s4+$0x0], $0xffff;
	[tilespmem:s29+$0x100] =	vst v11  }
0xa8: {  	v22 =	vmov s11;
	v11 =	vand.u32 $0x72, v10;
	v13 =	vand.u32 $0x74, v14;
	v10 =	vld.idx.msk [tilespmem:v9+s4+$0x0], $0xffff;
	[tilespmem:s29+$0xFFFFFE00] =	vst v16;
	s29 =	sadd.s32 $0x400, s29  }
0xa9: {  	v9 =	vand.u32 $0x76, v19;
	v16 =	vand.u32 $0x78, v12;
	v18 =	vor.u32 v3, v18;
	v14 =	vld.idx.msk [tilespmem:v8+s4+$0x0], $0xffff;
	[tilespmem:s29+$0x180] =	vst v7  }
.Ltmp9:
0xaa: {  	v19 =	vand.u32 $0x7C, v22;
	v7 =	vbroadcast v11, $0x0;
	v8 =	vand.u32 $0x7A, v15;
	v15 =	vld.idx.msk [tilespmem:v6+s4+$0x0], $0xffff;
	(pc) =	sbr.rel @p3 .LBB2_15-.Ltmp9, $4  }
0xab: {  	v9 =	vbroadcast v9, $0x0;
	v6 =	vbroadcast v13, $0x0;
	v11 =	vld.idx.msk [tilespmem:v5+s4+$0x0], $0xffff  }
0xac: {  	v22 =	vbroadcast v8, $0x0;
	v12 =	vor.u32 v3, v7;
	v7 =	vbroadcast v16, $0x0;
	v16 =	vld.idx.msk [tilespmem:v4+s4+$0x0], $0xffff;
	[tilespmem:s29+$0xFFFFFE80] =	vst v20  }
0xad: {  	v5 =	vbroadcast v19, $0x0;
	v4 =	vbroadcast v17, $0x0;
	v13 =	vor.u32 v3, v6;
	[tilespmem:s29+$0xFFFFFF00] =	vst v21  }
0xae: {  	s0 =	sadd.s32 $0x10, s0;
	v9 =	vor.u32 v3, v9;
	v6 =	vor.u32 v3, v22;
	v8 =	vor.u32 v3, v7;
	v7 =	vld.idx.msk [tilespmem:v18+s4+$0x0], $0xffff  }
.LBB2_16:
0xaf: {  	_ =	sdelay $0x3  }
0xb0: {  	[tilespmem:s29+$0xFFFFFF80] =	vst @p2 v10;
	v10 =	vld.idx.msk [tilespmem:v12+s4+$0x0], $0xffff  }
0xb1: {  	[tilespmem:s29+$0x0] =	vst @p2 v14;
	v5 =	vor.u32 v3, v5;
	v12 =	vld.idx.msk [tilespmem:v13+s4+$0x0], $0xffff  }
0xb2: {  	[tilespmem:s29+$0x80] =	vst @p2 v15;
	v4 =	vor.u32 v3, v4;
	s0 =	sadd.s32 @p2 $0x400, s29;
	v9 =	vld.idx.msk [tilespmem:v9+s4+$0x0], $0xffff  }
0xb3: {  	s2 =	simm.s32 $0xF;
	s3 =	simm.s32 $0x3;
	s8 =	simm.s32 $0xD;
	v8 =	vld.idx.msk [tilespmem:v8+s4+$0x0], $0xffff;
	[tilespmem:s29+$0x100] =	vst @p2 v11  }
0xb4: {  	s11 =	simm.s32 $0x1;
	s28 =	smov.u32 @p2 s0;
	v11 =	vmov s2;
	v13 =	vmov s3;
	v14 =	vmov s8;
	[tilespmem:s29+$0xFFFFFE00] =	vst @p2 v16  }
0xb5: {  	v15 =	vld.idx.msk [tilespmem:v6+s4+$0x0], $0xffff;
	s3 =	simm.s32 $0x5;
	v17 =	vand.u32 $0x7F, v11;
	v6 =	vand.u32 $0x7D, v14;
	v11 =	vmov s11;
	[tilespmem:s28+$0x180] =	vst v7  }
0xb6: {  	s30 =	simm.s32 $0x9;
	s8 =	simm.s32 $0x7;
	v13 =	vand.u32 $0x73, v13;
	v6 =	vbroadcast v6, $0x0;
	v7 =	vmov s3;
	v5 =	vld.idx.msk [tilespmem:v5+s4+$0x0], $0xffff;
	[tilespmem:s28+$0xFFFFFE80] =	vst v10  }
0xb7: {  	s31 =	simm.s32 $0xB;
	v11 =	vand.u32 $0x71, v11;
	v10 =	vmov s8;
	v4 =	vld.idx.msk [tilespmem:v4+s4+$0x0], $0xffff;
	[tilespmem:s28+$0xFFFFFF00] =	vst v12;
	v12 =	vmov s30  }
0xb8: {  	p3 =	por $0x1, $0x1;
	[tilespmem:s28+$0xFFFFFF80] =	vst v9;
	v9 =	vmov s31;
	v14 =	vand.u32 $0x75, v7;
	v18 =	vor.u32 v0, v6  }
.Ltmp10:
0xb9: {  	[tilespmem:s28+$0x0] =	vst v8;
	v7 =	vbroadcast v11, $0x0;
	v10 =	vand.u32 $0x77, v10;
	v11 =	vand.u32 $0x79, v12;
	(pc) =	sbr.rel @!p3 .LBB2_17-.Ltmp10, $4  }
0xba: {  	[tilespmem:s28+$0x80] =	vst v15;
	v12 =	vand.u32 $0x7B, v9;
	v9 =	vbroadcast v13, $0x0;
	v10 =	vbroadcast v10, $0x0  }
0xbb: {  	v8 =	vbroadcast v14, $0x0;
	v15 =	vor.u32 v0, v7;
	v11 =	vbroadcast v11, $0x0;
	[tilespmem:s28+$0x100] =	vst v5  }
0xbc: {  	v16 =	vor.u32 v0, v9;
	v13 =	vor.u32 v0, v10;
	[tilespmem:s28+$0xFFFFFE00] =	vst v4;
	v5 =	vbroadcast v12, $0x0  }
0xbd: {  	s29 =	simm.s32 $0x1F;
	p2 =	por $0x0, $0x0;
	v4 =	vbroadcast v17, $0x0;
	s28 =	simm.s32 $0x4240;
	v17 =	vor.u32 v0, v8;
	v12 =	vor.u32 v0, v11;
	v14 =	vld.idx.msk [tilespmem:v18+s4+$0x0], $0xffff  }
0xbe: {  	_ = 	snop  }
0xbf: {  	s0 =	simm.s32 $0x13;
	s2 =	simm.s32 $0x1D;
	v18 =	vmov s29;
	v21 =	vor.u32 v0, v5  }
0xc0: {  	s31 =	simm.s32 $0x15;
	v22 =	vor.u32 v0, v4;
	v19 =	vmov s0;
	v20 =	vmov s2  }
0xc1: {  	s3 =	simm.s32 $0x11;
	s11 =	simm.s32 $0x19;
	v23 =	vand.u32 $0x7F, v18;
	v24 =	vmov s31;
	v18 =	vand.u32 $0x7D, v20  }
0xc2: {  	s8 =	simm.s32 $0x17;
	v25 =	vld.idx.msk [tilespmem:v15+s4+$0x0], $0xffff;
	v15 =	vmov s3;
	v27 =	vmov s11;
	v26 =	vbroadcast v18, $0x0  }
0xc3: {  	v28 =	vld.idx.msk [tilespmem:v16+s4+$0x0], $0xffff;
	s31 =	simm.s32 $0x1B;
	v20 =	vmov s8;
	v15 =	vand.u32 $0x71, v15;
	v16 =	vand.u32 $0x73, v19  }
0xc4: {  	p5 =	por $0x1, $0x1;
	v29 =	vmov s31;
	v19 =	vld.idx.msk [tilespmem:v13+s4+$0x0], $0xffff;
	v27 =	vand.u32 $0x79, v27;
	v26 =	vor.u32 v0, v26  }
.Ltmp11:
0xc5: {  	v18 =	vld.idx.msk [tilespmem:v17+s4+$0x0], $0xffff;
	v17 =	vand.u32 $0x75, v24;
	v24 =	vand.u32 $0x77, v20;
	v13 =	vbroadcast v15, $0x0;
	(pc) =	sbr.rel @!p5 .LBB2_19-.Ltmp11, $4  }
0xc6: {  	v20 =	vld.idx.msk [tilespmem:v12+s4+$0x0], $0xffff;
	v12 =	vbroadcast v16, $0x0;
	v27 =	vbroadcast v27, $0x0;
	[tilespmem:s28+$0x100] =	vst v14;
	v14 =	vand.u32 $0x7B, v29  }
0xc7: {  	v17 =	vbroadcast v17, $0x0;
	v21 =	vld.idx.msk [tilespmem:v21+s4+$0x0], $0xffff;
	v15 =	vor.u32 v0, v13;
	v13 =	vbroadcast v24, $0x0;
	[tilespmem:s28+$0xFFFFFE00] =	vst v25  }
0xc8: {  	p4 =	por $0x1, $0x1;
	v23 =	vbroadcast v23, $0x0;
	v16 =	vor.u32 v0, v12;
	v24 =	vbroadcast v14, $0x0;
	[tilespmem:s28+$0xFFFFFE80] =	vst v28;
	v22 =	vld.idx.msk [tilespmem:v22+s4+$0x0], $0xffff  }
0xc9: {  	s30 =	simm.s32 $0x4240;
	s2 =	simm.s32 $0x8;
	s0 =	simm.s32 $0x2F;
	v12 =	vor.u32 v0, v27;
	v17 =	vor.u32 v0, v17;
	v13 =	vor.u32 v0, v13;
	v14 =	vld.idx.msk [tilespmem:v26+s4+$0x0], $0xffff  }
.LBB2_20:
0xca: {  	s3 =	sadd.s32 $0xFFFFFFF4, s0;
	s8 =	sadd.s32 $0xFFFFFFFE, s0;
	v25 =	vmov s0;
	s2 =	sadd.s32 $0x8, s2;
	v24 =	vor.u32 v0, v24;
	v23 =	vor.u32 v0, v23;
	[tilespmem:s30+$0xFFFFFF00] =	vst v18  }
0xcb: {  	s11 =	sadd.s32 $0xFFFFFFF8, s0;
	v18 =	vmov s3;
	s3 =	sadd.s32 $0xFFFFFFF6, s0;
	v26 =	vmov s8;
	v25 =	vand.u32 $0x7F, v25;
	p5 =	slt.u32 s2, $0x38;
	[tilespmem:s30+$0xFFFFFF80] =	vst v19  }
0xcc: {  	s8 =	sadd.s32 $0xFFFFFFF2, s0;
	v27 =	vmov s11;
	s11 =	sadd.s32 $0xFFFFFFFC, s0;
	v19 =	vmov s3;
	s3 =	sadd.s32 $0xFFFFFFFA, s0;
	v26 =	vand.u32 $0x7D, v26;
	v28 =	vld.idx.msk [tilespmem:v15+s4+$0x0], $0xffff;
	[tilespmem:s30+$0x0] =	vst v20  }
0xcd: {  	v15 =	vmov s8;
	v20 =	vmov s3;
	v26 =	vbroadcast v26, $0x0;
	v29 =	vld.idx.msk [tilespmem:v16+s4+$0x0], $0xffff;
	[tilespmem:s30+$0x80] =	vst v21  }
0xce: {  	v15 =	vand.u32 $0x71, v15;
	v16 =	vand.u32 $0x73, v18;
	v21 =	vmov s11;
	v18 =	vld.idx.msk [tilespmem:v17+s4+$0x0], $0xffff;
	[tilespmem:s30+$0x180] =	vst v22;
	s30 =	sadd.s32 $0x400, s30  }
0xcf: {  	v17 =	vand.u32 $0x75, v19;
	v22 =	vand.u32 $0x77, v27;
	v26 =	vor.u32 v0, v26;
	v19 =	vld.idx.msk [tilespmem:v13+s4+$0x0], $0xffff;
	[tilespmem:s30+$0x100] =	vst v14  }
.Ltmp12:
0xd0: {  	v27 =	vand.u32 $0x7B, v21;
	v13 =	vbroadcast v15, $0x0;
	v14 =	vand.u32 $0x79, v20;
	v20 =	vld.idx.msk [tilespmem:v12+s4+$0x0], $0xffff;
	(pc) =	sbr.rel @p5 .LBB2_20-.Ltmp12, $4  }
0xd1: {  	v17 =	vbroadcast v17, $0x0;
	v12 =	vbroadcast v16, $0x0;
	v21 =	vld.idx.msk [tilespmem:v24+s4+$0x0], $0xffff  }
0xd2: {  	v14 =	vbroadcast v14, $0x0;
	v15 =	vor.u32 v0, v13;
	v13 =	vbroadcast v22, $0x0;
	[tilespmem:s30+$0xFFFFFE00] =	vst v28;
	v22 =	vld.idx.msk [tilespmem:v23+s4+$0x0], $0xffff  }
0xd3: {  	v24 =	vbroadcast v27, $0x0;
	v16 =	vor.u32 v0, v12;
	v23 =	vbroadcast v25, $0x0;
	[tilespmem:s30+$0xFFFFFE80] =	vst v29  }
0xd4: {  	s0 =	sadd.s32 $0x10, s0;
	v17 =	vor.u32 v0, v17;
	v12 =	vor.u32 v0, v14;
	v13 =	vor.u32 v0, v13;
	v14 =	vld.idx.msk [tilespmem:v26+s4+$0x0], $0xffff  }
.LBB2_21:
0xd5: {  	_ =	sdelay $0x2  }
0xd6: {  	[tilespmem:s30+$0xFFFFFF00] =	vst @p4 v18  }
0xd7: {  	v61 =	vor.u32 v0, v24;
	[tilespmem:s30+$0xFFFFFF80] =	vst @p4 v19;
	v15 =	vld.idx.msk [tilespmem:v15+s4+$0x0], $0xffff  }
0xd8: {  	v62 =	vor.u32 v0, v23;
	[tilespmem:s30+$0x0] =	vst @p4 v20;
	v16 =	vld.idx.msk [tilespmem:v16+s4+$0x0], $0xffff  }
0xd9: {  	v17 =	vld.idx.msk [tilespmem:v17+s4+$0x0], $0xffff;
	s0 =	sadd.s32 @p4 $0x400, s30;
	[tilespmem:s30+$0x80] =	vst @p4 v21  }
0xda: {  	v13 =	vld.idx.msk [tilespmem:v13+s4+$0x0], $0xffff;
	s28 =	smov.u32 @p4 s0;
	[tilespmem:s30+$0x180] =	vst @p4 v22  }
0xdb: {  	v12 =	vld.idx.msk [tilespmem:v12+s4+$0x0], $0xffff;
	[tilespmem:s28+$0x100] =	vst v14  }
0xdc: {  	v14 =	vld.idx.msk [tilespmem:v61+s4+$0x0], $0xffff;
	[tilespmem:s28+$0xFFFFFE00] =	vst v15  }
0xdd: {  	v15 =	vld.idx.msk [tilespmem:v62+s4+$0x0], $0xffff;
	[tilespmem:s28+$0xFFFFFE80] =	vst v16  }
0xde: {  	v63 =	vor.u32 v1, v6;
	[tilespmem:s28+$0xFFFFFF00] =	vst v17  }
.Ltmp13:
0xdf: {  	[tilespmem:s28+$0xFFFFFF80] =	vst v13;
	(pc) =	sbr.rel @!p3 .LBB2_22-.Ltmp13, $4  }
0xe0: {  	[tilespmem:s28+$0x0] =	vst v12  }
0xe1: {  	[tilespmem:s28+$0x80] =	vst v14  }
0xe2: {  	v6 =	vor.u32 v1, v11;
	v12 =	vor.u32 v1, v7;
	[tilespmem:s28+$0x180] =	vst v15  }
0xe3: {  	v13 =	vor.u32 v1, v9;
	v9 =	vor.u32 v1, v8;
	v8 =	vor.u32 v1, v10;
	s28 =	simm.s32 $0x4250;
	v7 =	vld.idx.msk [tilespmem:v63+s4+$0x0], $0xffff  }
0xe4: {  	_ = 	snop  }
0xe5: {  	s0 =	simm.s32 $0x13;
	s2 =	simm.s32 $0x1D;
	v10 =	vmov s29;
	v5 =	vor.u32 v1, v5  }
0xe6: {  	v4 =	vor.u32 v1, v4;
	s8 =	simm.s32 $0x15;
	v11 =	vmov s0;
	v14 =	vmov s2  }
0xe7: {  	s3 =	simm.s32 $0x11;
	s30 =	simm.s32 $0x19;
	v17 =	vand.u32 $0x7F, v10;
	v15 =	vmov s8;
	v10 =	vand.u32 $0x7D, v14  }
0xe8: {  	s11 =	simm.s32 $0x17;
	v16 =	vld.idx.msk [tilespmem:v12+s4+$0x0], $0xffff;
	s31 =	simm.s32 $0x1B;
	v12 =	vmov s3;
	v19 =	vmov s30;
	v18 =	vbroadcast v10, $0x0  }
0xe9: {  	v20 =	vld.idx.msk [tilespmem:v13+s4+$0x0], $0xffff;
	v13 =	vmov s31;
	v14 =	vmov s11;
	v12 =	vand.u32 $0x71, v12  }
0xea: {  	p3 =	por $0x1, $0x1;
	v11 =	vand.u32 $0x73, v11;
	v19 =	vand.u32 $0x79, v19;
	v10 =	vld.idx.msk [tilespmem:v9+s4+$0x0], $0xffff;
	v18 =	vor.u32 v1, v18  }
.Ltmp14:
0xeb: {  	v9 =	vand.u32 $0x75, v15;
	v21 =	vand.u32 $0x77, v14;
	v14 =	vld.idx.msk [tilespmem:v8+s4+$0x0], $0xffff;
	v8 =	vbroadcast v12, $0x0;
	(pc) =	sbr.rel @!p3 .LBB2_24-.Ltmp14, $4  }
0xec: {  	v15 =	vld.idx.msk [tilespmem:v6+s4+$0x0], $0xffff;
	v6 =	vbroadcast v11, $0x0;
	v19 =	vbroadcast v19, $0x0;
	[tilespmem:s28+$0x100] =	vst v7;
	v7 =	vand.u32 $0x7B, v13  }
0xed: {  	v9 =	vbroadcast v9, $0x0;
	v11 =	vld.idx.msk [tilespmem:v5+s4+$0x0], $0xffff;
	v12 =	vor.u32 v1, v8;
	v8 =	vbroadcast v21, $0x0;
	[tilespmem:s28+$0xFFFFFE00] =	vst v16  }
0xee: {  	p2 =	por $0x1, $0x1;
	v16 =	vld.idx.msk [tilespmem:v4+s4+$0x0], $0xffff;
	v13 =	vor.u32 v1, v6;
	v5 =	vbroadcast v7, $0x0;
	v4 =	vbroadcast v17, $0x0;
	[tilespmem:s28+$0xFFFFFE80] =	vst v20  }
0xef: {  	s29 =	simm.s32 $0x4250;
	s2 =	simm.s32 $0x8;
	s0 =	simm.s32 $0x2F;
	v6 =	vor.u32 v1, v19;
	v9 =	vor.u32 v1, v9;
	v8 =	vor.u32 v1, v8;
	v7 =	vld.idx.msk [tilespmem:v18+s4+$0x0], $0xffff  }
.LBB2_25:
0xf0: {  	s3 =	sadd.s32 $0xFFFFFFF4, s0;
	s8 =	sadd.s32 $0xFFFFFFFE, s0;
	v17 =	vmov s0;
	s2 =	sadd.s32 $0x8, s2;
	v5 =	vor.u32 v1, v5;
	v4 =	vor.u32 v1, v4;
	[tilespmem:s29+$0xFFFFFF00] =	vst v10  }
0xf1: {  	s11 =	sadd.s32 $0xFFFFFFF8, s0;
	v10 =	vmov s3;
	s3 =	sadd.s32 $0xFFFFFFF6, s0;
	v18 =	vmov s8;
	v17 =	vand.u32 $0x7F, v17;
	p3 =	slt.u32 s2, $0x38;
	[tilespmem:s29+$0xFFFFFF80] =	vst v14  }
0xf2: {  	s8 =	sadd.s32 $0xFFFFFFF2, s0;
	v19 =	vmov s11;
	s11 =	sadd.s32 $0xFFFFFFFC, s0;
	v14 =	vmov s3;
	s3 =	sadd.s32 $0xFFFFFFFA, s0;
	v18 =	vand.u32 $0x7D, v18;
	v20 =	vld.idx.msk [tilespmem:v12+s4+$0x0], $0xffff;
	[tilespmem:s29+$0x0] =	vst v15  }
0xf3: {  	v12 =	vmov s8;
	v15 =	vmov s3;
	v18 =	vbroadcast v18, $0x0;
	v21 =	vld.idx.msk [tilespmem:v13+s4+$0x0], $0xffff;
	[tilespmem:s29+$0x80] =	vst v11  }
0xf4: {  	v11 =	vand.u32 $0x71, v12;
	v12 =	vand.u32 $0x73, v10;
	v13 =	vmov s11;
	v10 =	vld.idx.msk [tilespmem:v9+s4+$0x0], $0xffff;
	[tilespmem:s29+$0x180] =	vst v16;
	s29 =	sadd.s32 $0x400, s29  }
0xf5: {  	v9 =	vand.u32 $0x75, v14;
	v16 =	vand.u32 $0x77, v19;
	v18 =	vor.u32 v1, v18;
	v14 =	vld.idx.msk [tilespmem:v8+s4+$0x0], $0xffff;
	[tilespmem:s29+$0x100] =	vst v7  }
.Ltmp15:
0xf6: {  	v19 =	vand.u32 $0x7B, v13;
	v7 =	vbroadcast v11, $0x0;
	v8 =	vand.u32 $0x79, v15;
	v15 =	vld.idx.msk [tilespmem:v6+s4+$0x0], $0xffff;
	(pc) =	sbr.rel @p3 .LBB2_25-.Ltmp15, $4  }
0xf7: {  	v9 =	vbroadcast v9, $0x0;
	v6 =	vbroadcast v12, $0x0;
	v11 =	vld.idx.msk [tilespmem:v5+s4+$0x0], $0xffff  }
0xf8: {  	v22 =	vbroadcast v8, $0x0;
	v12 =	vor.u32 v1, v7;
	v7 =	vbroadcast v16, $0x0;
	[tilespmem:s29+$0xFFFFFE00] =	vst v20;
	v16 =	vld.idx.msk [tilespmem:v4+s4+$0x0], $0xffff  }
0xf9: {  	v5 =	vbroadcast v19, $0x0;
	v13 =	vor.u32 v1, v6;
	v4 =	vbroadcast v17, $0x0;
	[tilespmem:s29+$0xFFFFFE80] =	vst v21  }
0xfa: {  	s0 =	sadd.s32 $0x10, s0;
	v9 =	vor.u32 v1, v9;
	v6 =	vor.u32 v1, v22;
	v8 =	vor.u32 v1, v7;
	v7 =	vld.idx.msk [tilespmem:v18+s4+$0x0], $0xffff  }
.LBB2_26:
0xfb: {  	_ =	sdelay $0x3  }
0xfc: {  	[tilespmem:s29+$0xFFFFFF00] =	vst @p2 v10;
	v10 =	vld.idx.msk [tilespmem:v12+s4+$0x0], $0xffff  }
0xfd: {  	[tilespmem:s29+$0xFFFFFF80] =	vst @p2 v14;
	v5 =	vor.u32 v1, v5;
	v12 =	vld.idx.msk [tilespmem:v13+s4+$0x0], $0xffff  }
0xfe: {  	[tilespmem:s29+$0x0] =	vst @p2 v15;
	v4 =	vor.u32 v1, v4;
	s0 =	sadd.s32 @p2 $0x400, s29;
	v9 =	vld.idx.msk [tilespmem:v9+s4+$0x0], $0xffff  }
0xff: {  	s2 =	simm.s32 $0xF;
	s3 =	simm.s32 $0x3;
	s8 =	simm.s32 $0xD;
	v8 =	vld.idx.msk [tilespmem:v8+s4+$0x0], $0xffff;
	[tilespmem:s29+$0x80] =	vst @p2 v11  }
0x100: {  	s11 =	simm.s32 $0x1;
	s28 =	smov.u32 @p2 s0;
	v11 =	vmov s2;
	v13 =	vmov s3;
	v14 =	vmov s8;
	[tilespmem:s29+$0x180] =	vst @p2 v16  }
0x101: {  	v15 =	vld.idx.msk [tilespmem:v6+s4+$0x0], $0xffff;
	s3 =	simm.s32 $0x5;
	v17 =	vand.u32 $0x7F, v11;
	v6 =	vand.u32 $0x7D, v14;
	v11 =	vmov s11;
	[tilespmem:s28+$0x100] =	vst v7  }
0x102: {  	s30 =	simm.s32 $0x9;
	s8 =	simm.s32 $0x7;
	v13 =	vand.u32 $0x73, v13;
	v6 =	vbroadcast v6, $0x0;
	v7 =	vmov s3;
	v5 =	vld.idx.msk [tilespmem:v5+s4+$0x0], $0xffff;
	[tilespmem:s28+$0xFFFFFE00] =	vst v10  }
0x103: {  	s31 =	simm.s32 $0xB;
	v11 =	vand.u32 $0x71, v11;
	v10 =	vmov s8;
	v4 =	vld.idx.msk [tilespmem:v4+s4+$0x0], $0xffff;
	[tilespmem:s28+$0xFFFFFE80] =	vst v12;
	v12 =	vmov s30  }
0x104: {  	p3 =	por $0x1, $0x1;
	[tilespmem:s28+$0xFFFFFF00] =	vst v9;
	v9 =	vmov s31;
	v14 =	vand.u32 $0x75, v7;
	v18 =	vor.u32 v2, v6  }
.Ltmp16:
0x105: {  	[tilespmem:s28+$0xFFFFFF80] =	vst v8;
	v7 =	vbroadcast v11, $0x0;
	v10 =	vand.u32 $0x77, v10;
	v11 =	vand.u32 $0x79, v12;
	(pc) =	sbr.rel @!p3 .LBB2_27-.Ltmp16, $4  }
0x106: {  	[tilespmem:s28+$0x0] =	vst v15;
	v12 =	vand.u32 $0x7B, v9;
	v9 =	vbroadcast v13, $0x0;
	v10 =	vbroadcast v10, $0x0  }
0x107: {  	v8 =	vbroadcast v14, $0x0;
	v15 =	vor.u32 v2, v7;
	v11 =	vbroadcast v11, $0x0;
	[tilespmem:s28+$0x80] =	vst v5  }
0x108: {  	v16 =	vor.u32 v2, v9;
	v13 =	vor.u32 v2, v10;
	[tilespmem:s28+$0x180] =	vst v4;
	v5 =	vbroadcast v12, $0x0  }
0x109: {  	s29 =	simm.s32 $0x4260;
	p2 =	por $0x0, $0x0;
	v4 =	vbroadcast v17, $0x0;
	v17 =	vor.u32 v2, v8;
	v12 =	vor.u32 v2, v11;
	s28 =	simm.s32 $0x1F;
	v14 =	vld.idx.msk [tilespmem:v18+s4+$0x0], $0xffff  }
0x10a: {  	_ = 	snop  }
0x10b: {  	s0 =	simm.s32 $0x13;
	s2 =	simm.s32 $0x1D;
	v18 =	vmov s28;
	v21 =	vor.u32 v2, v5  }
0x10c: {  	s31 =	simm.s32 $0x15;
	v22 =	vor.u32 v2, v4;
	v19 =	vmov s0;
	v20 =	vmov s2  }
0x10d: {  	s3 =	simm.s32 $0x11;
	s11 =	simm.s32 $0x19;
	v23 =	vand.u32 $0x7F, v18;
	v24 =	vmov s31;
	v18 =	vand.u32 $0x7D, v20  }
0x10e: {  	s8 =	simm.s32 $0x17;
	v25 =	vld.idx.msk [tilespmem:v15+s4+$0x0], $0xffff;
	v15 =	vmov s3;
	v27 =	vmov s11;
	v26 =	vbroadcast v18, $0x0  }
0x10f: {  	v28 =	vld.idx.msk [tilespmem:v16+s4+$0x0], $0xffff;
	s31 =	simm.s32 $0x1B;
	v20 =	vmov s8;
	v15 =	vand.u32 $0x71, v15;
	v16 =	vand.u32 $0x73, v19  }
0x110: {  	p5 =	por $0x1, $0x1;
	v29 =	vmov s31;
	v19 =	vld.idx.msk [tilespmem:v13+s4+$0x0], $0xffff;
	v27 =	vand.u32 $0x79, v27;
	v26 =	vor.u32 v2, v26  }
.Ltmp17:
0x111: {  	v18 =	vld.idx.msk [tilespmem:v17+s4+$0x0], $0xffff;
	v17 =	vand.u32 $0x75, v24;
	v24 =	vand.u32 $0x77, v20;
	v13 =	vbroadcast v15, $0x0;
	(pc) =	sbr.rel @!p5 .LBB2_29-.Ltmp17, $4  }
0x112: {  	v20 =	vld.idx.msk [tilespmem:v12+s4+$0x0], $0xffff;
	v12 =	vbroadcast v16, $0x0;
	v27 =	vbroadcast v27, $0x0;
	[tilespmem:s29+$0x100] =	vst v14;
	v14 =	vand.u32 $0x7B, v29  }
0x113: {  	v17 =	vbroadcast v17, $0x0;
	v21 =	vld.idx.msk [tilespmem:v21+s4+$0x0], $0xffff;
	v15 =	vor.u32 v2, v13;
	v13 =	vbroadcast v24, $0x0;
	[tilespmem:s29+$0xFFFFFE00] =	vst v25  }
0x114: {  	p4 =	por $0x1, $0x1;
	v23 =	vbroadcast v23, $0x0;
	v16 =	vor.u32 v2, v12;
	v24 =	vbroadcast v14, $0x0;
	[tilespmem:s29+$0xFFFFFE80] =	vst v28;
	v22 =	vld.idx.msk [tilespmem:v22+s4+$0x0], $0xffff  }
0x115: {  	s30 =	simm.s32 $0x4260;
	s2 =	simm.s32 $0x8;
	s0 =	simm.s32 $0x2F;
	v12 =	vor.u32 v2, v27;
	v17 =	vor.u32 v2, v17;
	v13 =	vor.u32 v2, v13;
	v14 =	vld.idx.msk [tilespmem:v26+s4+$0x0], $0xffff  }
.LBB2_30:
0x116: {  	s3 =	sadd.s32 $0xFFFFFFF4, s0;
	s8 =	sadd.s32 $0xFFFFFFFE, s0;
	v25 =	vmov s0;
	s2 =	sadd.s32 $0x8, s2;
	v24 =	vor.u32 v2, v24;
	v23 =	vor.u32 v2, v23;
	[tilespmem:s30+$0xFFFFFF00] =	vst v18  }
0x117: {  	s11 =	sadd.s32 $0xFFFFFFF8, s0;
	v18 =	vmov s3;
	s3 =	sadd.s32 $0xFFFFFFF6, s0;
	v26 =	vmov s8;
	v25 =	vand.u32 $0x7F, v25;
	p5 =	slt.u32 s2, $0x38;
	[tilespmem:s30+$0xFFFFFF80] =	vst v19  }
0x118: {  	s8 =	sadd.s32 $0xFFFFFFF2, s0;
	v27 =	vmov s11;
	s11 =	sadd.s32 $0xFFFFFFFC, s0;
	v19 =	vmov s3;
	s3 =	sadd.s32 $0xFFFFFFFA, s0;
	v26 =	vand.u32 $0x7D, v26;
	v28 =	vld.idx.msk [tilespmem:v15+s4+$0x0], $0xffff;
	[tilespmem:s30+$0x0] =	vst v20  }
0x119: {  	v15 =	vmov s8;
	v20 =	vmov s3;
	v26 =	vbroadcast v26, $0x0;
	v29 =	vld.idx.msk [tilespmem:v16+s4+$0x0], $0xffff;
	[tilespmem:s30+$0x80] =	vst v21  }
0x11a: {  	v15 =	vand.u32 $0x71, v15;
	v16 =	vand.u32 $0x73, v18;
	v21 =	vmov s11;
	v18 =	vld.idx.msk [tilespmem:v17+s4+$0x0], $0xffff;
	[tilespmem:s30+$0x180] =	vst v22;
	s30 =	sadd.s32 $0x400, s30  }
0x11b: {  	v17 =	vand.u32 $0x75, v19;
	v22 =	vand.u32 $0x77, v27;
	v26 =	vor.u32 v2, v26;
	v19 =	vld.idx.msk [tilespmem:v13+s4+$0x0], $0xffff;
	[tilespmem:s30+$0x100] =	vst v14  }
.Ltmp18:
0x11c: {  	v27 =	vand.u32 $0x7B, v21;
	v13 =	vbroadcast v15, $0x0;
	v14 =	vand.u32 $0x79, v20;
	v20 =	vld.idx.msk [tilespmem:v12+s4+$0x0], $0xffff;
	(pc) =	sbr.rel @p5 .LBB2_30-.Ltmp18, $4  }
0x11d: {  	v17 =	vbroadcast v17, $0x0;
	v12 =	vbroadcast v16, $0x0;
	v21 =	vld.idx.msk [tilespmem:v24+s4+$0x0], $0xffff  }
0x11e: {  	v14 =	vbroadcast v14, $0x0;
	v15 =	vor.u32 v2, v13;
	v13 =	vbroadcast v22, $0x0;
	[tilespmem:s30+$0xFFFFFE00] =	vst v28;
	v22 =	vld.idx.msk [tilespmem:v23+s4+$0x0], $0xffff  }
0x11f: {  	v24 =	vbroadcast v27, $0x0;
	v16 =	vor.u32 v2, v12;
	v23 =	vbroadcast v25, $0x0;
	[tilespmem:s30+$0xFFFFFE80] =	vst v29  }
0x120: {  	s0 =	sadd.s32 $0x10, s0;
	v17 =	vor.u32 v2, v17;
	v12 =	vor.u32 v2, v14;
	v13 =	vor.u32 v2, v13;
	v14 =	vld.idx.msk [tilespmem:v26+s4+$0x0], $0xffff  }
.LBB2_31:
0x121: {  	_ =	sdelay $0x2  }
0x122: {  	[tilespmem:s30+$0xFFFFFF00] =	vst @p4 v18  }
0x123: {  	v61 =	vor.u32 v2, v24;
	[tilespmem:s30+$0xFFFFFF80] =	vst @p4 v19;
	v15 =	vld.idx.msk [tilespmem:v15+s4+$0x0], $0xffff  }
0x124: {  	v62 =	vor.u32 v2, v23;
	[tilespmem:s30+$0x0] =	vst @p4 v20;
	v16 =	vld.idx.msk [tilespmem:v16+s4+$0x0], $0xffff  }
0x125: {  	v17 =	vld.idx.msk [tilespmem:v17+s4+$0x0], $0xffff;
	s0 =	sadd.s32 @p4 $0x400, s30;
	[tilespmem:s30+$0x80] =	vst @p4 v21  }
0x126: {  	v13 =	vld.idx.msk [tilespmem:v13+s4+$0x0], $0xffff;
	s29 =	smov.u32 @p4 s0;
	[tilespmem:s30+$0x180] =	vst @p4 v22  }
0x127: {  	v12 =	vld.idx.msk [tilespmem:v12+s4+$0x0], $0xffff;
	[tilespmem:s29+$0x100] =	vst v14  }
0x128: {  	v14 =	vld.idx.msk [tilespmem:v61+s4+$0x0], $0xffff;
	[tilespmem:s29+$0xFFFFFE00] =	vst v15  }
0x129: {  	v15 =	vld.idx.msk [tilespmem:v62+s4+$0x0], $0xffff;
	[tilespmem:s29+$0xFFFFFE80] =	vst v16  }
0x12a: {  	v63 =	vor.u32 v3, v6;
	[tilespmem:s29+$0xFFFFFF00] =	vst v17  }
.Ltmp19:
0x12b: {  	[tilespmem:s29+$0xFFFFFF80] =	vst v13;
	(pc) =	sbr.rel @!p3 .LBB2_32-.Ltmp19, $4  }
0x12c: {  	[tilespmem:s29+$0x0] =	vst v12  }
0x12d: {  	[tilespmem:s29+$0x80] =	vst v14  }
0x12e: {  	v6 =	vor.u32 v3, v11;
	v12 =	vor.u32 v3, v7;
	[tilespmem:s29+$0x180] =	vst v15  }
0x12f: {  	v13 =	vor.u32 v3, v9;
	v9 =	vor.u32 v3, v8;
	v7 =	vor.u32 v3, v10;
	s29 =	simm.s32 $0x4270;
	v8 =	vld.idx.msk [tilespmem:v63+s4+$0x0], $0xffff  }
0x130: {  	_ = 	snop  }
0x131: {  	s0 =	simm.s32 $0x13;
	s2 =	simm.s32 $0x1D;
	v10 =	vmov s28;
	v5 =	vor.u32 v3, v5  }
0x132: {  	v4 =	vor.u32 v3, v4;
	s8 =	simm.s32 $0x15;
	v11 =	vmov s0;
	v14 =	vmov s2  }
0x133: {  	s3 =	simm.s32 $0x11;
	s30 =	simm.s32 $0x19;
	v17 =	vand.u32 $0x7F, v10;
	v15 =	vmov s8;
	v10 =	vand.u32 $0x7D, v14  }
0x134: {  	s11 =	simm.s32 $0x17;
	v16 =	vld.idx.msk [tilespmem:v12+s4+$0x0], $0xffff;
	s31 =	simm.s32 $0x1B;
	v12 =	vmov s3;
	v19 =	vmov s30;
	v18 =	vbroadcast v10, $0x0  }
0x135: {  	v20 =	vld.idx.msk [tilespmem:v13+s4+$0x0], $0xffff;
	v21 =	vmov s31;
	v14 =	vmov s11;
	v12 =	vand.u32 $0x71, v12  }
0x136: {  	p3 =	por $0x1, $0x1;
	v13 =	vand.u32 $0x73, v11;
	v11 =	vld.idx.msk [tilespmem:v7+s4+$0x0], $0xffff;
	v19 =	vand.u32 $0x79, v19;
	v18 =	vor.u32 v3, v18  }
.Ltmp20:
0x137: {  	v10 =	vld.idx.msk [tilespmem:v9+s4+$0x0], $0xffff;
	v9 =	vand.u32 $0x75, v15;
	v22 =	vand.u32 $0x77, v14;
	v7 =	vbroadcast v12, $0x0;
	(pc) =	sbr.rel @!p3 .LBB2_34-.Ltmp20, $4  }
0x138: {  	v14 =	vld.idx.msk [tilespmem:v6+s4+$0x0], $0xffff;
	v6 =	vbroadcast v13, $0x0;
	v19 =	vbroadcast v19, $0x0;
	[tilespmem:s29+$0x100] =	vst v8;
	v8 =	vand.u32 $0x7B, v21  }
0x139: {  	v9 =	vbroadcast v9, $0x0;
	v15 =	vld.idx.msk [tilespmem:v5+s4+$0x0], $0xffff;
	v12 =	vor.u32 v3, v7;
	v7 =	vbroadcast v22, $0x0;
	[tilespmem:s29+$0xFFFFFE00] =	vst v16  }
0x13a: {  	p2 =	por $0x1, $0x1;
	v16 =	vld.idx.msk [tilespmem:v4+s4+$0x0], $0xffff;
	v13 =	vor.u32 v3, v6;
	v5 =	vbroadcast v8, $0x0;
	v4 =	vbroadcast v17, $0x0;
	[tilespmem:s29+$0xFFFFFE80] =	vst v20  }
0x13b: {  	s28 =	simm.s32 $0x4270;
	s2 =	simm.s32 $0x8;
	s0 =	simm.s32 $0x2F;
	v6 =	vor.u32 v3, v19;
	v9 =	vor.u32 v3, v9;
	v7 =	vor.u32 v3, v7;
	v8 =	vld.idx.msk [tilespmem:v18+s4+$0x0], $0xffff  }
.LBB2_35:
0x13c: {  	s3 =	sadd.s32 $0xFFFFFFF4, s0;
	s8 =	sadd.s32 $0xFFFFFFFE, s0;
	v17 =	vmov s0;
	s2 =	sadd.s32 $0x8, s2;
	v5 =	vor.u32 v3, v5;
	v4 =	vor.u32 v3, v4;
	[tilespmem:s28+$0xFFFFFF00] =	vst v10  }
0x13d: {  	s11 =	sadd.s32 $0xFFFFFFF8, s0;
	v10 =	vmov s3;
	s3 =	sadd.s32 $0xFFFFFFF6, s0;
	v18 =	vmov s8;
	v17 =	vand.u32 $0x7F, v17;
	p3 =	slt.u32 s2, $0x38;
	[tilespmem:s28+$0xFFFFFF80] =	vst v11  }
0x13e: {  	s8 =	sadd.s32 $0xFFFFFFF2, s0;
	v19 =	vmov s11;
	s11 =	sadd.s32 $0xFFFFFFFC, s0;
	v11 =	vmov s3;
	s3 =	sadd.s32 $0xFFFFFFFA, s0;
	v18 =	vand.u32 $0x7D, v18;
	v20 =	vld.idx.msk [tilespmem:v12+s4+$0x0], $0xffff;
	[tilespmem:s28+$0x0] =	vst v14  }
0x13f: {  	v12 =	vmov s8;
	v14 =	vmov s3;
	v18 =	vbroadcast v18, $0x0;
	v21 =	vld.idx.msk [tilespmem:v13+s4+$0x0], $0xffff;
	[tilespmem:s28+$0x80] =	vst v15  }
0x140: {  	v12 =	vand.u32 $0x71, v12;
	v13 =	vand.u32 $0x73, v10;
	v15 =	vmov s11;
	v10 =	vld.idx.msk [tilespmem:v9+s4+$0x0], $0xffff;
	[tilespmem:s28+$0x180] =	vst v16;
	s28 =	sadd.s32 $0x400, s28  }
0x141: {  	v9 =	vand.u32 $0x75, v11;
	v16 =	vand.u32 $0x77, v19;
	v18 =	vor.u32 v3, v18;
	v11 =	vld.idx.msk [tilespmem:v7+s4+$0x0], $0xffff;
	[tilespmem:s28+$0x100] =	vst v8  }
.Ltmp21:
0x142: {  	v19 =	vand.u32 $0x7B, v15;
	v7 =	vbroadcast v12, $0x0;
	v8 =	vand.u32 $0x79, v14;
	v14 =	vld.idx.msk [tilespmem:v6+s4+$0x0], $0xffff;
	(pc) =	sbr.rel @p3 .LBB2_35-.Ltmp21, $4  }
0x143: {  	v9 =	vbroadcast v9, $0x0;
	v6 =	vbroadcast v13, $0x0;
	v15 =	vld.idx.msk [tilespmem:v5+s4+$0x0], $0xffff  }
0x144: {  	v8 =	vbroadcast v8, $0x0;
	v12 =	vor.u32 v3, v7;
	v7 =	vbroadcast v16, $0x0;
	[tilespmem:s28+$0xFFFFFE00] =	vst v20;
	v16 =	vld.idx.msk [tilespmem:v4+s4+$0x0], $0xffff  }
0x145: {  	v5 =	vbroadcast v19, $0x0;
	v13 =	vor.u32 v3, v6;
	v4 =	vbroadcast v17, $0x0;
	[tilespmem:s28+$0xFFFFFE80] =	vst v21  }
0x146: {  	s0 =	sadd.s32 $0x10, s0;
	v9 =	vor.u32 v3, v9;
	v6 =	vor.u32 v3, v8;
	v7 =	vor.u32 v3, v7;
	v8 =	vld.idx.msk [tilespmem:v18+s4+$0x0], $0xffff  }
.LBB2_36:
0x147: {  	_ =	sdelay $0x2  }
0x148: {  	[tilespmem:s28+$0xFFFFFF00] =	vst @p2 v10  }
0x149: {  	v5 =	vor.u32 v3, v5;
	[tilespmem:s28+$0xFFFFFF80] =	vst @p2 v11;
	v10 =	vld.idx.msk [tilespmem:v12+s4+$0x0], $0xffff  }
0x14a: {  	v4 =	vor.u32 v3, v4;
	[tilespmem:s28+$0x0] =	vst @p2 v14;
	v11 =	vld.idx.msk [tilespmem:v13+s4+$0x0], $0xffff  }
0x14b: {  	v9 =	vld.idx.msk [tilespmem:v9+s4+$0x0], $0xffff;
	s0 =	sadd.s32 @p2 $0x400, s28;
	[tilespmem:s28+$0x80] =	vst @p2 v15  }
0x14c: {  	v7 =	vld.idx.msk [tilespmem:v7+s4+$0x0], $0xffff;
	s29 =	smov.u32 @p2 s0;
	[tilespmem:s28+$0x180] =	vst @p2 v16  }
0x14d: {  	v6 =	vld.idx.msk [tilespmem:v6+s4+$0x0], $0xffff;
	[tilespmem:s29+$0x100] =	vst v8  }
0x14e: {  	v5 =	vld.idx.msk [tilespmem:v5+s4+$0x0], $0xffff;
	[tilespmem:s29+$0xFFFFFE00] =	vst v10  }
0x14f: {  	s3 =	sshll.u32 s26, $0xA;
	v4 =	vld.idx.msk [tilespmem:v4+s4+$0x0], $0xffff;
	[tilespmem:s29+$0xFFFFFE80] =	vst v11  }
0x150: {  	s8 =	simm.s32 $0x0;
	s26 =	simm.s32 $0x6;
	p2 =	seq.s32 s23, $0x7A;
	[tilespmem:s29+$0xFFFFFF00] =	vst v9  }
0x151: {  	s30 =	simm.s32 $0xC;
	s28 =	simm.s32 $0x8;
	s2 =	sadd.s32 @!p2 s9, s24;
	[tilespmem:s29+$0xFFFFFF80] =	vst v7  }
0x152: {  	s11 =	simm.s32 $0x2;
	s31 =	simm.s32 $0x10;
	s2 =	smin.u32 @!p2 s2, $0x1E83;
	v8 =	vmov s26;
	[tilespmem:s29+$0x0] =	vst v6;
	v9 =	vmov s28;
	v11 =	vmov s30  }
0x153: {  	s0 =	sadd.s32 s7, s3;
	s2 =	sshll.u32 @!p2 s2, $0x7;
	v8 =	vand.u32 $0x76, v8;
	s30 =	simm.s32 $0x1C;
	v9 =	vand.u32 $0x78, v9;
	v11 =	vand.u32 $0x7C, v11;
	[tilespmem:s29+$0x80] =	vst v5  }
0x154: {  	s3 =	simm.s32 $0xE;
	s2 =	sadd.s32 @!p2 s1, s2;
	v8 =	vbroadcast v8, $0x0;
	v29 =	vmov s30;
	[tilespmem:s29+$0x180] =	vst v4;
	v4 =	vmov s8;
	s8 =	simm.s32 $0x4  }
0x155: {  	v9 =	vbroadcast v9, $0x0;
	[hbm4b:s0+s4] =	stream.linear.scatter [tilespmem:s17], [sflag:$0x3], $0x2000, $0x38;
	v6 =	vand.u32 $0x70, v4;
	v4 =	vmov s3;
	[tilespmem:$0x8000] =	vst v63  }
0x156: {  	v5 =	vmov s11;
	s11 =	simm.s32 @!p2 $0x0;
	v7 =	vmov s8;
	s0 =	simm.s32 @!p2 $0x400;
	s8 =	simm.s32 @!p2 $0x7A1400;
	v4 =	vand.u32 $0x7E, v4  }
0x157: {  	v12 =	vbroadcast v11, $0x0;
	v5 =	vand.u32 $0x72, v5;
	v4 =	vbroadcast v4, $0x0;
	[tilespmem:s11], [sflag:$0x1] =	stream.strided.gather @!p2 [hbm4b:s2+s0], $0x2000, s8, s0, $0x38;
	[tilespmem:$0x8000] =	vst v63  }
0x158: {  	v11 =	vmov s31;
	v7 =	vand.u32 $0x74, v7;
	v5 =	vbroadcast v5, $0x0;
	_ =	swait.ge [sflag:s18], $0x2000  }
0x159: {  	v16 =	vor.u32 v0, v8;
	v7 =	vbroadcast v7, $0x0;
	v13 =	vor.u32 v0, v4;
	[sflag:s18] =	ssyncset.done $0x0  }
0x15a: {  	v11 =	vand.u32 $0x70, v11;
	v17 =	vor.u32 v0, v9;
	s29 =	simm.s32 $0xA;
	s0 =	simm.s32 @!p1 $0x4;
	v14 =	vor.u32 v0, v5;
	[sflag:s18] =	ssyncadd.s32 $0xFFFFE000  }
0x15b: {  	v21 =	vor.u32 v0, v12;
	v10 =	vmov s29;
	s29 =	simm.s32 $0x1A;
	v15 =	vor.u32 v0, v7;
	_ =	swait.ge @!p1 [sflag:s0], $0x2000  }
0x15c: {  	s3 =	simm.s32 $0x1E;
	v10 =	vand.u32 $0x7A, v10;
	v6 =	vbroadcast v6, $0x0;
	v26 =	vmov s29;
	[sflag:s0] =	ssyncset.done @!p1 $0x0  }
0x15d: {  	v19 =	vmov s3;
	v10 =	vbroadcast v10, $0x0;
	s8 =	simm.s32 $0x12;
	v26 =	vand.u32 $0x7A, v26;
	[sflag:s0] =	ssyncadd.s32 @!p1 $0xFFFFE000  }
0x15e: {  	s11 =	simm.s32 $0x14;
	v24 =	vor.u32 v0, v6;
	v20 =	vmov s8;
	v22 =	vld.idx.msk [tilespmem:v13+s15+$0x0], $0xffff;
	v13 =	vand.u32 $0x7E, v19  }
0x15f: {  	s26 =	simm.s32 $0x16;
	s28 =	simm.s32 $0x18;
	v23 =	vmov s11;
	v18 =	vor.u32 v0, v10;
	v25 =	vld.idx.msk [tilespmem:v14+s15+$0x0], $0xffff;
	v13 =	vbroadcast v13, $0x0  }
0x160: {  	v27 =	vand.u32 $0x74, v23;
	v19 =	vmov s26;
	v14 =	vmov s28;
	v28 =	vld.idx.msk [tilespmem:v15+s15+$0x0], $0xffff  }
0x161: {  	v15 =	vand.u32 $0x72, v20;
	v20 =	vld.idx.msk [tilespmem:v16+s15+$0x0], $0xffff;
	v30 =	vand.u32 $0x76, v19;
	v33 =	vor.u32 v0, v13  }
0x162: {  	v23 =	vld.idx.msk [tilespmem:v17+s15+$0x0], $0xffff;
	v31 =	vand.u32 $0x78, v14;
	v16 =	vbroadcast v15, $0x0;
	v19 =	vbroadcast v27, $0x0  }
0x163: {  	s26 =	simm.s32 $0x6200;
	v21 =	vld.idx.msk [tilespmem:v21+s15+$0x0], $0xffff;
	v14 =	vand.u32 $0x7C, v29;
	v15 =	vbroadcast v30, $0x0;
	v17 =	vbroadcast v31, $0x0  }
0x164: {  	v31 =	vbroadcast v11, $0x0;
	v27 =	vor.u32 v0, v16;
	[tilespmem:s26+$0x180] =	vst v22;
	v22 =	vld.idx.msk [tilespmem:v18+s15+$0x0], $0xffff;
	v18 =	vbroadcast v26, $0x0  }
0x165: {  	s31 =	sor.u32 $0x20, s25;
	v24 =	vld.idx.msk [tilespmem:v24+s15+$0x0], $0xffff;
	v32 =	vbroadcast v14, $0x0;
	v29 =	vor.u32 v0, v19;
	v30 =	vor.u32 v0, v15;
	[tilespmem:s26+$0xFFFFFE80] =	vst v25  }
0x166: {  	s25 =	smin.u32 s31, $0x1E83;
	s2 =	simm.s32 $0x8;
	s0 =	simm.s32 $0x20;
	[tilespmem:s26+$0xFFFFFF00] =	vst v28;
	v26 =	vor.u32 v0, v17;
	v25 =	vor.u32 v0, v18;
	v28 =	vld.idx.msk [tilespmem:v33+s15+$0x0], $0xffff  }
.LBB2_37:
0x167: {  	v33 =	vmov s0;
	s3 =	sadd.s32 $0x2, s0;
	s8 =	sadd.s32 $0xE, s0;
	s2 =	sadd.s32 $0x8, s2;
	v31 =	vor.u32 v0, v31;
	v32 =	vor.u32 v0, v32;
	[tilespmem:s26+$0xFFFFFF80] =	vst v20  }
0x168: {  	s11 =	sadd.s32 $0x6, s0;
	v33 =	vand.u32 $0x70, v33;
	v20 =	vmov s3;
	s3 =	sadd.s32 $0x4, s0;
	v34 =	vmov s8;
	p1 =	slt.u32 s2, $0x38;
	[tilespmem:s26+$0x0] =	vst v23  }
0x169: {  	v35 =	vmov s11;
	s8 =	sadd.s32 $0xA, s0;
	s11 =	sadd.s32 $0xC, s0;
	v23 =	vmov s3;
	s3 =	sadd.s32 $0x8, s0;
	v34 =	vand.u32 $0x7E, v34;
	v36 =	vld.idx.msk [tilespmem:v27+s15+$0x0], $0xffff;
	[tilespmem:s26+$0x80] =	vst v22  }
0x16a: {  	v27 =	vmov s8;
	v22 =	vmov s3;
	v34 =	vbroadcast v34, $0x0;
	v37 =	vld.idx.msk [tilespmem:v29+s15+$0x0], $0xffff;
	[tilespmem:s26+$0x100] =	vst v21  }
0x16b: {  	v38 =	vmov s11;
	v21 =	vand.u32 $0x72, v20;
	v29 =	vand.u32 $0x74, v23;
	v20 =	vld.idx.msk [tilespmem:v30+s15+$0x0], $0xffff;
	[tilespmem:s26+$0xFFFFFE00] =	vst v24;
	s26 =	sadd.s32 $0x400, s26  }
0x16c: {  	v24 =	vand.u32 $0x76, v35;
	v30 =	vand.u32 $0x78, v22;
	v34 =	vor.u32 v0, v34;
	v23 =	vld.idx.msk [tilespmem:v26+s15+$0x0], $0xffff;
	[tilespmem:s26+$0x180] =	vst v28  }
.Ltmp22:
0x16d: {  	v35 =	vand.u32 $0x7C, v38;
	v26 =	vbroadcast v21, $0x0;
	v28 =	vand.u32 $0x7A, v27;
	v22 =	vld.idx.msk [tilespmem:v25+s15+$0x0], $0xffff;
	(pc) =	sbr.rel @p1 .LBB2_37-.Ltmp22, $4  }
0x16e: {  	v38 =	vbroadcast v24, $0x0;
	v25 =	vbroadcast v29, $0x0;
	v21 =	vld.idx.msk [tilespmem:v32+s15+$0x0], $0xffff  }
0x16f: {  	v28 =	vbroadcast v28, $0x0;
	v27 =	vor.u32 v0, v26;
	v26 =	vbroadcast v30, $0x0;
	v24 =	vld.idx.msk [tilespmem:v31+s15+$0x0], $0xffff;
	[tilespmem:s26+$0xFFFFFE80] =	vst v36  }
0x170: {  	v32 =	vbroadcast v35, $0x0;
	v31 =	vbroadcast v33, $0x0;
	v29 =	vor.u32 v0, v25;
	[tilespmem:s26+$0xFFFFFF00] =	vst v37  }
0x171: {  	s0 =	sadd.s32 $0x10, s0;
	v30 =	vor.u32 v0, v38;
	v25 =	vor.u32 v0, v28;
	v26 =	vor.u32 v0, v26;
	v28 =	vld.idx.msk [tilespmem:v34+s15+$0x0], $0xffff  }
0x172: {  	_ =	sdelay $0x2  }
0x173: {  	[tilespmem:s26+$0xFFFFFF80] =	vst v20  }
0x174: {  	v20 =	vor.u32 v0, v32;
	[tilespmem:s26+$0x0] =	vst v23;
	v23 =	vld.idx.msk [tilespmem:v27+s15+$0x0], $0xffff  }
0x175: {  	v62 =	vor.u32 v0, v31;
	[tilespmem:s26+$0x80] =	vst v22;
	v22 =	vld.idx.msk [tilespmem:v29+s15+$0x0], $0xffff  }
0x176: {  	v63 =	vld.idx.msk [tilespmem:v26+s15+$0x0], $0xffff;
	[tilespmem:s26+$0x100] =	vst v21  }
0x177: {  	s0 =	sadd.s32 $0x400, s26;
	v25 =	vld.idx.msk [tilespmem:v25+s15+$0x0], $0xffff;
	[tilespmem:s26+$0xFFFFFE00] =	vst v24  }
0x178: {  	v21 =	vld.idx.msk [tilespmem:v30+s15+$0x0], $0xffff;
	[tilespmem:s0+$0x180] =	vst v28  }
0x179: {  	v20 =	vld.idx.msk [tilespmem:v20+s15+$0x0], $0xffff;
	[tilespmem:s0+$0xFFFFFE80] =	vst v23  }
0x17a: {  	v23 =	vld.idx.msk [tilespmem:v62+s15+$0x0], $0xffff;
	[tilespmem:s0+$0xFFFFFF00] =	vst v22  }
0x17b: {  	v4 =	vor.u32 v1, v4;
	[tilespmem:s0+$0x0] =	vst v63  }
0x17c: {  	v5 =	vor.u32 v1, v5;
	[tilespmem:s0+$0x80] =	vst v25  }
0x17d: {  	v7 =	vor.u32 v1, v7;
	[tilespmem:s0+$0xFFFFFF80] =	vst v21  }
0x17e: {  	v8 =	vor.u32 v1, v8;
	[tilespmem:s0+$0x100] =	vst v20  }
0x17f: {  	v9 =	vor.u32 v1, v9;
	[tilespmem:s0+$0xFFFFFE00] =	vst v23  }
0x180: {  	v21 =	vor.u32 v1, v12;
	v4 =	vld.idx.msk [tilespmem:v4+s15+$0x0], $0xffff  }
0x181: {  	v20 =	vor.u32 v1, v10;
	v5 =	vld.idx.msk [tilespmem:v5+s15+$0x0], $0xffff  }
0x182: {  	v22 =	vor.u32 v1, v6;
	v23 =	vld.idx.msk [tilespmem:v7+s15+$0x0], $0xffff  }
0x183: {  	v10 =	vld.idx.msk [tilespmem:v8+s15+$0x0], $0xffff;
	v8 =	vor.u32 v1, v13  }
0x184: {  	v12 =	vld.idx.msk [tilespmem:v9+s15+$0x0], $0xffff  }
0x185: {  	s26 =	simm.s32 $0x6210;
	v6 =	vld.idx.msk [tilespmem:v21+s15+$0x0], $0xffff  }
0x186: {  	v14 =	vbroadcast v14, $0x0;
	v13 =	vor.u32 v1, v16;
	v7 =	vld.idx.msk [tilespmem:v20+s15+$0x0], $0xffff;
	[tilespmem:s26+$0x180] =	vst v4  }
0x187: {  	v16 =	vor.u32 v1, v19;
	v9 =	vor.u32 v1, v17;
	v20 =	vbroadcast v11, $0x0;
	[tilespmem:s26+$0xFFFFFE80] =	vst v5;
	v5 =	vld.idx.msk [tilespmem:v22+s15+$0x0], $0xffff  }
0x188: {  	s2 =	simm.s32 $0x8;
	s0 =	simm.s32 $0x20;
	v11 =	vor.u32 v1, v15;
	[tilespmem:s26+$0xFFFFFF00] =	vst v23;
	v4 =	vor.u32 v1, v18;
	v8 =	vld.idx.msk [tilespmem:v8+s15+$0x0], $0xffff  }
.LBB2_39:
0x189: {  	v15 =	vmov s0;
	s3 =	sadd.s32 $0x2, s0;
	s8 =	sadd.s32 $0xE, s0;
	s2 =	sadd.s32 $0x8, s2;
	v17 =	vor.u32 v1, v20;
	v14 =	vor.u32 v1, v14;
	[tilespmem:s26+$0xFFFFFF80] =	vst v10  }
0x18a: {  	s11 =	sadd.s32 $0x6, s0;
	v15 =	vand.u32 $0x70, v15;
	v10 =	vmov s3;
	s3 =	sadd.s32 $0x4, s0;
	v18 =	vmov s8;
	p1 =	slt.u32 s2, $0x38;
	[tilespmem:s26+$0x0] =	vst v12  }
0x18b: {  	v19 =	vmov s11;
	s8 =	sadd.s32 $0xA, s0;
	s11 =	sadd.s32 $0xC, s0;
	v12 =	vmov s3;
	s3 =	sadd.s32 $0x8, s0;
	v18 =	vand.u32 $0x7E, v18;
	v20 =	vld.idx.msk [tilespmem:v13+s15+$0x0], $0xffff;
	[tilespmem:s26+$0x80] =	vst v7  }
0x18c: {  	v13 =	vmov s8;
	v7 =	vmov s3;
	v18 =	vbroadcast v18, $0x0;
	v21 =	vld.idx.msk [tilespmem:v16+s15+$0x0], $0xffff;
	[tilespmem:s26+$0x100] =	vst v6  }
0x18d: {  	v22 =	vmov s11;
	v6 =	vand.u32 $0x72, v10;
	v16 =	vand.u32 $0x74, v12;
	v10 =	vld.idx.msk [tilespmem:v11+s15+$0x0], $0xffff;
	[tilespmem:s26+$0xFFFFFE00] =	vst v5;
	s26 =	sadd.s32 $0x400, s26  }
0x18e: {  	v5 =	vand.u32 $0x76, v19;
	v11 =	vand.u32 $0x78, v7;
	v18 =	vor.u32 v1, v18;
	v12 =	vld.idx.msk [tilespmem:v9+s15+$0x0], $0xffff;
	[tilespmem:s26+$0x180] =	vst v8  }
.Ltmp23:
0x18f: {  	v19 =	vand.u32 $0x7C, v22;
	v8 =	vbroadcast v6, $0x0;
	v9 =	vand.u32 $0x7A, v13;
	v7 =	vld.idx.msk [tilespmem:v4+s15+$0x0], $0xffff;
	(pc) =	sbr.rel @p1 .LBB2_39-.Ltmp23, $4  }
0x190: {  	v22 =	vbroadcast v5, $0x0;
	v4 =	vbroadcast v16, $0x0;
	v6 =	vld.idx.msk [tilespmem:v14+s15+$0x0], $0xffff  }
0x191: {  	v23 =	vbroadcast v9, $0x0;
	v13 =	vor.u32 v1, v8;
	v8 =	vbroadcast v11, $0x0;
	v5 =	vld.idx.msk [tilespmem:v17+s15+$0x0], $0xffff;
	[tilespmem:s26+$0xFFFFFE80] =	vst v20  }
0x192: {  	v14 =	vbroadcast v19, $0x0;
	v20 =	vbroadcast v15, $0x0;
	v16 =	vor.u32 v1, v4;
	[tilespmem:s26+$0xFFFFFF00] =	vst v21  }
0x193: {  	s0 =	sadd.s32 $0x10, s0;
	v11 =	vor.u32 v1, v22;
	v4 =	vor.u32 v1, v23;
	v9 =	vor.u32 v1, v8;
	v8 =	vld.idx.msk [tilespmem:v18+s15+$0x0], $0xffff  }
0x194: {  	_ =	sdelay $0x2  }
0x195: {  	[tilespmem:s26+$0xFFFFFF80] =	vst v10  }
0x196: {  	v10 =	vor.u32 v1, v14;
	[tilespmem:s26+$0x0] =	vst v12;
	v12 =	vld.idx.msk [tilespmem:v13+s15+$0x0], $0xffff  }
0x197: {  	v13 =	vor.u32 v1, v20;
	[tilespmem:s26+$0x80] =	vst v7;
	v7 =	vld.idx.msk [tilespmem:v16+s15+$0x0], $0xffff;
	s0 =	simm.s32 $0x0  }
0x198: {  	v11 =	vld.idx.msk [tilespmem:v11+s15+$0x0], $0xffff;
	s11 =	simm.s32 $0xE;
	s29 =	simm.s32 $0x8;
	[tilespmem:s26+$0x100] =	vst v6;
	v6 =	vmov s0  }
0x199: {  	s2 =	sadd.s32 $0x400, s26;
	s8 =	simm.s32 $0x4;
	v4 =	vld.idx.msk [tilespmem:v4+s15+$0x0], $0xffff;
	s30 =	simm.s32 $0xA;
	v15 =	vmov s29;
	[tilespmem:s26+$0xFFFFFE00] =	vst v5;
	v14 =	vand.u32 $0x70, v6;
	v6 =	vmov s11  }
0x19a: {  	s3 =	simm.s32 $0x2;
	v16 =	vmov s30;
	v5 =	vld.idx.msk [tilespmem:v9+s15+$0x0], $0xffff;
	s26 =	simm.s32 $0x6;
	v9 =	vmov s8;
	v6 =	vand.u32 $0x7E, v6;
	[tilespmem:s2+$0x180] =	vst v8  }
0x19b: {  	s31 =	simm.s32 $0xC;
	v8 =	vmov s3;
	v6 =	vbroadcast v6, $0x0;
	v10 =	vld.idx.msk [tilespmem:v10+s15+$0x0], $0xffff;
	[tilespmem:s2+$0xFFFFFE80] =	vst v12;
	v12 =	vmov s26  }
0x19c: {  	v13 =	vld.idx.msk [tilespmem:v13+s15+$0x0], $0xffff;
	[tilespmem:s2+$0xFFFFFF00] =	vst v7;
	v7 =	vand.u32 $0x72, v8;
	v8 =	vand.u32 $0x74, v9;
	v9 =	vmov s31  }
0x19d: {  	p3 =	por $0x1, $0x1;
	[tilespmem:s2+$0xFFFFFF80] =	vst v11;
	v11 =	vand.u32 $0x76, v12;
	v18 =	vor.u32 v2, v6;
	v7 =	vbroadcast v7, $0x0  }
.Ltmp24:
0x19e: {  	[tilespmem:s2+$0x80] =	vst v4;
	v12 =	vand.u32 $0x7A, v16;
	v16 =	vand.u32 $0x7C, v9;
	v9 =	vbroadcast v8, $0x0;
	(pc) =	sbr.rel @!p3 .LBB2_41-.Ltmp24, $4  }
0x19f: {  	[tilespmem:s2+$0x0] =	vst v5;
	v5 =	vand.u32 $0x78, v15;
	v8 =	vbroadcast v11, $0x0;
	v11 =	vbroadcast v12, $0x0  }
0x1a0: {  	v4 =	vbroadcast v14, $0x0;
	[tilespmem:s2+$0x100] =	vst v10;
	v10 =	vbroadcast v5, $0x0  }
0x1a1: {  	v15 =	vor.u32 v2, v7;
	v17 =	vor.u32 v2, v9;
	v12 =	vor.u32 v2, v11;
	[tilespmem:s2+$0xFFFFFE00] =	vst v13  }
0x1a2: {  	s28 =	simm.s32 $0x10;
	p1 =	por $0x0, $0x0;
	s26 =	simm.s32 $0x6220;
	v5 =	vbroadcast v16, $0x0;
	v16 =	vor.u32 v2, v8;
	v14 =	vld.idx.msk [tilespmem:v18+s15+$0x0], $0xffff;
	v13 =	vor.u32 v2, v10  }
0x1a3: {  	_ = 	snop  }
0x1a4: {  	v18 =	vmov s28;
	s0 =	simm.s32 $0x1E;
	v22 =	vor.u32 v2, v4  }
0x1a5: {  	s2 =	simm.s32 $0x12;
	s3 =	simm.s32 $0x14;
	v21 =	vor.u32 v2, v5;
	v23 =	vand.u32 $0x70, v18;
	v18 =	vmov s0  }
0x1a6: {  	s8 =	simm.s32 $0x16;
	s11 =	simm.s32 $0x18;
	v19 =	vmov s2;
	v20 =	vmov s3;
	v18 =	vand.u32 $0x7E, v18  }
0x1a7: {  	s30 =	simm.s32 $0x1A;
	v25 =	vld.idx.msk [tilespmem:v15+s15+$0x0], $0xffff;
	v24 =	vmov s8;
	v15 =	vmov s11;
	v26 =	vbroadcast v18, $0x0  }
0x1a8: {  	s31 =	simm.s32 $0x1C;
	v28 =	vld.idx.msk [tilespmem:v17+s15+$0x0], $0xffff;
	v27 =	vmov s30;
	v17 =	vand.u32 $0x72, v19;
	v29 =	vand.u32 $0x74, v20  }
0x1a9: {  	p5 =	por $0x1, $0x1;
	v20 =	vmov s31;
	v18 =	vld.idx.msk [tilespmem:v16+s15+$0x0], $0xffff;
	v16 =	vand.u32 $0x76, v24;
	v26 =	vor.u32 v2, v26  }
.Ltmp25:
0x1aa: {  	v19 =	vld.idx.msk [tilespmem:v13+s15+$0x0], $0xffff;
	v24 =	vand.u32 $0x78, v15;
	v13 =	vbroadcast v17, $0x0;
	v17 =	vand.u32 $0x7A, v27;
	(pc) =	sbr.rel @!p5 .LBB2_43-.Ltmp25, $4  }
0x1ab: {  	[tilespmem:s26+$0x180] =	vst v14;
	v14 =	vand.u32 $0x7C, v20;
	v20 =	vld.idx.msk [tilespmem:v12+s15+$0x0], $0xffff;
	v12 =	vbroadcast v29, $0x0;
	v16 =	vbroadcast v16, $0x0  }
0x1ac: {  	v27 =	vbroadcast v17, $0x0;
	v15 =	vor.u32 v2, v13;
	v13 =	vbroadcast v24, $0x0;
	[tilespmem:s26+$0xFFFFFE80] =	vst v25;
	v22 =	vld.idx.msk [tilespmem:v22+s15+$0x0], $0xffff  }
0x1ad: {  	p4 =	por $0x1, $0x1;
	v23 =	vbroadcast v23, $0x0;
	v24 =	vbroadcast v14, $0x0;
	[tilespmem:s26+$0xFFFFFF00] =	vst v28;
	v21 =	vld.idx.msk [tilespmem:v21+s15+$0x0], $0xffff;
	v17 =	vor.u32 v2, v12  }
0x1ae: {  	s29 =	simm.s32 $0x6220;
	s2 =	simm.s32 $0x8;
	s0 =	simm.s32 $0x20;
	v16 =	vor.u32 v2, v16;
	v12 =	vor.u32 v2, v27;
	v13 =	vor.u32 v2, v13;
	v14 =	vld.idx.msk [tilespmem:v26+s15+$0x0], $0xffff  }
.LBB2_44:
0x1af: {  	v25 =	vmov s0;
	s3 =	sadd.s32 $0x2, s0;
	s8 =	sadd.s32 $0xE, s0;
	s2 =	sadd.s32 $0x8, s2;
	v23 =	vor.u32 v2, v23;
	v24 =	vor.u32 v2, v24;
	[tilespmem:s29+$0xFFFFFF80] =	vst v18  }
0x1b0: {  	s11 =	sadd.s32 $0x6, s0;
	v25 =	vand.u32 $0x70, v25;
	v18 =	vmov s3;
	s3 =	sadd.s32 $0x4, s0;
	v26 =	vmov s8;
	p5 =	slt.u32 s2, $0x38;
	[tilespmem:s29+$0x0] =	vst v19  }
0x1b1: {  	v27 =	vmov s11;
	s8 =	sadd.s32 $0xA, s0;
	s11 =	sadd.s32 $0xC, s0;
	v19 =	vmov s3;
	s3 =	sadd.s32 $0x8, s0;
	v26 =	vand.u32 $0x7E, v26;
	v28 =	vld.idx.msk [tilespmem:v15+s15+$0x0], $0xffff;
	[tilespmem:s29+$0x80] =	vst v20  }
0x1b2: {  	v20 =	vmov s8;
	v15 =	vmov s3;
	v26 =	vbroadcast v26, $0x0;
	v29 =	vld.idx.msk [tilespmem:v17+s15+$0x0], $0xffff;
	[tilespmem:s29+$0x100] =	vst v21  }
0x1b3: {  	v30 =	vmov s11;
	v17 =	vand.u32 $0x72, v18;
	v21 =	vand.u32 $0x74, v19;
	v18 =	vld.idx.msk [tilespmem:v16+s15+$0x0], $0xffff;
	[tilespmem:s29+$0xFFFFFE00] =	vst v22;
	s29 =	sadd.s32 $0x400, s29  }
0x1b4: {  	v16 =	vand.u32 $0x76, v27;
	v22 =	vand.u32 $0x78, v15;
	v26 =	vor.u32 v2, v26;
	v19 =	vld.idx.msk [tilespmem:v13+s15+$0x0], $0xffff;
	[tilespmem:s29+$0x180] =	vst v14  }
.Ltmp26:
0x1b5: {  	v27 =	vand.u32 $0x7C, v30;
	v13 =	vbroadcast v17, $0x0;
	v14 =	vand.u32 $0x7A, v20;
	v20 =	vld.idx.msk [tilespmem:v12+s15+$0x0], $0xffff;
	(pc) =	sbr.rel @p5 .LBB2_44-.Ltmp26, $4  }
0x1b6: {  	v16 =	vbroadcast v16, $0x0;
	v12 =	vbroadcast v21, $0x0;
	v21 =	vld.idx.msk [tilespmem:v24+s15+$0x0], $0xffff  }
0x1b7: {  	v14 =	vbroadcast v14, $0x0;
	v15 =	vor.u32 v2, v13;
	v13 =	vbroadcast v22, $0x0;
	v22 =	vld.idx.msk [tilespmem:v23+s15+$0x0], $0xffff;
	[tilespmem:s29+$0xFFFFFE80] =	vst v28  }
0x1b8: {  	v24 =	vbroadcast v27, $0x0;
	v23 =	vbroadcast v25, $0x0;
	v17 =	vor.u32 v2, v12;
	[tilespmem:s29+$0xFFFFFF00] =	vst v29  }
0x1b9: {  	s0 =	sadd.s32 $0x10, s0;
	v16 =	vor.u32 v2, v16;
	v12 =	vor.u32 v2, v14;
	v13 =	vor.u32 v2, v13;
	v14 =	vld.idx.msk [tilespmem:v26+s15+$0x0], $0xffff  }
.LBB2_45:
0x1ba: {  	_ =	sdelay $0x2  }
0x1bb: {  	[tilespmem:s29+$0xFFFFFF80] =	vst @p4 v18  }
0x1bc: {  	v61 =	vor.u32 v2, v24;
	[tilespmem:s29+$0x0] =	vst @p4 v19;
	v15 =	vld.idx.msk [tilespmem:v15+s15+$0x0], $0xffff  }
0x1bd: {  	v62 =	vor.u32 v2, v23;
	[tilespmem:s29+$0x80] =	vst @p4 v20;
	v17 =	vld.idx.msk [tilespmem:v17+s15+$0x0], $0xffff  }
0x1be: {  	v16 =	vld.idx.msk [tilespmem:v16+s15+$0x0], $0xffff;
	s0 =	sadd.s32 @p4 $0x400, s29;
	[tilespmem:s29+$0x100] =	vst @p4 v21  }
0x1bf: {  	v13 =	vld.idx.msk [tilespmem:v13+s15+$0x0], $0xffff;
	s26 =	smov.u32 @p4 s0;
	[tilespmem:s29+$0xFFFFFE00] =	vst @p4 v22  }
0x1c0: {  	v12 =	vld.idx.msk [tilespmem:v12+s15+$0x0], $0xffff;
	[tilespmem:s26+$0x180] =	vst v14  }
0x1c1: {  	v14 =	vld.idx.msk [tilespmem:v61+s15+$0x0], $0xffff;
	[tilespmem:s26+$0xFFFFFE80] =	vst v15  }
0x1c2: {  	v15 =	vld.idx.msk [tilespmem:v62+s15+$0x0], $0xffff;
	[tilespmem:s26+$0xFFFFFF00] =	vst v17  }
0x1c3: {  	v63 =	vor.u32 v3, v6;
	[tilespmem:s26+$0xFFFFFF80] =	vst v16  }
.Ltmp27:
0x1c4: {  	[tilespmem:s26+$0x0] =	vst v13;
	(pc) =	sbr.rel @!p3 .LBB2_46-.Ltmp27, $4  }
0x1c5: {  	[tilespmem:s26+$0x80] =	vst v12  }
0x1c6: {  	[tilespmem:s26+$0x100] =	vst v14  }
0x1c7: {  	v6 =	vor.u32 v3, v11;
	v12 =	vor.u32 v3, v7;
	[tilespmem:s26+$0xFFFFFE00] =	vst v15  }
0x1c8: {  	v13 =	vor.u32 v3, v9;
	v9 =	vor.u32 v3, v8;
	v8 =	vor.u32 v3, v10;
	s26 =	simm.s32 $0x6230;
	v7 =	vld.idx.msk [tilespmem:v63+s15+$0x0], $0xffff  }
0x1c9: {  	_ = 	snop  }
0x1ca: {  	v10 =	vmov s28;
	s0 =	simm.s32 $0x1E;
	v4 =	vor.u32 v3, v4  }
0x1cb: {  	s2 =	simm.s32 $0x12;
	v5 =	vor.u32 v3, v5;
	s3 =	simm.s32 $0x14;
	v17 =	vand.u32 $0x70, v10;
	v10 =	vmov s0  }
0x1cc: {  	s11 =	simm.s32 $0x16;
	s29 =	simm.s32 $0x18;
	v11 =	vmov s2;
	v14 =	vmov s3;
	v10 =	vand.u32 $0x7E, v10  }
0x1cd: {  	s30 =	simm.s32 $0x1A;
	v16 =	vld.idx.msk [tilespmem:v12+s15+$0x0], $0xffff;
	s31 =	simm.s32 $0x1C;
	v15 =	vmov s11;
	v12 =	vmov s29;
	v18 =	vbroadcast v10, $0x0  }
0x1ce: {  	v20 =	vld.idx.msk [tilespmem:v13+s15+$0x0], $0xffff;
	v19 =	vmov s30;
	v21 =	vmov s31;
	v11 =	vand.u32 $0x72, v11  }
0x1cf: {  	p3 =	por $0x1, $0x1;
	v13 =	vand.u32 $0x74, v14;
	v22 =	vand.u32 $0x78, v12;
	v14 =	vld.idx.msk [tilespmem:v8+s15+$0x0], $0xffff;
	v18 =	vor.u32 v3, v18  }
.Ltmp28:
0x1d0: {  	v19 =	vand.u32 $0x7A, v19;
	v10 =	vld.idx.msk [tilespmem:v9+s15+$0x0], $0xffff;
	v9 =	vand.u32 $0x76, v15;
	v8 =	vbroadcast v11, $0x0;
	(pc) =	sbr.rel @!p3 .LBB2_48-.Ltmp28, $4  }
0x1d1: {  	v15 =	vld.idx.msk [tilespmem:v6+s15+$0x0], $0xffff;
	v6 =	vbroadcast v13, $0x0;
	v19 =	vbroadcast v19, $0x0;
	[tilespmem:s26+$0x180] =	vst v7;
	v7 =	vand.u32 $0x7C, v21  }
0x1d2: {  	v9 =	vbroadcast v9, $0x0;
	v11 =	vld.idx.msk [tilespmem:v5+s15+$0x0], $0xffff;
	v12 =	vor.u32 v3, v8;
	v8 =	vbroadcast v22, $0x0;
	[tilespmem:s26+$0xFFFFFE80] =	vst v16  }
0x1d3: {  	p1 =	por $0x1, $0x1;
	v16 =	vld.idx.msk [tilespmem:v4+s15+$0x0], $0xffff;
	v4 =	vbroadcast v17, $0x0;
	v13 =	vor.u32 v3, v6;
	v5 =	vbroadcast v7, $0x0;
	[tilespmem:s26+$0xFFFFFF00] =	vst v20  }
0x1d4: {  	s28 =	simm.s32 $0x6230;
	s2 =	simm.s32 $0x8;
	s0 =	simm.s32 $0x20;
	v6 =	vor.u32 v3, v19;
	v9 =	vor.u32 v3, v9;
	v8 =	vor.u32 v3, v8;
	v7 =	vld.idx.msk [tilespmem:v18+s15+$0x0], $0xffff  }
.LBB2_49:
0x1d5: {  	v17 =	vmov s0;
	s3 =	sadd.s32 $0x2, s0;
	s8 =	sadd.s32 $0xE, s0;
	s2 =	sadd.s32 $0x8, s2;
	v4 =	vor.u32 v3, v4;
	v5 =	vor.u32 v3, v5;
	[tilespmem:s28+$0xFFFFFF80] =	vst v10  }
0x1d6: {  	s11 =	sadd.s32 $0x6, s0;
	v17 =	vand.u32 $0x70, v17;
	v10 =	vmov s3;
	s3 =	sadd.s32 $0x4, s0;
	v18 =	vmov s8;
	p3 =	slt.u32 s2, $0x38;
	[tilespmem:s28+$0x0] =	vst v14  }
0x1d7: {  	v19 =	vmov s11;
	s8 =	sadd.s32 $0xA, s0;
	s11 =	sadd.s32 $0xC, s0;
	v14 =	vmov s3;
	s3 =	sadd.s32 $0x8, s0;
	v18 =	vand.u32 $0x7E, v18;
	v20 =	vld.idx.msk [tilespmem:v12+s15+$0x0], $0xffff;
	[tilespmem:s28+$0x80] =	vst v15  }
0x1d8: {  	v15 =	vmov s8;
	v12 =	vmov s3;
	v18 =	vbroadcast v18, $0x0;
	v21 =	vld.idx.msk [tilespmem:v13+s15+$0x0], $0xffff;
	[tilespmem:s28+$0x100] =	vst v11  }
0x1d9: {  	v22 =	vmov s11;
	v11 =	vand.u32 $0x72, v10;
	v13 =	vand.u32 $0x74, v14;
	v10 =	vld.idx.msk [tilespmem:v9+s15+$0x0], $0xffff;
	[tilespmem:s28+$0xFFFFFE00] =	vst v16;
	s28 =	sadd.s32 $0x400, s28  }
0x1da: {  	v9 =	vand.u32 $0x76, v19;
	v16 =	vand.u32 $0x78, v12;
	v18 =	vor.u32 v3, v18;
	v14 =	vld.idx.msk [tilespmem:v8+s15+$0x0], $0xffff;
	[tilespmem:s28+$0x180] =	vst v7  }
.Ltmp29:
0x1db: {  	v19 =	vand.u32 $0x7C, v22;
	v7 =	vbroadcast v11, $0x0;
	v8 =	vand.u32 $0x7A, v15;
	v15 =	vld.idx.msk [tilespmem:v6+s15+$0x0], $0xffff;
	(pc) =	sbr.rel @p3 .LBB2_49-.Ltmp29, $4  }
0x1dc: {  	v9 =	vbroadcast v9, $0x0;
	v6 =	vbroadcast v13, $0x0;
	v11 =	vld.idx.msk [tilespmem:v5+s15+$0x0], $0xffff  }
0x1dd: {  	v22 =	vbroadcast v8, $0x0;
	v12 =	vor.u32 v3, v7;
	v7 =	vbroadcast v16, $0x0;
	v16 =	vld.idx.msk [tilespmem:v4+s15+$0x0], $0xffff;
	[tilespmem:s28+$0xFFFFFE80] =	vst v20  }
0x1de: {  	v5 =	vbroadcast v19, $0x0;
	v4 =	vbroadcast v17, $0x0;
	v13 =	vor.u32 v3, v6;
	[tilespmem:s28+$0xFFFFFF00] =	vst v21  }
0x1df: {  	s0 =	sadd.s32 $0x10, s0;
	v9 =	vor.u32 v3, v9;
	v6 =	vor.u32 v3, v22;
	v8 =	vor.u32 v3, v7;
	v7 =	vld.idx.msk [tilespmem:v18+s15+$0x0], $0xffff  }
.LBB2_50:
0x1e0: {  	_ =	sdelay $0x3  }
0x1e1: {  	[tilespmem:s28+$0xFFFFFF80] =	vst @p1 v10;
	v10 =	vld.idx.msk [tilespmem:v12+s15+$0x0], $0xffff  }
0x1e2: {  	[tilespmem:s28+$0x0] =	vst @p1 v14;
	v5 =	vor.u32 v3, v5;
	v12 =	vld.idx.msk [tilespmem:v13+s15+$0x0], $0xffff  }
0x1e3: {  	[tilespmem:s28+$0x80] =	vst @p1 v15;
	v4 =	vor.u32 v3, v4;
	s0 =	sadd.s32 @p1 $0x400, s28;
	v9 =	vld.idx.msk [tilespmem:v9+s15+$0x0], $0xffff  }
0x1e4: {  	s2 =	simm.s32 $0xF;
	s3 =	simm.s32 $0x3;
	s8 =	simm.s32 $0xD;
	v8 =	vld.idx.msk [tilespmem:v8+s15+$0x0], $0xffff;
	[tilespmem:s28+$0x100] =	vst @p1 v11  }
0x1e5: {  	s29 =	simm.s32 $0x1;
	s26 =	smov.u32 @p1 s0;
	v11 =	vmov s2;
	v13 =	vmov s3;
	v14 =	vmov s8;
	[tilespmem:s28+$0xFFFFFE00] =	vst @p1 v16  }
0x1e6: {  	v15 =	vld.idx.msk [tilespmem:v6+s15+$0x0], $0xffff;
	s3 =	simm.s32 $0x5;
	v17 =	vand.u32 $0x7F, v11;
	v6 =	vand.u32 $0x7D, v14;
	v11 =	vmov s29;
	[tilespmem:s26+$0x180] =	vst v7  }
0x1e7: {  	s11 =	simm.s32 $0x7;
	s30 =	simm.s32 $0x9;
	v13 =	vand.u32 $0x73, v13;
	v6 =	vbroadcast v6, $0x0;
	v7 =	vmov s3;
	v5 =	vld.idx.msk [tilespmem:v5+s15+$0x0], $0xffff;
	[tilespmem:s26+$0xFFFFFE80] =	vst v10  }
0x1e8: {  	s31 =	simm.s32 $0xB;
	v11 =	vand.u32 $0x71, v11;
	v10 =	vmov s11;
	v4 =	vld.idx.msk [tilespmem:v4+s15+$0x0], $0xffff;
	[tilespmem:s26+$0xFFFFFF00] =	vst v12;
	v12 =	vmov s30  }
0x1e9: {  	p3 =	por $0x1, $0x1;
	[tilespmem:s26+$0xFFFFFF80] =	vst v9;
	v9 =	vmov s31;
	v14 =	vand.u32 $0x75, v7;
	v18 =	vor.u32 v0, v6  }
.Ltmp30:
0x1ea: {  	[tilespmem:s26+$0x0] =	vst v8;
	v7 =	vbroadcast v11, $0x0;
	v10 =	vand.u32 $0x77, v10;
	v11 =	vand.u32 $0x79, v12;
	(pc) =	sbr.rel @!p3 .LBB2_51-.Ltmp30, $4  }
0x1eb: {  	[tilespmem:s26+$0x80] =	vst v15;
	v12 =	vand.u32 $0x7B, v9;
	v9 =	vbroadcast v13, $0x0;
	v10 =	vbroadcast v10, $0x0  }
0x1ec: {  	v8 =	vbroadcast v14, $0x0;
	v15 =	vor.u32 v0, v7;
	v11 =	vbroadcast v11, $0x0;
	[tilespmem:s26+$0x100] =	vst v5  }
0x1ed: {  	v16 =	vor.u32 v0, v9;
	v13 =	vor.u32 v0, v10;
	[tilespmem:s26+$0xFFFFFE00] =	vst v4;
	v5 =	vbroadcast v12, $0x0  }
0x1ee: {  	s28 =	simm.s32 $0x1F;
	p1 =	por $0x0, $0x0;
	v4 =	vbroadcast v17, $0x0;
	s26 =	simm.s32 $0x6240;
	v17 =	vor.u32 v0, v8;
	v12 =	vor.u32 v0, v11;
	v14 =	vld.idx.msk [tilespmem:v18+s15+$0x0], $0xffff  }
0x1ef: {  	_ = 	snop  }
0x1f0: {  	s0 =	simm.s32 $0x13;
	s2 =	simm.s32 $0x1D;
	v18 =	vmov s28;
	v21 =	vor.u32 v0, v5  }
0x1f1: {  	s8 =	simm.s32 $0x15;
	v22 =	vor.u32 v0, v4;
	v19 =	vmov s0;
	v20 =	vmov s2  }
0x1f2: {  	s3 =	simm.s32 $0x11;
	s30 =	simm.s32 $0x19;
	v23 =	vand.u32 $0x7F, v18;
	v24 =	vmov s8;
	v18 =	vand.u32 $0x7D, v20  }
0x1f3: {  	s11 =	simm.s32 $0x17;
	v25 =	vld.idx.msk [tilespmem:v15+s15+$0x0], $0xffff;
	s31 =	simm.s32 $0x1B;
	v15 =	vmov s3;
	v27 =	vmov s30;
	v26 =	vbroadcast v18, $0x0  }
0x1f4: {  	v28 =	vld.idx.msk [tilespmem:v16+s15+$0x0], $0xffff;
	v29 =	vmov s31;
	v20 =	vmov s11;
	v15 =	vand.u32 $0x71, v15  }
0x1f5: {  	p5 =	por $0x1, $0x1;
	v16 =	vand.u32 $0x73, v19;
	v19 =	vld.idx.msk [tilespmem:v13+s15+$0x0], $0xffff;
	v27 =	vand.u32 $0x79, v27;
	v26 =	vor.u32 v0, v26  }
.Ltmp31:
0x1f6: {  	v18 =	vld.idx.msk [tilespmem:v17+s15+$0x0], $0xffff;
	v17 =	vand.u32 $0x75, v24;
	v24 =	vand.u32 $0x77, v20;
	v13 =	vbroadcast v15, $0x0;
	(pc) =	sbr.rel @!p5 .LBB2_53-.Ltmp31, $4  }
0x1f7: {  	v20 =	vld.idx.msk [tilespmem:v12+s15+$0x0], $0xffff;
	v12 =	vbroadcast v16, $0x0;
	v27 =	vbroadcast v27, $0x0;
	[tilespmem:s26+$0x100] =	vst v14;
	v14 =	vand.u32 $0x7B, v29  }
0x1f8: {  	v17 =	vbroadcast v17, $0x0;
	v21 =	vld.idx.msk [tilespmem:v21+s15+$0x0], $0xffff;
	v15 =	vor.u32 v0, v13;
	v13 =	vbroadcast v24, $0x0;
	[tilespmem:s26+$0xFFFFFE00] =	vst v25  }
0x1f9: {  	p4 =	por $0x1, $0x1;
	v23 =	vbroadcast v23, $0x0;
	v16 =	vor.u32 v0, v12;
	v24 =	vbroadcast v14, $0x0;
	[tilespmem:s26+$0xFFFFFE80] =	vst v28;
	v22 =	vld.idx.msk [tilespmem:v22+s15+$0x0], $0xffff  }
0x1fa: {  	s29 =	simm.s32 $0x6240;
	s2 =	simm.s32 $0x8;
	s0 =	simm.s32 $0x2F;
	v12 =	vor.u32 v0, v27;
	v17 =	vor.u32 v0, v17;
	v13 =	vor.u32 v0, v13;
	v14 =	vld.idx.msk [tilespmem:v26+s15+$0x0], $0xffff  }
.LBB2_54:
0x1fb: {  	s3 =	sadd.s32 $0xFFFFFFF4, s0;
	s8 =	sadd.s32 $0xFFFFFFFE, s0;
	v25 =	vmov s0;
	s2 =	sadd.s32 $0x8, s2;
	v24 =	vor.u32 v0, v24;
	v23 =	vor.u32 v0, v23;
	[tilespmem:s29+$0xFFFFFF00] =	vst v18  }
0x1fc: {  	s11 =	sadd.s32 $0xFFFFFFF8, s0;
	v18 =	vmov s3;
	s3 =	sadd.s32 $0xFFFFFFF6, s0;
	v26 =	vmov s8;
	v25 =	vand.u32 $0x7F, v25;
	p5 =	slt.u32 s2, $0x38;
	[tilespmem:s29+$0xFFFFFF80] =	vst v19  }
0x1fd: {  	s8 =	sadd.s32 $0xFFFFFFF2, s0;
	v27 =	vmov s11;
	s11 =	sadd.s32 $0xFFFFFFFC, s0;
	v19 =	vmov s3;
	s3 =	sadd.s32 $0xFFFFFFFA, s0;
	v26 =	vand.u32 $0x7D, v26;
	v28 =	vld.idx.msk [tilespmem:v15+s15+$0x0], $0xffff;
	[tilespmem:s29+$0x0] =	vst v20  }
0x1fe: {  	v15 =	vmov s8;
	v20 =	vmov s3;
	v26 =	vbroadcast v26, $0x0;
	v29 =	vld.idx.msk [tilespmem:v16+s15+$0x0], $0xffff;
	[tilespmem:s29+$0x80] =	vst v21  }
0x1ff: {  	v15 =	vand.u32 $0x71, v15;
	v16 =	vand.u32 $0x73, v18;
	v21 =	vmov s11;
	v18 =	vld.idx.msk [tilespmem:v17+s15+$0x0], $0xffff;
	[tilespmem:s29+$0x180] =	vst v22;
	s29 =	sadd.s32 $0x400, s29  }
0x200: {  	v17 =	vand.u32 $0x75, v19;
	v22 =	vand.u32 $0x77, v27;
	v26 =	vor.u32 v0, v26;
	v19 =	vld.idx.msk [tilespmem:v13+s15+$0x0], $0xffff;
	[tilespmem:s29+$0x100] =	vst v14  }
.Ltmp32:
0x201: {  	v27 =	vand.u32 $0x7B, v21;
	v13 =	vbroadcast v15, $0x0;
	v14 =	vand.u32 $0x79, v20;
	v20 =	vld.idx.msk [tilespmem:v12+s15+$0x0], $0xffff;
	(pc) =	sbr.rel @p5 .LBB2_54-.Ltmp32, $4  }
0x202: {  	v17 =	vbroadcast v17, $0x0;
	v12 =	vbroadcast v16, $0x0;
	v21 =	vld.idx.msk [tilespmem:v24+s15+$0x0], $0xffff  }
0x203: {  	v14 =	vbroadcast v14, $0x0;
	v15 =	vor.u32 v0, v13;
	v13 =	vbroadcast v22, $0x0;
	[tilespmem:s29+$0xFFFFFE00] =	vst v28;
	v22 =	vld.idx.msk [tilespmem:v23+s15+$0x0], $0xffff  }
0x204: {  	v24 =	vbroadcast v27, $0x0;
	v16 =	vor.u32 v0, v12;
	v23 =	vbroadcast v25, $0x0;
	[tilespmem:s29+$0xFFFFFE80] =	vst v29  }
0x205: {  	s0 =	sadd.s32 $0x10, s0;
	v17 =	vor.u32 v0, v17;
	v12 =	vor.u32 v0, v14;
	v13 =	vor.u32 v0, v13;
	v14 =	vld.idx.msk [tilespmem:v26+s15+$0x0], $0xffff  }
.LBB2_55:
0x206: {  	_ =	sdelay $0x2  }
0x207: {  	[tilespmem:s29+$0xFFFFFF00] =	vst @p4 v18  }
0x208: {  	v61 =	vor.u32 v0, v24;
	[tilespmem:s29+$0xFFFFFF80] =	vst @p4 v19;
	v15 =	vld.idx.msk [tilespmem:v15+s15+$0x0], $0xffff  }
0x209: {  	v62 =	vor.u32 v0, v23;
	[tilespmem:s29+$0x0] =	vst @p4 v20;
	v16 =	vld.idx.msk [tilespmem:v16+s15+$0x0], $0xffff  }
0x20a: {  	v17 =	vld.idx.msk [tilespmem:v17+s15+$0x0], $0xffff;
	s0 =	sadd.s32 @p4 $0x400, s29;
	[tilespmem:s29+$0x80] =	vst @p4 v21  }
0x20b: {  	v13 =	vld.idx.msk [tilespmem:v13+s15+$0x0], $0xffff;
	s26 =	smov.u32 @p4 s0;
	[tilespmem:s29+$0x180] =	vst @p4 v22  }
0x20c: {  	v12 =	vld.idx.msk [tilespmem:v12+s15+$0x0], $0xffff;
	[tilespmem:s26+$0x100] =	vst v14  }
0x20d: {  	v14 =	vld.idx.msk [tilespmem:v61+s15+$0x0], $0xffff;
	[tilespmem:s26+$0xFFFFFE00] =	vst v15  }
0x20e: {  	v15 =	vld.idx.msk [tilespmem:v62+s15+$0x0], $0xffff;
	[tilespmem:s26+$0xFFFFFE80] =	vst v16  }
0x20f: {  	v63 =	vor.u32 v1, v6;
	[tilespmem:s26+$0xFFFFFF00] =	vst v17  }
.Ltmp33:
0x210: {  	[tilespmem:s26+$0xFFFFFF80] =	vst v13;
	(pc) =	sbr.rel @!p3 .LBB2_56-.Ltmp33, $4  }
0x211: {  	[tilespmem:s26+$0x0] =	vst v12  }
0x212: {  	[tilespmem:s26+$0x80] =	vst v14  }
0x213: {  	v6 =	vor.u32 v1, v11;
	v12 =	vor.u32 v1, v7;
	[tilespmem:s26+$0x180] =	vst v15  }
0x214: {  	v13 =	vor.u32 v1, v9;
	v9 =	vor.u32 v1, v8;
	v8 =	vor.u32 v1, v10;
	s26 =	simm.s32 $0x6250;
	v7 =	vld.idx.msk [tilespmem:v63+s15+$0x0], $0xffff  }
0x215: {  	_ = 	snop  }
0x216: {  	s0 =	simm.s32 $0x13;
	s2 =	simm.s32 $0x1D;
	v10 =	vmov s28;
	v5 =	vor.u32 v1, v5  }
0x217: {  	v4 =	vor.u32 v1, v4;
	s11 =	simm.s32 $0x15;
	v11 =	vmov s0;
	v14 =	vmov s2  }
0x218: {  	s3 =	simm.s32 $0x11;
	s30 =	simm.s32 $0x19;
	v17 =	vand.u32 $0x7F, v10;
	v15 =	vmov s11;
	v10 =	vand.u32 $0x7D, v14  }
0x219: {  	s29 =	simm.s32 $0x17;
	v16 =	vld.idx.msk [tilespmem:v12+s15+$0x0], $0xffff;
	s31 =	simm.s32 $0x1B;
	v12 =	vmov s3;
	v19 =	vmov s30;
	v18 =	vbroadcast v10, $0x0  }
0x21a: {  	v20 =	vld.idx.msk [tilespmem:v13+s15+$0x0], $0xffff;
	v13 =	vmov s31;
	v14 =	vmov s29;
	v12 =	vand.u32 $0x71, v12  }
0x21b: {  	p3 =	por $0x1, $0x1;
	v11 =	vand.u32 $0x73, v11;
	v19 =	vand.u32 $0x79, v19;
	v10 =	vld.idx.msk [tilespmem:v9+s15+$0x0], $0xffff;
	v18 =	vor.u32 v1, v18  }
.Ltmp34:
0x21c: {  	v9 =	vand.u32 $0x75, v15;
	v21 =	vand.u32 $0x77, v14;
	v14 =	vld.idx.msk [tilespmem:v8+s15+$0x0], $0xffff;
	v8 =	vbroadcast v12, $0x0;
	(pc) =	sbr.rel @!p3 .LBB2_58-.Ltmp34, $4  }
0x21d: {  	v15 =	vld.idx.msk [tilespmem:v6+s15+$0x0], $0xffff;
	v6 =	vbroadcast v11, $0x0;
	v19 =	vbroadcast v19, $0x0;
	[tilespmem:s26+$0x100] =	vst v7;
	v7 =	vand.u32 $0x7B, v13  }
0x21e: {  	v9 =	vbroadcast v9, $0x0;
	v11 =	vld.idx.msk [tilespmem:v5+s15+$0x0], $0xffff;
	v12 =	vor.u32 v1, v8;
	v8 =	vbroadcast v21, $0x0;
	[tilespmem:s26+$0xFFFFFE00] =	vst v16  }
0x21f: {  	p1 =	por $0x1, $0x1;
	v16 =	vld.idx.msk [tilespmem:v4+s15+$0x0], $0xffff;
	v13 =	vor.u32 v1, v6;
	v5 =	vbroadcast v7, $0x0;
	v4 =	vbroadcast v17, $0x0;
	[tilespmem:s26+$0xFFFFFE80] =	vst v20  }
0x220: {  	s28 =	simm.s32 $0x6250;
	s2 =	simm.s32 $0x8;
	s0 =	simm.s32 $0x2F;
	v6 =	vor.u32 v1, v19;
	v9 =	vor.u32 v1, v9;
	v8 =	vor.u32 v1, v8;
	v7 =	vld.idx.msk [tilespmem:v18+s15+$0x0], $0xffff  }
.LBB2_59:
0x221: {  	s3 =	sadd.s32 $0xFFFFFFF4, s0;
	s8 =	sadd.s32 $0xFFFFFFFE, s0;
	v17 =	vmov s0;
	s2 =	sadd.s32 $0x8, s2;
	v5 =	vor.u32 v1, v5;
	v4 =	vor.u32 v1, v4;
	[tilespmem:s28+$0xFFFFFF00] =	vst v10  }
0x222: {  	s11 =	sadd.s32 $0xFFFFFFF8, s0;
	v10 =	vmov s3;
	s3 =	sadd.s32 $0xFFFFFFF6, s0;
	v18 =	vmov s8;
	v17 =	vand.u32 $0x7F, v17;
	p3 =	slt.u32 s2, $0x38;
	[tilespmem:s28+$0xFFFFFF80] =	vst v14  }
0x223: {  	s8 =	sadd.s32 $0xFFFFFFF2, s0;
	v19 =	vmov s11;
	s11 =	sadd.s32 $0xFFFFFFFC, s0;
	v14 =	vmov s3;
	s3 =	sadd.s32 $0xFFFFFFFA, s0;
	v18 =	vand.u32 $0x7D, v18;
	v20 =	vld.idx.msk [tilespmem:v12+s15+$0x0], $0xffff;
	[tilespmem:s28+$0x0] =	vst v15  }
0x224: {  	v12 =	vmov s8;
	v15 =	vmov s3;
	v18 =	vbroadcast v18, $0x0;
	v21 =	vld.idx.msk [tilespmem:v13+s15+$0x0], $0xffff;
	[tilespmem:s28+$0x80] =	vst v11  }
0x225: {  	v11 =	vand.u32 $0x71, v12;
	v12 =	vand.u32 $0x73, v10;
	v13 =	vmov s11;
	v10 =	vld.idx.msk [tilespmem:v9+s15+$0x0], $0xffff;
	[tilespmem:s28+$0x180] =	vst v16;
	s28 =	sadd.s32 $0x400, s28  }
0x226: {  	v9 =	vand.u32 $0x75, v14;
	v16 =	vand.u32 $0x77, v19;
	v18 =	vor.u32 v1, v18;
	v14 =	vld.idx.msk [tilespmem:v8+s15+$0x0], $0xffff;
	[tilespmem:s28+$0x100] =	vst v7  }
.Ltmp35:
0x227: {  	v19 =	vand.u32 $0x7B, v13;
	v7 =	vbroadcast v11, $0x0;
	v8 =	vand.u32 $0x79, v15;
	v15 =	vld.idx.msk [tilespmem:v6+s15+$0x0], $0xffff;
	(pc) =	sbr.rel @p3 .LBB2_59-.Ltmp35, $4  }
0x228: {  	v9 =	vbroadcast v9, $0x0;
	v6 =	vbroadcast v12, $0x0;
	v11 =	vld.idx.msk [tilespmem:v5+s15+$0x0], $0xffff  }
0x229: {  	v22 =	vbroadcast v8, $0x0;
	v12 =	vor.u32 v1, v7;
	v7 =	vbroadcast v16, $0x0;
	[tilespmem:s28+$0xFFFFFE00] =	vst v20;
	v16 =	vld.idx.msk [tilespmem:v4+s15+$0x0], $0xffff  }
0x22a: {  	v5 =	vbroadcast v19, $0x0;
	v13 =	vor.u32 v1, v6;
	v4 =	vbroadcast v17, $0x0;
	[tilespmem:s28+$0xFFFFFE80] =	vst v21  }
0x22b: {  	s0 =	sadd.s32 $0x10, s0;
	v9 =	vor.u32 v1, v9;
	v6 =	vor.u32 v1, v22;
	v8 =	vor.u32 v1, v7;
	v7 =	vld.idx.msk [tilespmem:v18+s15+$0x0], $0xffff  }
.LBB2_60:
0x22c: {  	_ =	sdelay $0x3  }
0x22d: {  	[tilespmem:s28+$0xFFFFFF00] =	vst @p1 v10;
	v10 =	vld.idx.msk [tilespmem:v12+s15+$0x0], $0xffff  }
0x22e: {  	[tilespmem:s28+$0xFFFFFF80] =	vst @p1 v14;
	v5 =	vor.u32 v1, v5;
	v12 =	vld.idx.msk [tilespmem:v13+s15+$0x0], $0xffff  }
0x22f: {  	[tilespmem:s28+$0x0] =	vst @p1 v15;
	v4 =	vor.u32 v1, v4;
	s0 =	sadd.s32 @p1 $0x400, s28;
	v9 =	vld.idx.msk [tilespmem:v9+s15+$0x0], $0xffff  }
0x230: {  	s2 =	simm.s32 $0xF;
	s3 =	simm.s32 $0x3;
	s8 =	simm.s32 $0xD;
	v8 =	vld.idx.msk [tilespmem:v8+s15+$0x0], $0xffff;
	[tilespmem:s28+$0x80] =	vst @p1 v11  }
0x231: {  	s29 =	simm.s32 $0x1;
	s26 =	smov.u32 @p1 s0;
	v11 =	vmov s2;
	v13 =	vmov s3;
	v14 =	vmov s8;
	[tilespmem:s28+$0x180] =	vst @p1 v16  }
0x232: {  	v15 =	vld.idx.msk [tilespmem:v6+s15+$0x0], $0xffff;
	s3 =	simm.s32 $0x5;
	v17 =	vand.u32 $0x7F, v11;
	v6 =	vand.u32 $0x7D, v14;
	v11 =	vmov s29;
	[tilespmem:s26+$0x100] =	vst v7  }
0x233: {  	s11 =	simm.s32 $0x7;
	s30 =	simm.s32 $0x9;
	v13 =	vand.u32 $0x73, v13;
	v6 =	vbroadcast v6, $0x0;
	v7 =	vmov s3;
	v5 =	vld.idx.msk [tilespmem:v5+s15+$0x0], $0xffff;
	[tilespmem:s26+$0xFFFFFE00] =	vst v10  }
0x234: {  	s31 =	simm.s32 $0xB;
	v11 =	vand.u32 $0x71, v11;
	v10 =	vmov s11;
	v4 =	vld.idx.msk [tilespmem:v4+s15+$0x0], $0xffff;
	[tilespmem:s26+$0xFFFFFE80] =	vst v12;
	v12 =	vmov s30  }
0x235: {  	p3 =	por $0x1, $0x1;
	[tilespmem:s26+$0xFFFFFF00] =	vst v9;
	v9 =	vmov s31;
	v14 =	vand.u32 $0x75, v7;
	v18 =	vor.u32 v2, v6  }
.Ltmp36:
0x236: {  	[tilespmem:s26+$0xFFFFFF80] =	vst v8;
	v7 =	vbroadcast v11, $0x0;
	v10 =	vand.u32 $0x77, v10;
	v11 =	vand.u32 $0x79, v12;
	(pc) =	sbr.rel @!p3 .LBB2_61-.Ltmp36, $4  }
0x237: {  	[tilespmem:s26+$0x0] =	vst v15;
	v12 =	vand.u32 $0x7B, v9;
	v9 =	vbroadcast v13, $0x0;
	v10 =	vbroadcast v10, $0x0  }
0x238: {  	v8 =	vbroadcast v14, $0x0;
	v15 =	vor.u32 v2, v7;
	v11 =	vbroadcast v11, $0x0;
	[tilespmem:s26+$0x80] =	vst v5  }
0x239: {  	v16 =	vor.u32 v2, v9;
	v13 =	vor.u32 v2, v10;
	[tilespmem:s26+$0x180] =	vst v4;
	v5 =	vbroadcast v12, $0x0  }
0x23a: {  	s28 =	simm.s32 $0x6260;
	p1 =	por $0x0, $0x0;
	v4 =	vbroadcast v17, $0x0;
	v17 =	vor.u32 v2, v8;
	v12 =	vor.u32 v2, v11;
	s26 =	simm.s32 $0x1F;
	v14 =	vld.idx.msk [tilespmem:v18+s15+$0x0], $0xffff  }
0x23b: {  	_ = 	snop  }
0x23c: {  	s0 =	simm.s32 $0x13;
	s2 =	simm.s32 $0x1D;
	v18 =	vmov s26;
	v21 =	vor.u32 v2, v5  }
0x23d: {  	s8 =	simm.s32 $0x15;
	v22 =	vor.u32 v2, v4;
	v19 =	vmov s0;
	v20 =	vmov s2  }
0x23e: {  	s3 =	simm.s32 $0x11;
	s30 =	simm.s32 $0x19;
	v23 =	vand.u32 $0x7F, v18;
	v24 =	vmov s8;
	v18 =	vand.u32 $0x7D, v20  }
0x23f: {  	s11 =	simm.s32 $0x17;
	v25 =	vld.idx.msk [tilespmem:v15+s15+$0x0], $0xffff;
	s31 =	simm.s32 $0x1B;
	v15 =	vmov s3;
	v27 =	vmov s30;
	v26 =	vbroadcast v18, $0x0  }
0x240: {  	v28 =	vld.idx.msk [tilespmem:v16+s15+$0x0], $0xffff;
	v29 =	vmov s31;
	v20 =	vmov s11;
	v15 =	vand.u32 $0x71, v15  }
0x241: {  	p5 =	por $0x1, $0x1;
	v16 =	vand.u32 $0x73, v19;
	v19 =	vld.idx.msk [tilespmem:v13+s15+$0x0], $0xffff;
	v27 =	vand.u32 $0x79, v27;
	v26 =	vor.u32 v2, v26  }
.Ltmp37:
0x242: {  	v18 =	vld.idx.msk [tilespmem:v17+s15+$0x0], $0xffff;
	v17 =	vand.u32 $0x75, v24;
	v24 =	vand.u32 $0x77, v20;
	v13 =	vbroadcast v15, $0x0;
	(pc) =	sbr.rel @!p5 .LBB2_63-.Ltmp37, $4  }
0x243: {  	v20 =	vld.idx.msk [tilespmem:v12+s15+$0x0], $0xffff;
	v12 =	vbroadcast v16, $0x0;
	v27 =	vbroadcast v27, $0x0;
	[tilespmem:s28+$0x100] =	vst v14;
	v14 =	vand.u32 $0x7B, v29  }
0x244: {  	v17 =	vbroadcast v17, $0x0;
	v21 =	vld.idx.msk [tilespmem:v21+s15+$0x0], $0xffff;
	v15 =	vor.u32 v2, v13;
	v13 =	vbroadcast v24, $0x0;
	[tilespmem:s28+$0xFFFFFE00] =	vst v25  }
0x245: {  	p4 =	por $0x1, $0x1;
	v23 =	vbroadcast v23, $0x0;
	v16 =	vor.u32 v2, v12;
	v24 =	vbroadcast v14, $0x0;
	[tilespmem:s28+$0xFFFFFE80] =	vst v28;
	v22 =	vld.idx.msk [tilespmem:v22+s15+$0x0], $0xffff  }
0x246: {  	s29 =	simm.s32 $0x6260;
	s2 =	simm.s32 $0x8;
	s0 =	simm.s32 $0x2F;
	v12 =	vor.u32 v2, v27;
	v17 =	vor.u32 v2, v17;
	v13 =	vor.u32 v2, v13;
	v14 =	vld.idx.msk [tilespmem:v26+s15+$0x0], $0xffff  }
.LBB2_64:
0x247: {  	s3 =	sadd.s32 $0xFFFFFFF4, s0;
	s8 =	sadd.s32 $0xFFFFFFFE, s0;
	v25 =	vmov s0;
	s2 =	sadd.s32 $0x8, s2;
	v24 =	vor.u32 v2, v24;
	v23 =	vor.u32 v2, v23;
	[tilespmem:s29+$0xFFFFFF00] =	vst v18  }
0x248: {  	s11 =	sadd.s32 $0xFFFFFFF8, s0;
	v18 =	vmov s3;
	s3 =	sadd.s32 $0xFFFFFFF6, s0;
	v26 =	vmov s8;
	v25 =	vand.u32 $0x7F, v25;
	p5 =	slt.u32 s2, $0x38;
	[tilespmem:s29+$0xFFFFFF80] =	vst v19  }
0x249: {  	s8 =	sadd.s32 $0xFFFFFFF2, s0;
	v27 =	vmov s11;
	s11 =	sadd.s32 $0xFFFFFFFC, s0;
	v19 =	vmov s3;
	s3 =	sadd.s32 $0xFFFFFFFA, s0;
	v26 =	vand.u32 $0x7D, v26;
	v28 =	vld.idx.msk [tilespmem:v15+s15+$0x0], $0xffff;
	[tilespmem:s29+$0x0] =	vst v20  }
0x24a: {  	v15 =	vmov s8;
	v20 =	vmov s3;
	v26 =	vbroadcast v26, $0x0;
	v29 =	vld.idx.msk [tilespmem:v16+s15+$0x0], $0xffff;
	[tilespmem:s29+$0x80] =	vst v21  }
0x24b: {  	v15 =	vand.u32 $0x71, v15;
	v16 =	vand.u32 $0x73, v18;
	v21 =	vmov s11;
	v18 =	vld.idx.msk [tilespmem:v17+s15+$0x0], $0xffff;
	[tilespmem:s29+$0x180] =	vst v22;
	s29 =	sadd.s32 $0x400, s29  }
0x24c: {  	v17 =	vand.u32 $0x75, v19;
	v22 =	vand.u32 $0x77, v27;
	v26 =	vor.u32 v2, v26;
	v19 =	vld.idx.msk [tilespmem:v13+s15+$0x0], $0xffff;
	[tilespmem:s29+$0x100] =	vst v14  }
.Ltmp38:
0x24d: {  	v27 =	vand.u32 $0x7B, v21;
	v13 =	vbroadcast v15, $0x0;
	v14 =	vand.u32 $0x79, v20;
	v20 =	vld.idx.msk [tilespmem:v12+s15+$0x0], $0xffff;
	(pc) =	sbr.rel @p5 .LBB2_64-.Ltmp38, $4  }
0x24e: {  	v17 =	vbroadcast v17, $0x0;
	v12 =	vbroadcast v16, $0x0;
	v21 =	vld.idx.msk [tilespmem:v24+s15+$0x0], $0xffff  }
0x24f: {  	v14 =	vbroadcast v14, $0x0;
	v15 =	vor.u32 v2, v13;
	v13 =	vbroadcast v22, $0x0;
	[tilespmem:s29+$0xFFFFFE00] =	vst v28;
	v22 =	vld.idx.msk [tilespmem:v23+s15+$0x0], $0xffff  }
0x250: {  	v24 =	vbroadcast v27, $0x0;
	v16 =	vor.u32 v2, v12;
	v23 =	vbroadcast v25, $0x0;
	[tilespmem:s29+$0xFFFFFE80] =	vst v29  }
0x251: {  	s0 =	sadd.s32 $0x10, s0;
	v17 =	vor.u32 v2, v17;
	v12 =	vor.u32 v2, v14;
	v13 =	vor.u32 v2, v13;
	v14 =	vld.idx.msk [tilespmem:v26+s15+$0x0], $0xffff  }
.LBB2_65:
0x252: {  	_ =	sdelay $0x2  }
0x253: {  	[tilespmem:s29+$0xFFFFFF00] =	vst @p4 v18  }
0x254: {  	v61 =	vor.u32 v2, v24;
	[tilespmem:s29+$0xFFFFFF80] =	vst @p4 v19;
	v15 =	vld.idx.msk [tilespmem:v15+s15+$0x0], $0xffff  }
0x255: {  	v62 =	vor.u32 v2, v23;
	[tilespmem:s29+$0x0] =	vst @p4 v20;
	v16 =	vld.idx.msk [tilespmem:v16+s15+$0x0], $0xffff  }
0x256: {  	v17 =	vld.idx.msk [tilespmem:v17+s15+$0x0], $0xffff;
	s0 =	sadd.s32 @p4 $0x400, s29;
	[tilespmem:s29+$0x80] =	vst @p4 v21  }
0x257: {  	v13 =	vld.idx.msk [tilespmem:v13+s15+$0x0], $0xffff;
	s28 =	smov.u32 @p4 s0;
	[tilespmem:s29+$0x180] =	vst @p4 v22  }
0x258: {  	v12 =	vld.idx.msk [tilespmem:v12+s15+$0x0], $0xffff;
	[tilespmem:s28+$0x100] =	vst v14  }
0x259: {  	v14 =	vld.idx.msk [tilespmem:v61+s15+$0x0], $0xffff;
	[tilespmem:s28+$0xFFFFFE00] =	vst v15  }
0x25a: {  	v15 =	vld.idx.msk [tilespmem:v62+s15+$0x0], $0xffff;
	[tilespmem:s28+$0xFFFFFE80] =	vst v16  }
0x25b: {  	v63 =	vor.u32 v3, v6;
	[tilespmem:s28+$0xFFFFFF00] =	vst v17  }
.Ltmp39:
0x25c: {  	[tilespmem:s28+$0xFFFFFF80] =	vst v13;
	(pc) =	sbr.rel @!p3 .LBB2_66-.Ltmp39, $4  }
0x25d: {  	[tilespmem:s28+$0x0] =	vst v12  }
0x25e: {  	[tilespmem:s28+$0x80] =	vst v14  }
0x25f: {  	v6 =	vor.u32 v3, v11;
	v12 =	vor.u32 v3, v7;
	[tilespmem:s28+$0x180] =	vst v15  }
0x260: {  	v13 =	vor.u32 v3, v9;
	v9 =	vor.u32 v3, v8;
	v7 =	vor.u32 v3, v10;
	s28 =	simm.s32 $0x6270;
	v8 =	vld.idx.msk [tilespmem:v63+s15+$0x0], $0xffff  }
0x261: {  	_ = 	snop  }
0x262: {  	s0 =	simm.s32 $0x13;
	s2 =	simm.s32 $0x1D;
	v10 =	vmov s26;
	v5 =	vor.u32 v3, v5  }
0x263: {  	v4 =	vor.u32 v3, v4;
	s26 =	simm.s32 $0x15;
	v11 =	vmov s0;
	v14 =	vmov s2  }
0x264: {  	s3 =	simm.s32 $0x11;
	s30 =	simm.s32 $0x19;
	v17 =	vand.u32 $0x7F, v10;
	v15 =	vmov s26;
	v10 =	vand.u32 $0x7D, v14  }
0x265: {  	s29 =	simm.s32 $0x17;
	v16 =	vld.idx.msk [tilespmem:v12+s15+$0x0], $0xffff;
	s31 =	simm.s32 $0x1B;
	v12 =	vmov s3;
	v19 =	vmov s30;
	v18 =	vbroadcast v10, $0x0  }
0x266: {  	v20 =	vld.idx.msk [tilespmem:v13+s15+$0x0], $0xffff;
	v21 =	vmov s31;
	v14 =	vmov s29;
	v12 =	vand.u32 $0x71, v12  }
0x267: {  	p3 =	por $0x1, $0x1;
	v13 =	vand.u32 $0x73, v11;
	v11 =	vld.idx.msk [tilespmem:v7+s15+$0x0], $0xffff;
	v19 =	vand.u32 $0x79, v19;
	v18 =	vor.u32 v3, v18  }
.Ltmp40:
0x268: {  	v10 =	vld.idx.msk [tilespmem:v9+s15+$0x0], $0xffff;
	v9 =	vand.u32 $0x75, v15;
	v22 =	vand.u32 $0x77, v14;
	v7 =	vbroadcast v12, $0x0;
	(pc) =	sbr.rel @!p3 .LBB2_68-.Ltmp40, $4  }
0x269: {  	v14 =	vld.idx.msk [tilespmem:v6+s15+$0x0], $0xffff;
	v6 =	vbroadcast v13, $0x0;
	v19 =	vbroadcast v19, $0x0;
	[tilespmem:s28+$0x100] =	vst v8;
	v8 =	vand.u32 $0x7B, v21  }
0x26a: {  	v9 =	vbroadcast v9, $0x0;
	v15 =	vld.idx.msk [tilespmem:v5+s15+$0x0], $0xffff;
	v12 =	vor.u32 v3, v7;
	v7 =	vbroadcast v22, $0x0;
	[tilespmem:s28+$0xFFFFFE00] =	vst v16  }
0x26b: {  	p1 =	por $0x1, $0x1;
	v16 =	vld.idx.msk [tilespmem:v4+s15+$0x0], $0xffff;
	v13 =	vor.u32 v3, v6;
	v5 =	vbroadcast v8, $0x0;
	v4 =	vbroadcast v17, $0x0;
	[tilespmem:s28+$0xFFFFFE80] =	vst v20  }
0x26c: {  	s2 =	simm.s32 $0x8;
	s0 =	simm.s32 $0x2F;
	s26 =	simm.s32 $0x6270;
	v6 =	vor.u32 v3, v19;
	v9 =	vor.u32 v3, v9;
	v7 =	vor.u32 v3, v7;
	v8 =	vld.idx.msk [tilespmem:v18+s15+$0x0], $0xffff  }
.LBB2_69:
0x26d: {  	s3 =	sadd.s32 $0xFFFFFFF4, s0;
	s8 =	sadd.s32 $0xFFFFFFFE, s0;
	v17 =	vmov s0;
	s2 =	sadd.s32 $0x8, s2;
	v5 =	vor.u32 v3, v5;
	v4 =	vor.u32 v3, v4;
	[tilespmem:s26+$0xFFFFFF00] =	vst v10  }
0x26e: {  	s11 =	sadd.s32 $0xFFFFFFF8, s0;
	v10 =	vmov s3;
	s3 =	sadd.s32 $0xFFFFFFF6, s0;
	v18 =	vmov s8;
	v17 =	vand.u32 $0x7F, v17;
	p3 =	slt.u32 s2, $0x38;
	[tilespmem:s26+$0xFFFFFF80] =	vst v11  }
0x26f: {  	s8 =	sadd.s32 $0xFFFFFFF2, s0;
	v19 =	vmov s11;
	s11 =	sadd.s32 $0xFFFFFFFC, s0;
	v11 =	vmov s3;
	s3 =	sadd.s32 $0xFFFFFFFA, s0;
	v18 =	vand.u32 $0x7D, v18;
	v20 =	vld.idx.msk [tilespmem:v12+s15+$0x0], $0xffff;
	[tilespmem:s26+$0x0] =	vst v14  }
0x270: {  	v12 =	vmov s8;
	v14 =	vmov s3;
	v18 =	vbroadcast v18, $0x0;
	v21 =	vld.idx.msk [tilespmem:v13+s15+$0x0], $0xffff;
	[tilespmem:s26+$0x80] =	vst v15  }
0x271: {  	v12 =	vand.u32 $0x71, v12;
	v13 =	vand.u32 $0x73, v10;
	v15 =	vmov s11;
	v10 =	vld.idx.msk [tilespmem:v9+s15+$0x0], $0xffff;
	[tilespmem:s26+$0x180] =	vst v16;
	s26 =	sadd.s32 $0x400, s26  }
0x272: {  	v9 =	vand.u32 $0x75, v11;
	v16 =	vand.u32 $0x77, v19;
	v18 =	vor.u32 v3, v18;
	v11 =	vld.idx.msk [tilespmem:v7+s15+$0x0], $0xffff;
	[tilespmem:s26+$0x100] =	vst v8  }
.Ltmp41:
0x273: {  	v19 =	vand.u32 $0x7B, v15;
	v7 =	vbroadcast v12, $0x0;
	v8 =	vand.u32 $0x79, v14;
	v14 =	vld.idx.msk [tilespmem:v6+s15+$0x0], $0xffff;
	(pc) =	sbr.rel @p3 .LBB2_69-.Ltmp41, $4  }
0x274: {  	v9 =	vbroadcast v9, $0x0;
	v6 =	vbroadcast v13, $0x0;
	v15 =	vld.idx.msk [tilespmem:v5+s15+$0x0], $0xffff  }
0x275: {  	v8 =	vbroadcast v8, $0x0;
	v12 =	vor.u32 v3, v7;
	v7 =	vbroadcast v16, $0x0;
	[tilespmem:s26+$0xFFFFFE00] =	vst v20;
	v16 =	vld.idx.msk [tilespmem:v4+s15+$0x0], $0xffff  }
0x276: {  	v5 =	vbroadcast v19, $0x0;
	v13 =	vor.u32 v3, v6;
	v4 =	vbroadcast v17, $0x0;
	[tilespmem:s26+$0xFFFFFE80] =	vst v21  }
0x277: {  	s0 =	sadd.s32 $0x10, s0;
	v9 =	vor.u32 v3, v9;
	v6 =	vor.u32 v3, v8;
	v7 =	vor.u32 v3, v7;
	v8 =	vld.idx.msk [tilespmem:v18+s15+$0x0], $0xffff  }
.LBB2_70:
0x278: {  	_ =	sdelay $0x2  }
0x279: {  	[tilespmem:s26+$0xFFFFFF00] =	vst @p1 v10  }
0x27a: {  	v5 =	vor.u32 v3, v5;
	[tilespmem:s26+$0xFFFFFF80] =	vst @p1 v11;
	v62 =	vld.idx.msk [tilespmem:v12+s15+$0x0], $0xffff  }
0x27b: {  	v4 =	vor.u32 v3, v4;
	[tilespmem:s26+$0x0] =	vst @p1 v14;
	v63 =	vld.idx.msk [tilespmem:v13+s15+$0x0], $0xffff  }
0x27c: {  	v9 =	vld.idx.msk [tilespmem:v9+s15+$0x0], $0xffff;
	s0 =	sadd.s32 @p1 $0x400, s26;
	[tilespmem:s26+$0x80] =	vst @p1 v15  }
0x27d: {  	v7 =	vld.idx.msk [tilespmem:v7+s15+$0x0], $0xffff;
	s28 =	smov.u32 @p1 s0;
	[tilespmem:s26+$0x180] =	vst @p1 v16  }
0x27e: {  	v6 =	vld.idx.msk [tilespmem:v6+s15+$0x0], $0xffff;
	[tilespmem:s28+$0x100] =	vst v8  }
0x27f: {  	v5 =	vld.idx.msk [tilespmem:v5+s15+$0x0], $0xffff;
	[tilespmem:s28+$0xFFFFFE00] =	vst v62  }
0x280: {  	v4 =	vld.idx.msk [tilespmem:v4+s15+$0x0], $0xffff;
	[tilespmem:s28+$0xFFFFFE80] =	vst v63  }
0x281: {  	[tilespmem:s28+$0xFFFFFF00] =	vst v9  }
.Ltmp42:
0x282: {  	[tilespmem:s28+$0xFFFFFF80] =	vst v7;
	(pc) =	sbr.rel @p2 .LBB2_72-.Ltmp42, $4  }
0x283: {  	[tilespmem:s28+$0x0] =	vst v6  }
0x284: {  	s31 =	sshll.u32 s25, $0xA;
	[tilespmem:s28+$0x80] =	vst v5  }
0x285: {  	s0 =	sadd.s32 s7, s31;
	[tilespmem:s28+$0x180] =	vst v4  }
0x286: {  	[hbm4b:s0+s4] =	stream.linear.scatter [tilespmem:s19], [sflag:$0x4], $0x2000, $0x38;
	[tilespmem:$0x8000] =	vst v63  }
.Ltmp43:
0x287: {  	s0 =	sadd.s32 s10, s24;
	(pc) =	sbr.rel .LBB2_2-.Ltmp43, $4  }
0x288: {  	s0 =	smin.u32 s0, $0x1E83  }
0x289: {  	s0 =	sshll.u32 s0, $0x7  }
0x28a: {  	s23 =	sadd.s32 $0x1, s23;
	s0 =	sadd.s32 s1, s0  }
0x28b: {  	[tilespmem:s15], [sflag:$0x2] =	stream.strided.gather [hbm4b:s0+s13], $0x2000, s14, s13, $0x38;
	[tilespmem:$0x8000] =	vst v63  }
.LBB2_7:
.Ltmp44:
0x28c: {  	(pc) =	sbr.rel .LBB2_11-.Ltmp44, $2  }
0x28d: {  	_ =	sdelay $0x2  }
0x28e: {  	v23 =	vmov v4;
	s31 =	simm.s32 $0x4220;
	p4 =	por $0x0, $0x0;
	v24 =	vmov v5  }
.LBB2_12:
.Ltmp45:
0x28f: {  	(pc) =	sbr.rel .LBB2_16-.Ltmp45, $2  }
0x290: {  	_ =	sdelay $0x2  }
0x291: {  	s29 =	simm.s32 $0x4230  }
.LBB2_17:
.Ltmp46:
0x292: {  	(pc) =	sbr.rel .LBB2_21-.Ltmp46, $2  }
0x293: {  	_ =	sdelay $0x2  }
0x294: {  	v24 =	vmov v5;
	s30 =	simm.s32 $0x4240;
	p4 =	por $0x0, $0x0;
	v23 =	vmov v4  }
.LBB2_22:
.Ltmp47:
0x295: {  	(pc) =	sbr.rel .LBB2_26-.Ltmp47, $2  }
0x296: {  	_ =	sdelay $0x2  }
0x297: {  	s29 =	simm.s32 $0x4250  }
.LBB2_27:
.Ltmp48:
0x298: {  	(pc) =	sbr.rel .LBB2_31-.Ltmp48, $2  }
0x299: {  	_ =	sdelay $0x2  }
0x29a: {  	v24 =	vmov v5;
	s30 =	simm.s32 $0x4260;
	p4 =	por $0x0, $0x0;
	v23 =	vmov v4  }
.LBB2_32:
.Ltmp49:
0x29b: {  	(pc) =	sbr.rel .LBB2_36-.Ltmp49, $2  }
0x29c: {  	_ =	sdelay $0x2  }
0x29d: {  	s28 =	simm.s32 $0x4270  }
.LBB2_41:
.Ltmp50:
0x29e: {  	(pc) =	sbr.rel .LBB2_45-.Ltmp50, $2  }
0x29f: {  	_ =	sdelay $0x2  }
0x2a0: {  	v23 =	vmov v4;
	s29 =	simm.s32 $0x6220;
	p4 =	por $0x0, $0x0;
	v24 =	vmov v5  }
.LBB2_46:
.Ltmp51:
0x2a1: {  	(pc) =	sbr.rel .LBB2_50-.Ltmp51, $2  }
0x2a2: {  	_ =	sdelay $0x2  }
0x2a3: {  	s28 =	simm.s32 $0x6230  }
.LBB2_51:
.Ltmp52:
0x2a4: {  	(pc) =	sbr.rel .LBB2_55-.Ltmp52, $2  }
0x2a5: {  	_ =	sdelay $0x2  }
0x2a6: {  	v24 =	vmov v5;
	s29 =	simm.s32 $0x6240;
	p4 =	por $0x0, $0x0;
	v23 =	vmov v4  }
.LBB2_56:
.Ltmp53:
0x2a7: {  	(pc) =	sbr.rel .LBB2_60-.Ltmp53, $2  }
0x2a8: {  	_ =	sdelay $0x2  }
0x2a9: {  	s28 =	simm.s32 $0x6250  }
.LBB2_61:
.Ltmp54:
0x2aa: {  	(pc) =	sbr.rel .LBB2_65-.Ltmp54, $2  }
0x2ab: {  	_ =	sdelay $0x2  }
0x2ac: {  	v24 =	vmov v5;
	s29 =	simm.s32 $0x6260;
	p4 =	por $0x0, $0x0;
	v23 =	vmov v4  }
.LBB2_66:
.Ltmp55:
0x2ad: {  	(pc) =	sbr.rel .LBB2_70-.Ltmp55, $2  }
0x2ae: {  	_ =	sdelay $0x2  }
0x2af: {  	s26 =	simm.s32 $0x6270  }
.LBB2_9:
.Ltmp56:
0x2b0: {  	(pc) =	sbr.rel .LBB2_11-.Ltmp56, $2  }
0x2b1: {  	_ =	sdelay $0x2  }
0x2b2: {  	s31 =	simm.s32 $0x4220  }
.LBB2_14:
.Ltmp57:
0x2b3: {  	(pc) =	sbr.rel .LBB2_16-.Ltmp57, $2  }
0x2b4: {  	_ =	sdelay $0x2  }
0x2b5: {  	s29 =	simm.s32 $0x4230  }
.LBB2_19:
.Ltmp58:
0x2b6: {  	(pc) =	sbr.rel .LBB2_21-.Ltmp58, $2  }
0x2b7: {  	_ =	sdelay $0x2  }
0x2b8: {  	s30 =	simm.s32 $0x4240  }
.LBB2_24:
.Ltmp59:
0x2b9: {  	(pc) =	sbr.rel .LBB2_26-.Ltmp59, $2  }
0x2ba: {  	_ =	sdelay $0x2  }
0x2bb: {  	s29 =	simm.s32 $0x4250  }
.LBB2_29:
.Ltmp60:
0x2bc: {  	(pc) =	sbr.rel .LBB2_31-.Ltmp60, $2  }
0x2bd: {  	_ =	sdelay $0x2  }
0x2be: {  	s30 =	simm.s32 $0x4260  }
.LBB2_34:
.Ltmp61:
0x2bf: {  	(pc) =	sbr.rel .LBB2_36-.Ltmp61, $2  }
0x2c0: {  	_ =	sdelay $0x2  }
0x2c1: {  	s28 =	simm.s32 $0x4270  }
.LBB2_43:
.Ltmp62:
0x2c2: {  	(pc) =	sbr.rel .LBB2_45-.Ltmp62, $2  }
0x2c3: {  	_ =	sdelay $0x2  }
0x2c4: {  	s29 =	simm.s32 $0x6220  }
.LBB2_48:
.Ltmp63:
0x2c5: {  	(pc) =	sbr.rel .LBB2_50-.Ltmp63, $2  }
0x2c6: {  	_ =	sdelay $0x2  }
0x2c7: {  	s28 =	simm.s32 $0x6230  }
.LBB2_53:
.Ltmp64:
0x2c8: {  	(pc) =	sbr.rel .LBB2_55-.Ltmp64, $2  }
0x2c9: {  	_ =	sdelay $0x2  }
0x2ca: {  	s29 =	simm.s32 $0x6240  }
.LBB2_58:
.Ltmp65:
0x2cb: {  	(pc) =	sbr.rel .LBB2_60-.Ltmp65, $2  }
0x2cc: {  	_ =	sdelay $0x2  }
0x2cd: {  	s28 =	simm.s32 $0x6250  }
.LBB2_63:
.Ltmp66:
0x2ce: {  	(pc) =	sbr.rel .LBB2_65-.Ltmp66, $2  }
0x2cf: {  	_ =	sdelay $0x2  }
0x2d0: {  	s29 =	simm.s32 $0x6260  }
.LBB2_68:
.Ltmp67:
0x2d1: {  	(pc) =	sbr.rel .LBB2_70-.Ltmp67, $2  }
0x2d2: {  	_ =	sdelay $0x2  }
0x2d3: {  	s26 =	simm.s32 $0x6270  }
.LBB2_73:
0x2d4: {  	_ =	sfence.sel $0x180000  }
0x2d5: {  	[bflag:$0x0] =	sbarrier.arrive $0xFFFF  }
0x2d6: {  	_ =	strace $0x90000047  }
0x2d7: {  	s0 =	stileid.u32;
	[bflag:$0x2] =	sbarrier.arrive $0xFFFF  }
0x2d8: {  	p0 =	sne.s32 s0, $0x0;
	s0 =	rddreg [dreg:$0x3]  }
0x2d9: {  	s0 =	sadd.s32 @!p0 $0x100000, s0  }
0x2da: {  	[sflag:s0] =	ssyncadd.tile.s32 @!p0 $0x1;
	_ =	shalt  }
.Lfunc_end2:
_tile_overlayer_lowered:
.L_overlay_start_2:
0x2db: {  	(tag) =	ssettag $0x2  }
0x2dc: {  	s0 =	rddreg [dreg:$0x0];
	s2 =	stileid.u32  }
0x2dd: {  	s1 =	rddreg [dreg:$0x1];
	p0 =	sne.s32 s2, $0x0  }
0x2de: {  	s3 =	rddreg [dreg:$0x2];
	[bflag:$0x3] =	sbarrier.arrive $0xFFFF;
	s2 =	simm.s32 @!p0 $0x1C05  }
0x2df: {  	[timem:s3], [sflag:s2] =	dma.local @!p0 [hbm:s0], s1  }
0x2e0: {  	s0 =	simm.s32 @!p0 $0x5  }
0x2e1: {  	_ =	swait.ge @!p0 [sflag:s0], s1  }
0x2e2: {  	s1 =	ssub.s32 @!p0 $0x0, s1;
	[sflag:s0] =	ssyncset.done @!p0 $0x0  }
0x2e3: {  	[sflag:s0] =	ssyncadd.s32 @!p0 s1  }
0x2e4: {  	[bflag:$0x3] =	sbarrier.arrive $0xFFFF  }
0x2e5: {  	_ =	shalt  }

// kernel: kernel.7.cloned.1.call-start
scs
__scs_entry_jumppad:
0x0: {  	(pc) =	sbr.rel $0x88, $3  }
0x1: {  	(tag) =	ssettag $0x0;
	lr =	simm.s32 $0x1  }
0x2: {  	[smem:$0x3F9F] =	sst lr;
	_ =	strace $0xD0000000  }
0x3: {  	_ = 	snop  }
0x4: {  	_ = 	snop  }
0x5: {  	_ = 	snop  }
0x6: {  	_ = 	snop  }
0x7: {  	_ = 	snop  }
__scs_overlays_trampoline_lowered:
0x8: {  	[smem:$0x3FAE] =	sst s0  }
0x9: {  	[smem:$0x3FAF] =	sst s1  }
0xa: {  	[smem:$0x3FB0] =	sst s2  }
0xb: {  	[smem:$0x3FB1] =	sst s3  }
0xc: {  	[smem:$0x3FB2] =	sst s4  }
0xd: {  	[smem:$0x3FB3] =	sst s5  }
0xe: {  	[smem:$0x3FB4] =	sst s6  }
0xf: {  	[smem:$0x3FB5] =	sst s7  }
0x10: {  	[smem:$0x3FB6] =	sst s8  }
0x11: {  	[smem:$0x3FB7] =	sst s9;
	s0 =	simm.s32 @!p0 $0x0  }
0x12: {  	s1 =	sld [smem:$0x3F9D];
	s0 =	simm.s32 @p0 $0x1  }
0x13: {  	[smem:$0x3FB8] =	sst s0;
	s0 =	simm.s32 @!p1 $0x0  }
0x14: {  	s2 =	sld [smem:$0x3F9C];
	s0 =	simm.s32 @p1 $0x1  }
0x15: {  	[smem:$0x3FB9] =	sst s0;
	s0 =	simm.s32 @!p2 $0x0  }
0x16: {  	s3 =	sld [smem:$0x3FDB];
	s0 =	simm.s32 @p2 $0x1  }
0x17: {  	s4 =	simm.s32 $0x1BF5;
	[smem:$0x3FBB] =	sst s0  }
0x18: {  	s0 =	sld [smem:$0x3F9E];
	_ =	swait.ge [sflag:s4], $0x0  }
0x19: {  	s7 =	sld [smem:$0x3F9F]  }
0x1a: {  	s8 =	sadd.s32 $0xFFFFE003, lr  }
0x1b: {  	s9 =	sadd.s32 $0xFFFFFEF7, lr;
	s5 =	simm.s32 $0xFFFFFFFF;
	p2 =	slt.u32 s8, $0xFFFFF086  }
0x1c: {  	p1 =	slt.u32 s9, $0xF7A;
	s5 =	simm.s32 @!p2 $0x0  }
0x1d: {  	s5 =	simm.s32 @p1 $0x1;
	p0 =	seq.s32 s7, s2  }
0x1e: {  	s7 =	smul.u32 @!p0 $0xF7A, s2;
	p2 =	seq.s32 @!p0 s5, $0x0  }
0x1f: {  	s9 =	smul.u32 $0xF7A, s1;
	s8 =	simm.s32 @!p0 $0x1BF5;
	p2 =	por !p2, p0  }
0x20: {  	[sflag:s8] =	ssyncset.s32 @!p0 $0xFFFFF086;
	s6 =	sadd.s32 @!p0 s3, s7;
	s7 =	simm.s32 @!p0 $0x108  }
0x21: {  	s3 =	sadd.s32 s3, s9;
	s6 =	sadd.s32 @!p0 $0x88, s6;
	s7 =	simm.s32 @p2 $0x1082  }
0x22: {  	[simem:s7], [sflag:s8] =	dma.local @!p0 [hbm:s6], $0xF7A  }
0x23: {  	s9 =	sor.u32 $0xD0000000, s2;
	s6 =	simm.s32 $0x108;
	_ =	swait.ge @!p0 [sflag:s8], $0x0  }
0x24: {  	s3 =	sadd.s32 $0x88, s3;
	s6 =	simm.s32 @!p1 $0x1082;
	[sflag:s4] =	ssyncset.s32 $0xFFFFF086  }
0x25: {  	[simem:s6], [sflag:s4] =	dma.local [hbm:s3], $0xF7A  }
0x26: {  	[smem:$0x3F9F] =	sst s1;
	(tag) =	ssettag s2;
	_ =	strace s9  }
0x27: {  	s1 =	sld [smem:$0x3FAF]  }
0x28: {  	s2 =	sld [smem:$0x3FB0]  }
0x29: {  	s4 =	sld [smem:$0x3FB2]  }
0x2a: {  	p0 =	seq.s32 s5, $0x0;
	s5 =	sld [smem:$0x3FB3]  }
0x2b: {  	s6 =	sld [smem:$0x3FB4]  }
0x2c: {  	s7 =	sld [smem:$0x3FB5]  }
0x2d: {  	s3 =	simm.s32 $0x108;
	s8 =	sld [smem:$0x3FB6]  }
0x2e: {  	s3 =	simm.s32 @!p0 $0x1082;
	s9 =	sld [smem:$0x3FB7]  }
0x2f: {  	lr =	sadd.s32 s0, s3;
	s0 =	sld [smem:$0x3FAE]  }
0x30: {  	s3 =	sld [smem:$0x3FB1]  }
0x31: {  	[smem:$0x3FBA] =	sst s10  }
0x32: {  	s10 =	sld [smem:$0x3FB8];
	_ =	sdelay $0x3  }
0x33: {  	p0 =	seq.s32 s10, $0x1;
	s10 =	sld [smem:$0x3FBA];
	_ =	sdelay $0x3  }
0x34: {  	[smem:$0x3FBA] =	sst s10  }
0x35: {  	s10 =	sld [smem:$0x3FB9];
	_ =	sdelay $0x3  }
0x36: {  	p1 =	seq.s32 s10, $0x1;
	s10 =	sld [smem:$0x3FBA];
	_ =	sdelay $0x3  }
0x37: {  	[smem:$0x3FBA] =	sst s10  }
0x38: {  	s10 =	sld [smem:$0x3FBB]  }
0x39: {  	_ = 	snop;
	(pc) =	sbr.ind lr, $3  }
0x3a: {  	_ = 	snop  }
0x3b: {  	_ = 	snop  }
0x3c: {  	p2 =	seq.s32 s10, $0x1;
	s10 =	sld [smem:$0x3FBA]  }
0x3d: {  	_ =	shalt  }
0x3e: {  	_ =	shalt  }
0x3f: {  	_ =	shalt  }
0x40: {  	_ =	shalt  }
0x41: {  	_ =	shalt  }
0x42: {  	_ =	shalt  }
0x43: {  	_ =	shalt  }
0x44: {  	_ =	shalt  }
0x45: {  	_ =	shalt  }
0x46: {  	_ =	shalt  }
0x47: {  	_ =	shalt  }
0x48: {  	_ =	shalt  }
0x49: {  	_ =	shalt  }
0x4a: {  	_ =	shalt  }
0x4b: {  	_ =	shalt  }
0x4c: {  	_ =	shalt  }
0x4d: {  	_ =	shalt  }
0x4e: {  	_ =	shalt  }
0x4f: {  	_ =	shalt  }
0x50: {  	_ =	shalt  }
0x51: {  	_ =	shalt  }
0x52: {  	_ =	shalt  }
0x53: {  	_ =	shalt  }
0x54: {  	_ =	shalt  }
0x55: {  	_ =	shalt  }
0x56: {  	_ =	shalt  }
0x57: {  	_ =	shalt  }
0x58: {  	_ =	shalt  }
0x59: {  	_ =	shalt  }
0x5a: {  	_ =	shalt  }
0x5b: {  	_ =	shalt  }
0x5c: {  	_ =	shalt  }
0x5d: {  	_ =	shalt  }
0x5e: {  	_ =	shalt  }
0x5f: {  	_ =	shalt  }
0x60: {  	_ =	shalt  }
0x61: {  	_ =	shalt  }
0x62: {  	_ =	shalt  }
0x63: {  	_ =	shalt  }
0x64: {  	_ =	shalt  }
0x65: {  	_ =	shalt  }
0x66: {  	_ =	shalt  }
0x67: {  	_ =	shalt  }
0x68: {  	_ =	shalt  }
0x69: {  	_ =	shalt  }
0x6a: {  	_ =	shalt  }
0x6b: {  	_ =	shalt  }
0x6c: {  	_ =	shalt  }
0x6d: {  	_ =	shalt  }
0x6e: {  	_ =	shalt  }
0x6f: {  	_ =	shalt  }
0x70: {  	_ =	shalt  }
0x71: {  	_ =	shalt  }
0x72: {  	_ =	shalt  }
0x73: {  	_ =	shalt  }
0x74: {  	_ =	shalt  }
0x75: {  	_ =	shalt  }
0x76: {  	_ =	shalt  }
0x77: {  	_ =	shalt  }
0x78: {  	_ =	shalt  }
0x79: {  	_ =	shalt  }
0x7a: {  	_ =	shalt  }
0x7b: {  	_ =	shalt  }
0x7c: {  	_ =	shalt  }
0x7d: {  	_ =	shalt  }
0x7e: {  	_ =	shalt  }
0x7f: {  	_ =	shalt  }
0x80: {  	_ =	shalt  }
0x81: {  	_ =	shalt  }
0x82: {  	_ =	shalt  }
0x83: {  	_ =	shalt  }
0x84: {  	_ =	shalt  }
0x85: {  	_ =	shalt  }
0x86: {  	_ =	shalt  }
0x87: {  	_ =	shalt  }
.Lfunc_end0:
.L_simem_size_0:
called_computation.1_lowered:
.L_overlay_start_0:
0x88: {  	s2 =	sld [smem:$0x3FD9]  }
0x89: {  	s3 =	sld [smem:$0x3FFE];
	_ =	sdelay $0x1  }
0x8a: {  	s1 =	srdreg.scid  }
0x8b: {  	s0 =	sand.u32 $0x1, s1  }
0x8c: {  	s17 =	sshll.u32 s0, $0xA;
	s2 =	sadd.s32 s3, s2  }
0x8d: {  	s2 =	sadd.s32 s2, s17  }
0x8e: {  	[smem:$0x3FC6] =	sst s2  }
0x8f: {  	_ = 	snop  }
0x90: {  	s2 =	sld [smem:$0x3FC9]  }
0x91: {  	s18 =	sld [smem:$0x3FD0];
	(tm) =	ssettm $0x1  }
0x92: {  	s4 =	sld [smem:$0x3FFB];
	_ =	sdelay $0x3  }
0x93: {  	_ =	strace s4  }
0x94: {  	s4 =	sld [smem:$0x3FFC];
	_ =	sdelay $0x3  }
0x95: {  	_ =	strace s4  }
0x96: {  	s4 =	sld [smem:$0x3FFD];
	_ =	sdelay $0x3  }
0x97: {  	_ =	strace s4  }
0x98: {  	_ =	strace $0x8FFFFFFF  }
0x99: {  	s19 =	sld [smem:$0x3FDB];
	_ =	sdelay $0x1  }
0x9a: {  	s5 =	simm.s32 $_scs_section_size  }
0x9b: {  	s6 =	simm.s32 $_size__tile_overlayer_lowered;
	s7 =	simm.s32 $_tile_overlayer_lowered  }
0x9c: {  	s22 =	simm.s32 $0x1BFF;
	s21 =	sshll.u32 s7, $0x1;
	s4 =	sadd.s32 s5, s19  }
0x9d: {  	s8 =	simm.s32 $0x0;
	s20 =	sshll.u32 s6, $0x1;
	s6 =	sadd.s32 s21, s4  }
0x9e: {  	[timem:s8], [sflag:s22] =	dma.local [hbm:s6], s20  }
0x9f: {  	_ =	swait.ge [sflag:s22], s20  }
0xa0: {  	s5 =	ssub.s32 $0x0, s20;
	[sflag:s22] =	ssyncset.done $0x0  }
0xa1: {  	[sflag:s22] =	ssyncadd.s32 s5;
	_ =	sdelay $0x1  }
0xa2: {  	s23 =	simm.s32 $0x1B8B  }
0xa3: {  	_ =	swait.ge [sflag:s23], $0x1  }
0xa4: {  	[sflag:s23] =	ssyncset.done $0x0  }
0xa5: {  	s25 =	simm.s32 $0x1B8E;
	s24 =	sld [smem:$0x3FFE];
	[sflag:s23] =	ssyncadd.s32 $0xFFFFFFFF  }
0xa6: {  	s26 =	simm.s32 $execute0_lowered;
	[smem:$0x3FD2] =	sst s25  }
0xa7: {  	s6 =	sshll.u32 s26, $0x1;
	_ =	strace $0x80000049;
	[dreg:$0x1] =	wrdreg $0xFFFFFFFF  }
0xa8: {  	s28 =	simm.s32 $_size_execute0_lowered;
	s4 =	sadd.s32 s4, s6;
	[dreg:$0x0] =	wrdreg $0x0  }
0xa9: {  	s6 =	sshll.u32 s28, $0x1;
	[dreg:$0x2] =	wrdreg s4  }
0xaa: {  	[dreg:$0x3] =	wrdreg s6  }
0xab: {  	[dreg:$0x4] =	wrdreg $0xC0  }
0xac: {  	_ =	task [dreg:s8], $0x5FFFF  }
0xad: {  	[dreg:$0x1] =	wrdreg $0xFFFFFFFF  }
0xae: {  	[dreg:$0x0] =	wrdreg $0x60  }
0xaf: {  	[dreg:$0x2] =	wrdreg s24  }
0xb0: {  	[dreg:$0x3] =	wrdreg s2  }
0xb1: {  	[dreg:$0x4] =	wrdreg s18  }
0xb2: {  	[dreg:$0x5] =	wrdreg $0x9  }
0xb3: {  	_ =	task.clear_ibuf [dreg:s8], $0x6FFFF;
	_ =	strace $0x90000049  }
0xb4: {  	s29 =	simm.s32 $0x9;
	_ =	strace $0x8000004B  }
0xb5: {  	_ =	swait.ge [sflag:s29], $0x1  }
0xb6: {  	[sflag:s29] =	ssyncadd.s32 $0xFFFFFFFF  }
0xb7: {  	_ =	strace $0x9000004B  }
0xb8: {  	_ =	sfence  }
0xb9: {  	s30 =	sld [smem:$0x0];
	_ =	sdelay $0x2  }
0xba: {  	s31 =	sshll.u32 s1, $0xD;
	s1 =	sshrl.u32 s1, $0x2  }
0xbb: {  	s3 =	sand.u32 $0x4000, s31;
	s1 =	sadd.s32 s1, s30  }
0xbc: {  	s0 =	sor.u32 s3, s0;
	s1 =	sshll.u32 s1, $0x11  }
0xbd: {  	s0 =	sor.u32 s1, s0  }
0xbe: {  	s0 =	sadd.s32 $0x8F2B, s0  }
0xbf: {  	[sflag:s0] =	ssyncadd.remote.s32 $0x1  }
0xc0: {  	_ =	sfence.sel $0xFFFF  }
0xc1: {  	[dreg:$0x0] =	wrdreg $0xFFFFFFFF;
	(pc) =	sbr.abs _section_cstart, $3  }
0xc2: {  	[dreg:$0x1] =	wrdreg $0xFFFFFFFF  }
0xc3: {  	_ =	task.clear_ibuf [dreg:s8], $0x2FFFF;
	_ =	strace $0x9FFFFFFF  }
0xc4: {  	(tm) =	ssettm $0x7FFFFFFF  }
0xc5: {  	_ =	shalt  }
tec
execute0_lowered:
.L_overlay_start_1:
0x0: {  	(tag) =	ssettag $0x1  }
0x1: {  	s0 =	rddreg [dreg:$0x0]  }
0x2: {  	s6 =	rddreg [dreg:$0x1]  }
0x3: {  	s1 =	rddreg [dreg:$0x2]  }
0x4: {  	s3 =	simm.s32 $0x0;
	s4 =	srdreg.scid;
	s2 =	stileid.u32  }
0x5: {  	s9 =	simm.s32 $0x1000;
	s10 =	simm.s32 $0x20000;
	s11 =	simm.s32 $0x5  }
0x6: {  	s12 =	simm.s32 $0x80;
	s13 =	simm.s32 $0x3000;
	s14 =	simm.s32 $0x3200  }
0x7: {  	s15 =	simm.s32 $0x3080;
	s16 =	simm.s32 $0x7200;
	s17 =	simm.s32 $0x1  }
0x8: {  	s18 =	simm.s32 $0x400;
	s19 =	simm.s32 $0xB200;
	s20 =	simm.s32 $0x2  }
0x9: {  	v0 =	vlaneseq.u32;
	s21 =	simm.s32 $0x4;
	s22 =	simm.s32 $0xD200;
	s23 =	simm.s32 $0x3  }
.Ltmp0:
0xa: {  	s24 =	simm.s32 $0x0;
	s4 =	sand.u32 $0x1, s4;
	v0 =	vmul.u32 $0x80, v0;
	(pc) =	sbr.rel .LBB2_1-.Ltmp0, $4  }
0xb: {  	[smem:$0x7FF] =	sst s3;
	s5 =	sshll.u32 s2, $0xA;
	s7 =	ssub.s32 $0x2, s4  }
0xc: {  	s4 =	sshll.u32 s4, $0x9;
	_ =	strace $0x8000004A;
	s8 =	sshrl.u32 s7, $0x1;
	v1 =	vor.u32 $0x800, v0  }
0xd: {  	s4 =	sor.u32 s4, s5;
	s5 =	sadd.s32 $0x800, s0;
	v2 =	vor.u32 $0x1000, v0;
	v3 =	vor.u32 $0x1800, v0;
	v4 =	vor.u32 $0x2000, v0;
	s31 =	ssub.s32 s7, s8  }
0xe: {  	v5 =	vor.u32 $0x2800, v0;
	v6 =	vor.u32 $0x3000, v0;
	v7 =	vor.u32 $0x3800, v0;
	s6 =	sadd.s32 s6, s4;
	s7 =	sadd.s32 $0x80, s1;
	s8 =	smax.u32 s31, $0x1  }
.LBB2_40:
0xf: {  	s24 =	sadd.s32 $0x1, s24  }
0x10: {  	_ =	swait.ge [sflag:s23], $0x2000;
	p0 =	sne.s32 s24, s8  }
.Ltmp1:
0x11: {  	[sflag:s23] =	ssyncset.done $0x0;
	(pc) =	sbr.rel @!p0 .LBB2_41-.Ltmp1, $4  }
0x12: {  	[sflag:s23] =	ssyncadd.s32 $0xFFFFE000  }
0x13: {  	_ =	swait.ge [sflag:s21], $0x2000  }
0x14: {  	[sflag:s21] =	ssyncset.done $0x0  }
0x15: {  	[sflag:s21] =	ssyncadd.s32 $0xFFFFE000  }
.LBB2_1:
0x16: {  	[tilespmem:s3], [sflag:$0x5] =	stream.strided.gather [hbm4b:s6+s9], $0x3000, s10, s9, $0x38;
	[tilespmem:$0xF200] =	vst v63  }
0x17: {  	_ =	swait.ge [sflag:s11], $0x3000  }
0x18: {  	[sflag:s11] =	ssyncset.done $0x0  }
0x19: {  	[sflag:s11] =	ssyncadd.s32 $0xFFFFD000  }
0x1a: {  	v8 =	vld [tilespmem:$0x0];
	_ =	sdelay $0x1  }
0x1b: {  	v9 =	vld [tilespmem:$0x10];
	_ =	sdelay $0x1  }
0x1c: {  	v10 =	vld [tilespmem:$0x20]  }
0x1d: {  	v11 =	vshra.s32 v8, $0x1;
	v8 =	vshll.u32 v8, $0x6  }
0x1e: {  	v49 =	vld [tilespmem:$0x30];
	[tilespmem:$0x3000] =	vst v11;
	v8 =	vand.u32 $0x40, v8  }
0x1f: {  	[tilespmem:$0x3100] =	vst v8;
	v8 =	vshra.s32 v9, $0x1;
	v9 =	vshll.u32 v9, $0x6  }
0x20: {  	v50 =	vld [tilespmem:$0x40];
	[tilespmem:$0x3010] =	vst v8;
	v8 =	vand.u32 $0x40, v9  }
0x21: {  	[tilespmem:$0x3110] =	vst v8;
	v8 =	vshra.s32 v10, $0x1;
	v10 =	vshll.u32 v10, $0x6  }
0x22: {  	v51 =	vld [tilespmem:$0x50];
	[tilespmem:$0x3020] =	vst v8;
	v8 =	vand.u32 $0x40, v10  }
0x23: {  	v11 =	vshll.u32 v49, $0x6;
	[tilespmem:$0x3120] =	vst v8;
	v8 =	vshra.s32 v49, $0x1  }
0x24: {  	v52 =	vld [tilespmem:$0x60];
	[tilespmem:$0x3030] =	vst v8;
	v8 =	vand.u32 $0x40, v11  }
0x25: {  	v9 =	vshll.u32 v50, $0x6;
	[tilespmem:$0x3130] =	vst v8;
	v8 =	vshra.s32 v50, $0x1  }
0x26: {  	v53 =	vld [tilespmem:$0x70];
	[tilespmem:$0x3040] =	vst v8;
	v8 =	vand.u32 $0x40, v9  }
0x27: {  	v10 =	vshll.u32 v51, $0x6;
	[tilespmem:$0x3140] =	vst v8;
	v8 =	vshra.s32 v51, $0x1  }
0x28: {  	[tilespmem:$0x3050] =	vst v8;
	v8 =	vand.u32 $0x40, v10  }
0x29: {  	v54 =	vshll.u32 v52, $0x6;
	[tilespmem:$0x3150] =	vst v8;
	v8 =	vshra.s32 v52, $0x1  }
0x2a: {  	[tilespmem:$0x3060] =	vst v8;
	v8 =	vand.u32 $0x40, v54  }
0x2b: {  	v9 =	vshll.u32 v53, $0x6;
	[tilespmem:$0x3160] =	vst v8;
	v8 =	vshra.s32 v53, $0x1  }
0x2c: {  	[tilespmem:$0x3070] =	vst v8;
	v8 =	vand.u32 $0x40, v9  }
0x2d: {  	[tilespmem:$0x3170] =	vst v8  }
0x2e: {  	[tilespmem:s14], [sflag:$0x1] =	stream.indirect.gather [hbm4b:s5+s12], $0x80, s13, s12, $0xb8;
	[tilespmem:$0xF200] =	vst v63  }
0x2f: {  	v8 =	vld [tilespmem:$0x400];
	_ =	sdelay $0x1  }
0x30: {  	v55 =	vld [tilespmem:$0x410];
	_ =	sdelay $0x1  }
0x31: {  	v56 =	vld [tilespmem:$0x420]  }
0x32: {  	v57 =	vshra.s32 v8, $0x1;
	v8 =	vshll.u32 v8, $0x6  }
0x33: {  	v58 =	vld [tilespmem:$0x430];
	[tilespmem:$0x3080] =	vst v57;
	v8 =	vand.u32 $0x40, v8  }
0x34: {  	v9 =	vshll.u32 v55, $0x6;
	[tilespmem:$0x3180] =	vst v8;
	v8 =	vshra.s32 v55, $0x1  }
0x35: {  	v59 =	vld [tilespmem:$0x440];
	[tilespmem:$0x3090] =	vst v8;
	v8 =	vand.u32 $0x40, v9  }
0x36: {  	v10 =	vshll.u32 v56, $0x6;
	[tilespmem:$0x3190] =	vst v8;
	v8 =	vshra.s32 v56, $0x1  }
0x37: {  	v60 =	vld [tilespmem:$0x450];
	[tilespmem:$0x30A0] =	vst v8;
	v8 =	vand.u32 $0x40, v10  }
0x38: {  	v11 =	vshll.u32 v58, $0x6;
	[tilespmem:$0x31A0] =	vst v8;
	v8 =	vshra.s32 v58, $0x1  }
0x39: {  	v61 =	vld [tilespmem:$0x460];
	[tilespmem:$0x30B0] =	vst v8;
	v8 =	vand.u32 $0x40, v11  }
0x3a: {  	v9 =	vshll.u32 v59, $0x6;
	[tilespmem:$0x31B0] =	vst v8;
	v8 =	vshra.s32 v59, $0x1  }
0x3b: {  	v62 =	vld [tilespmem:$0x470];
	[tilespmem:$0x30C0] =	vst v8;
	v8 =	vand.u32 $0x40, v9  }
0x3c: {  	v10 =	vshll.u32 v60, $0x6;
	[tilespmem:$0x31C0] =	vst v8;
	v8 =	vshra.s32 v60, $0x1  }
0x3d: {  	[tilespmem:$0x30D0] =	vst v8;
	v8 =	vand.u32 $0x40, v10  }
0x3e: {  	v63 =	vshll.u32 v61, $0x6;
	[tilespmem:$0x31D0] =	vst v8;
	v8 =	vshra.s32 v61, $0x1  }
0x3f: {  	[tilespmem:$0x30E0] =	vst v8;
	v8 =	vand.u32 $0x40, v63  }
0x40: {  	v9 =	vshll.u32 v62, $0x6;
	[tilespmem:$0x31E0] =	vst v8;
	v8 =	vshra.s32 v62, $0x1  }
0x41: {  	[tilespmem:$0x30F0] =	vst v8;
	v8 =	vand.u32 $0x40, v9  }
0x42: {  	s25 =	simm.s32 $0x0;
	[tilespmem:$0x31F0] =	vst v8  }
0x43: {  	[tilespmem:s16], [sflag:$0x2] =	stream.indirect.gather [hbm4b:s5+s12], $0x80, s15, s12, $0xb8;
	[tilespmem:$0xF200] =	vst v63  }
.LBB2_2:
0x44: {  	_ =	swait.ge [sflag:s17], $0x4000  }
0x45: {  	p0 =	seq.s32 s25, $0x0;
	[sflag:s17] =	ssyncset.done $0x0  }
0x46: {  	s0 =	simm.s32 @!p0 $0x3;
	[sflag:s17] =	ssyncadd.s32 $0xFFFFC000  }
0x47: {  	_ =	swait.ge @!p0 [sflag:s0], $0x2000  }
0x48: {  	[sflag:s0] =	ssyncset.done @!p0 $0x0  }
0x49: {  	[sflag:s0] =	ssyncadd.s32 @!p0 $0xFFFFE000  }
0x4a: {  	v8 =	vld [tilespmem:$0x3100];
	_ =	sdelay $0x3  }
0x4b: {  	s2 =	simm.s32 $0x7  }
0x4c: {  	s26 =	simm.s32 $0x1;
	v9 =	vadd.s32 s2, v8  }
0x4d: {  	v10 =	vadd.s32 s26, v8;
	s26 =	simm.s32 $0x2;
	v9 =	vadd.s32 v0, v9  }
0x4e: {  	s2 =	simm.s32 $0x3;
	v10 =	vadd.s32 v0, v10;
	v11 =	vadd.s32 s26, v8  }
0x4f: {  	v12 =	vadd.s32 s2, v8;
	s26 =	simm.s32 $0x4;
	v11 =	vadd.s32 v0, v11  }
0x50: {  	s2 =	simm.s32 $0x5;
	v12 =	vadd.s32 v0, v12;
	v13 =	vadd.s32 s26, v8  }
0x51: {  	v14 =	vadd.s32 s2, v8;
	s26 =	simm.s32 $0x6;
	v13 =	vadd.s32 v0, v13  }
0x52: {  	s2 =	simm.s32 $0x0;
	v14 =	vadd.s32 v0, v14;
	v15 =	vadd.s32 s26, v8;
	v16 =	vld.idx.msk [tilespmem:v9+s14+$0x0], $0xffff  }
0x53: {  	s0 =	simm.s32 $0xF;
	v19 =	vadd.s32 v0, v15;
	v9 =	vadd.s32 s2, v8;
	v18 =	vld.idx.msk [tilespmem:v10+s14+$0x0], $0xffff  }
0x54: {  	s2 =	simm.s32 $0x9;
	v10 =	vadd.s32 s0, v8;
	v20 =	vadd.s32 v0, v9;
	v21 =	vld.idx.msk [tilespmem:v11+s14+$0x0], $0xffff  }
0x55: {  	v9 =	vadd.s32 s2, v8;
	s2 =	simm.s32 $0xA;
	v22 =	vadd.s32 v0, v10;
	v23 =	vld.idx.msk [tilespmem:v12+s14+$0x0], $0xffff  }
0x56: {  	s26 =	simm.s32 $0xB;
	v24 =	vadd.s32 v0, v9;
	v9 =	vadd.s32 s2, v8;
	v12 =	vld.idx.msk [tilespmem:v13+s14+$0x0], $0xffff  }
0x57: {  	s2 =	simm.s32 $0xC;
	v10 =	vld.idx.msk [tilespmem:v14+s14+$0x0], $0xffff;
	v17 =	vadd.s32 v0, v9;
	v9 =	vadd.s32 s26, v8  }
0x58: {  	v11 =	vadd.s32 s2, v8;
	s26 =	simm.s32 $0xD;
	v15 =	vadd.s32 v0, v9;
	v9 =	vld.idx.msk [tilespmem:v19+s14+$0x0], $0xffff;
	v14 =	vmul.f32 $8.000000000e+00, v16  }
0x59: {  	s28 =	sshll.u32 s25, $0x8;
	s29 =	simm.s32 $0xB400;
	s0 =	simm.s32 $0xE;
	v13 =	vadd.s32 s26, v8;
	v16 =	vadd.s32 v0, v11;
	v25 =	vmul.f32 $8.000000000e+00, v18;
	v11 =	vld.idx.msk [tilespmem:v20+s14+$0x0], $0xffff  }
0x5a: {  	s30 =	simm.s32 $0x10;
	s31 =	simm.s32 $0x18;
	s2 =	simm.s32 $0x8;
	v19 =	vadd.s32 s0, v8;
	v18 =	vadd.s32 v0, v13;
	v13 =	vld.idx.msk [tilespmem:v22+s14+$0x0], $0xffff;
	v20 =	vmul.f32 $8.000000000e+00, v21;
	[tilespmem:s29+$0x180] =	vst v14  }
0x5b: {  	s28 =	sand.u32 $0x100, s28;
	s26 =	sshll.u32 s25, $0x1;
	s0 =	simm.s32 $0x17;
	v19 =	vadd.s32 v0, v19;
	v22 =	vadd.s32 s2, v8;
	v21 =	vmul.f32 $8.000000000e+00, v23;
	v14 =	vld.idx.msk [tilespmem:v24+s14+$0x0], $0xffff;
	[tilespmem:s29+$0xFFFFFE80] =	vst v25  }
.LBB2_3:
0x5c: {  	p1 =	slt.u32 s31, $0x38;
	s2 =	sadd.s32 $0x1, s30;
	v23 =	vadd.s32 s0, v8;
	v22 =	vadd.s32 v0, v22;
	v24 =	vld.idx.msk [tilespmem:v17+s14+$0x0], $0xffff;
	[tilespmem:s29+$0xFFFFFF00] =	vst v20;
	v17 =	vmul.f32 $8.000000000e+00, v12  }
0x5d: {  	s0 =	sadd.s32 $0x2, s30;
	v12 =	vadd.s32 s2, v8;
	v20 =	vadd.s32 v0, v23;
	v23 =	vld.idx.msk [tilespmem:v15+s14+$0x0], $0xffff;
	[tilespmem:s29+$0xFFFFFF80] =	vst v21;
	v15 =	vmul.f32 $8.000000000e+00, v10  }
0x5e: {  	v10 =	vadd.s32 s0, v8;
	s0 =	sadd.s32 $0x3, s30;
	v21 =	vadd.s32 v0, v12;
	v12 =	vld.idx.msk [tilespmem:v16+s14+$0x0], $0xffff;
	[tilespmem:s29+$0x0] =	vst v17;
	v16 =	vmul.f32 $8.000000000e+00, v9  }
.Ltmp2:
0x5f: {  	v17 =	vadd.s32 v0, v10;
	v9 =	vadd.s32 s0, v8;
	s0 =	sadd.s32 $0x4, s30;
	v10 =	vld.idx.msk [tilespmem:v18+s14+$0x0], $0xffff;
	v18 =	vmul.f32 $8.000000000e+00, v11;
	[tilespmem:s29+$0x80] =	vst v15;
	(pc) =	sbr.rel @p1 .LBB2_3-.Ltmp2, $4  }
0x60: {  	v15 =	vadd.s32 v0, v9;
	v11 =	vadd.s32 s0, v8;
	s0 =	sadd.s32 $0x5, s30;
	v9 =	vld.idx.msk [tilespmem:v19+s14+$0x0], $0xffff;
	v19 =	vmul.f32 $8.000000000e+00, v13;
	[tilespmem:s29+$0x100] =	vst v16  }
0x61: {  	v16 =	vadd.s32 v0, v11;
	v13 =	vadd.s32 s0, v8;
	s0 =	sadd.s32 $0x6, s30;
	v25 =	vmul.f32 $8.000000000e+00, v14;
	v11 =	vld.idx.msk [tilespmem:v22+s14+$0x0], $0xffff;
	[tilespmem:s29+$0xFFFFFE00] =	vst v18;
	s29 =	sadd.s32 $0x400, s29  }
0x62: {  	v18 =	vadd.s32 v0, v13;
	v26 =	vadd.s32 s0, v8;
	v13 =	vld.idx.msk [tilespmem:v20+s14+$0x0], $0xffff;
	v20 =	vmul.f32 $8.000000000e+00, v24;
	[tilespmem:s29+$0x180] =	vst v19  }
0x63: {  	s0 =	sadd.s32 $0x7, s31;
	v22 =	vadd.s32 s30, v8;
	s30 =	smov.u32 s31;
	s31 =	sadd.s32 $0x8, s31;
	v19 =	vadd.s32 v0, v26;
	v14 =	vld.idx.msk [tilespmem:v21+s14+$0x0], $0xffff;
	[tilespmem:s29+$0xFFFFFE80] =	vst v25;
	v21 =	vmul.f32 $8.000000000e+00, v23  }
0x64: {  	_ =	sdelay $0x2  }
0x65: {  	[tilespmem:s29+$0xFFFFFF00] =	vst v20;
	v12 =	vmul.f32 $8.000000000e+00, v12  }
0x66: {  	s2 =	sadd.s32 $0x1, s30;
	v20 =	vadd.s32 s0, v8;
	v22 =	vadd.s32 v0, v22;
	v17 =	vld.idx.msk [tilespmem:v17+s14+$0x0], $0xffff;
	v10 =	vmul.f32 $8.000000000e+00, v10;
	[tilespmem:s29+$0xFFFFFF80] =	vst v21  }
0x67: {  	v16 =	vld.idx.msk [tilespmem:v16+s14+$0x0], $0xffff;
	v21 =	vadd.s32 s2, v8;
	s2 =	sadd.s32 $0x2, s30;
	v20 =	vadd.s32 v0, v20;
	v9 =	vmul.f32 $8.000000000e+00, v9;
	[tilespmem:s29+$0x0] =	vst v12  }
0x68: {  	v15 =	vld.idx.msk [tilespmem:v15+s14+$0x0], $0xffff;
	v12 =	vadd.s32 v0, v21;
	v21 =	vadd.s32 s2, v8;
	s2 =	sadd.s32 $0x3, s30;
	v11 =	vmul.f32 $8.000000000e+00, v11;
	[tilespmem:s29+$0x80] =	vst v10  }
0x69: {  	v19 =	vld.idx.msk [tilespmem:v19+s14+$0x0], $0xffff;
	v10 =	vadd.s32 v0, v21;
	v21 =	vadd.s32 s2, v8;
	s2 =	sadd.s32 $0x4, s30;
	v13 =	vmul.f32 $8.000000000e+00, v13;
	[tilespmem:s29+$0x100] =	vst v9  }
0x6a: {  	v18 =	vld.idx.msk [tilespmem:v18+s14+$0x0], $0xffff;
	s0 =	sadd.s32 $0x5, s30;
	v9 =	vadd.s32 v0, v21;
	v21 =	vadd.s32 s2, v8;
	v14 =	vmul.f32 $8.000000000e+00, v14;
	[tilespmem:s29+$0xFFFFFE00] =	vst v11;
	s2 =	sadd.s32 $0x400, s29  }
0x6b: {  	v11 =	vadd.s32 v0, v21;
	v21 =	vadd.s32 s0, v8;
	s0 =	sadd.s32 $0x6, s30;
	v22 =	vld.idx.msk [tilespmem:v22+s14+$0x0], $0xffff;
	v17 =	vmul.f32 $8.000000000e+00, v17;
	[tilespmem:s2+$0x180] =	vst v13  }
0x6c: {  	v16 =	vmul.f32 $8.000000000e+00, v16;
	v13 =	vadd.s32 v0, v21;
	v21 =	vadd.s32 s0, v8;
	v20 =	vld.idx.msk [tilespmem:v20+s14+$0x0], $0xffff;
	[tilespmem:s2+$0xFFFFFE80] =	vst v14  }
0x6d: {  	v14 =	vmul.f32 $8.000000000e+00, v15;
	v8 =	vadd.s32 s30, v8;
	v12 =	vld.idx.msk [tilespmem:v12+s14+$0x0], $0xffff;
	v15 =	vadd.s32 v0, v21;
	[tilespmem:s2+$0xFFFFFF00] =	vst v17  }
0x6e: {  	v8 =	vadd.s32 v0, v8;
	[tilespmem:s2+$0x0] =	vst v16;
	v16 =	vmul.f32 $8.000000000e+00, v19;
	v10 =	vld.idx.msk [tilespmem:v10+s14+$0x0], $0xffff  }
0x6f: {  	[tilespmem:s2+$0xFFFFFF80] =	vst v14;
	v14 =	vmul.f32 $8.000000000e+00, v18;
	v9 =	vld.idx.msk [tilespmem:v9+s14+$0x0], $0xffff  }
0x70: {  	[tilespmem:s2+$0x100] =	vst v16;
	v11 =	vld.idx.msk [tilespmem:v11+s14+$0x0], $0xffff;
	v17 =	vmul.f32 $8.000000000e+00, v22  }
0x71: {  	[tilespmem:s2+$0x80] =	vst v14;
	v13 =	vld.idx.msk [tilespmem:v13+s14+$0x0], $0xffff;
	v14 =	vmul.f32 $8.000000000e+00, v20  }
0x72: {  	v15 =	vld.idx.msk [tilespmem:v15+s14+$0x0], $0xffff;
	v12 =	vmul.f32 $8.000000000e+00, v12;
	[tilespmem:s2+$0xFFFFFE00] =	vst v17;
	s2 =	sadd.s32 $0x400, s2  }
0x73: {  	v8 =	vld.idx.msk [tilespmem:v8+s14+$0x0], $0xffff;
	v10 =	vmul.f32 $8.000000000e+00, v10;
	[tilespmem:s2+$0x180] =	vst v14  }
0x74: {  	[tilespmem:s2+$0xFFFFFE80] =	vst v12;
	v9 =	vmul.f32 $8.000000000e+00, v9  }
0x75: {  	[tilespmem:s2+$0xFFFFFF00] =	vst v10;
	v10 =	vmul.f32 $8.000000000e+00, v11  }
0x76: {  	[tilespmem:s2+$0xFFFFFF80] =	vst v9;
	v9 =	vmul.f32 $8.000000000e+00, v13  }
0x77: {  	[tilespmem:s2+$0x0] =	vst v10;
	v10 =	vmul.f32 $8.000000000e+00, v15  }
0x78: {  	v8 =	vmul.f32 $8.000000000e+00, v8;
	[tilespmem:s2+$0x80] =	vst v9  }
0x79: {  	[tilespmem:s2+$0x100] =	vst v10  }
0x7a: {  	[tilespmem:s2+$0xFFFFFE00] =	vst v8  }
0x7b: {  	v8 =	vld [tilespmem:$0x3110];
	_ =	sdelay $0x3  }
0x7c: {  	s0 =	simm.s32 $0x7  }
0x7d: {  	s2 =	simm.s32 $0x1;
	v9 =	vadd.s32 s0, v8  }
0x7e: {  	v10 =	vadd.s32 s2, v8;
	s2 =	simm.s32 $0x2;
	v9 =	vadd.s32 v1, v9  }
0x7f: {  	v10 =	vadd.s32 v1, v10;
	v11 =	vadd.s32 s2, v8;
	s2 =	simm.s32 $0x3  }
0x80: {  	v11 =	vadd.s32 v1, v11;
	v12 =	vadd.s32 s2, v8;
	s2 =	simm.s32 $0x4  }
0x81: {  	v12 =	vadd.s32 v1, v12;
	v13 =	vadd.s32 s2, v8;
	s2 =	simm.s32 $0x5  }
0x82: {  	s0 =	simm.s32 $0x6;
	v13 =	vadd.s32 v1, v13;
	v14 =	vadd.s32 s2, v8  }
0x83: {  	s2 =	simm.s32 $0x0;
	v15 =	vadd.s32 v1, v14;
	v14 =	vadd.s32 s0, v8;
	v16 =	vld.idx.msk [tilespmem:v9+s14+$0x0], $0xffff  }
0x84: {  	s0 =	simm.s32 $0xF;
	v9 =	vadd.s32 s2, v8;
	v10 =	vld.idx.msk [tilespmem:v10+s14+$0x0], $0xffff;
	v17 =	vadd.s32 v1, v14  }
0x85: {  	s2 =	simm.s32 $0x9;
	v14 =	vadd.s32 s0, v8;
	v19 =	vadd.s32 v1, v9;
	v11 =	vld.idx.msk [tilespmem:v11+s14+$0x0], $0xffff  }
0x86: {  	v9 =	vadd.s32 s2, v8;
	s2 =	simm.s32 $0xA;
	v20 =	vadd.s32 v1, v14;
	v21 =	vld.idx.msk [tilespmem:v12+s14+$0x0], $0xffff  }
0x87: {  	v23 =	vadd.s32 v1, v9;
	v9 =	vadd.s32 s2, v8;
	s2 =	simm.s32 $0xB;
	v14 =	vld.idx.msk [tilespmem:v13+s14+$0x0], $0xffff  }
0x88: {  	v18 =	vadd.s32 v1, v9;
	v9 =	vadd.s32 s2, v8;
	s2 =	simm.s32 $0xC;
	v12 =	vld.idx.msk [tilespmem:v15+s14+$0x0], $0xffff  }
0x89: {  	v15 =	vadd.s32 v1, v9;
	v13 =	vadd.s32 s2, v8;
	s2 =	simm.s32 $0xD;
	v9 =	vld.idx.msk [tilespmem:v17+s14+$0x0], $0xffff;
	v22 =	vmul.f32 $8.000000000e+00, v16  }
0x8a: {  	s29 =	simm.s32 $0xB410;
	s0 =	simm.s32 $0xE;
	v16 =	vadd.s32 v1, v13;
	v17 =	vadd.s32 s2, v8;
	v24 =	vmul.f32 $8.000000000e+00, v10;
	v13 =	vld.idx.msk [tilespmem:v19+s14+$0x0], $0xffff  }
0x8b: {  	s2 =	simm.s32 $0x8;
	v17 =	vadd.s32 v1, v17;
	v19 =	vadd.s32 s0, v8;
	v10 =	vld.idx.msk [tilespmem:v20+s14+$0x0], $0xffff;
	v20 =	vmul.f32 $8.000000000e+00, v11;
	[tilespmem:s29+$0x180] =	vst v22  }
0x8c: {  	s31 =	simm.s32 $0x18;
	s30 =	simm.s32 $0x10;
	s0 =	simm.s32 $0x17;
	v22 =	vadd.s32 s2, v8;
	v11 =	vld.idx.msk [tilespmem:v23+s14+$0x0], $0xffff;
	v19 =	vadd.s32 v1, v19;
	[tilespmem:s29+$0xFFFFFE80] =	vst v24;
	v21 =	vmul.f32 $8.000000000e+00, v21  }
.LBB2_5:
0x8d: {  	p1 =	slt.u32 s31, $0x38;
	s2 =	sadd.s32 $0x1, s30;
	v23 =	vadd.s32 s0, v8;
	v22 =	vadd.s32 v1, v22;
	v24 =	vld.idx.msk [tilespmem:v18+s14+$0x0], $0xffff;
	[tilespmem:s29+$0xFFFFFF00] =	vst v20;
	v18 =	vmul.f32 $8.000000000e+00, v14  }
0x8e: {  	s0 =	sadd.s32 $0x2, s30;
	v14 =	vadd.s32 s2, v8;
	v20 =	vadd.s32 v1, v23;
	v23 =	vld.idx.msk [tilespmem:v15+s14+$0x0], $0xffff;
	[tilespmem:s29+$0xFFFFFF80] =	vst v21;
	v15 =	vmul.f32 $8.000000000e+00, v12  }
0x8f: {  	v12 =	vadd.s32 s0, v8;
	s0 =	sadd.s32 $0x3, s30;
	v21 =	vadd.s32 v1, v14;
	v14 =	vld.idx.msk [tilespmem:v16+s14+$0x0], $0xffff;
	[tilespmem:s29+$0x0] =	vst v18;
	v16 =	vmul.f32 $8.000000000e+00, v9  }
.Ltmp3:
0x90: {  	v18 =	vadd.s32 v1, v12;
	v9 =	vadd.s32 s0, v8;
	s0 =	sadd.s32 $0x4, s30;
	v12 =	vld.idx.msk [tilespmem:v17+s14+$0x0], $0xffff;
	v17 =	vmul.f32 $8.000000000e+00, v13;
	[tilespmem:s29+$0x80] =	vst v15;
	(pc) =	sbr.rel @p1 .LBB2_5-.Ltmp3, $4  }
0x91: {  	v15 =	vadd.s32 v1, v9;
	v13 =	vadd.s32 s0, v8;
	s0 =	sadd.s32 $0x5, s30;
	v9 =	vld.idx.msk [tilespmem:v19+s14+$0x0], $0xffff;
	v19 =	vmul.f32 $8.000000000e+00, v10;
	[tilespmem:s29+$0x100] =	vst v16  }
0x92: {  	v16 =	vadd.s32 v1, v13;
	v10 =	vadd.s32 s0, v8;
	s0 =	sadd.s32 $0x6, s30;
	v25 =	vmul.f32 $8.000000000e+00, v11;
	v13 =	vld.idx.msk [tilespmem:v22+s14+$0x0], $0xffff;
	[tilespmem:s29+$0xFFFFFE00] =	vst v17;
	s29 =	sadd.s32 $0x400, s29  }
0x93: {  	v17 =	vadd.s32 v1, v10;
	v26 =	vadd.s32 s0, v8;
	v10 =	vld.idx.msk [tilespmem:v20+s14+$0x0], $0xffff;
	v20 =	vmul.f32 $8.000000000e+00, v24;
	[tilespmem:s29+$0x180] =	vst v19  }
0x94: {  	s0 =	sadd.s32 $0x7, s31;
	v22 =	vadd.s32 s30, v8;
	s30 =	smov.u32 s31;
	s31 =	sadd.s32 $0x8, s31;
	v19 =	vadd.s32 v1, v26;
	v11 =	vld.idx.msk [tilespmem:v21+s14+$0x0], $0xffff;
	[tilespmem:s29+$0xFFFFFE80] =	vst v25;
	v21 =	vmul.f32 $8.000000000e+00, v23  }
0x95: {  	_ =	sdelay $0x2  }
0x96: {  	[tilespmem:s29+$0xFFFFFF00] =	vst v20;
	v14 =	vmul.f32 $8.000000000e+00, v14  }
0x97: {  	s2 =	sadd.s32 $0x1, s30;
	v20 =	vadd.s32 s0, v8;
	v22 =	vadd.s32 v1, v22;
	v18 =	vld.idx.msk [tilespmem:v18+s14+$0x0], $0xffff;
	v12 =	vmul.f32 $8.000000000e+00, v12;
	[tilespmem:s29+$0xFFFFFF80] =	vst v21  }
0x98: {  	v16 =	vld.idx.msk [tilespmem:v16+s14+$0x0], $0xffff;
	v21 =	vadd.s32 s2, v8;
	s2 =	sadd.s32 $0x2, s30;
	v20 =	vadd.s32 v1, v20;
	v9 =	vmul.f32 $8.000000000e+00, v9;
	[tilespmem:s29+$0x0] =	vst v14  }
0x99: {  	v15 =	vld.idx.msk [tilespmem:v15+s14+$0x0], $0xffff;
	v14 =	vadd.s32 v1, v21;
	v21 =	vadd.s32 s2, v8;
	s2 =	sadd.s32 $0x3, s30;
	v13 =	vmul.f32 $8.000000000e+00, v13;
	[tilespmem:s29+$0x80] =	vst v12  }
0x9a: {  	v19 =	vld.idx.msk [tilespmem:v19+s14+$0x0], $0xffff;
	v12 =	vadd.s32 v1, v21;
	v21 =	vadd.s32 s2, v8;
	s2 =	sadd.s32 $0x4, s30;
	v10 =	vmul.f32 $8.000000000e+00, v10;
	[tilespmem:s29+$0x100] =	vst v9  }
0x9b: {  	v17 =	vld.idx.msk [tilespmem:v17+s14+$0x0], $0xffff;
	s0 =	sadd.s32 $0x5, s30;
	v9 =	vadd.s32 v1, v21;
	v21 =	vadd.s32 s2, v8;
	v11 =	vmul.f32 $8.000000000e+00, v11;
	[tilespmem:s29+$0xFFFFFE00] =	vst v13;
	s2 =	sadd.s32 $0x400, s29  }
0x9c: {  	v13 =	vadd.s32 v1, v21;
	v21 =	vadd.s32 s0, v8;
	s0 =	sadd.s32 $0x6, s30;
	v22 =	vld.idx.msk [tilespmem:v22+s14+$0x0], $0xffff;
	v18 =	vmul.f32 $8.000000000e+00, v18;
	[tilespmem:s2+$0x180] =	vst v10  }
0x9d: {  	v16 =	vmul.f32 $8.000000000e+00, v16;
	v10 =	vadd.s32 v1, v21;
	v21 =	vadd.s32 s0, v8;
	v20 =	vld.idx.msk [tilespmem:v20+s14+$0x0], $0xffff;
	[tilespmem:s2+$0xFFFFFE80] =	vst v11  }
0x9e: {  	v11 =	vmul.f32 $8.000000000e+00, v15;
	v8 =	vadd.s32 s30, v8;
	v14 =	vld.idx.msk [tilespmem:v14+s14+$0x0], $0xffff;
	v15 =	vadd.s32 v1, v21;
	[tilespmem:s2+$0xFFFFFF00] =	vst v18  }
0x9f: {  	v8 =	vadd.s32 v1, v8;
	[tilespmem:s2+$0x0] =	vst v16;
	v16 =	vmul.f32 $8.000000000e+00, v19;
	v12 =	vld.idx.msk [tilespmem:v12+s14+$0x0], $0xffff  }
0xa0: {  	[tilespmem:s2+$0xFFFFFF80] =	vst v11;
	v11 =	vmul.f32 $8.000000000e+00, v17;
	v9 =	vld.idx.msk [tilespmem:v9+s14+$0x0], $0xffff  }
0xa1: {  	[tilespmem:s2+$0x100] =	vst v16;
	v13 =	vld.idx.msk [tilespmem:v13+s14+$0x0], $0xffff;
	v17 =	vmul.f32 $8.000000000e+00, v22  }
0xa2: {  	[tilespmem:s2+$0x80] =	vst v11;
	v10 =	vld.idx.msk [tilespmem:v10+s14+$0x0], $0xffff;
	v11 =	vmul.f32 $8.000000000e+00, v20  }
0xa3: {  	v15 =	vld.idx.msk [tilespmem:v15+s14+$0x0], $0xffff;
	v14 =	vmul.f32 $8.000000000e+00, v14;
	[tilespmem:s2+$0xFFFFFE00] =	vst v17;
	s2 =	sadd.s32 $0x400, s2  }
0xa4: {  	v8 =	vld.idx.msk [tilespmem:v8+s14+$0x0], $0xffff;
	v12 =	vmul.f32 $8.000000000e+00, v12;
	[tilespmem:s2+$0x180] =	vst v11  }
0xa5: {  	[tilespmem:s2+$0xFFFFFE80] =	vst v14;
	v9 =	vmul.f32 $8.000000000e+00, v9  }
0xa6: {  	[tilespmem:s2+$0xFFFFFF00] =	vst v12;
	v11 =	vmul.f32 $8.000000000e+00, v13  }
0xa7: {  	[tilespmem:s2+$0xFFFFFF80] =	vst v9;
	v9 =	vmul.f32 $8.000000000e+00, v10  }
0xa8: {  	[tilespmem:s2+$0x0] =	vst v11;
	v10 =	vmul.f32 $8.000000000e+00, v15  }
0xa9: {  	v8 =	vmul.f32 $8.000000000e+00, v8;
	[tilespmem:s2+$0x80] =	vst v9  }
0xaa: {  	[tilespmem:s2+$0x100] =	vst v10  }
0xab: {  	[tilespmem:s2+$0xFFFFFE00] =	vst v8  }
0xac: {  	v8 =	vld [tilespmem:$0x3120];
	_ =	sdelay $0x3  }
0xad: {  	s0 =	simm.s32 $0x7  }
0xae: {  	s2 =	simm.s32 $0x1;
	v9 =	vadd.s32 s0, v8  }
0xaf: {  	v10 =	vadd.s32 s2, v8;
	s2 =	simm.s32 $0x2;
	v9 =	vadd.s32 v2, v9  }
0xb0: {  	v10 =	vadd.s32 v2, v10;
	v11 =	vadd.s32 s2, v8;
	s2 =	simm.s32 $0x3  }
0xb1: {  	v11 =	vadd.s32 v2, v11;
	v12 =	vadd.s32 s2, v8;
	s2 =	simm.s32 $0x4  }
0xb2: {  	v12 =	vadd.s32 v2, v12;
	v13 =	vadd.s32 s2, v8;
	s2 =	simm.s32 $0x5  }
0xb3: {  	s0 =	simm.s32 $0x6;
	v13 =	vadd.s32 v2, v13;
	v14 =	vadd.s32 s2, v8  }
0xb4: {  	s2 =	simm.s32 $0x0;
	v15 =	vadd.s32 v2, v14;
	v14 =	vadd.s32 s0, v8;
	v16 =	vld.idx.msk [tilespmem:v9+s14+$0x0], $0xffff  }
0xb5: {  	s0 =	simm.s32 $0xF;
	v9 =	vadd.s32 s2, v8;
	v10 =	vld.idx.msk [tilespmem:v10+s14+$0x0], $0xffff;
	v17 =	vadd.s32 v2, v14  }
0xb6: {  	s2 =	simm.s32 $0x9;
	v14 =	vadd.s32 s0, v8;
	v19 =	vadd.s32 v2, v9;
	v11 =	vld.idx.msk [tilespmem:v11+s14+$0x0], $0xffff  }
0xb7: {  	v9 =	vadd.s32 s2, v8;
	s2 =	simm.s32 $0xA;
	v20 =	vadd.s32 v2, v14;
	v21 =	vld.idx.msk [tilespmem:v12+s14+$0x0], $0xffff  }
0xb8: {  	v23 =	vadd.s32 v2, v9;
	v9 =	vadd.s32 s2, v8;
	s2 =	simm.s32 $0xB;
	v14 =	vld.idx.msk [tilespmem:v13+s14+$0x0], $0xffff  }
0xb9: {  	v18 =	vadd.s32 v2, v9;
	v9 =	vadd.s32 s2, v8;
	s2 =	simm.s32 $0xC;
	v12 =	vld.idx.msk [tilespmem:v15+s14+$0x0], $0xffff  }
0xba: {  	v15 =	vadd.s32 v2, v9;
	v13 =	vadd.s32 s2, v8;
	s2 =	simm.s32 $0xD;
	v9 =	vld.idx.msk [tilespmem:v17+s14+$0x0], $0xffff;
	v22 =	vmul.f32 $8.000000000e+00, v16  }
0xbb: {  	s29 =	simm.s32 $0xB420;
	s0 =	simm.s32 $0xE;
	v16 =	vadd.s32 v2, v13;
	v17 =	vadd.s32 s2, v8;
	v24 =	vmul.f32 $8.000000000e+00, v10;
	v13 =	vld.idx.msk [tilespmem:v19+s14+$0x0], $0xffff  }
0xbc: {  	s2 =	simm.s32 $0x8;
	v17 =	vadd.s32 v2, v17;
	v19 =	vadd.s32 s0, v8;
	v10 =	vld.idx.msk [tilespmem:v20+s14+$0x0], $0xffff;
	v20 =	vmul.f32 $8.000000000e+00, v11;
	[tilespmem:s29+$0x180] =	vst v22  }
0xbd: {  	s31 =	simm.s32 $0x18;
	s30 =	simm.s32 $0x10;
	s0 =	simm.s32 $0x17;
	v22 =	vadd.s32 s2, v8;
	v11 =	vld.idx.msk [tilespmem:v23+s14+$0x0], $0xffff;
	v19 =	vadd.s32 v2, v19;
	[tilespmem:s29+$0xFFFFFE80] =	vst v24;
	v21 =	vmul.f32 $8.000000000e+00, v21  }
.LBB2_7:
0xbe: {  	p1 =	slt.u32 s31, $0x38;
	s2 =	sadd.s32 $0x1, s30;
	v23 =	vadd.s32 s0, v8;
	v22 =	vadd.s32 v2, v22;
	v24 =	vld.idx.msk [tilespmem:v18+s14+$0x0], $0xffff;
	[tilespmem:s29+$0xFFFFFF00] =	vst v20;
	v18 =	vmul.f32 $8.000000000e+00, v14  }
0xbf: {  	s0 =	sadd.s32 $0x2, s30;
	v14 =	vadd.s32 s2, v8;
	v20 =	vadd.s32 v2, v23;
	v23 =	vld.idx.msk [tilespmem:v15+s14+$0x0], $0xffff;
	[tilespmem:s29+$0xFFFFFF80] =	vst v21;
	v15 =	vmul.f32 $8.000000000e+00, v12  }
0xc0: {  	v12 =	vadd.s32 s0, v8;
	s0 =	sadd.s32 $0x3, s30;
	v21 =	vadd.s32 v2, v14;
	v14 =	vld.idx.msk [tilespmem:v16+s14+$0x0], $0xffff;
	[tilespmem:s29+$0x0] =	vst v18;
	v16 =	vmul.f32 $8.000000000e+00, v9  }
.Ltmp4:
0xc1: {  	v18 =	vadd.s32 v2, v12;
	v9 =	vadd.s32 s0, v8;
	s0 =	sadd.s32 $0x4, s30;
	v12 =	vld.idx.msk [tilespmem:v17+s14+$0x0], $0xffff;
	v17 =	vmul.f32 $8.000000000e+00, v13;
	[tilespmem:s29+$0x80] =	vst v15;
	(pc) =	sbr.rel @p1 .LBB2_7-.Ltmp4, $4  }
0xc2: {  	v15 =	vadd.s32 v2, v9;
	v13 =	vadd.s32 s0, v8;
	s0 =	sadd.s32 $0x5, s30;
	v9 =	vld.idx.msk [tilespmem:v19+s14+$0x0], $0xffff;
	v19 =	vmul.f32 $8.000000000e+00, v10;
	[tilespmem:s29+$0x100] =	vst v16  }
0xc3: {  	v16 =	vadd.s32 v2, v13;
	v10 =	vadd.s32 s0, v8;
	s0 =	sadd.s32 $0x6, s30;
	v25 =	vmul.f32 $8.000000000e+00, v11;
	v13 =	vld.idx.msk [tilespmem:v22+s14+$0x0], $0xffff;
	[tilespmem:s29+$0xFFFFFE00] =	vst v17;
	s29 =	sadd.s32 $0x400, s29  }
0xc4: {  	v17 =	vadd.s32 v2, v10;
	v26 =	vadd.s32 s0, v8;
	v10 =	vld.idx.msk [tilespmem:v20+s14+$0x0], $0xffff;
	v20 =	vmul.f32 $8.000000000e+00, v24;
	[tilespmem:s29+$0x180] =	vst v19  }
0xc5: {  	s0 =	sadd.s32 $0x7, s31;
	v22 =	vadd.s32 s30, v8;
	s30 =	smov.u32 s31;
	s31 =	sadd.s32 $0x8, s31;
	v19 =	vadd.s32 v2, v26;
	v11 =	vld.idx.msk [tilespmem:v21+s14+$0x0], $0xffff;
	[tilespmem:s29+$0xFFFFFE80] =	vst v25;
	v21 =	vmul.f32 $8.000000000e+00, v23  }
0xc6: {  	_ =	sdelay $0x2  }
0xc7: {  	[tilespmem:s29+$0xFFFFFF00] =	vst v20;
	v14 =	vmul.f32 $8.000000000e+00, v14  }
0xc8: {  	s2 =	sadd.s32 $0x1, s30;
	v20 =	vadd.s32 s0, v8;
	v22 =	vadd.s32 v2, v22;
	v18 =	vld.idx.msk [tilespmem:v18+s14+$0x0], $0xffff;
	v12 =	vmul.f32 $8.000000000e+00, v12;
	[tilespmem:s29+$0xFFFFFF80] =	vst v21  }
0xc9: {  	v16 =	vld.idx.msk [tilespmem:v16+s14+$0x0], $0xffff;
	v21 =	vadd.s32 s2, v8;
	s2 =	sadd.s32 $0x2, s30;
	v20 =	vadd.s32 v2, v20;
	v9 =	vmul.f32 $8.000000000e+00, v9;
	[tilespmem:s29+$0x0] =	vst v14  }
0xca: {  	v15 =	vld.idx.msk [tilespmem:v15+s14+$0x0], $0xffff;
	v14 =	vadd.s32 v2, v21;
	v21 =	vadd.s32 s2, v8;
	s2 =	sadd.s32 $0x3, s30;
	v13 =	vmul.f32 $8.000000000e+00, v13;
	[tilespmem:s29+$0x80] =	vst v12  }
0xcb: {  	v19 =	vld.idx.msk [tilespmem:v19+s14+$0x0], $0xffff;
	v12 =	vadd.s32 v2, v21;
	v21 =	vadd.s32 s2, v8;
	s2 =	sadd.s32 $0x4, s30;
	v10 =	vmul.f32 $8.000000000e+00, v10;
	[tilespmem:s29+$0x100] =	vst v9  }
0xcc: {  	v17 =	vld.idx.msk [tilespmem:v17+s14+$0x0], $0xffff;
	s0 =	sadd.s32 $0x5, s30;
	v9 =	vadd.s32 v2, v21;
	v21 =	vadd.s32 s2, v8;
	v11 =	vmul.f32 $8.000000000e+00, v11;
	[tilespmem:s29+$0xFFFFFE00] =	vst v13;
	s2 =	sadd.s32 $0x400, s29  }
0xcd: {  	v13 =	vadd.s32 v2, v21;
	v21 =	vadd.s32 s0, v8;
	s0 =	sadd.s32 $0x6, s30;
	v22 =	vld.idx.msk [tilespmem:v22+s14+$0x0], $0xffff;
	v18 =	vmul.f32 $8.000000000e+00, v18;
	[tilespmem:s2+$0x180] =	vst v10  }
0xce: {  	v16 =	vmul.f32 $8.000000000e+00, v16;
	v10 =	vadd.s32 v2, v21;
	v21 =	vadd.s32 s0, v8;
	v20 =	vld.idx.msk [tilespmem:v20+s14+$0x0], $0xffff;
	[tilespmem:s2+$0xFFFFFE80] =	vst v11  }
0xcf: {  	v11 =	vmul.f32 $8.000000000e+00, v15;
	v8 =	vadd.s32 s30, v8;
	v14 =	vld.idx.msk [tilespmem:v14+s14+$0x0], $0xffff;
	v15 =	vadd.s32 v2, v21;
	[tilespmem:s2+$0xFFFFFF00] =	vst v18  }
0xd0: {  	v8 =	vadd.s32 v2, v8;
	[tilespmem:s2+$0x0] =	vst v16;
	v16 =	vmul.f32 $8.000000000e+00, v19;
	v12 =	vld.idx.msk [tilespmem:v12+s14+$0x0], $0xffff  }
0xd1: {  	[tilespmem:s2+$0xFFFFFF80] =	vst v11;
	v11 =	vmul.f32 $8.000000000e+00, v17;
	v9 =	vld.idx.msk [tilespmem:v9+s14+$0x0], $0xffff  }
0xd2: {  	[tilespmem:s2+$0x100] =	vst v16;
	v13 =	vld.idx.msk [tilespmem:v13+s14+$0x0], $0xffff;
	v17 =	vmul.f32 $8.000000000e+00, v22  }
0xd3: {  	[tilespmem:s2+$0x80] =	vst v11;
	v10 =	vld.idx.msk [tilespmem:v10+s14+$0x0], $0xffff;
	v11 =	vmul.f32 $8.000000000e+00, v20  }
0xd4: {  	v15 =	vld.idx.msk [tilespmem:v15+s14+$0x0], $0xffff;
	v14 =	vmul.f32 $8.000000000e+00, v14;
	[tilespmem:s2+$0xFFFFFE00] =	vst v17;
	s2 =	sadd.s32 $0x400, s2  }
0xd5: {  	v8 =	vld.idx.msk [tilespmem:v8+s14+$0x0], $0xffff;
	v12 =	vmul.f32 $8.000000000e+00, v12;
	[tilespmem:s2+$0x180] =	vst v11  }
0xd6: {  	[tilespmem:s2+$0xFFFFFE80] =	vst v14;
	v9 =	vmul.f32 $8.000000000e+00, v9  }
0xd7: {  	[tilespmem:s2+$0xFFFFFF00] =	vst v12;
	v11 =	vmul.f32 $8.000000000e+00, v13  }
0xd8: {  	[tilespmem:s2+$0xFFFFFF80] =	vst v9;
	v9 =	vmul.f32 $8.000000000e+00, v10  }
0xd9: {  	[tilespmem:s2+$0x0] =	vst v11;
	v10 =	vmul.f32 $8.000000000e+00, v15  }
0xda: {  	v8 =	vmul.f32 $8.000000000e+00, v8;
	[tilespmem:s2+$0x80] =	vst v9  }
0xdb: {  	[tilespmem:s2+$0x100] =	vst v10  }
0xdc: {  	[tilespmem:s2+$0xFFFFFE00] =	vst v8  }
0xdd: {  	v8 =	vld [tilespmem:$0x3130];
	_ =	sdelay $0x3  }
0xde: {  	s0 =	simm.s32 $0x7  }
0xdf: {  	s2 =	simm.s32 $0x1;
	v9 =	vadd.s32 s0, v8  }
0xe0: {  	v10 =	vadd.s32 s2, v8;
	s2 =	simm.s32 $0x2;
	v9 =	vadd.s32 v3, v9  }
0xe1: {  	v10 =	vadd.s32 v3, v10;
	v11 =	vadd.s32 s2, v8;
	s2 =	simm.s32 $0x3  }
0xe2: {  	v11 =	vadd.s32 v3, v11;
	v12 =	vadd.s32 s2, v8;
	s2 =	simm.s32 $0x4  }
0xe3: {  	v12 =	vadd.s32 v3, v12;
	v13 =	vadd.s32 s2, v8;
	s2 =	simm.s32 $0x5  }
0xe4: {  	s0 =	simm.s32 $0x6;
	v13 =	vadd.s32 v3, v13;
	v14 =	vadd.s32 s2, v8  }
0xe5: {  	s2 =	simm.s32 $0x0;
	v15 =	vadd.s32 v3, v14;
	v14 =	vadd.s32 s0, v8;
	v16 =	vld.idx.msk [tilespmem:v9+s14+$0x0], $0xffff  }
0xe6: {  	s0 =	simm.s32 $0xF;
	v9 =	vadd.s32 s2, v8;
	v10 =	vld.idx.msk [tilespmem:v10+s14+$0x0], $0xffff;
	v17 =	vadd.s32 v3, v14  }
0xe7: {  	s2 =	simm.s32 $0x9;
	v14 =	vadd.s32 s0, v8;
	v19 =	vadd.s32 v3, v9;
	v11 =	vld.idx.msk [tilespmem:v11+s14+$0x0], $0xffff  }
0xe8: {  	v9 =	vadd.s32 s2, v8;
	s2 =	simm.s32 $0xA;
	v20 =	vadd.s32 v3, v14;
	v21 =	vld.idx.msk [tilespmem:v12+s14+$0x0], $0xffff  }
0xe9: {  	v23 =	vadd.s32 v3, v9;
	v9 =	vadd.s32 s2, v8;
	s2 =	simm.s32 $0xB;
	v14 =	vld.idx.msk [tilespmem:v13+s14+$0x0], $0xffff  }
0xea: {  	v18 =	vadd.s32 v3, v9;
	v9 =	vadd.s32 s2, v8;
	s2 =	simm.s32 $0xC;
	v12 =	vld.idx.msk [tilespmem:v15+s14+$0x0], $0xffff  }
0xeb: {  	v15 =	vadd.s32 v3, v9;
	v13 =	vadd.s32 s2, v8;
	s2 =	simm.s32 $0xD;
	v9 =	vld.idx.msk [tilespmem:v17+s14+$0x0], $0xffff;
	v22 =	vmul.f32 $8.000000000e+00, v16  }
0xec: {  	s29 =	simm.s32 $0xB430;
	s0 =	simm.s32 $0xE;
	v16 =	vadd.s32 v3, v13;
	v17 =	vadd.s32 s2, v8;
	v24 =	vmul.f32 $8.000000000e+00, v10;
	v13 =	vld.idx.msk [tilespmem:v19+s14+$0x0], $0xffff  }
0xed: {  	s2 =	simm.s32 $0x8;
	v17 =	vadd.s32 v3, v17;
	v19 =	vadd.s32 s0, v8;
	v10 =	vld.idx.msk [tilespmem:v20+s14+$0x0], $0xffff;
	v20 =	vmul.f32 $8.000000000e+00, v11;
	[tilespmem:s29+$0x180] =	vst v22  }
0xee: {  	s31 =	simm.s32 $0x18;
	s30 =	simm.s32 $0x10;
	s0 =	simm.s32 $0x17;
	v22 =	vadd.s32 s2, v8;
	v11 =	vld.idx.msk [tilespmem:v23+s14+$0x0], $0xffff;
	v19 =	vadd.s32 v3, v19;
	[tilespmem:s29+$0xFFFFFE80] =	vst v24;
	v21 =	vmul.f32 $8.000000000e+00, v21  }
.LBB2_9:
0xef: {  	p1 =	slt.u32 s31, $0x38;
	s2 =	sadd.s32 $0x1, s30;
	v23 =	vadd.s32 s0, v8;
	v22 =	vadd.s32 v3, v22;
	v24 =	vld.idx.msk [tilespmem:v18+s14+$0x0], $0xffff;
	[tilespmem:s29+$0xFFFFFF00] =	vst v20;
	v18 =	vmul.f32 $8.000000000e+00, v14  }
0xf0: {  	s0 =	sadd.s32 $0x2, s30;
	v14 =	vadd.s32 s2, v8;
	v20 =	vadd.s32 v3, v23;
	v23 =	vld.idx.msk [tilespmem:v15+s14+$0x0], $0xffff;
	[tilespmem:s29+$0xFFFFFF80] =	vst v21;
	v15 =	vmul.f32 $8.000000000e+00, v12  }
0xf1: {  	v12 =	vadd.s32 s0, v8;
	s0 =	sadd.s32 $0x3, s30;
	v21 =	vadd.s32 v3, v14;
	v14 =	vld.idx.msk [tilespmem:v16+s14+$0x0], $0xffff;
	[tilespmem:s29+$0x0] =	vst v18;
	v16 =	vmul.f32 $8.000000000e+00, v9  }
.Ltmp5:
0xf2: {  	v18 =	vadd.s32 v3, v12;
	v9 =	vadd.s32 s0, v8;
	s0 =	sadd.s32 $0x4, s30;
	v12 =	vld.idx.msk [tilespmem:v17+s14+$0x0], $0xffff;
	v17 =	vmul.f32 $8.000000000e+00, v13;
	[tilespmem:s29+$0x80] =	vst v15;
	(pc) =	sbr.rel @p1 .LBB2_9-.Ltmp5, $4  }
0xf3: {  	v15 =	vadd.s32 v3, v9;
	v13 =	vadd.s32 s0, v8;
	s0 =	sadd.s32 $0x5, s30;
	v9 =	vld.idx.msk [tilespmem:v19+s14+$0x0], $0xffff;
	v19 =	vmul.f32 $8.000000000e+00, v10;
	[tilespmem:s29+$0x100] =	vst v16  }
0xf4: {  	v16 =	vadd.s32 v3, v13;
	v10 =	vadd.s32 s0, v8;
	s0 =	sadd.s32 $0x6, s30;
	v25 =	vmul.f32 $8.000000000e+00, v11;
	v13 =	vld.idx.msk [tilespmem:v22+s14+$0x0], $0xffff;
	[tilespmem:s29+$0xFFFFFE00] =	vst v17;
	s29 =	sadd.s32 $0x400, s29  }
0xf5: {  	v17 =	vadd.s32 v3, v10;
	v26 =	vadd.s32 s0, v8;
	v10 =	vld.idx.msk [tilespmem:v20+s14+$0x0], $0xffff;
	v20 =	vmul.f32 $8.000000000e+00, v24;
	[tilespmem:s29+$0x180] =	vst v19  }
0xf6: {  	s0 =	sadd.s32 $0x7, s31;
	v22 =	vadd.s32 s30, v8;
	s30 =	smov.u32 s31;
	s31 =	sadd.s32 $0x8, s31;
	v19 =	vadd.s32 v3, v26;
	v11 =	vld.idx.msk [tilespmem:v21+s14+$0x0], $0xffff;
	[tilespmem:s29+$0xFFFFFE80] =	vst v25;
	v21 =	vmul.f32 $8.000000000e+00, v23  }
0xf7: {  	_ =	sdelay $0x2  }
0xf8: {  	[tilespmem:s29+$0xFFFFFF00] =	vst v20;
	v14 =	vmul.f32 $8.000000000e+00, v14  }
0xf9: {  	s2 =	sadd.s32 $0x1, s30;
	v20 =	vadd.s32 s0, v8;
	v22 =	vadd.s32 v3, v22;
	v18 =	vld.idx.msk [tilespmem:v18+s14+$0x0], $0xffff;
	v12 =	vmul.f32 $8.000000000e+00, v12;
	[tilespmem:s29+$0xFFFFFF80] =	vst v21  }
0xfa: {  	v16 =	vld.idx.msk [tilespmem:v16+s14+$0x0], $0xffff;
	v21 =	vadd.s32 s2, v8;
	s2 =	sadd.s32 $0x2, s30;
	v20 =	vadd.s32 v3, v20;
	v9 =	vmul.f32 $8.000000000e+00, v9;
	[tilespmem:s29+$0x0] =	vst v14  }
0xfb: {  	v15 =	vld.idx.msk [tilespmem:v15+s14+$0x0], $0xffff;
	v14 =	vadd.s32 v3, v21;
	v21 =	vadd.s32 s2, v8;
	s2 =	sadd.s32 $0x3, s30;
	v13 =	vmul.f32 $8.000000000e+00, v13;
	[tilespmem:s29+$0x80] =	vst v12  }
0xfc: {  	v19 =	vld.idx.msk [tilespmem:v19+s14+$0x0], $0xffff;
	v12 =	vadd.s32 v3, v21;
	v21 =	vadd.s32 s2, v8;
	s2 =	sadd.s32 $0x4, s30;
	v10 =	vmul.f32 $8.000000000e+00, v10;
	[tilespmem:s29+$0x100] =	vst v9  }
0xfd: {  	v17 =	vld.idx.msk [tilespmem:v17+s14+$0x0], $0xffff;
	s0 =	sadd.s32 $0x5, s30;
	v9 =	vadd.s32 v3, v21;
	v21 =	vadd.s32 s2, v8;
	v11 =	vmul.f32 $8.000000000e+00, v11;
	[tilespmem:s29+$0xFFFFFE00] =	vst v13;
	s2 =	sadd.s32 $0x400, s29  }
0xfe: {  	v13 =	vadd.s32 v3, v21;
	v21 =	vadd.s32 s0, v8;
	s0 =	sadd.s32 $0x6, s30;
	v22 =	vld.idx.msk [tilespmem:v22+s14+$0x0], $0xffff;
	v18 =	vmul.f32 $8.000000000e+00, v18;
	[tilespmem:s2+$0x180] =	vst v10  }
0xff: {  	v16 =	vmul.f32 $8.000000000e+00, v16;
	v10 =	vadd.s32 v3, v21;
	v21 =	vadd.s32 s0, v8;
	v20 =	vld.idx.msk [tilespmem:v20+s14+$0x0], $0xffff;
	[tilespmem:s2+$0xFFFFFE80] =	vst v11  }
0x100: {  	v11 =	vmul.f32 $8.000000000e+00, v15;
	v8 =	vadd.s32 s30, v8;
	v14 =	vld.idx.msk [tilespmem:v14+s14+$0x0], $0xffff;
	v15 =	vadd.s32 v3, v21;
	[tilespmem:s2+$0xFFFFFF00] =	vst v18  }
0x101: {  	v8 =	vadd.s32 v3, v8;
	[tilespmem:s2+$0x0] =	vst v16;
	v16 =	vmul.f32 $8.000000000e+00, v19;
	v12 =	vld.idx.msk [tilespmem:v12+s14+$0x0], $0xffff  }
0x102: {  	[tilespmem:s2+$0xFFFFFF80] =	vst v11;
	v11 =	vmul.f32 $8.000000000e+00, v17;
	v9 =	vld.idx.msk [tilespmem:v9+s14+$0x0], $0xffff  }
0x103: {  	[tilespmem:s2+$0x100] =	vst v16;
	v13 =	vld.idx.msk [tilespmem:v13+s14+$0x0], $0xffff;
	v17 =	vmul.f32 $8.000000000e+00, v22  }
0x104: {  	[tilespmem:s2+$0x80] =	vst v11;
	v10 =	vld.idx.msk [tilespmem:v10+s14+$0x0], $0xffff;
	v11 =	vmul.f32 $8.000000000e+00, v20  }
0x105: {  	v15 =	vld.idx.msk [tilespmem:v15+s14+$0x0], $0xffff;
	v14 =	vmul.f32 $8.000000000e+00, v14;
	[tilespmem:s2+$0xFFFFFE00] =	vst v17;
	s2 =	sadd.s32 $0x400, s2  }
0x106: {  	v8 =	vld.idx.msk [tilespmem:v8+s14+$0x0], $0xffff;
	v12 =	vmul.f32 $8.000000000e+00, v12;
	[tilespmem:s2+$0x180] =	vst v11  }
0x107: {  	[tilespmem:s2+$0xFFFFFE80] =	vst v14;
	v9 =	vmul.f32 $8.000000000e+00, v9  }
0x108: {  	[tilespmem:s2+$0xFFFFFF00] =	vst v12;
	v11 =	vmul.f32 $8.000000000e+00, v13  }
0x109: {  	[tilespmem:s2+$0xFFFFFF80] =	vst v9;
	v9 =	vmul.f32 $8.000000000e+00, v10  }
0x10a: {  	[tilespmem:s2+$0x0] =	vst v11;
	v10 =	vmul.f32 $8.000000000e+00, v15  }
0x10b: {  	v8 =	vmul.f32 $8.000000000e+00, v8;
	[tilespmem:s2+$0x80] =	vst v9  }
0x10c: {  	[tilespmem:s2+$0x100] =	vst v10  }
0x10d: {  	[tilespmem:s2+$0xFFFFFE00] =	vst v8  }
0x10e: {  	v8 =	vld [tilespmem:$0x3140];
	_ =	sdelay $0x3  }
0x10f: {  	s0 =	simm.s32 $0x7  }
0x110: {  	s2 =	simm.s32 $0x1;
	v9 =	vadd.s32 s0, v8  }
0x111: {  	v10 =	vadd.s32 s2, v8;
	s2 =	simm.s32 $0x2;
	v9 =	vadd.s32 v4, v9  }
0x112: {  	v10 =	vadd.s32 v4, v10;
	v11 =	vadd.s32 s2, v8;
	s2 =	simm.s32 $0x3  }
0x113: {  	v11 =	vadd.s32 v4, v11;
	v12 =	vadd.s32 s2, v8;
	s2 =	simm.s32 $0x4  }
0x114: {  	v12 =	vadd.s32 v4, v12;
	v13 =	vadd.s32 s2, v8;
	s2 =	simm.s32 $0x5  }
0x115: {  	s0 =	simm.s32 $0x6;
	v13 =	vadd.s32 v4, v13;
	v14 =	vadd.s32 s2, v8  }
0x116: {  	s2 =	simm.s32 $0x0;
	v15 =	vadd.s32 v4, v14;
	v14 =	vadd.s32 s0, v8;
	v16 =	vld.idx.msk [tilespmem:v9+s14+$0x0], $0xffff  }
0x117: {  	s0 =	simm.s32 $0xF;
	v9 =	vadd.s32 s2, v8;
	v10 =	vld.idx.msk [tilespmem:v10+s14+$0x0], $0xffff;
	v17 =	vadd.s32 v4, v14  }
0x118: {  	s2 =	simm.s32 $0x9;
	v14 =	vadd.s32 s0, v8;
	v19 =	vadd.s32 v4, v9;
	v11 =	vld.idx.msk [tilespmem:v11+s14+$0x0], $0xffff  }
0x119: {  	v9 =	vadd.s32 s2, v8;
	s2 =	simm.s32 $0xA;
	v20 =	vadd.s32 v4, v14;
	v21 =	vld.idx.msk [tilespmem:v12+s14+$0x0], $0xffff  }
0x11a: {  	v23 =	vadd.s32 v4, v9;
	v9 =	vadd.s32 s2, v8;
	s2 =	simm.s32 $0xB;
	v14 =	vld.idx.msk [tilespmem:v13+s14+$0x0], $0xffff  }
0x11b: {  	v18 =	vadd.s32 v4, v9;
	v9 =	vadd.s32 s2, v8;
	s2 =	simm.s32 $0xC;
	v12 =	vld.idx.msk [tilespmem:v15+s14+$0x0], $0xffff  }
0x11c: {  	v15 =	vadd.s32 v4, v9;
	v13 =	vadd.s32 s2, v8;
	s2 =	simm.s32 $0xD;
	v9 =	vld.idx.msk [tilespmem:v17+s14+$0x0], $0xffff;
	v22 =	vmul.f32 $8.000000000e+00, v16  }
0x11d: {  	s29 =	simm.s32 $0xB440;
	s0 =	simm.s32 $0xE;
	v16 =	vadd.s32 v4, v13;
	v17 =	vadd.s32 s2, v8;
	v24 =	vmul.f32 $8.000000000e+00, v10;
	v13 =	vld.idx.msk [tilespmem:v19+s14+$0x0], $0xffff  }
0x11e: {  	s2 =	simm.s32 $0x8;
	v17 =	vadd.s32 v4, v17;
	v19 =	vadd.s32 s0, v8;
	v10 =	vld.idx.msk [tilespmem:v20+s14+$0x0], $0xffff;
	v20 =	vmul.f32 $8.000000000e+00, v11;
	[tilespmem:s29+$0x180] =	vst v22  }
0x11f: {  	s31 =	simm.s32 $0x18;
	s30 =	simm.s32 $0x10;
	s0 =	simm.s32 $0x17;
	v22 =	vadd.s32 s2, v8;
	v11 =	vld.idx.msk [tilespmem:v23+s14+$0x0], $0xffff;
	v19 =	vadd.s32 v4, v19;
	[tilespmem:s29+$0xFFFFFE80] =	vst v24;
	v21 =	vmul.f32 $8.000000000e+00, v21  }
.LBB2_11:
0x120: {  	p1 =	slt.u32 s31, $0x38;
	s2 =	sadd.s32 $0x1, s30;
	v23 =	vadd.s32 s0, v8;
	v22 =	vadd.s32 v4, v22;
	v24 =	vld.idx.msk [tilespmem:v18+s14+$0x0], $0xffff;
	[tilespmem:s29+$0xFFFFFF00] =	vst v20;
	v18 =	vmul.f32 $8.000000000e+00, v14  }
0x121: {  	s0 =	sadd.s32 $0x2, s30;
	v14 =	vadd.s32 s2, v8;
	v20 =	vadd.s32 v4, v23;
	v23 =	vld.idx.msk [tilespmem:v15+s14+$0x0], $0xffff;
	[tilespmem:s29+$0xFFFFFF80] =	vst v21;
	v15 =	vmul.f32 $8.000000000e+00, v12  }
0x122: {  	v12 =	vadd.s32 s0, v8;
	s0 =	sadd.s32 $0x3, s30;
	v21 =	vadd.s32 v4, v14;
	v14 =	vld.idx.msk [tilespmem:v16+s14+$0x0], $0xffff;
	[tilespmem:s29+$0x0] =	vst v18;
	v16 =	vmul.f32 $8.000000000e+00, v9  }
.Ltmp6:
0x123: {  	v18 =	vadd.s32 v4, v12;
	v9 =	vadd.s32 s0, v8;
	s0 =	sadd.s32 $0x4, s30;
	v12 =	vld.idx.msk [tilespmem:v17+s14+$0x0], $0xffff;
	v17 =	vmul.f32 $8.000000000e+00, v13;
	[tilespmem:s29+$0x80] =	vst v15;
	(pc) =	sbr.rel @p1 .LBB2_11-.Ltmp6, $4  }
0x124: {  	v15 =	vadd.s32 v4, v9;
	v13 =	vadd.s32 s0, v8;
	s0 =	sadd.s32 $0x5, s30;
	v9 =	vld.idx.msk [tilespmem:v19+s14+$0x0], $0xffff;
	v19 =	vmul.f32 $8.000000000e+00, v10;
	[tilespmem:s29+$0x100] =	vst v16  }
0x125: {  	v16 =	vadd.s32 v4, v13;
	v10 =	vadd.s32 s0, v8;
	s0 =	sadd.s32 $0x6, s30;
	v25 =	vmul.f32 $8.000000000e+00, v11;
	v13 =	vld.idx.msk [tilespmem:v22+s14+$0x0], $0xffff;
	[tilespmem:s29+$0xFFFFFE00] =	vst v17;
	s29 =	sadd.s32 $0x400, s29  }
0x126: {  	v17 =	vadd.s32 v4, v10;
	v26 =	vadd.s32 s0, v8;
	v10 =	vld.idx.msk [tilespmem:v20+s14+$0x0], $0xffff;
	v20 =	vmul.f32 $8.000000000e+00, v24;
	[tilespmem:s29+$0x180] =	vst v19  }
0x127: {  	s0 =	sadd.s32 $0x7, s31;
	v22 =	vadd.s32 s30, v8;
	s30 =	smov.u32 s31;
	s31 =	sadd.s32 $0x8, s31;
	v19 =	vadd.s32 v4, v26;
	v11 =	vld.idx.msk [tilespmem:v21+s14+$0x0], $0xffff;
	[tilespmem:s29+$0xFFFFFE80] =	vst v25;
	v21 =	vmul.f32 $8.000000000e+00, v23  }
0x128: {  	_ =	sdelay $0x2  }
0x129: {  	[tilespmem:s29+$0xFFFFFF00] =	vst v20;
	v14 =	vmul.f32 $8.000000000e+00, v14  }
0x12a: {  	s2 =	sadd.s32 $0x1, s30;
	v20 =	vadd.s32 s0, v8;
	v22 =	vadd.s32 v4, v22;
	v18 =	vld.idx.msk [tilespmem:v18+s14+$0x0], $0xffff;
	v12 =	vmul.f32 $8.000000000e+00, v12;
	[tilespmem:s29+$0xFFFFFF80] =	vst v21  }
0x12b: {  	v16 =	vld.idx.msk [tilespmem:v16+s14+$0x0], $0xffff;
	v21 =	vadd.s32 s2, v8;
	s2 =	sadd.s32 $0x2, s30;
	v20 =	vadd.s32 v4, v20;
	v9 =	vmul.f32 $8.000000000e+00, v9;
	[tilespmem:s29+$0x0] =	vst v14  }
0x12c: {  	v15 =	vld.idx.msk [tilespmem:v15+s14+$0x0], $0xffff;
	v14 =	vadd.s32 v4, v21;
	v21 =	vadd.s32 s2, v8;
	s2 =	sadd.s32 $0x3, s30;
	v13 =	vmul.f32 $8.000000000e+00, v13;
	[tilespmem:s29+$0x80] =	vst v12  }
0x12d: {  	v19 =	vld.idx.msk [tilespmem:v19+s14+$0x0], $0xffff;
	v12 =	vadd.s32 v4, v21;
	v21 =	vadd.s32 s2, v8;
	s2 =	sadd.s32 $0x4, s30;
	v10 =	vmul.f32 $8.000000000e+00, v10;
	[tilespmem:s29+$0x100] =	vst v9  }
0x12e: {  	v17 =	vld.idx.msk [tilespmem:v17+s14+$0x0], $0xffff;
	s0 =	sadd.s32 $0x5, s30;
	v9 =	vadd.s32 v4, v21;
	v21 =	vadd.s32 s2, v8;
	v11 =	vmul.f32 $8.000000000e+00, v11;
	[tilespmem:s29+$0xFFFFFE00] =	vst v13;
	s2 =	sadd.s32 $0x400, s29  }
0x12f: {  	v13 =	vadd.s32 v4, v21;
	v21 =	vadd.s32 s0, v8;
	s0 =	sadd.s32 $0x6, s30;
	v22 =	vld.idx.msk [tilespmem:v22+s14+$0x0], $0xffff;
	v18 =	vmul.f32 $8.000000000e+00, v18;
	[tilespmem:s2+$0x180] =	vst v10  }
0x130: {  	v16 =	vmul.f32 $8.000000000e+00, v16;
	v10 =	vadd.s32 v4, v21;
	v21 =	vadd.s32 s0, v8;
	v20 =	vld.idx.msk [tilespmem:v20+s14+$0x0], $0xffff;
	[tilespmem:s2+$0xFFFFFE80] =	vst v11  }
0x131: {  	v11 =	vmul.f32 $8.000000000e+00, v15;
	v8 =	vadd.s32 s30, v8;
	v14 =	vld.idx.msk [tilespmem:v14+s14+$0x0], $0xffff;
	v15 =	vadd.s32 v4, v21;
	[tilespmem:s2+$0xFFFFFF00] =	vst v18  }
0x132: {  	v8 =	vadd.s32 v4, v8;
	[tilespmem:s2+$0x0] =	vst v16;
	v16 =	vmul.f32 $8.000000000e+00, v19;
	v12 =	vld.idx.msk [tilespmem:v12+s14+$0x0], $0xffff  }
0x133: {  	[tilespmem:s2+$0xFFFFFF80] =	vst v11;
	v11 =	vmul.f32 $8.000000000e+00, v17;
	v9 =	vld.idx.msk [tilespmem:v9+s14+$0x0], $0xffff  }
0x134: {  	[tilespmem:s2+$0x100] =	vst v16;
	v13 =	vld.idx.msk [tilespmem:v13+s14+$0x0], $0xffff;
	v17 =	vmul.f32 $8.000000000e+00, v22  }
0x135: {  	[tilespmem:s2+$0x80] =	vst v11;
	v10 =	vld.idx.msk [tilespmem:v10+s14+$0x0], $0xffff;
	v11 =	vmul.f32 $8.000000000e+00, v20  }
0x136: {  	v15 =	vld.idx.msk [tilespmem:v15+s14+$0x0], $0xffff;
	v14 =	vmul.f32 $8.000000000e+00, v14;
	[tilespmem:s2+$0xFFFFFE00] =	vst v17;
	s2 =	sadd.s32 $0x400, s2  }
0x137: {  	v8 =	vld.idx.msk [tilespmem:v8+s14+$0x0], $0xffff;
	v12 =	vmul.f32 $8.000000000e+00, v12;
	[tilespmem:s2+$0x180] =	vst v11  }
0x138: {  	[tilespmem:s2+$0xFFFFFE80] =	vst v14;
	v9 =	vmul.f32 $8.000000000e+00, v9  }
0x139: {  	[tilespmem:s2+$0xFFFFFF00] =	vst v12;
	v11 =	vmul.f32 $8.000000000e+00, v13  }
0x13a: {  	[tilespmem:s2+$0xFFFFFF80] =	vst v9;
	v9 =	vmul.f32 $8.000000000e+00, v10  }
0x13b: {  	[tilespmem:s2+$0x0] =	vst v11;
	v10 =	vmul.f32 $8.000000000e+00, v15  }
0x13c: {  	v8 =	vmul.f32 $8.000000000e+00, v8;
	[tilespmem:s2+$0x80] =	vst v9  }
0x13d: {  	[tilespmem:s2+$0x100] =	vst v10  }
0x13e: {  	[tilespmem:s2+$0xFFFFFE00] =	vst v8  }
0x13f: {  	v8 =	vld [tilespmem:$0x3150];
	_ =	sdelay $0x3  }
0x140: {  	s0 =	simm.s32 $0x7  }
0x141: {  	s2 =	simm.s32 $0x1;
	v9 =	vadd.s32 s0, v8  }
0x142: {  	v10 =	vadd.s32 s2, v8;
	s2 =	simm.s32 $0x2;
	v9 =	vadd.s32 v5, v9  }
0x143: {  	v10 =	vadd.s32 v5, v10;
	v11 =	vadd.s32 s2, v8;
	s2 =	simm.s32 $0x3  }
0x144: {  	v11 =	vadd.s32 v5, v11;
	v12 =	vadd.s32 s2, v8;
	s2 =	simm.s32 $0x4  }
0x145: {  	v12 =	vadd.s32 v5, v12;
	v13 =	vadd.s32 s2, v8;
	s2 =	simm.s32 $0x5  }
0x146: {  	s0 =	simm.s32 $0x6;
	v13 =	vadd.s32 v5, v13;
	v14 =	vadd.s32 s2, v8  }
0x147: {  	s2 =	simm.s32 $0x0;
	v15 =	vadd.s32 v5, v14;
	v14 =	vadd.s32 s0, v8;
	v16 =	vld.idx.msk [tilespmem:v9+s14+$0x0], $0xffff  }
0x148: {  	s0 =	simm.s32 $0xF;
	v9 =	vadd.s32 s2, v8;
	v10 =	vld.idx.msk [tilespmem:v10+s14+$0x0], $0xffff;
	v17 =	vadd.s32 v5, v14  }
0x149: {  	s2 =	simm.s32 $0x9;
	v14 =	vadd.s32 s0, v8;
	v19 =	vadd.s32 v5, v9;
	v11 =	vld.idx.msk [tilespmem:v11+s14+$0x0], $0xffff  }
0x14a: {  	v9 =	vadd.s32 s2, v8;
	s2 =	simm.s32 $0xA;
	v20 =	vadd.s32 v5, v14;
	v21 =	vld.idx.msk [tilespmem:v12+s14+$0x0], $0xffff  }
0x14b: {  	v23 =	vadd.s32 v5, v9;
	v9 =	vadd.s32 s2, v8;
	s2 =	simm.s32 $0xB;
	v14 =	vld.idx.msk [tilespmem:v13+s14+$0x0], $0xffff  }
0x14c: {  	v18 =	vadd.s32 v5, v9;
	v9 =	vadd.s32 s2, v8;
	s2 =	simm.s32 $0xC;
	v12 =	vld.idx.msk [tilespmem:v15+s14+$0x0], $0xffff  }
0x14d: {  	v15 =	vadd.s32 v5, v9;
	v13 =	vadd.s32 s2, v8;
	s2 =	simm.s32 $0xD;
	v9 =	vld.idx.msk [tilespmem:v17+s14+$0x0], $0xffff;
	v22 =	vmul.f32 $8.000000000e+00, v16  }
0x14e: {  	s29 =	simm.s32 $0xB450;
	s0 =	simm.s32 $0xE;
	v16 =	vadd.s32 v5, v13;
	v17 =	vadd.s32 s2, v8;
	v24 =	vmul.f32 $8.000000000e+00, v10;
	v13 =	vld.idx.msk [tilespmem:v19+s14+$0x0], $0xffff  }
0x14f: {  	s2 =	simm.s32 $0x8;
	v17 =	vadd.s32 v5, v17;
	v19 =	vadd.s32 s0, v8;
	v10 =	vld.idx.msk [tilespmem:v20+s14+$0x0], $0xffff;
	v20 =	vmul.f32 $8.000000000e+00, v11;
	[tilespmem:s29+$0x180] =	vst v22  }
0x150: {  	s31 =	simm.s32 $0x18;
	s30 =	simm.s32 $0x10;
	s0 =	simm.s32 $0x17;
	v22 =	vadd.s32 s2, v8;
	v11 =	vld.idx.msk [tilespmem:v23+s14+$0x0], $0xffff;
	v19 =	vadd.s32 v5, v19;
	[tilespmem:s29+$0xFFFFFE80] =	vst v24;
	v21 =	vmul.f32 $8.000000000e+00, v21  }
.LBB2_13:
0x151: {  	p1 =	slt.u32 s31, $0x38;
	s2 =	sadd.s32 $0x1, s30;
	v23 =	vadd.s32 s0, v8;
	v22 =	vadd.s32 v5, v22;
	v24 =	vld.idx.msk [tilespmem:v18+s14+$0x0], $0xffff;
	[tilespmem:s29+$0xFFFFFF00] =	vst v20;
	v18 =	vmul.f32 $8.000000000e+00, v14  }
0x152: {  	s0 =	sadd.s32 $0x2, s30;
	v14 =	vadd.s32 s2, v8;
	v20 =	vadd.s32 v5, v23;
	v23 =	vld.idx.msk [tilespmem:v15+s14+$0x0], $0xffff;
	[tilespmem:s29+$0xFFFFFF80] =	vst v21;
	v15 =	vmul.f32 $8.000000000e+00, v12  }
0x153: {  	v12 =	vadd.s32 s0, v8;
	s0 =	sadd.s32 $0x3, s30;
	v21 =	vadd.s32 v5, v14;
	v14 =	vld.idx.msk [tilespmem:v16+s14+$0x0], $0xffff;
	[tilespmem:s29+$0x0] =	vst v18;
	v16 =	vmul.f32 $8.000000000e+00, v9  }
.Ltmp7:
0x154: {  	v18 =	vadd.s32 v5, v12;
	v9 =	vadd.s32 s0, v8;
	s0 =	sadd.s32 $0x4, s30;
	v12 =	vld.idx.msk [tilespmem:v17+s14+$0x0], $0xffff;
	v17 =	vmul.f32 $8.000000000e+00, v13;
	[tilespmem:s29+$0x80] =	vst v15;
	(pc) =	sbr.rel @p1 .LBB2_13-.Ltmp7, $4  }
0x155: {  	v15 =	vadd.s32 v5, v9;
	v13 =	vadd.s32 s0, v8;
	s0 =	sadd.s32 $0x5, s30;
	v9 =	vld.idx.msk [tilespmem:v19+s14+$0x0], $0xffff;
	v19 =	vmul.f32 $8.000000000e+00, v10;
	[tilespmem:s29+$0x100] =	vst v16  }
0x156: {  	v16 =	vadd.s32 v5, v13;
	v10 =	vadd.s32 s0, v8;
	s0 =	sadd.s32 $0x6, s30;
	v25 =	vmul.f32 $8.000000000e+00, v11;
	v13 =	vld.idx.msk [tilespmem:v22+s14+$0x0], $0xffff;
	[tilespmem:s29+$0xFFFFFE00] =	vst v17;
	s29 =	sadd.s32 $0x400, s29  }
0x157: {  	v17 =	vadd.s32 v5, v10;
	v26 =	vadd.s32 s0, v8;
	v10 =	vld.idx.msk [tilespmem:v20+s14+$0x0], $0xffff;
	v20 =	vmul.f32 $8.000000000e+00, v24;
	[tilespmem:s29+$0x180] =	vst v19  }
0x158: {  	s0 =	sadd.s32 $0x7, s31;
	v22 =	vadd.s32 s30, v8;
	s30 =	smov.u32 s31;
	s31 =	sadd.s32 $0x8, s31;
	v19 =	vadd.s32 v5, v26;
	v11 =	vld.idx.msk [tilespmem:v21+s14+$0x0], $0xffff;
	[tilespmem:s29+$0xFFFFFE80] =	vst v25;
	v21 =	vmul.f32 $8.000000000e+00, v23  }
0x159: {  	_ =	sdelay $0x2  }
0x15a: {  	[tilespmem:s29+$0xFFFFFF00] =	vst v20;
	v14 =	vmul.f32 $8.000000000e+00, v14  }
0x15b: {  	s2 =	sadd.s32 $0x1, s30;
	v20 =	vadd.s32 s0, v8;
	v22 =	vadd.s32 v5, v22;
	v18 =	vld.idx.msk [tilespmem:v18+s14+$0x0], $0xffff;
	v12 =	vmul.f32 $8.000000000e+00, v12;
	[tilespmem:s29+$0xFFFFFF80] =	vst v21  }
0x15c: {  	v16 =	vld.idx.msk [tilespmem:v16+s14+$0x0], $0xffff;
	v21 =	vadd.s32 s2, v8;
	s2 =	sadd.s32 $0x2, s30;
	v20 =	vadd.s32 v5, v20;
	v9 =	vmul.f32 $8.000000000e+00, v9;
	[tilespmem:s29+$0x0] =	vst v14  }
0x15d: {  	v15 =	vld.idx.msk [tilespmem:v15+s14+$0x0], $0xffff;
	v14 =	vadd.s32 v5, v21;
	v21 =	vadd.s32 s2, v8;
	s2 =	sadd.s32 $0x3, s30;
	v13 =	vmul.f32 $8.000000000e+00, v13;
	[tilespmem:s29+$0x80] =	vst v12  }
0x15e: {  	v19 =	vld.idx.msk [tilespmem:v19+s14+$0x0], $0xffff;
	v12 =	vadd.s32 v5, v21;
	v21 =	vadd.s32 s2, v8;
	s2 =	sadd.s32 $0x4, s30;
	v10 =	vmul.f32 $8.000000000e+00, v10;
	[tilespmem:s29+$0x100] =	vst v9  }
0x15f: {  	v17 =	vld.idx.msk [tilespmem:v17+s14+$0x0], $0xffff;
	s0 =	sadd.s32 $0x5, s30;
	v9 =	vadd.s32 v5, v21;
	v21 =	vadd.s32 s2, v8;
	v11 =	vmul.f32 $8.000000000e+00, v11;
	[tilespmem:s29+$0xFFFFFE00] =	vst v13;
	s2 =	sadd.s32 $0x400, s29  }
0x160: {  	v13 =	vadd.s32 v5, v21;
	v21 =	vadd.s32 s0, v8;
	s0 =	sadd.s32 $0x6, s30;
	v22 =	vld.idx.msk [tilespmem:v22+s14+$0x0], $0xffff;
	v18 =	vmul.f32 $8.000000000e+00, v18;
	[tilespmem:s2+$0x180] =	vst v10  }
0x161: {  	v16 =	vmul.f32 $8.000000000e+00, v16;
	v10 =	vadd.s32 v5, v21;
	v21 =	vadd.s32 s0, v8;
	v20 =	vld.idx.msk [tilespmem:v20+s14+$0x0], $0xffff;
	[tilespmem:s2+$0xFFFFFE80] =	vst v11  }
0x162: {  	v11 =	vmul.f32 $8.000000000e+00, v15;
	v8 =	vadd.s32 s30, v8;
	v14 =	vld.idx.msk [tilespmem:v14+s14+$0x0], $0xffff;
	v15 =	vadd.s32 v5, v21;
	[tilespmem:s2+$0xFFFFFF00] =	vst v18  }
0x163: {  	v8 =	vadd.s32 v5, v8;
	[tilespmem:s2+$0x0] =	vst v16;
	v16 =	vmul.f32 $8.000000000e+00, v19;
	v12 =	vld.idx.msk [tilespmem:v12+s14+$0x0], $0xffff  }
0x164: {  	[tilespmem:s2+$0xFFFFFF80] =	vst v11;
	v11 =	vmul.f32 $8.000000000e+00, v17;
	v9 =	vld.idx.msk [tilespmem:v9+s14+$0x0], $0xffff  }
0x165: {  	[tilespmem:s2+$0x100] =	vst v16;
	v13 =	vld.idx.msk [tilespmem:v13+s14+$0x0], $0xffff;
	v17 =	vmul.f32 $8.000000000e+00, v22  }
0x166: {  	[tilespmem:s2+$0x80] =	vst v11;
	v10 =	vld.idx.msk [tilespmem:v10+s14+$0x0], $0xffff;
	v11 =	vmul.f32 $8.000000000e+00, v20  }
0x167: {  	v15 =	vld.idx.msk [tilespmem:v15+s14+$0x0], $0xffff;
	v14 =	vmul.f32 $8.000000000e+00, v14;
	[tilespmem:s2+$0xFFFFFE00] =	vst v17;
	s2 =	sadd.s32 $0x400, s2  }
0x168: {  	v8 =	vld.idx.msk [tilespmem:v8+s14+$0x0], $0xffff;
	v12 =	vmul.f32 $8.000000000e+00, v12;
	[tilespmem:s2+$0x180] =	vst v11  }
0x169: {  	[tilespmem:s2+$0xFFFFFE80] =	vst v14;
	v9 =	vmul.f32 $8.000000000e+00, v9  }
0x16a: {  	[tilespmem:s2+$0xFFFFFF00] =	vst v12;
	v11 =	vmul.f32 $8.000000000e+00, v13  }
0x16b: {  	[tilespmem:s2+$0xFFFFFF80] =	vst v9;
	v9 =	vmul.f32 $8.000000000e+00, v10  }
0x16c: {  	[tilespmem:s2+$0x0] =	vst v11;
	v10 =	vmul.f32 $8.000000000e+00, v15  }
0x16d: {  	v8 =	vmul.f32 $8.000000000e+00, v8;
	[tilespmem:s2+$0x80] =	vst v9  }
0x16e: {  	[tilespmem:s2+$0x100] =	vst v10  }
0x16f: {  	[tilespmem:s2+$0xFFFFFE00] =	vst v8  }
0x170: {  	v8 =	vld [tilespmem:$0x3160];
	_ =	sdelay $0x3  }
0x171: {  	s0 =	simm.s32 $0x7  }
0x172: {  	s2 =	simm.s32 $0x1;
	v9 =	vadd.s32 s0, v8  }
0x173: {  	v10 =	vadd.s32 s2, v8;
	s2 =	simm.s32 $0x2;
	v9 =	vadd.s32 v6, v9  }
0x174: {  	v10 =	vadd.s32 v6, v10;
	v11 =	vadd.s32 s2, v8;
	s2 =	simm.s32 $0x3  }
0x175: {  	v11 =	vadd.s32 v6, v11;
	v12 =	vadd.s32 s2, v8;
	s2 =	simm.s32 $0x4  }
0x176: {  	v12 =	vadd.s32 v6, v12;
	v13 =	vadd.s32 s2, v8;
	s2 =	simm.s32 $0x5  }
0x177: {  	s0 =	simm.s32 $0x6;
	v13 =	vadd.s32 v6, v13;
	v14 =	vadd.s32 s2, v8  }
0x178: {  	s2 =	simm.s32 $0x0;
	v15 =	vadd.s32 v6, v14;
	v14 =	vadd.s32 s0, v8;
	v16 =	vld.idx.msk [tilespmem:v9+s14+$0x0], $0xffff  }
0x179: {  	s0 =	simm.s32 $0xF;
	v9 =	vadd.s32 s2, v8;
	v10 =	vld.idx.msk [tilespmem:v10+s14+$0x0], $0xffff;
	v17 =	vadd.s32 v6, v14  }
0x17a: {  	s2 =	simm.s32 $0x9;
	v14 =	vadd.s32 s0, v8;
	v19 =	vadd.s32 v6, v9;
	v11 =	vld.idx.msk [tilespmem:v11+s14+$0x0], $0xffff  }
0x17b: {  	v9 =	vadd.s32 s2, v8;
	s2 =	simm.s32 $0xA;
	v20 =	vadd.s32 v6, v14;
	v21 =	vld.idx.msk [tilespmem:v12+s14+$0x0], $0xffff  }
0x17c: {  	v23 =	vadd.s32 v6, v9;
	v9 =	vadd.s32 s2, v8;
	s2 =	simm.s32 $0xB;
	v14 =	vld.idx.msk [tilespmem:v13+s14+$0x0], $0xffff  }
0x17d: {  	v18 =	vadd.s32 v6, v9;
	v9 =	vadd.s32 s2, v8;
	s2 =	simm.s32 $0xC;
	v12 =	vld.idx.msk [tilespmem:v15+s14+$0x0], $0xffff  }
0x17e: {  	v15 =	vadd.s32 v6, v9;
	v13 =	vadd.s32 s2, v8;
	s2 =	simm.s32 $0xD;
	v9 =	vld.idx.msk [tilespmem:v17+s14+$0x0], $0xffff;
	v22 =	vmul.f32 $8.000000000e+00, v16  }
0x17f: {  	s29 =	simm.s32 $0xB460;
	s0 =	simm.s32 $0xE;
	v16 =	vadd.s32 v6, v13;
	v17 =	vadd.s32 s2, v8;
	v24 =	vmul.f32 $8.000000000e+00, v10;
	v13 =	vld.idx.msk [tilespmem:v19+s14+$0x0], $0xffff  }
0x180: {  	s2 =	simm.s32 $0x8;
	v17 =	vadd.s32 v6, v17;
	v19 =	vadd.s32 s0, v8;
	v10 =	vld.idx.msk [tilespmem:v20+s14+$0x0], $0xffff;
	v20 =	vmul.f32 $8.000000000e+00, v11;
	[tilespmem:s29+$0x180] =	vst v22  }
0x181: {  	s31 =	simm.s32 $0x18;
	s30 =	simm.s32 $0x10;
	s0 =	simm.s32 $0x17;
	v22 =	vadd.s32 s2, v8;
	v11 =	vld.idx.msk [tilespmem:v23+s14+$0x0], $0xffff;
	v19 =	vadd.s32 v6, v19;
	[tilespmem:s29+$0xFFFFFE80] =	vst v24;
	v21 =	vmul.f32 $8.000000000e+00, v21  }
.LBB2_15:
0x182: {  	p1 =	slt.u32 s31, $0x38;
	s2 =	sadd.s32 $0x1, s30;
	v23 =	vadd.s32 s0, v8;
	v22 =	vadd.s32 v6, v22;
	v24 =	vld.idx.msk [tilespmem:v18+s14+$0x0], $0xffff;
	[tilespmem:s29+$0xFFFFFF00] =	vst v20;
	v18 =	vmul.f32 $8.000000000e+00, v14  }
0x183: {  	s0 =	sadd.s32 $0x2, s30;
	v14 =	vadd.s32 s2, v8;
	v20 =	vadd.s32 v6, v23;
	v23 =	vld.idx.msk [tilespmem:v15+s14+$0x0], $0xffff;
	[tilespmem:s29+$0xFFFFFF80] =	vst v21;
	v15 =	vmul.f32 $8.000000000e+00, v12  }
0x184: {  	v12 =	vadd.s32 s0, v8;
	s0 =	sadd.s32 $0x3, s30;
	v21 =	vadd.s32 v6, v14;
	v14 =	vld.idx.msk [tilespmem:v16+s14+$0x0], $0xffff;
	[tilespmem:s29+$0x0] =	vst v18;
	v16 =	vmul.f32 $8.000000000e+00, v9  }
.Ltmp8:
0x185: {  	v18 =	vadd.s32 v6, v12;
	v9 =	vadd.s32 s0, v8;
	s0 =	sadd.s32 $0x4, s30;
	v12 =	vld.idx.msk [tilespmem:v17+s14+$0x0], $0xffff;
	v17 =	vmul.f32 $8.000000000e+00, v13;
	[tilespmem:s29+$0x80] =	vst v15;
	(pc) =	sbr.rel @p1 .LBB2_15-.Ltmp8, $4  }
0x186: {  	v15 =	vadd.s32 v6, v9;
	v13 =	vadd.s32 s0, v8;
	s0 =	sadd.s32 $0x5, s30;
	v9 =	vld.idx.msk [tilespmem:v19+s14+$0x0], $0xffff;
	v19 =	vmul.f32 $8.000000000e+00, v10;
	[tilespmem:s29+$0x100] =	vst v16  }
0x187: {  	v16 =	vadd.s32 v6, v13;
	v10 =	vadd.s32 s0, v8;
	s0 =	sadd.s32 $0x6, s30;
	v25 =	vmul.f32 $8.000000000e+00, v11;
	v13 =	vld.idx.msk [tilespmem:v22+s14+$0x0], $0xffff;
	[tilespmem:s29+$0xFFFFFE00] =	vst v17;
	s29 =	sadd.s32 $0x400, s29  }
0x188: {  	v17 =	vadd.s32 v6, v10;
	v26 =	vadd.s32 s0, v8;
	v10 =	vld.idx.msk [tilespmem:v20+s14+$0x0], $0xffff;
	v20 =	vmul.f32 $8.000000000e+00, v24;
	[tilespmem:s29+$0x180] =	vst v19  }
0x189: {  	s0 =	sadd.s32 $0x7, s31;
	v22 =	vadd.s32 s30, v8;
	s30 =	smov.u32 s31;
	s31 =	sadd.s32 $0x8, s31;
	v19 =	vadd.s32 v6, v26;
	v11 =	vld.idx.msk [tilespmem:v21+s14+$0x0], $0xffff;
	[tilespmem:s29+$0xFFFFFE80] =	vst v25;
	v21 =	vmul.f32 $8.000000000e+00, v23  }
0x18a: {  	_ =	sdelay $0x2  }
0x18b: {  	[tilespmem:s29+$0xFFFFFF00] =	vst v20;
	v14 =	vmul.f32 $8.000000000e+00, v14  }
0x18c: {  	s2 =	sadd.s32 $0x1, s30;
	v20 =	vadd.s32 s0, v8;
	v22 =	vadd.s32 v6, v22;
	v18 =	vld.idx.msk [tilespmem:v18+s14+$0x0], $0xffff;
	v12 =	vmul.f32 $8.000000000e+00, v12;
	[tilespmem:s29+$0xFFFFFF80] =	vst v21  }
0x18d: {  	v16 =	vld.idx.msk [tilespmem:v16+s14+$0x0], $0xffff;
	v21 =	vadd.s32 s2, v8;
	s2 =	sadd.s32 $0x2, s30;
	v20 =	vadd.s32 v6, v20;
	v9 =	vmul.f32 $8.000000000e+00, v9;
	[tilespmem:s29+$0x0] =	vst v14  }
0x18e: {  	v15 =	vld.idx.msk [tilespmem:v15+s14+$0x0], $0xffff;
	v14 =	vadd.s32 v6, v21;
	v21 =	vadd.s32 s2, v8;
	s2 =	sadd.s32 $0x3, s30;
	v13 =	vmul.f32 $8.000000000e+00, v13;
	[tilespmem:s29+$0x80] =	vst v12  }
0x18f: {  	v19 =	vld.idx.msk [tilespmem:v19+s14+$0x0], $0xffff;
	v12 =	vadd.s32 v6, v21;
	v21 =	vadd.s32 s2, v8;
	s2 =	sadd.s32 $0x4, s30;
	v10 =	vmul.f32 $8.000000000e+00, v10;
	[tilespmem:s29+$0x100] =	vst v9  }
0x190: {  	v17 =	vld.idx.msk [tilespmem:v17+s14+$0x0], $0xffff;
	s0 =	sadd.s32 $0x5, s30;
	v9 =	vadd.s32 v6, v21;
	v21 =	vadd.s32 s2, v8;
	v11 =	vmul.f32 $8.000000000e+00, v11;
	[tilespmem:s29+$0xFFFFFE00] =	vst v13;
	s2 =	sadd.s32 $0x400, s29  }
0x191: {  	v13 =	vadd.s32 v6, v21;
	v21 =	vadd.s32 s0, v8;
	s0 =	sadd.s32 $0x6, s30;
	v22 =	vld.idx.msk [tilespmem:v22+s14+$0x0], $0xffff;
	v18 =	vmul.f32 $8.000000000e+00, v18;
	[tilespmem:s2+$0x180] =	vst v10  }
0x192: {  	v16 =	vmul.f32 $8.000000000e+00, v16;
	v10 =	vadd.s32 v6, v21;
	v21 =	vadd.s32 s0, v8;
	v20 =	vld.idx.msk [tilespmem:v20+s14+$0x0], $0xffff;
	[tilespmem:s2+$0xFFFFFE80] =	vst v11  }
0x193: {  	v11 =	vmul.f32 $8.000000000e+00, v15;
	v8 =	vadd.s32 s30, v8;
	v14 =	vld.idx.msk [tilespmem:v14+s14+$0x0], $0xffff;
	v15 =	vadd.s32 v6, v21;
	[tilespmem:s2+$0xFFFFFF00] =	vst v18  }
0x194: {  	v8 =	vadd.s32 v6, v8;
	[tilespmem:s2+$0x0] =	vst v16;
	v16 =	vmul.f32 $8.000000000e+00, v19;
	v12 =	vld.idx.msk [tilespmem:v12+s14+$0x0], $0xffff  }
0x195: {  	[tilespmem:s2+$0xFFFFFF80] =	vst v11;
	v11 =	vmul.f32 $8.000000000e+00, v17;
	v9 =	vld.idx.msk [tilespmem:v9+s14+$0x0], $0xffff  }
0x196: {  	[tilespmem:s2+$0x100] =	vst v16;
	v13 =	vld.idx.msk [tilespmem:v13+s14+$0x0], $0xffff;
	v17 =	vmul.f32 $8.000000000e+00, v22  }
0x197: {  	[tilespmem:s2+$0x80] =	vst v11;
	v10 =	vld.idx.msk [tilespmem:v10+s14+$0x0], $0xffff;
	v11 =	vmul.f32 $8.000000000e+00, v20  }
0x198: {  	v15 =	vld.idx.msk [tilespmem:v15+s14+$0x0], $0xffff;
	v14 =	vmul.f32 $8.000000000e+00, v14;
	[tilespmem:s2+$0xFFFFFE00] =	vst v17;
	s2 =	sadd.s32 $0x400, s2  }
0x199: {  	v8 =	vld.idx.msk [tilespmem:v8+s14+$0x0], $0xffff;
	v12 =	vmul.f32 $8.000000000e+00, v12;
	[tilespmem:s2+$0x180] =	vst v11  }
0x19a: {  	[tilespmem:s2+$0xFFFFFE80] =	vst v14;
	v9 =	vmul.f32 $8.000000000e+00, v9  }
0x19b: {  	[tilespmem:s2+$0xFFFFFF00] =	vst v12;
	v11 =	vmul.f32 $8.000000000e+00, v13  }
0x19c: {  	[tilespmem:s2+$0xFFFFFF80] =	vst v9;
	v9 =	vmul.f32 $8.000000000e+00, v10  }
0x19d: {  	[tilespmem:s2+$0x0] =	vst v11;
	v10 =	vmul.f32 $8.000000000e+00, v15  }
0x19e: {  	v8 =	vmul.f32 $8.000000000e+00, v8;
	[tilespmem:s2+$0x80] =	vst v9  }
0x19f: {  	[tilespmem:s2+$0x100] =	vst v10  }
0x1a0: {  	[tilespmem:s2+$0xFFFFFE00] =	vst v8  }
0x1a1: {  	v8 =	vld [tilespmem:$0x3170];
	_ =	sdelay $0x3  }
0x1a2: {  	s0 =	simm.s32 $0x7  }
0x1a3: {  	s2 =	simm.s32 $0x1;
	v9 =	vadd.s32 s0, v8  }
0x1a4: {  	v10 =	vadd.s32 s2, v8;
	s2 =	simm.s32 $0x2;
	v9 =	vadd.s32 v7, v9  }
0x1a5: {  	v10 =	vadd.s32 v7, v10;
	v11 =	vadd.s32 s2, v8;
	s2 =	simm.s32 $0x3  }
0x1a6: {  	v11 =	vadd.s32 v7, v11;
	v12 =	vadd.s32 s2, v8;
	s2 =	simm.s32 $0x4  }
0x1a7: {  	v12 =	vadd.s32 v7, v12;
	v13 =	vadd.s32 s2, v8;
	s2 =	simm.s32 $0x5  }
0x1a8: {  	s0 =	simm.s32 $0x6;
	v13 =	vadd.s32 v7, v13;
	v14 =	vadd.s32 s2, v8  }
0x1a9: {  	s2 =	simm.s32 $0x0;
	v15 =	vadd.s32 v7, v14;
	v14 =	vadd.s32 s0, v8;
	v16 =	vld.idx.msk [tilespmem:v9+s14+$0x0], $0xffff  }
0x1aa: {  	s0 =	simm.s32 $0xF;
	v9 =	vadd.s32 s2, v8;
	v10 =	vld.idx.msk [tilespmem:v10+s14+$0x0], $0xffff;
	v17 =	vadd.s32 v7, v14  }
0x1ab: {  	s2 =	simm.s32 $0x9;
	v14 =	vadd.s32 s0, v8;
	v19 =	vadd.s32 v7, v9;
	v11 =	vld.idx.msk [tilespmem:v11+s14+$0x0], $0xffff  }
0x1ac: {  	v9 =	vadd.s32 s2, v8;
	s2 =	simm.s32 $0xA;
	v20 =	vadd.s32 v7, v14;
	v21 =	vld.idx.msk [tilespmem:v12+s14+$0x0], $0xffff  }
0x1ad: {  	v23 =	vadd.s32 v7, v9;
	v9 =	vadd.s32 s2, v8;
	s2 =	simm.s32 $0xB;
	v14 =	vld.idx.msk [tilespmem:v13+s14+$0x0], $0xffff  }
0x1ae: {  	v18 =	vadd.s32 v7, v9;
	v9 =	vadd.s32 s2, v8;
	s2 =	simm.s32 $0xC;
	v12 =	vld.idx.msk [tilespmem:v15+s14+$0x0], $0xffff  }
0x1af: {  	v15 =	vadd.s32 v7, v9;
	v13 =	vadd.s32 s2, v8;
	s2 =	simm.s32 $0xD;
	v9 =	vld.idx.msk [tilespmem:v17+s14+$0x0], $0xffff;
	v22 =	vmul.f32 $8.000000000e+00, v16  }
0x1b0: {  	s29 =	simm.s32 $0xB470;
	s0 =	simm.s32 $0xE;
	v16 =	vadd.s32 v7, v13;
	v17 =	vadd.s32 s2, v8;
	v24 =	vmul.f32 $8.000000000e+00, v10;
	v13 =	vld.idx.msk [tilespmem:v19+s14+$0x0], $0xffff  }
0x1b1: {  	s2 =	simm.s32 $0x8;
	v17 =	vadd.s32 v7, v17;
	v19 =	vadd.s32 s0, v8;
	v10 =	vld.idx.msk [tilespmem:v20+s14+$0x0], $0xffff;
	v20 =	vmul.f32 $8.000000000e+00, v11;
	[tilespmem:s29+$0x180] =	vst v22  }
0x1b2: {  	s31 =	simm.s32 $0x18;
	s30 =	simm.s32 $0x10;
	s0 =	simm.s32 $0x17;
	v22 =	vadd.s32 s2, v8;
	v11 =	vld.idx.msk [tilespmem:v23+s14+$0x0], $0xffff;
	v19 =	vadd.s32 v7, v19;
	[tilespmem:s29+$0xFFFFFE80] =	vst v24;
	v21 =	vmul.f32 $8.000000000e+00, v21  }
.LBB2_17:
0x1b3: {  	p1 =	slt.u32 s31, $0x38;
	s2 =	sadd.s32 $0x1, s30;
	v23 =	vadd.s32 s0, v8;
	v22 =	vadd.s32 v7, v22;
	v24 =	vld.idx.msk [tilespmem:v18+s14+$0x0], $0xffff;
	[tilespmem:s29+$0xFFFFFF00] =	vst v20;
	v18 =	vmul.f32 $8.000000000e+00, v14  }
0x1b4: {  	s0 =	sadd.s32 $0x2, s30;
	v14 =	vadd.s32 s2, v8;
	v20 =	vadd.s32 v7, v23;
	v23 =	vld.idx.msk [tilespmem:v15+s14+$0x0], $0xffff;
	[tilespmem:s29+$0xFFFFFF80] =	vst v21;
	v15 =	vmul.f32 $8.000000000e+00, v12  }
0x1b5: {  	v12 =	vadd.s32 s0, v8;
	s0 =	sadd.s32 $0x3, s30;
	v21 =	vadd.s32 v7, v14;
	v14 =	vld.idx.msk [tilespmem:v16+s14+$0x0], $0xffff;
	[tilespmem:s29+$0x0] =	vst v18;
	v16 =	vmul.f32 $8.000000000e+00, v9  }
.Ltmp9:
0x1b6: {  	v18 =	vadd.s32 v7, v12;
	v9 =	vadd.s32 s0, v8;
	s0 =	sadd.s32 $0x4, s30;
	v12 =	vld.idx.msk [tilespmem:v17+s14+$0x0], $0xffff;
	v17 =	vmul.f32 $8.000000000e+00, v13;
	[tilespmem:s29+$0x80] =	vst v15;
	(pc) =	sbr.rel @p1 .LBB2_17-.Ltmp9, $4  }
0x1b7: {  	v15 =	vadd.s32 v7, v9;
	v13 =	vadd.s32 s0, v8;
	s0 =	sadd.s32 $0x5, s30;
	v9 =	vld.idx.msk [tilespmem:v19+s14+$0x0], $0xffff;
	v19 =	vmul.f32 $8.000000000e+00, v10;
	[tilespmem:s29+$0x100] =	vst v16  }
0x1b8: {  	v16 =	vadd.s32 v7, v13;
	v10 =	vadd.s32 s0, v8;
	s0 =	sadd.s32 $0x6, s30;
	v25 =	vmul.f32 $8.000000000e+00, v11;
	v13 =	vld.idx.msk [tilespmem:v22+s14+$0x0], $0xffff;
	[tilespmem:s29+$0xFFFFFE00] =	vst v17;
	s29 =	sadd.s32 $0x400, s29  }
0x1b9: {  	v17 =	vadd.s32 v7, v10;
	v26 =	vadd.s32 s0, v8;
	v10 =	vld.idx.msk [tilespmem:v20+s14+$0x0], $0xffff;
	v20 =	vmul.f32 $8.000000000e+00, v24;
	[tilespmem:s29+$0x180] =	vst v19  }
0x1ba: {  	s0 =	sadd.s32 $0x7, s31;
	v22 =	vadd.s32 s30, v8;
	s30 =	smov.u32 s31;
	s31 =	sadd.s32 $0x8, s31;
	v19 =	vadd.s32 v7, v26;
	v11 =	vld.idx.msk [tilespmem:v21+s14+$0x0], $0xffff;
	[tilespmem:s29+$0xFFFFFE80] =	vst v25;
	v21 =	vmul.f32 $8.000000000e+00, v23  }
0x1bb: {  	_ =	sdelay $0x2  }
0x1bc: {  	[tilespmem:s29+$0xFFFFFF00] =	vst v20;
	v14 =	vmul.f32 $8.000000000e+00, v14  }
0x1bd: {  	s2 =	sadd.s32 $0x1, s30;
	v43 =	vadd.s32 s0, v8;
	v22 =	vadd.s32 v7, v22;
	v18 =	vld.idx.msk [tilespmem:v18+s14+$0x0], $0xffff;
	v12 =	vmul.f32 $8.000000000e+00, v12;
	[tilespmem:s29+$0xFFFFFF80] =	vst v21  }
0x1be: {  	s31 =	sadd.s32 $0x2, s30;
	v15 =	vld.idx.msk [tilespmem:v15+s14+$0x0], $0xffff;
	v44 =	vadd.s32 s2, v8;
	v20 =	vadd.s32 v7, v43;
	v9 =	vmul.f32 $8.000000000e+00, v9;
	[tilespmem:s29+$0x0] =	vst v14  }
0x1bf: {  	v16 =	vld.idx.msk [tilespmem:v16+s14+$0x0], $0xffff;
	v46 =	vadd.s32 s31, v8;
	s2 =	sadd.s32 $0x3, s30;
	v45 =	vadd.s32 v7, v44;
	v13 =	vmul.f32 $8.000000000e+00, v13;
	[tilespmem:s29+$0x80] =	vst v12  }
0x1c0: {  	v17 =	vld.idx.msk [tilespmem:v17+s14+$0x0], $0xffff;
	s31 =	sadd.s32 $0x4, s30;
	v47 =	vadd.s32 v7, v46;
	v48 =	vadd.s32 s2, v8;
	v10 =	vmul.f32 $8.000000000e+00, v10;
	[tilespmem:s29+$0x100] =	vst v9  }
0x1c1: {  	v19 =	vld.idx.msk [tilespmem:v19+s14+$0x0], $0xffff;
	v50 =	vadd.s32 s31, v8;
	s2 =	sadd.s32 $0x5, s30;
	v49 =	vadd.s32 v7, v48;
	v11 =	vmul.f32 $8.000000000e+00, v11;
	[tilespmem:s29+$0xFFFFFE00] =	vst v13;
	s29 =	sadd.s32 $0x400, s29  }
0x1c2: {  	s31 =	sadd.s32 $0x6, s30;
	v51 =	vadd.s32 v7, v50;
	v52 =	vadd.s32 s2, v8;
	v22 =	vld.idx.msk [tilespmem:v22+s14+$0x0], $0xffff;
	v18 =	vmul.f32 $8.000000000e+00, v18;
	[tilespmem:s29+$0x180] =	vst v10  }
0x1c3: {  	v54 =	vadd.s32 s31, v8;
	v53 =	vadd.s32 v7, v52;
	v55 =	vmul.f32 $8.000000000e+00, v15;
	v20 =	vld.idx.msk [tilespmem:v20+s14+$0x0], $0xffff;
	[tilespmem:s29+$0xFFFFFE80] =	vst v11  }
0x1c4: {  	v8 =	vadd.s32 s30, v8;
	v56 =	vadd.s32 v7, v54;
	v16 =	vmul.f32 $8.000000000e+00, v16;
	v14 =	vld.idx.msk [tilespmem:v45+s14+$0x0], $0xffff;
	[tilespmem:s29+$0xFFFFFF00] =	vst v18  }
0x1c5: {  	v8 =	vadd.s32 v7, v8;
	v57 =	vmul.f32 $8.000000000e+00, v17;
	v12 =	vld.idx.msk [tilespmem:v47+s14+$0x0], $0xffff;
	[tilespmem:s29+$0xFFFFFF80] =	vst v55  }
0x1c6: {  	v58 =	vmul.f32 $8.000000000e+00, v19;
	[tilespmem:s29+$0x0] =	vst v16;
	v9 =	vld.idx.msk [tilespmem:v49+s14+$0x0], $0xffff  }
0x1c7: {  	[tilespmem:s29+$0x80] =	vst v57;
	v13 =	vld.idx.msk [tilespmem:v51+s14+$0x0], $0xffff;
	v59 =	vmul.f32 $8.000000000e+00, v22  }
0x1c8: {  	[tilespmem:s29+$0x100] =	vst v58;
	v10 =	vld.idx.msk [tilespmem:v53+s14+$0x0], $0xffff;
	v60 =	vmul.f32 $8.000000000e+00, v20  }
0x1c9: {  	v15 =	vld.idx.msk [tilespmem:v56+s14+$0x0], $0xffff;
	v14 =	vmul.f32 $8.000000000e+00, v14;
	[tilespmem:s29+$0xFFFFFE00] =	vst v59;
	s29 =	sadd.s32 $0x400, s29  }
0x1ca: {  	v8 =	vld.idx.msk [tilespmem:v8+s14+$0x0], $0xffff;
	v12 =	vmul.f32 $8.000000000e+00, v12;
	[tilespmem:s29+$0x180] =	vst v60  }
0x1cb: {  	v9 =	vmul.f32 $8.000000000e+00, v9;
	[tilespmem:s29+$0xFFFFFE80] =	vst v14  }
0x1cc: {  	v61 =	vmul.f32 $8.000000000e+00, v13;
	[tilespmem:s29+$0xFFFFFF00] =	vst v12  }
0x1cd: {  	p1 =	sne.s32 s25, $0x27;
	s30 =	sshll.u32 s25, $0x10;
	v62 =	vmul.f32 $8.000000000e+00, v10;
	[tilespmem:s29+$0xFFFFFF80] =	vst v9  }
.Ltmp10:
0x1ce: {  	s2 =	sand.u32 $0x3E0000, s30;
	v63 =	vmul.f32 $8.000000000e+00, v15;
	[tilespmem:s29+$0x0] =	vst v61;
	(pc) =	sbr.rel @p1 .LBB2_20-.Ltmp10, $4  }
0x1cf: {  	s2 =	sor.u32 s28, s2;
	v8 =	vmul.f32 $8.000000000e+00, v8;
	[tilespmem:s29+$0x80] =	vst v62  }
0x1d0: {  	s28 =	sor.u32 s4, s2;
	[tilespmem:s29+$0x100] =	vst v63  }
0x1d1: {  	s31 =	sadd.s32 s1, s28;
	[tilespmem:s29+$0xFFFFFE00] =	vst v8  }
0x1d2: {  	[hbm4b:s31+s18] =	stream.strided.scatter [tilespmem:s19], [sflag:$0x3], $0x2000, s10, s18, $0x38;
	[tilespmem:$0xF200] =	vst v63  }
.Ltmp11:
0x1d3: {  	(pc) =	sbr.rel .LBB2_21-.Ltmp11, $4  }
0x1d4: {  	_ = 	snop  }
0x1d5: {  	_ =	swait.ge [sflag:s20], $0x4000  }
0x1d6: {  	[sflag:s20] =	ssyncset.done $0x0  }
0x1d7: {  	[sflag:s20] =	ssyncadd.s32 $0xFFFFC000  }
.LBB2_20:
0x1d8: {  	s0 =	sadd.s32 $0x2, s26  }
0x1d9: {  	s2 =	sshll.u32 s0, $0x7;
	s29 =	sshll.u32 s0, $0xA  }
0x1da: {  	s0 =	sshll.u32 s0, $0x5;
	s2 =	sand.u32 $0x7000, s2;
	s29 =	sand.u32 $0x800, s29  }
0x1db: {  	s0 =	sand.u32 $0x380, s0;
	s2 =	sor.u32 s29, s2  }
0x1dc: {  	s0 =	sor.u32 s0, s2  }
0x1dd: {  	v8 =	vld [tilespmem:s0+$0x0];
	_ =	sdelay $0x4  }
0x1de: {  	v9 =	vshra.s32 v8, $0x1;
	v8 =	vshll.u32 v8, $0x6  }
0x1df: {  	[tilespmem:$0x3000] =	vst v9;
	v8 =	vand.u32 $0x40, v8  }
0x1e0: {  	[tilespmem:$0x3100] =	vst v8  }
0x1e1: {  	v8 =	vld [tilespmem:s0+$0x10];
	_ =	sdelay $0x4  }
0x1e2: {  	v57 =	vshra.s32 v8, $0x1;
	v8 =	vshll.u32 v8, $0x6  }
0x1e3: {  	[tilespmem:$0x3010] =	vst v57;
	v8 =	vand.u32 $0x40, v8  }
0x1e4: {  	[tilespmem:$0x3110] =	vst v8  }
0x1e5: {  	v8 =	vld [tilespmem:s0+$0x20];
	_ =	sdelay $0x4  }
0x1e6: {  	v58 =	vshra.s32 v8, $0x1;
	v8 =	vshll.u32 v8, $0x6  }
0x1e7: {  	[tilespmem:$0x3020] =	vst v58;
	v8 =	vand.u32 $0x40, v8  }
0x1e8: {  	[tilespmem:$0x3120] =	vst v8  }
0x1e9: {  	v8 =	vld [tilespmem:s0+$0x30];
	_ =	sdelay $0x4  }
0x1ea: {  	v59 =	vshra.s32 v8, $0x1;
	v8 =	vshll.u32 v8, $0x6  }
0x1eb: {  	[tilespmem:$0x3030] =	vst v59;
	v8 =	vand.u32 $0x40, v8  }
0x1ec: {  	[tilespmem:$0x3130] =	vst v8  }
0x1ed: {  	v8 =	vld [tilespmem:s0+$0x40];
	_ =	sdelay $0x4  }
0x1ee: {  	v60 =	vshra.s32 v8, $0x1;
	v8 =	vshll.u32 v8, $0x6  }
0x1ef: {  	[tilespmem:$0x3040] =	vst v60;
	v8 =	vand.u32 $0x40, v8  }
0x1f0: {  	[tilespmem:$0x3140] =	vst v8  }
0x1f1: {  	v8 =	vld [tilespmem:s0+$0x50];
	_ =	sdelay $0x4  }
0x1f2: {  	v61 =	vshra.s32 v8, $0x1;
	v8 =	vshll.u32 v8, $0x6  }
0x1f3: {  	[tilespmem:$0x3050] =	vst v61;
	v8 =	vand.u32 $0x40, v8  }
0x1f4: {  	[tilespmem:$0x3150] =	vst v8  }
0x1f5: {  	v8 =	vld [tilespmem:s0+$0x60];
	_ =	sdelay $0x4  }
0x1f6: {  	v62 =	vshra.s32 v8, $0x1;
	v8 =	vshll.u32 v8, $0x6  }
0x1f7: {  	[tilespmem:$0x3060] =	vst v62;
	v8 =	vand.u32 $0x40, v8  }
0x1f8: {  	[tilespmem:$0x3160] =	vst v8  }
0x1f9: {  	v8 =	vld [tilespmem:s0+$0x70];
	_ =	sdelay $0x4  }
0x1fa: {  	v63 =	vshra.s32 v8, $0x1;
	v8 =	vshll.u32 v8, $0x6  }
0x1fb: {  	[tilespmem:$0x3070] =	vst v63;
	v8 =	vand.u32 $0x40, v8  }
.Ltmp12:
0x1fc: {  	[tilespmem:$0x3170] =	vst v8;
	(pc) =	sbr.rel @p0 .LBB2_22-.Ltmp12, $4  }
0x1fd: {  	[tilespmem:s14], [sflag:$0x1] =	stream.indirect.gather [hbm4b:s5+s12], $0x80, s13, s12, $0xb8;
	[tilespmem:$0xF200] =	vst v63  }
0x1fe: {  	_ =	swait.ge [sflag:s20], $0x4000  }
0x1ff: {  	[sflag:s20] =	ssyncset.done $0x0  }
0x200: {  	[sflag:s20] =	ssyncadd.s32 $0xFFFFC000  }
.LBB2_21:
0x201: {  	_ =	swait.ge [sflag:s21], $0x2000  }
0x202: {  	[sflag:s21] =	ssyncset.done $0x0  }
0x203: {  	[sflag:s21] =	ssyncadd.s32 $0xFFFFE000  }
.LBB2_22:
0x204: {  	v8 =	vld [tilespmem:$0x3180];
	_ =	sdelay $0x3  }
0x205: {  	s0 =	simm.s32 $0x7  }
0x206: {  	s2 =	simm.s32 $0x1;
	v9 =	vadd.s32 s0, v8  }
0x207: {  	v10 =	vadd.s32 s2, v8;
	s2 =	simm.s32 $0x2;
	v9 =	vadd.s32 v0, v9  }
0x208: {  	v10 =	vadd.s32 v0, v10;
	v11 =	vadd.s32 s2, v8;
	s2 =	simm.s32 $0x3  }
0x209: {  	v11 =	vadd.s32 v0, v11;
	v12 =	vadd.s32 s2, v8;
	s2 =	simm.s32 $0x4  }
0x20a: {  	v12 =	vadd.s32 v0, v12;
	v13 =	vadd.s32 s2, v8;
	s2 =	simm.s32 $0x5  }
0x20b: {  	s0 =	simm.s32 $0x6;
	v13 =	vadd.s32 v0, v13;
	v14 =	vadd.s32 s2, v8  }
0x20c: {  	s2 =	simm.s32 $0x0;
	v15 =	vadd.s32 v0, v14;
	v14 =	vadd.s32 s0, v8;
	v16 =	vld.idx.msk [tilespmem:v9+s16+$0x0], $0xffff  }
0x20d: {  	s0 =	simm.s32 $0xF;
	v9 =	vadd.s32 s2, v8;
	v10 =	vld.idx.msk [tilespmem:v10+s16+$0x0], $0xffff;
	v17 =	vadd.s32 v0, v14  }
0x20e: {  	s2 =	simm.s32 $0x9;
	v14 =	vadd.s32 s0, v8;
	v19 =	vadd.s32 v0, v9;
	v11 =	vld.idx.msk [tilespmem:v11+s16+$0x0], $0xffff  }
0x20f: {  	v9 =	vadd.s32 s2, v8;
	s2 =	simm.s32 $0xA;
	v20 =	vadd.s32 v0, v14;
	v21 =	vld.idx.msk [tilespmem:v12+s16+$0x0], $0xffff  }
0x210: {  	v23 =	vadd.s32 v0, v9;
	v9 =	vadd.s32 s2, v8;
	s2 =	simm.s32 $0xB;
	v14 =	vld.idx.msk [tilespmem:v13+s16+$0x0], $0xffff  }
0x211: {  	v18 =	vadd.s32 v0, v9;
	v9 =	vadd.s32 s2, v8;
	s2 =	simm.s32 $0xC;
	v12 =	vld.idx.msk [tilespmem:v15+s16+$0x0], $0xffff  }
0x212: {  	v15 =	vadd.s32 v0, v9;
	v13 =	vadd.s32 s2, v8;
	s2 =	simm.s32 $0xD;
	v9 =	vld.idx.msk [tilespmem:v17+s16+$0x0], $0xffff;
	v22 =	vmul.f32 $8.000000000e+00, v16  }
0x213: {  	s29 =	simm.s32 $0xD400;
	s0 =	simm.s32 $0xE;
	v16 =	vadd.s32 v0, v13;
	v17 =	vadd.s32 s2, v8;
	v24 =	vmul.f32 $8.000000000e+00, v10;
	v13 =	vld.idx.msk [tilespmem:v19+s16+$0x0], $0xffff  }
0x214: {  	s2 =	simm.s32 $0x8;
	v17 =	vadd.s32 v0, v17;
	v19 =	vadd.s32 s0, v8;
	v10 =	vld.idx.msk [tilespmem:v20+s16+$0x0], $0xffff;
	v20 =	vmul.f32 $8.000000000e+00, v11;
	[tilespmem:s29+$0x180] =	vst v22  }
0x215: {  	s30 =	simm.s32 $0x10;
	s31 =	simm.s32 $0x18;
	s0 =	simm.s32 $0x17;
	v22 =	vadd.s32 s2, v8;
	v11 =	vld.idx.msk [tilespmem:v23+s16+$0x0], $0xffff;
	v19 =	vadd.s32 v0, v19;
	[tilespmem:s29+$0xFFFFFE80] =	vst v24;
	v21 =	vmul.f32 $8.000000000e+00, v21  }
.LBB2_23:
0x216: {  	p0 =	slt.u32 s31, $0x38;
	s2 =	sadd.s32 $0x1, s30;
	v23 =	vadd.s32 s0, v8;
	v22 =	vadd.s32 v0, v22;
	v24 =	vld.idx.msk [tilespmem:v18+s16+$0x0], $0xffff;
	[tilespmem:s29+$0xFFFFFF00] =	vst v20;
	v18 =	vmul.f32 $8.000000000e+00, v14  }
0x217: {  	s0 =	sadd.s32 $0x2, s30;
	v14 =	vadd.s32 s2, v8;
	v20 =	vadd.s32 v0, v23;
	v23 =	vld.idx.msk [tilespmem:v15+s16+$0x0], $0xffff;
	[tilespmem:s29+$0xFFFFFF80] =	vst v21;
	v15 =	vmul.f32 $8.000000000e+00, v12  }
0x218: {  	v12 =	vadd.s32 s0, v8;
	s0 =	sadd.s32 $0x3, s30;
	v21 =	vadd.s32 v0, v14;
	v14 =	vld.idx.msk [tilespmem:v16+s16+$0x0], $0xffff;
	[tilespmem:s29+$0x0] =	vst v18;
	v16 =	vmul.f32 $8.000000000e+00, v9  }
.Ltmp13:
0x219: {  	v18 =	vadd.s32 v0, v12;
	v9 =	vadd.s32 s0, v8;
	s0 =	sadd.s32 $0x4, s30;
	v12 =	vld.idx.msk [tilespmem:v17+s16+$0x0], $0xffff;
	v17 =	vmul.f32 $8.000000000e+00, v13;
	[tilespmem:s29+$0x80] =	vst v15;
	(pc) =	sbr.rel @p0 .LBB2_23-.Ltmp13, $4  }
0x21a: {  	v15 =	vadd.s32 v0, v9;
	v13 =	vadd.s32 s0, v8;
	s0 =	sadd.s32 $0x5, s30;
	v9 =	vld.idx.msk [tilespmem:v19+s16+$0x0], $0xffff;
	v19 =	vmul.f32 $8.000000000e+00, v10;
	[tilespmem:s29+$0x100] =	vst v16  }
0x21b: {  	v16 =	vadd.s32 v0, v13;
	v10 =	vadd.s32 s0, v8;
	s0 =	sadd.s32 $0x6, s30;
	v25 =	vmul.f32 $8.000000000e+00, v11;
	v13 =	vld.idx.msk [tilespmem:v22+s16+$0x0], $0xffff;
	[tilespmem:s29+$0xFFFFFE00] =	vst v17;
	s29 =	sadd.s32 $0x400, s29  }
0x21c: {  	v17 =	vadd.s32 v0, v10;
	v26 =	vadd.s32 s0, v8;
	v10 =	vld.idx.msk [tilespmem:v20+s16+$0x0], $0xffff;
	v20 =	vmul.f32 $8.000000000e+00, v24;
	[tilespmem:s29+$0x180] =	vst v19  }
0x21d: {  	s0 =	sadd.s32 $0x7, s31;
	v22 =	vadd.s32 s30, v8;
	s30 =	smov.u32 s31;
	s31 =	sadd.s32 $0x8, s31;
	v19 =	vadd.s32 v0, v26;
	v11 =	vld.idx.msk [tilespmem:v21+s16+$0x0], $0xffff;
	[tilespmem:s29+$0xFFFFFE80] =	vst v25;
	v21 =	vmul.f32 $8.000000000e+00, v23  }
0x21e: {  	_ =	sdelay $0x2  }
0x21f: {  	[tilespmem:s29+$0xFFFFFF00] =	vst v20;
	v14 =	vmul.f32 $8.000000000e+00, v14  }
0x220: {  	s2 =	sadd.s32 $0x1, s30;
	v20 =	vadd.s32 s0, v8;
	v22 =	vadd.s32 v0, v22;
	v18 =	vld.idx.msk [tilespmem:v18+s16+$0x0], $0xffff;
	v12 =	vmul.f32 $8.000000000e+00, v12;
	[tilespmem:s29+$0xFFFFFF80] =	vst v21  }
0x221: {  	v16 =	vld.idx.msk [tilespmem:v16+s16+$0x0], $0xffff;
	v21 =	vadd.s32 s2, v8;
	s2 =	sadd.s32 $0x2, s30;
	v20 =	vadd.s32 v0, v20;
	v9 =	vmul.f32 $8.000000000e+00, v9;
	[tilespmem:s29+$0x0] =	vst v14  }
0x222: {  	v15 =	vld.idx.msk [tilespmem:v15+s16+$0x0], $0xffff;
	v14 =	vadd.s32 v0, v21;
	v21 =	vadd.s32 s2, v8;
	s2 =	sadd.s32 $0x3, s30;
	v13 =	vmul.f32 $8.000000000e+00, v13;
	[tilespmem:s29+$0x80] =	vst v12  }
0x223: {  	v19 =	vld.idx.msk [tilespmem:v19+s16+$0x0], $0xffff;
	v12 =	vadd.s32 v0, v21;
	v21 =	vadd.s32 s2, v8;
	s2 =	sadd.s32 $0x4, s30;
	v10 =	vmul.f32 $8.000000000e+00, v10;
	[tilespmem:s29+$0x100] =	vst v9  }
0x224: {  	v17 =	vld.idx.msk [tilespmem:v17+s16+$0x0], $0xffff;
	s0 =	sadd.s32 $0x5, s30;
	v9 =	vadd.s32 v0, v21;
	v21 =	vadd.s32 s2, v8;
	v11 =	vmul.f32 $8.000000000e+00, v11;
	[tilespmem:s29+$0xFFFFFE00] =	vst v13;
	s2 =	sadd.s32 $0x400, s29  }
0x225: {  	v13 =	vadd.s32 v0, v21;
	v21 =	vadd.s32 s0, v8;
	s0 =	sadd.s32 $0x6, s30;
	v22 =	vld.idx.msk [tilespmem:v22+s16+$0x0], $0xffff;
	v18 =	vmul.f32 $8.000000000e+00, v18;
	[tilespmem:s2+$0x180] =	vst v10  }
0x226: {  	v16 =	vmul.f32 $8.000000000e+00, v16;
	v10 =	vadd.s32 v0, v21;
	v21 =	vadd.s32 s0, v8;
	v20 =	vld.idx.msk [tilespmem:v20+s16+$0x0], $0xffff;
	[tilespmem:s2+$0xFFFFFE80] =	vst v11  }
0x227: {  	v11 =	vmul.f32 $8.000000000e+00, v15;
	v8 =	vadd.s32 s30, v8;
	v14 =	vld.idx.msk [tilespmem:v14+s16+$0x0], $0xffff;
	v15 =	vadd.s32 v0, v21;
	[tilespmem:s2+$0xFFFFFF00] =	vst v18  }
0x228: {  	v8 =	vadd.s32 v0, v8;
	[tilespmem:s2+$0x0] =	vst v16;
	v16 =	vmul.f32 $8.000000000e+00, v19;
	v12 =	vld.idx.msk [tilespmem:v12+s16+$0x0], $0xffff  }
0x229: {  	[tilespmem:s2+$0xFFFFFF80] =	vst v11;
	v11 =	vmul.f32 $8.000000000e+00, v17;
	v9 =	vld.idx.msk [tilespmem:v9+s16+$0x0], $0xffff  }
0x22a: {  	[tilespmem:s2+$0x100] =	vst v16;
	v13 =	vld.idx.msk [tilespmem:v13+s16+$0x0], $0xffff;
	v17 =	vmul.f32 $8.000000000e+00, v22  }
0x22b: {  	[tilespmem:s2+$0x80] =	vst v11;
	v10 =	vld.idx.msk [tilespmem:v10+s16+$0x0], $0xffff;
	v11 =	vmul.f32 $8.000000000e+00, v20  }
0x22c: {  	v15 =	vld.idx.msk [tilespmem:v15+s16+$0x0], $0xffff;
	v14 =	vmul.f32 $8.000000000e+00, v14;
	[tilespmem:s2+$0xFFFFFE00] =	vst v17;
	s2 =	sadd.s32 $0x400, s2  }
0x22d: {  	v8 =	vld.idx.msk [tilespmem:v8+s16+$0x0], $0xffff;
	v12 =	vmul.f32 $8.000000000e+00, v12;
	[tilespmem:s2+$0x180] =	vst v11  }
0x22e: {  	[tilespmem:s2+$0xFFFFFE80] =	vst v14;
	v9 =	vmul.f32 $8.000000000e+00, v9  }
0x22f: {  	[tilespmem:s2+$0xFFFFFF00] =	vst v12;
	v11 =	vmul.f32 $8.000000000e+00, v13  }
0x230: {  	[tilespmem:s2+$0xFFFFFF80] =	vst v9;
	v9 =	vmul.f32 $8.000000000e+00, v10  }
0x231: {  	[tilespmem:s2+$0x0] =	vst v11;
	v10 =	vmul.f32 $8.000000000e+00, v15  }
0x232: {  	v8 =	vmul.f32 $8.000000000e+00, v8;
	[tilespmem:s2+$0x80] =	vst v9  }
0x233: {  	[tilespmem:s2+$0x100] =	vst v10  }
0x234: {  	[tilespmem:s2+$0xFFFFFE00] =	vst v8  }
0x235: {  	v8 =	vld [tilespmem:$0x3190];
	_ =	sdelay $0x3  }
0x236: {  	s0 =	simm.s32 $0x7  }
0x237: {  	s2 =	simm.s32 $0x1;
	v9 =	vadd.s32 s0, v8  }
0x238: {  	v10 =	vadd.s32 s2, v8;
	s2 =	simm.s32 $0x2;
	v9 =	vadd.s32 v1, v9  }
0x239: {  	v10 =	vadd.s32 v1, v10;
	v11 =	vadd.s32 s2, v8;
	s2 =	simm.s32 $0x3  }
0x23a: {  	v11 =	vadd.s32 v1, v11;
	v12 =	vadd.s32 s2, v8;
	s2 =	simm.s32 $0x4  }
0x23b: {  	v12 =	vadd.s32 v1, v12;
	v13 =	vadd.s32 s2, v8;
	s2 =	simm.s32 $0x5  }
0x23c: {  	s0 =	simm.s32 $0x6;
	v13 =	vadd.s32 v1, v13;
	v14 =	vadd.s32 s2, v8  }
0x23d: {  	s2 =	simm.s32 $0x0;
	v15 =	vadd.s32 v1, v14;
	v14 =	vadd.s32 s0, v8;
	v16 =	vld.idx.msk [tilespmem:v9+s16+$0x0], $0xffff  }
0x23e: {  	s0 =	simm.s32 $0xF;
	v9 =	vadd.s32 s2, v8;
	v10 =	vld.idx.msk [tilespmem:v10+s16+$0x0], $0xffff;
	v17 =	vadd.s32 v1, v14  }
0x23f: {  	s2 =	simm.s32 $0x9;
	v14 =	vadd.s32 s0, v8;
	v19 =	vadd.s32 v1, v9;
	v11 =	vld.idx.msk [tilespmem:v11+s16+$0x0], $0xffff  }
0x240: {  	v9 =	vadd.s32 s2, v8;
	s2 =	simm.s32 $0xA;
	v20 =	vadd.s32 v1, v14;
	v21 =	vld.idx.msk [tilespmem:v12+s16+$0x0], $0xffff  }
0x241: {  	v23 =	vadd.s32 v1, v9;
	v9 =	vadd.s32 s2, v8;
	s2 =	simm.s32 $0xB;
	v14 =	vld.idx.msk [tilespmem:v13+s16+$0x0], $0xffff  }
0x242: {  	v18 =	vadd.s32 v1, v9;
	v9 =	vadd.s32 s2, v8;
	s2 =	simm.s32 $0xC;
	v12 =	vld.idx.msk [tilespmem:v15+s16+$0x0], $0xffff  }
0x243: {  	v15 =	vadd.s32 v1, v9;
	v13 =	vadd.s32 s2, v8;
	s2 =	simm.s32 $0xD;
	v9 =	vld.idx.msk [tilespmem:v17+s16+$0x0], $0xffff;
	v22 =	vmul.f32 $8.000000000e+00, v16  }
0x244: {  	s29 =	simm.s32 $0xD410;
	s0 =	simm.s32 $0xE;
	v16 =	vadd.s32 v1, v13;
	v17 =	vadd.s32 s2, v8;
	v24 =	vmul.f32 $8.000000000e+00, v10;
	v13 =	vld.idx.msk [tilespmem:v19+s16+$0x0], $0xffff  }
0x245: {  	s2 =	simm.s32 $0x8;
	v17 =	vadd.s32 v1, v17;
	v19 =	vadd.s32 s0, v8;
	v10 =	vld.idx.msk [tilespmem:v20+s16+$0x0], $0xffff;
	v20 =	vmul.f32 $8.000000000e+00, v11;
	[tilespmem:s29+$0x180] =	vst v22  }
0x246: {  	s31 =	simm.s32 $0x18;
	s30 =	simm.s32 $0x10;
	s0 =	simm.s32 $0x17;
	v22 =	vadd.s32 s2, v8;
	v11 =	vld.idx.msk [tilespmem:v23+s16+$0x0], $0xffff;
	v19 =	vadd.s32 v1, v19;
	[tilespmem:s29+$0xFFFFFE80] =	vst v24;
	v21 =	vmul.f32 $8.000000000e+00, v21  }
.LBB2_25:
0x247: {  	p0 =	slt.u32 s31, $0x38;
	s2 =	sadd.s32 $0x1, s30;
	v23 =	vadd.s32 s0, v8;
	v22 =	vadd.s32 v1, v22;
	v24 =	vld.idx.msk [tilespmem:v18+s16+$0x0], $0xffff;
	[tilespmem:s29+$0xFFFFFF00] =	vst v20;
	v18 =	vmul.f32 $8.000000000e+00, v14  }
0x248: {  	s0 =	sadd.s32 $0x2, s30;
	v14 =	vadd.s32 s2, v8;
	v20 =	vadd.s32 v1, v23;
	v23 =	vld.idx.msk [tilespmem:v15+s16+$0x0], $0xffff;
	[tilespmem:s29+$0xFFFFFF80] =	vst v21;
	v15 =	vmul.f32 $8.000000000e+00, v12  }
0x249: {  	v12 =	vadd.s32 s0, v8;
	s0 =	sadd.s32 $0x3, s30;
	v21 =	vadd.s32 v1, v14;
	v14 =	vld.idx.msk [tilespmem:v16+s16+$0x0], $0xffff;
	[tilespmem:s29+$0x0] =	vst v18;
	v16 =	vmul.f32 $8.000000000e+00, v9  }
.Ltmp14:
0x24a: {  	v18 =	vadd.s32 v1, v12;
	v9 =	vadd.s32 s0, v8;
	s0 =	sadd.s32 $0x4, s30;
	v12 =	vld.idx.msk [tilespmem:v17+s16+$0x0], $0xffff;
	v17 =	vmul.f32 $8.000000000e+00, v13;
	[tilespmem:s29+$0x80] =	vst v15;
	(pc) =	sbr.rel @p0 .LBB2_25-.Ltmp14, $4  }
0x24b: {  	v15 =	vadd.s32 v1, v9;
	v13 =	vadd.s32 s0, v8;
	s0 =	sadd.s32 $0x5, s30;
	v9 =	vld.idx.msk [tilespmem:v19+s16+$0x0], $0xffff;
	v19 =	vmul.f32 $8.000000000e+00, v10;
	[tilespmem:s29+$0x100] =	vst v16  }
0x24c: {  	v16 =	vadd.s32 v1, v13;
	v10 =	vadd.s32 s0, v8;
	s0 =	sadd.s32 $0x6, s30;
	v25 =	vmul.f32 $8.000000000e+00, v11;
	v13 =	vld.idx.msk [tilespmem:v22+s16+$0x0], $0xffff;
	[tilespmem:s29+$0xFFFFFE00] =	vst v17;
	s29 =	sadd.s32 $0x400, s29  }
0x24d: {  	v17 =	vadd.s32 v1, v10;
	v26 =	vadd.s32 s0, v8;
	v10 =	vld.idx.msk [tilespmem:v20+s16+$0x0], $0xffff;
	v20 =	vmul.f32 $8.000000000e+00, v24;
	[tilespmem:s29+$0x180] =	vst v19  }
0x24e: {  	s0 =	sadd.s32 $0x7, s31;
	v22 =	vadd.s32 s30, v8;
	s30 =	smov.u32 s31;
	s31 =	sadd.s32 $0x8, s31;
	v19 =	vadd.s32 v1, v26;
	v11 =	vld.idx.msk [tilespmem:v21+s16+$0x0], $0xffff;
	[tilespmem:s29+$0xFFFFFE80] =	vst v25;
	v21 =	vmul.f32 $8.000000000e+00, v23  }
0x24f: {  	_ =	sdelay $0x2  }
0x250: {  	[tilespmem:s29+$0xFFFFFF00] =	vst v20;
	v14 =	vmul.f32 $8.000000000e+00, v14  }
0x251: {  	s2 =	sadd.s32 $0x1, s30;
	v20 =	vadd.s32 s0, v8;
	v22 =	vadd.s32 v1, v22;
	v18 =	vld.idx.msk [tilespmem:v18+s16+$0x0], $0xffff;
	v12 =	vmul.f32 $8.000000000e+00, v12;
	[tilespmem:s29+$0xFFFFFF80] =	vst v21  }
0x252: {  	v16 =	vld.idx.msk [tilespmem:v16+s16+$0x0], $0xffff;
	v21 =	vadd.s32 s2, v8;
	s2 =	sadd.s32 $0x2, s30;
	v20 =	vadd.s32 v1, v20;
	v9 =	vmul.f32 $8.000000000e+00, v9;
	[tilespmem:s29+$0x0] =	vst v14  }
0x253: {  	v15 =	vld.idx.msk [tilespmem:v15+s16+$0x0], $0xffff;
	v14 =	vadd.s32 v1, v21;
	v21 =	vadd.s32 s2, v8;
	s2 =	sadd.s32 $0x3, s30;
	v13 =	vmul.f32 $8.000000000e+00, v13;
	[tilespmem:s29+$0x80] =	vst v12  }
0x254: {  	v19 =	vld.idx.msk [tilespmem:v19+s16+$0x0], $0xffff;
	v12 =	vadd.s32 v1, v21;
	v21 =	vadd.s32 s2, v8;
	s2 =	sadd.s32 $0x4, s30;
	v10 =	vmul.f32 $8.000000000e+00, v10;
	[tilespmem:s29+$0x100] =	vst v9  }
0x255: {  	v17 =	vld.idx.msk [tilespmem:v17+s16+$0x0], $0xffff;
	s0 =	sadd.s32 $0x5, s30;
	v9 =	vadd.s32 v1, v21;
	v21 =	vadd.s32 s2, v8;
	v11 =	vmul.f32 $8.000000000e+00, v11;
	[tilespmem:s29+$0xFFFFFE00] =	vst v13;
	s2 =	sadd.s32 $0x400, s29  }
0x256: {  	v13 =	vadd.s32 v1, v21;
	v21 =	vadd.s32 s0, v8;
	s0 =	sadd.s32 $0x6, s30;
	v22 =	vld.idx.msk [tilespmem:v22+s16+$0x0], $0xffff;
	v18 =	vmul.f32 $8.000000000e+00, v18;
	[tilespmem:s2+$0x180] =	vst v10  }
0x257: {  	v16 =	vmul.f32 $8.000000000e+00, v16;
	v10 =	vadd.s32 v1, v21;
	v21 =	vadd.s32 s0, v8;
	v20 =	vld.idx.msk [tilespmem:v20+s16+$0x0], $0xffff;
	[tilespmem:s2+$0xFFFFFE80] =	vst v11  }
0x258: {  	v11 =	vmul.f32 $8.000000000e+00, v15;
	v8 =	vadd.s32 s30, v8;
	v14 =	vld.idx.msk [tilespmem:v14+s16+$0x0], $0xffff;
	v15 =	vadd.s32 v1, v21;
	[tilespmem:s2+$0xFFFFFF00] =	vst v18  }
0x259: {  	v8 =	vadd.s32 v1, v8;
	[tilespmem:s2+$0x0] =	vst v16;
	v16 =	vmul.f32 $8.000000000e+00, v19;
	v12 =	vld.idx.msk [tilespmem:v12+s16+$0x0], $0xffff  }
0x25a: {  	[tilespmem:s2+$0xFFFFFF80] =	vst v11;
	v11 =	vmul.f32 $8.000000000e+00, v17;
	v9 =	vld.idx.msk [tilespmem:v9+s16+$0x0], $0xffff  }
0x25b: {  	[tilespmem:s2+$0x100] =	vst v16;
	v13 =	vld.idx.msk [tilespmem:v13+s16+$0x0], $0xffff;
	v17 =	vmul.f32 $8.000000000e+00, v22  }
0x25c: {  	[tilespmem:s2+$0x80] =	vst v11;
	v10 =	vld.idx.msk [tilespmem:v10+s16+$0x0], $0xffff;
	v11 =	vmul.f32 $8.000000000e+00, v20  }
0x25d: {  	v15 =	vld.idx.msk [tilespmem:v15+s16+$0x0], $0xffff;
	v14 =	vmul.f32 $8.000000000e+00, v14;
	[tilespmem:s2+$0xFFFFFE00] =	vst v17;
	s2 =	sadd.s32 $0x400, s2  }
0x25e: {  	v8 =	vld.idx.msk [tilespmem:v8+s16+$0x0], $0xffff;
	v12 =	vmul.f32 $8.000000000e+00, v12;
	[tilespmem:s2+$0x180] =	vst v11  }
0x25f: {  	[tilespmem:s2+$0xFFFFFE80] =	vst v14;
	v9 =	vmul.f32 $8.000000000e+00, v9  }
0x260: {  	[tilespmem:s2+$0xFFFFFF00] =	vst v12;
	v11 =	vmul.f32 $8.000000000e+00, v13  }
0x261: {  	[tilespmem:s2+$0xFFFFFF80] =	vst v9;
	v9 =	vmul.f32 $8.000000000e+00, v10  }
0x262: {  	[tilespmem:s2+$0x0] =	vst v11;
	v10 =	vmul.f32 $8.000000000e+00, v15  }
0x263: {  	v8 =	vmul.f32 $8.000000000e+00, v8;
	[tilespmem:s2+$0x80] =	vst v9  }
0x264: {  	[tilespmem:s2+$0x100] =	vst v10  }
0x265: {  	[tilespmem:s2+$0xFFFFFE00] =	vst v8  }
0x266: {  	v8 =	vld [tilespmem:$0x31A0];
	_ =	sdelay $0x3  }
0x267: {  	s0 =	simm.s32 $0x7  }
0x268: {  	s2 =	simm.s32 $0x1;
	v9 =	vadd.s32 s0, v8  }
0x269: {  	v10 =	vadd.s32 s2, v8;
	s2 =	simm.s32 $0x2;
	v9 =	vadd.s32 v2, v9  }
0x26a: {  	v10 =	vadd.s32 v2, v10;
	v11 =	vadd.s32 s2, v8;
	s2 =	simm.s32 $0x3  }
0x26b: {  	v11 =	vadd.s32 v2, v11;
	v12 =	vadd.s32 s2, v8;
	s2 =	simm.s32 $0x4  }
0x26c: {  	v12 =	vadd.s32 v2, v12;
	v13 =	vadd.s32 s2, v8;
	s2 =	simm.s32 $0x5  }
0x26d: {  	s0 =	simm.s32 $0x6;
	v13 =	vadd.s32 v2, v13;
	v14 =	vadd.s32 s2, v8  }
0x26e: {  	s2 =	simm.s32 $0x0;
	v15 =	vadd.s32 v2, v14;
	v14 =	vadd.s32 s0, v8;
	v16 =	vld.idx.msk [tilespmem:v9+s16+$0x0], $0xffff  }
0x26f: {  	s0 =	simm.s32 $0xF;
	v9 =	vadd.s32 s2, v8;
	v10 =	vld.idx.msk [tilespmem:v10+s16+$0x0], $0xffff;
	v17 =	vadd.s32 v2, v14  }
0x270: {  	s2 =	simm.s32 $0x9;
	v14 =	vadd.s32 s0, v8;
	v19 =	vadd.s32 v2, v9;
	v11 =	vld.idx.msk [tilespmem:v11+s16+$0x0], $0xffff  }
0x271: {  	v9 =	vadd.s32 s2, v8;
	s2 =	simm.s32 $0xA;
	v20 =	vadd.s32 v2, v14;
	v21 =	vld.idx.msk [tilespmem:v12+s16+$0x0], $0xffff  }
0x272: {  	v23 =	vadd.s32 v2, v9;
	v9 =	vadd.s32 s2, v8;
	s2 =	simm.s32 $0xB;
	v14 =	vld.idx.msk [tilespmem:v13+s16+$0x0], $0xffff  }
0x273: {  	v18 =	vadd.s32 v2, v9;
	v9 =	vadd.s32 s2, v8;
	s2 =	simm.s32 $0xC;
	v12 =	vld.idx.msk [tilespmem:v15+s16+$0x0], $0xffff  }
0x274: {  	v15 =	vadd.s32 v2, v9;
	v13 =	vadd.s32 s2, v8;
	s2 =	simm.s32 $0xD;
	v9 =	vld.idx.msk [tilespmem:v17+s16+$0x0], $0xffff;
	v22 =	vmul.f32 $8.000000000e+00, v16  }
0x275: {  	s29 =	simm.s32 $0xD420;
	s0 =	simm.s32 $0xE;
	v16 =	vadd.s32 v2, v13;
	v17 =	vadd.s32 s2, v8;
	v24 =	vmul.f32 $8.000000000e+00, v10;
	v13 =	vld.idx.msk [tilespmem:v19+s16+$0x0], $0xffff  }
0x276: {  	s2 =	simm.s32 $0x8;
	v17 =	vadd.s32 v2, v17;
	v19 =	vadd.s32 s0, v8;
	v10 =	vld.idx.msk [tilespmem:v20+s16+$0x0], $0xffff;
	v20 =	vmul.f32 $8.000000000e+00, v11;
	[tilespmem:s29+$0x180] =	vst v22  }
0x277: {  	s31 =	simm.s32 $0x18;
	s30 =	simm.s32 $0x10;
	s0 =	simm.s32 $0x17;
	v22 =	vadd.s32 s2, v8;
	v11 =	vld.idx.msk [tilespmem:v23+s16+$0x0], $0xffff;
	v19 =	vadd.s32 v2, v19;
	[tilespmem:s29+$0xFFFFFE80] =	vst v24;
	v21 =	vmul.f32 $8.000000000e+00, v21  }
.LBB2_27:
0x278: {  	p0 =	slt.u32 s31, $0x38;
	s2 =	sadd.s32 $0x1, s30;
	v23 =	vadd.s32 s0, v8;
	v22 =	vadd.s32 v2, v22;
	v24 =	vld.idx.msk [tilespmem:v18+s16+$0x0], $0xffff;
	[tilespmem:s29+$0xFFFFFF00] =	vst v20;
	v18 =	vmul.f32 $8.000000000e+00, v14  }
0x279: {  	s0 =	sadd.s32 $0x2, s30;
	v14 =	vadd.s32 s2, v8;
	v20 =	vadd.s32 v2, v23;
	v23 =	vld.idx.msk [tilespmem:v15+s16+$0x0], $0xffff;
	[tilespmem:s29+$0xFFFFFF80] =	vst v21;
	v15 =	vmul.f32 $8.000000000e+00, v12  }
0x27a: {  	v12 =	vadd.s32 s0, v8;
	s0 =	sadd.s32 $0x3, s30;
	v21 =	vadd.s32 v2, v14;
	v14 =	vld.idx.msk [tilespmem:v16+s16+$0x0], $0xffff;
	[tilespmem:s29+$0x0] =	vst v18;
	v16 =	vmul.f32 $8.000000000e+00, v9  }
.Ltmp15:
0x27b: {  	v18 =	vadd.s32 v2, v12;
	v9 =	vadd.s32 s0, v8;
	s0 =	sadd.s32 $0x4, s30;
	v12 =	vld.idx.msk [tilespmem:v17+s16+$0x0], $0xffff;
	v17 =	vmul.f32 $8.000000000e+00, v13;
	[tilespmem:s29+$0x80] =	vst v15;
	(pc) =	sbr.rel @p0 .LBB2_27-.Ltmp15, $4  }
0x27c: {  	v15 =	vadd.s32 v2, v9;
	v13 =	vadd.s32 s0, v8;
	s0 =	sadd.s32 $0x5, s30;
	v9 =	vld.idx.msk [tilespmem:v19+s16+$0x0], $0xffff;
	v19 =	vmul.f32 $8.000000000e+00, v10;
	[tilespmem:s29+$0x100] =	vst v16  }
0x27d: {  	v16 =	vadd.s32 v2, v13;
	v10 =	vadd.s32 s0, v8;
	s0 =	sadd.s32 $0x6, s30;
	v25 =	vmul.f32 $8.000000000e+00, v11;
	v13 =	vld.idx.msk [tilespmem:v22+s16+$0x0], $0xffff;
	[tilespmem:s29+$0xFFFFFE00] =	vst v17;
	s29 =	sadd.s32 $0x400, s29  }
0x27e: {  	v17 =	vadd.s32 v2, v10;
	v26 =	vadd.s32 s0, v8;
	v10 =	vld.idx.msk [tilespmem:v20+s16+$0x0], $0xffff;
	v20 =	vmul.f32 $8.000000000e+00, v24;
	[tilespmem:s29+$0x180] =	vst v19  }
0x27f: {  	s0 =	sadd.s32 $0x7, s31;
	v22 =	vadd.s32 s30, v8;
	s30 =	smov.u32 s31;
	s31 =	sadd.s32 $0x8, s31;
	v19 =	vadd.s32 v2, v26;
	v11 =	vld.idx.msk [tilespmem:v21+s16+$0x0], $0xffff;
	[tilespmem:s29+$0xFFFFFE80] =	vst v25;
	v21 =	vmul.f32 $8.000000000e+00, v23  }
0x280: {  	_ =	sdelay $0x2  }
0x281: {  	[tilespmem:s29+$0xFFFFFF00] =	vst v20;
	v14 =	vmul.f32 $8.000000000e+00, v14  }
0x282: {  	s2 =	sadd.s32 $0x1, s30;
	v20 =	vadd.s32 s0, v8;
	v22 =	vadd.s32 v2, v22;
	v18 =	vld.idx.msk [tilespmem:v18+s16+$0x0], $0xffff;
	v12 =	vmul.f32 $8.000000000e+00, v12;
	[tilespmem:s29+$0xFFFFFF80] =	vst v21  }
0x283: {  	v16 =	vld.idx.msk [tilespmem:v16+s16+$0x0], $0xffff;
	v21 =	vadd.s32 s2, v8;
	s2 =	sadd.s32 $0x2, s30;
	v20 =	vadd.s32 v2, v20;
	v9 =	vmul.f32 $8.000000000e+00, v9;
	[tilespmem:s29+$0x0] =	vst v14  }
0x284: {  	v15 =	vld.idx.msk [tilespmem:v15+s16+$0x0], $0xffff;
	v14 =	vadd.s32 v2, v21;
	v21 =	vadd.s32 s2, v8;
	s2 =	sadd.s32 $0x3, s30;
	v13 =	vmul.f32 $8.000000000e+00, v13;
	[tilespmem:s29+$0x80] =	vst v12  }
0x285: {  	v19 =	vld.idx.msk [tilespmem:v19+s16+$0x0], $0xffff;
	v12 =	vadd.s32 v2, v21;
	v21 =	vadd.s32 s2, v8;
	s2 =	sadd.s32 $0x4, s30;
	v10 =	vmul.f32 $8.000000000e+00, v10;
	[tilespmem:s29+$0x100] =	vst v9  }
0x286: {  	v17 =	vld.idx.msk [tilespmem:v17+s16+$0x0], $0xffff;
	s0 =	sadd.s32 $0x5, s30;
	v9 =	vadd.s32 v2, v21;
	v21 =	vadd.s32 s2, v8;
	v11 =	vmul.f32 $8.000000000e+00, v11;
	[tilespmem:s29+$0xFFFFFE00] =	vst v13;
	s2 =	sadd.s32 $0x400, s29  }
0x287: {  	v13 =	vadd.s32 v2, v21;
	v21 =	vadd.s32 s0, v8;
	s0 =	sadd.s32 $0x6, s30;
	v22 =	vld.idx.msk [tilespmem:v22+s16+$0x0], $0xffff;
	v18 =	vmul.f32 $8.000000000e+00, v18;
	[tilespmem:s2+$0x180] =	vst v10  }
0x288: {  	v16 =	vmul.f32 $8.000000000e+00, v16;
	v10 =	vadd.s32 v2, v21;
	v21 =	vadd.s32 s0, v8;
	v20 =	vld.idx.msk [tilespmem:v20+s16+$0x0], $0xffff;
	[tilespmem:s2+$0xFFFFFE80] =	vst v11  }
0x289: {  	v11 =	vmul.f32 $8.000000000e+00, v15;
	v8 =	vadd.s32 s30, v8;
	v14 =	vld.idx.msk [tilespmem:v14+s16+$0x0], $0xffff;
	v15 =	vadd.s32 v2, v21;
	[tilespmem:s2+$0xFFFFFF00] =	vst v18  }
0x28a: {  	v8 =	vadd.s32 v2, v8;
	[tilespmem:s2+$0x0] =	vst v16;
	v16 =	vmul.f32 $8.000000000e+00, v19;
	v12 =	vld.idx.msk [tilespmem:v12+s16+$0x0], $0xffff  }
0x28b: {  	[tilespmem:s2+$0xFFFFFF80] =	vst v11;
	v11 =	vmul.f32 $8.000000000e+00, v17;
	v9 =	vld.idx.msk [tilespmem:v9+s16+$0x0], $0xffff  }
0x28c: {  	[tilespmem:s2+$0x100] =	vst v16;
	v13 =	vld.idx.msk [tilespmem:v13+s16+$0x0], $0xffff;
	v17 =	vmul.f32 $8.000000000e+00, v22  }
0x28d: {  	[tilespmem:s2+$0x80] =	vst v11;
	v10 =	vld.idx.msk [tilespmem:v10+s16+$0x0], $0xffff;
	v11 =	vmul.f32 $8.000000000e+00, v20  }
0x28e: {  	v15 =	vld.idx.msk [tilespmem:v15+s16+$0x0], $0xffff;
	v14 =	vmul.f32 $8.000000000e+00, v14;
	[tilespmem:s2+$0xFFFFFE00] =	vst v17;
	s2 =	sadd.s32 $0x400, s2  }
0x28f: {  	v8 =	vld.idx.msk [tilespmem:v8+s16+$0x0], $0xffff;
	v12 =	vmul.f32 $8.000000000e+00, v12;
	[tilespmem:s2+$0x180] =	vst v11  }
0x290: {  	[tilespmem:s2+$0xFFFFFE80] =	vst v14;
	v9 =	vmul.f32 $8.000000000e+00, v9  }
0x291: {  	[tilespmem:s2+$0xFFFFFF00] =	vst v12;
	v11 =	vmul.f32 $8.000000000e+00, v13  }
0x292: {  	[tilespmem:s2+$0xFFFFFF80] =	vst v9;
	v9 =	vmul.f32 $8.000000000e+00, v10  }
0x293: {  	[tilespmem:s2+$0x0] =	vst v11;
	v10 =	vmul.f32 $8.000000000e+00, v15  }
0x294: {  	v8 =	vmul.f32 $8.000000000e+00, v8;
	[tilespmem:s2+$0x80] =	vst v9  }
0x295: {  	[tilespmem:s2+$0x100] =	vst v10  }
0x296: {  	[tilespmem:s2+$0xFFFFFE00] =	vst v8  }
0x297: {  	v8 =	vld [tilespmem:$0x31B0];
	_ =	sdelay $0x3  }
0x298: {  	s0 =	simm.s32 $0x7  }
0x299: {  	s2 =	simm.s32 $0x1;
	v9 =	vadd.s32 s0, v8  }
0x29a: {  	v10 =	vadd.s32 s2, v8;
	s2 =	simm.s32 $0x2;
	v9 =	vadd.s32 v3, v9  }
0x29b: {  	v10 =	vadd.s32 v3, v10;
	v11 =	vadd.s32 s2, v8;
	s2 =	simm.s32 $0x3  }
0x29c: {  	v11 =	vadd.s32 v3, v11;
	v12 =	vadd.s32 s2, v8;
	s2 =	simm.s32 $0x4  }
0x29d: {  	v12 =	vadd.s32 v3, v12;
	v13 =	vadd.s32 s2, v8;
	s2 =	simm.s32 $0x5  }
0x29e: {  	s0 =	simm.s32 $0x6;
	v13 =	vadd.s32 v3, v13;
	v14 =	vadd.s32 s2, v8  }
0x29f: {  	s2 =	simm.s32 $0x0;
	v15 =	vadd.s32 v3, v14;
	v14 =	vadd.s32 s0, v8;
	v16 =	vld.idx.msk [tilespmem:v9+s16+$0x0], $0xffff  }
0x2a0: {  	s0 =	simm.s32 $0xF;
	v9 =	vadd.s32 s2, v8;
	v10 =	vld.idx.msk [tilespmem:v10+s16+$0x0], $0xffff;
	v17 =	vadd.s32 v3, v14  }
0x2a1: {  	s2 =	simm.s32 $0x9;
	v14 =	vadd.s32 s0, v8;
	v19 =	vadd.s32 v3, v9;
	v11 =	vld.idx.msk [tilespmem:v11+s16+$0x0], $0xffff  }
0x2a2: {  	v9 =	vadd.s32 s2, v8;
	s2 =	simm.s32 $0xA;
	v20 =	vadd.s32 v3, v14;
	v21 =	vld.idx.msk [tilespmem:v12+s16+$0x0], $0xffff  }
0x2a3: {  	v23 =	vadd.s32 v3, v9;
	v9 =	vadd.s32 s2, v8;
	s2 =	simm.s32 $0xB;
	v14 =	vld.idx.msk [tilespmem:v13+s16+$0x0], $0xffff  }
0x2a4: {  	v18 =	vadd.s32 v3, v9;
	v9 =	vadd.s32 s2, v8;
	s2 =	simm.s32 $0xC;
	v12 =	vld.idx.msk [tilespmem:v15+s16+$0x0], $0xffff  }
0x2a5: {  	v15 =	vadd.s32 v3, v9;
	v13 =	vadd.s32 s2, v8;
	s2 =	simm.s32 $0xD;
	v9 =	vld.idx.msk [tilespmem:v17+s16+$0x0], $0xffff;
	v22 =	vmul.f32 $8.000000000e+00, v16  }
0x2a6: {  	s29 =	simm.s32 $0xD430;
	s0 =	simm.s32 $0xE;
	v16 =	vadd.s32 v3, v13;
	v17 =	vadd.s32 s2, v8;
	v24 =	vmul.f32 $8.000000000e+00, v10;
	v13 =	vld.idx.msk [tilespmem:v19+s16+$0x0], $0xffff  }
0x2a7: {  	s2 =	simm.s32 $0x8;
	v17 =	vadd.s32 v3, v17;
	v19 =	vadd.s32 s0, v8;
	v10 =	vld.idx.msk [tilespmem:v20+s16+$0x0], $0xffff;
	v20 =	vmul.f32 $8.000000000e+00, v11;
	[tilespmem:s29+$0x180] =	vst v22  }
0x2a8: {  	s31 =	simm.s32 $0x18;
	s30 =	simm.s32 $0x10;
	s0 =	simm.s32 $0x17;
	v22 =	vadd.s32 s2, v8;
	v11 =	vld.idx.msk [tilespmem:v23+s16+$0x0], $0xffff;
	v19 =	vadd.s32 v3, v19;
	[tilespmem:s29+$0xFFFFFE80] =	vst v24;
	v21 =	vmul.f32 $8.000000000e+00, v21  }
.LBB2_29:
0x2a9: {  	p0 =	slt.u32 s31, $0x38;
	s2 =	sadd.s32 $0x1, s30;
	v23 =	vadd.s32 s0, v8;
	v22 =	vadd.s32 v3, v22;
	v24 =	vld.idx.msk [tilespmem:v18+s16+$0x0], $0xffff;
	[tilespmem:s29+$0xFFFFFF00] =	vst v20;
	v18 =	vmul.f32 $8.000000000e+00, v14  }
0x2aa: {  	s0 =	sadd.s32 $0x2, s30;
	v14 =	vadd.s32 s2, v8;
	v20 =	vadd.s32 v3, v23;
	v23 =	vld.idx.msk [tilespmem:v15+s16+$0x0], $0xffff;
	[tilespmem:s29+$0xFFFFFF80] =	vst v21;
	v15 =	vmul.f32 $8.000000000e+00, v12  }
0x2ab: {  	v12 =	vadd.s32 s0, v8;
	s0 =	sadd.s32 $0x3, s30;
	v21 =	vadd.s32 v3, v14;
	v14 =	vld.idx.msk [tilespmem:v16+s16+$0x0], $0xffff;
	[tilespmem:s29+$0x0] =	vst v18;
	v16 =	vmul.f32 $8.000000000e+00, v9  }
.Ltmp16:
0x2ac: {  	v18 =	vadd.s32 v3, v12;
	v9 =	vadd.s32 s0, v8;
	s0 =	sadd.s32 $0x4, s30;
	v12 =	vld.idx.msk [tilespmem:v17+s16+$0x0], $0xffff;
	v17 =	vmul.f32 $8.000000000e+00, v13;
	[tilespmem:s29+$0x80] =	vst v15;
	(pc) =	sbr.rel @p0 .LBB2_29-.Ltmp16, $4  }
0x2ad: {  	v15 =	vadd.s32 v3, v9;
	v13 =	vadd.s32 s0, v8;
	s0 =	sadd.s32 $0x5, s30;
	v9 =	vld.idx.msk [tilespmem:v19+s16+$0x0], $0xffff;
	v19 =	vmul.f32 $8.000000000e+00, v10;
	[tilespmem:s29+$0x100] =	vst v16  }
0x2ae: {  	v16 =	vadd.s32 v3, v13;
	v10 =	vadd.s32 s0, v8;
	s0 =	sadd.s32 $0x6, s30;
	v25 =	vmul.f32 $8.000000000e+00, v11;
	v13 =	vld.idx.msk [tilespmem:v22+s16+$0x0], $0xffff;
	[tilespmem:s29+$0xFFFFFE00] =	vst v17;
	s29 =	sadd.s32 $0x400, s29  }
0x2af: {  	v17 =	vadd.s32 v3, v10;
	v26 =	vadd.s32 s0, v8;
	v10 =	vld.idx.msk [tilespmem:v20+s16+$0x0], $0xffff;
	v20 =	vmul.f32 $8.000000000e+00, v24;
	[tilespmem:s29+$0x180] =	vst v19  }
0x2b0: {  	s0 =	sadd.s32 $0x7, s31;
	v22 =	vadd.s32 s30, v8;
	s30 =	smov.u32 s31;
	s31 =	sadd.s32 $0x8, s31;
	v19 =	vadd.s32 v3, v26;
	v11 =	vld.idx.msk [tilespmem:v21+s16+$0x0], $0xffff;
	[tilespmem:s29+$0xFFFFFE80] =	vst v25;
	v21 =	vmul.f32 $8.000000000e+00, v23  }
0x2b1: {  	_ =	sdelay $0x2  }
0x2b2: {  	[tilespmem:s29+$0xFFFFFF00] =	vst v20;
	v14 =	vmul.f32 $8.000000000e+00, v14  }
0x2b3: {  	s2 =	sadd.s32 $0x1, s30;
	v20 =	vadd.s32 s0, v8;
	v22 =	vadd.s32 v3, v22;
	v18 =	vld.idx.msk [tilespmem:v18+s16+$0x0], $0xffff;
	v12 =	vmul.f32 $8.000000000e+00, v12;
	[tilespmem:s29+$0xFFFFFF80] =	vst v21  }
0x2b4: {  	v16 =	vld.idx.msk [tilespmem:v16+s16+$0x0], $0xffff;
	v21 =	vadd.s32 s2, v8;
	s2 =	sadd.s32 $0x2, s30;
	v20 =	vadd.s32 v3, v20;
	v9 =	vmul.f32 $8.000000000e+00, v9;
	[tilespmem:s29+$0x0] =	vst v14  }
0x2b5: {  	v15 =	vld.idx.msk [tilespmem:v15+s16+$0x0], $0xffff;
	v14 =	vadd.s32 v3, v21;
	v21 =	vadd.s32 s2, v8;
	s2 =	sadd.s32 $0x3, s30;
	v13 =	vmul.f32 $8.000000000e+00, v13;
	[tilespmem:s29+$0x80] =	vst v12  }
0x2b6: {  	v19 =	vld.idx.msk [tilespmem:v19+s16+$0x0], $0xffff;
	v12 =	vadd.s32 v3, v21;
	v21 =	vadd.s32 s2, v8;
	s2 =	sadd.s32 $0x4, s30;
	v10 =	vmul.f32 $8.000000000e+00, v10;
	[tilespmem:s29+$0x100] =	vst v9  }
0x2b7: {  	v17 =	vld.idx.msk [tilespmem:v17+s16+$0x0], $0xffff;
	s0 =	sadd.s32 $0x5, s30;
	v9 =	vadd.s32 v3, v21;
	v21 =	vadd.s32 s2, v8;
	v11 =	vmul.f32 $8.000000000e+00, v11;
	[tilespmem:s29+$0xFFFFFE00] =	vst v13;
	s2 =	sadd.s32 $0x400, s29  }
0x2b8: {  	v13 =	vadd.s32 v3, v21;
	v21 =	vadd.s32 s0, v8;
	s0 =	sadd.s32 $0x6, s30;
	v22 =	vld.idx.msk [tilespmem:v22+s16+$0x0], $0xffff;
	v18 =	vmul.f32 $8.000000000e+00, v18;
	[tilespmem:s2+$0x180] =	vst v10  }
0x2b9: {  	v16 =	vmul.f32 $8.000000000e+00, v16;
	v10 =	vadd.s32 v3, v21;
	v21 =	vadd.s32 s0, v8;
	v20 =	vld.idx.msk [tilespmem:v20+s16+$0x0], $0xffff;
	[tilespmem:s2+$0xFFFFFE80] =	vst v11  }
0x2ba: {  	v11 =	vmul.f32 $8.000000000e+00, v15;
	v8 =	vadd.s32 s30, v8;
	v14 =	vld.idx.msk [tilespmem:v14+s16+$0x0], $0xffff;
	v15 =	vadd.s32 v3, v21;
	[tilespmem:s2+$0xFFFFFF00] =	vst v18  }
0x2bb: {  	v8 =	vadd.s32 v3, v8;
	[tilespmem:s2+$0x0] =	vst v16;
	v16 =	vmul.f32 $8.000000000e+00, v19;
	v12 =	vld.idx.msk [tilespmem:v12+s16+$0x0], $0xffff  }
0x2bc: {  	[tilespmem:s2+$0xFFFFFF80] =	vst v11;
	v11 =	vmul.f32 $8.000000000e+00, v17;
	v9 =	vld.idx.msk [tilespmem:v9+s16+$0x0], $0xffff  }
0x2bd: {  	[tilespmem:s2+$0x100] =	vst v16;
	v13 =	vld.idx.msk [tilespmem:v13+s16+$0x0], $0xffff;
	v17 =	vmul.f32 $8.000000000e+00, v22  }
0x2be: {  	[tilespmem:s2+$0x80] =	vst v11;
	v10 =	vld.idx.msk [tilespmem:v10+s16+$0x0], $0xffff;
	v11 =	vmul.f32 $8.000000000e+00, v20  }
0x2bf: {  	v15 =	vld.idx.msk [tilespmem:v15+s16+$0x0], $0xffff;
	v14 =	vmul.f32 $8.000000000e+00, v14;
	[tilespmem:s2+$0xFFFFFE00] =	vst v17;
	s2 =	sadd.s32 $0x400, s2  }
0x2c0: {  	v8 =	vld.idx.msk [tilespmem:v8+s16+$0x0], $0xffff;
	v12 =	vmul.f32 $8.000000000e+00, v12;
	[tilespmem:s2+$0x180] =	vst v11  }
0x2c1: {  	[tilespmem:s2+$0xFFFFFE80] =	vst v14;
	v9 =	vmul.f32 $8.000000000e+00, v9  }
0x2c2: {  	[tilespmem:s2+$0xFFFFFF00] =	vst v12;
	v11 =	vmul.f32 $8.000000000e+00, v13  }
0x2c3: {  	[tilespmem:s2+$0xFFFFFF80] =	vst v9;
	v9 =	vmul.f32 $8.000000000e+00, v10  }
0x2c4: {  	[tilespmem:s2+$0x0] =	vst v11;
	v10 =	vmul.f32 $8.000000000e+00, v15  }
0x2c5: {  	v8 =	vmul.f32 $8.000000000e+00, v8;
	[tilespmem:s2+$0x80] =	vst v9  }
0x2c6: {  	[tilespmem:s2+$0x100] =	vst v10  }
0x2c7: {  	[tilespmem:s2+$0xFFFFFE00] =	vst v8  }
0x2c8: {  	v8 =	vld [tilespmem:$0x31C0];
	_ =	sdelay $0x3  }
0x2c9: {  	s0 =	simm.s32 $0x7  }
0x2ca: {  	s2 =	simm.s32 $0x1;
	v9 =	vadd.s32 s0, v8  }
0x2cb: {  	v10 =	vadd.s32 s2, v8;
	s2 =	simm.s32 $0x2;
	v9 =	vadd.s32 v4, v9  }
0x2cc: {  	v10 =	vadd.s32 v4, v10;
	v11 =	vadd.s32 s2, v8;
	s2 =	simm.s32 $0x3  }
0x2cd: {  	v11 =	vadd.s32 v4, v11;
	v12 =	vadd.s32 s2, v8;
	s2 =	simm.s32 $0x4  }
0x2ce: {  	v12 =	vadd.s32 v4, v12;
	v13 =	vadd.s32 s2, v8;
	s2 =	simm.s32 $0x5  }
0x2cf: {  	s0 =	simm.s32 $0x6;
	v13 =	vadd.s32 v4, v13;
	v14 =	vadd.s32 s2, v8  }
0x2d0: {  	s2 =	simm.s32 $0x0;
	v15 =	vadd.s32 v4, v14;
	v14 =	vadd.s32 s0, v8;
	v16 =	vld.idx.msk [tilespmem:v9+s16+$0x0], $0xffff  }
0x2d1: {  	s0 =	simm.s32 $0xF;
	v9 =	vadd.s32 s2, v8;
	v10 =	vld.idx.msk [tilespmem:v10+s16+$0x0], $0xffff;
	v17 =	vadd.s32 v4, v14  }
0x2d2: {  	s2 =	simm.s32 $0x9;
	v14 =	vadd.s32 s0, v8;
	v19 =	vadd.s32 v4, v9;
	v11 =	vld.idx.msk [tilespmem:v11+s16+$0x0], $0xffff  }
0x2d3: {  	v9 =	vadd.s32 s2, v8;
	s2 =	simm.s32 $0xA;
	v20 =	vadd.s32 v4, v14;
	v21 =	vld.idx.msk [tilespmem:v12+s16+$0x0], $0xffff  }
0x2d4: {  	v23 =	vadd.s32 v4, v9;
	v9 =	vadd.s32 s2, v8;
	s2 =	simm.s32 $0xB;
	v14 =	vld.idx.msk [tilespmem:v13+s16+$0x0], $0xffff  }
0x2d5: {  	v18 =	vadd.s32 v4, v9;
	v9 =	vadd.s32 s2, v8;
	s2 =	simm.s32 $0xC;
	v12 =	vld.idx.msk [tilespmem:v15+s16+$0x0], $0xffff  }
0x2d6: {  	v15 =	vadd.s32 v4, v9;
	v13 =	vadd.s32 s2, v8;
	s2 =	simm.s32 $0xD;
	v9 =	vld.idx.msk [tilespmem:v17+s16+$0x0], $0xffff;
	v22 =	vmul.f32 $8.000000000e+00, v16  }
0x2d7: {  	s29 =	simm.s32 $0xD440;
	s0 =	simm.s32 $0xE;
	v16 =	vadd.s32 v4, v13;
	v17 =	vadd.s32 s2, v8;
	v24 =	vmul.f32 $8.000000000e+00, v10;
	v13 =	vld.idx.msk [tilespmem:v19+s16+$0x0], $0xffff  }
0x2d8: {  	s2 =	simm.s32 $0x8;
	v17 =	vadd.s32 v4, v17;
	v19 =	vadd.s32 s0, v8;
	v10 =	vld.idx.msk [tilespmem:v20+s16+$0x0], $0xffff;
	v20 =	vmul.f32 $8.000000000e+00, v11;
	[tilespmem:s29+$0x180] =	vst v22  }
0x2d9: {  	s31 =	simm.s32 $0x18;
	s30 =	simm.s32 $0x10;
	s0 =	simm.s32 $0x17;
	v22 =	vadd.s32 s2, v8;
	v11 =	vld.idx.msk [tilespmem:v23+s16+$0x0], $0xffff;
	v19 =	vadd.s32 v4, v19;
	[tilespmem:s29+$0xFFFFFE80] =	vst v24;
	v21 =	vmul.f32 $8.000000000e+00, v21  }
.LBB2_31:
0x2da: {  	p0 =	slt.u32 s31, $0x38;
	s2 =	sadd.s32 $0x1, s30;
	v23 =	vadd.s32 s0, v8;
	v22 =	vadd.s32 v4, v22;
	v24 =	vld.idx.msk [tilespmem:v18+s16+$0x0], $0xffff;
	[tilespmem:s29+$0xFFFFFF00] =	vst v20;
	v18 =	vmul.f32 $8.000000000e+00, v14  }
0x2db: {  	s0 =	sadd.s32 $0x2, s30;
	v14 =	vadd.s32 s2, v8;
	v20 =	vadd.s32 v4, v23;
	v23 =	vld.idx.msk [tilespmem:v15+s16+$0x0], $0xffff;
	[tilespmem:s29+$0xFFFFFF80] =	vst v21;
	v15 =	vmul.f32 $8.000000000e+00, v12  }
0x2dc: {  	v12 =	vadd.s32 s0, v8;
	s0 =	sadd.s32 $0x3, s30;
	v21 =	vadd.s32 v4, v14;
	v14 =	vld.idx.msk [tilespmem:v16+s16+$0x0], $0xffff;
	[tilespmem:s29+$0x0] =	vst v18;
	v16 =	vmul.f32 $8.000000000e+00, v9  }
.Ltmp17:
0x2dd: {  	v18 =	vadd.s32 v4, v12;
	v9 =	vadd.s32 s0, v8;
	s0 =	sadd.s32 $0x4, s30;
	v12 =	vld.idx.msk [tilespmem:v17+s16+$0x0], $0xffff;
	v17 =	vmul.f32 $8.000000000e+00, v13;
	[tilespmem:s29+$0x80] =	vst v15;
	(pc) =	sbr.rel @p0 .LBB2_31-.Ltmp17, $4  }
0x2de: {  	v15 =	vadd.s32 v4, v9;
	v13 =	vadd.s32 s0, v8;
	s0 =	sadd.s32 $0x5, s30;
	v9 =	vld.idx.msk [tilespmem:v19+s16+$0x0], $0xffff;
	v19 =	vmul.f32 $8.000000000e+00, v10;
	[tilespmem:s29+$0x100] =	vst v16  }
0x2df: {  	v16 =	vadd.s32 v4, v13;
	v10 =	vadd.s32 s0, v8;
	s0 =	sadd.s32 $0x6, s30;
	v25 =	vmul.f32 $8.000000000e+00, v11;
	v13 =	vld.idx.msk [tilespmem:v22+s16+$0x0], $0xffff;
	[tilespmem:s29+$0xFFFFFE00] =	vst v17;
	s29 =	sadd.s32 $0x400, s29  }
0x2e0: {  	v17 =	vadd.s32 v4, v10;
	v26 =	vadd.s32 s0, v8;
	v10 =	vld.idx.msk [tilespmem:v20+s16+$0x0], $0xffff;
	v20 =	vmul.f32 $8.000000000e+00, v24;
	[tilespmem:s29+$0x180] =	vst v19  }
0x2e1: {  	s0 =	sadd.s32 $0x7, s31;
	v22 =	vadd.s32 s30, v8;
	s30 =	smov.u32 s31;
	s31 =	sadd.s32 $0x8, s31;
	v19 =	vadd.s32 v4, v26;
	v11 =	vld.idx.msk [tilespmem:v21+s16+$0x0], $0xffff;
	[tilespmem:s29+$0xFFFFFE80] =	vst v25;
	v21 =	vmul.f32 $8.000000000e+00, v23  }
0x2e2: {  	_ =	sdelay $0x2  }
0x2e3: {  	[tilespmem:s29+$0xFFFFFF00] =	vst v20;
	v14 =	vmul.f32 $8.000000000e+00, v14  }
0x2e4: {  	s2 =	sadd.s32 $0x1, s30;
	v20 =	vadd.s32 s0, v8;
	v22 =	vadd.s32 v4, v22;
	v18 =	vld.idx.msk [tilespmem:v18+s16+$0x0], $0xffff;
	v12 =	vmul.f32 $8.000000000e+00, v12;
	[tilespmem:s29+$0xFFFFFF80] =	vst v21  }
0x2e5: {  	v16 =	vld.idx.msk [tilespmem:v16+s16+$0x0], $0xffff;
	v21 =	vadd.s32 s2, v8;
	s2 =	sadd.s32 $0x2, s30;
	v20 =	vadd.s32 v4, v20;
	v9 =	vmul.f32 $8.000000000e+00, v9;
	[tilespmem:s29+$0x0] =	vst v14  }
0x2e6: {  	v15 =	vld.idx.msk [tilespmem:v15+s16+$0x0], $0xffff;
	v14 =	vadd.s32 v4, v21;
	v21 =	vadd.s32 s2, v8;
	s2 =	sadd.s32 $0x3, s30;
	v13 =	vmul.f32 $8.000000000e+00, v13;
	[tilespmem:s29+$0x80] =	vst v12  }
0x2e7: {  	v19 =	vld.idx.msk [tilespmem:v19+s16+$0x0], $0xffff;
	v12 =	vadd.s32 v4, v21;
	v21 =	vadd.s32 s2, v8;
	s2 =	sadd.s32 $0x4, s30;
	v10 =	vmul.f32 $8.000000000e+00, v10;
	[tilespmem:s29+$0x100] =	vst v9  }
0x2e8: {  	v17 =	vld.idx.msk [tilespmem:v17+s16+$0x0], $0xffff;
	s0 =	sadd.s32 $0x5, s30;
	v9 =	vadd.s32 v4, v21;
	v21 =	vadd.s32 s2, v8;
	v11 =	vmul.f32 $8.000000000e+00, v11;
	[tilespmem:s29+$0xFFFFFE00] =	vst v13;
	s2 =	sadd.s32 $0x400, s29  }
0x2e9: {  	v13 =	vadd.s32 v4, v21;
	v21 =	vadd.s32 s0, v8;
	s0 =	sadd.s32 $0x6, s30;
	v22 =	vld.idx.msk [tilespmem:v22+s16+$0x0], $0xffff;
	v18 =	vmul.f32 $8.000000000e+00, v18;
	[tilespmem:s2+$0x180] =	vst v10  }
0x2ea: {  	v16 =	vmul.f32 $8.000000000e+00, v16;
	v10 =	vadd.s32 v4, v21;
	v21 =	vadd.s32 s0, v8;
	v20 =	vld.idx.msk [tilespmem:v20+s16+$0x0], $0xffff;
	[tilespmem:s2+$0xFFFFFE80] =	vst v11  }
0x2eb: {  	v11 =	vmul.f32 $8.000000000e+00, v15;
	v8 =	vadd.s32 s30, v8;
	v14 =	vld.idx.msk [tilespmem:v14+s16+$0x0], $0xffff;
	v15 =	vadd.s32 v4, v21;
	[tilespmem:s2+$0xFFFFFF00] =	vst v18  }
0x2ec: {  	v8 =	vadd.s32 v4, v8;
	[tilespmem:s2+$0x0] =	vst v16;
	v16 =	vmul.f32 $8.000000000e+00, v19;
	v12 =	vld.idx.msk [tilespmem:v12+s16+$0x0], $0xffff  }
0x2ed: {  	[tilespmem:s2+$0xFFFFFF80] =	vst v11;
	v11 =	vmul.f32 $8.000000000e+00, v17;
	v9 =	vld.idx.msk [tilespmem:v9+s16+$0x0], $0xffff  }
0x2ee: {  	[tilespmem:s2+$0x100] =	vst v16;
	v13 =	vld.idx.msk [tilespmem:v13+s16+$0x0], $0xffff;
	v17 =	vmul.f32 $8.000000000e+00, v22  }
0x2ef: {  	[tilespmem:s2+$0x80] =	vst v11;
	v10 =	vld.idx.msk [tilespmem:v10+s16+$0x0], $0xffff;
	v11 =	vmul.f32 $8.000000000e+00, v20  }
0x2f0: {  	v15 =	vld.idx.msk [tilespmem:v15+s16+$0x0], $0xffff;
	v14 =	vmul.f32 $8.000000000e+00, v14;
	[tilespmem:s2+$0xFFFFFE00] =	vst v17;
	s2 =	sadd.s32 $0x400, s2  }
0x2f1: {  	v8 =	vld.idx.msk [tilespmem:v8+s16+$0x0], $0xffff;
	v12 =	vmul.f32 $8.000000000e+00, v12;
	[tilespmem:s2+$0x180] =	vst v11  }
0x2f2: {  	[tilespmem:s2+$0xFFFFFE80] =	vst v14;
	v9 =	vmul.f32 $8.000000000e+00, v9  }
0x2f3: {  	[tilespmem:s2+$0xFFFFFF00] =	vst v12;
	v11 =	vmul.f32 $8.000000000e+00, v13  }
0x2f4: {  	[tilespmem:s2+$0xFFFFFF80] =	vst v9;
	v9 =	vmul.f32 $8.000000000e+00, v10  }
0x2f5: {  	[tilespmem:s2+$0x0] =	vst v11;
	v10 =	vmul.f32 $8.000000000e+00, v15  }
0x2f6: {  	v8 =	vmul.f32 $8.000000000e+00, v8;
	[tilespmem:s2+$0x80] =	vst v9  }
0x2f7: {  	[tilespmem:s2+$0x100] =	vst v10  }
0x2f8: {  	[tilespmem:s2+$0xFFFFFE00] =	vst v8  }
0x2f9: {  	v8 =	vld [tilespmem:$0x31D0];
	_ =	sdelay $0x3  }
0x2fa: {  	s0 =	simm.s32 $0x7  }
0x2fb: {  	s2 =	simm.s32 $0x1;
	v9 =	vadd.s32 s0, v8  }
0x2fc: {  	v10 =	vadd.s32 s2, v8;
	s2 =	simm.s32 $0x2;
	v9 =	vadd.s32 v5, v9  }
0x2fd: {  	v10 =	vadd.s32 v5, v10;
	v11 =	vadd.s32 s2, v8;
	s2 =	simm.s32 $0x3  }
0x2fe: {  	v11 =	vadd.s32 v5, v11;
	v12 =	vadd.s32 s2, v8;
	s2 =	simm.s32 $0x4  }
0x2ff: {  	v12 =	vadd.s32 v5, v12;
	v13 =	vadd.s32 s2, v8;
	s2 =	simm.s32 $0x5  }
0x300: {  	s0 =	simm.s32 $0x6;
	v13 =	vadd.s32 v5, v13;
	v14 =	vadd.s32 s2, v8  }
0x301: {  	s2 =	simm.s32 $0x0;
	v15 =	vadd.s32 v5, v14;
	v14 =	vadd.s32 s0, v8;
	v16 =	vld.idx.msk [tilespmem:v9+s16+$0x0], $0xffff  }
0x302: {  	s0 =	simm.s32 $0xF;
	v9 =	vadd.s32 s2, v8;
	v10 =	vld.idx.msk [tilespmem:v10+s16+$0x0], $0xffff;
	v17 =	vadd.s32 v5, v14  }
0x303: {  	s2 =	simm.s32 $0x9;
	v14 =	vadd.s32 s0, v8;
	v19 =	vadd.s32 v5, v9;
	v11 =	vld.idx.msk [tilespmem:v11+s16+$0x0], $0xffff  }
0x304: {  	v9 =	vadd.s32 s2, v8;
	s2 =	simm.s32 $0xA;
	v20 =	vadd.s32 v5, v14;
	v21 =	vld.idx.msk [tilespmem:v12+s16+$0x0], $0xffff  }
0x305: {  	v23 =	vadd.s32 v5, v9;
	v9 =	vadd.s32 s2, v8;
	s2 =	simm.s32 $0xB;
	v14 =	vld.idx.msk [tilespmem:v13+s16+$0x0], $0xffff  }
0x306: {  	v18 =	vadd.s32 v5, v9;
	v9 =	vadd.s32 s2, v8;
	s2 =	simm.s32 $0xC;
	v12 =	vld.idx.msk [tilespmem:v15+s16+$0x0], $0xffff  }
0x307: {  	v15 =	vadd.s32 v5, v9;
	v13 =	vadd.s32 s2, v8;
	s2 =	simm.s32 $0xD;
	v9 =	vld.idx.msk [tilespmem:v17+s16+$0x0], $0xffff;
	v22 =	vmul.f32 $8.000000000e+00, v16  }
0x308: {  	s29 =	simm.s32 $0xD450;
	s0 =	simm.s32 $0xE;
	v16 =	vadd.s32 v5, v13;
	v17 =	vadd.s32 s2, v8;
	v24 =	vmul.f32 $8.000000000e+00, v10;
	v13 =	vld.idx.msk [tilespmem:v19+s16+$0x0], $0xffff  }
0x309: {  	s2 =	simm.s32 $0x8;
	v17 =	vadd.s32 v5, v17;
	v19 =	vadd.s32 s0, v8;
	v10 =	vld.idx.msk [tilespmem:v20+s16+$0x0], $0xffff;
	v20 =	vmul.f32 $8.000000000e+00, v11;
	[tilespmem:s29+$0x180] =	vst v22  }
0x30a: {  	s31 =	simm.s32 $0x18;
	s30 =	simm.s32 $0x10;
	s0 =	simm.s32 $0x17;
	v22 =	vadd.s32 s2, v8;
	v11 =	vld.idx.msk [tilespmem:v23+s16+$0x0], $0xffff;
	v19 =	vadd.s32 v5, v19;
	[tilespmem:s29+$0xFFFFFE80] =	vst v24;
	v21 =	vmul.f32 $8.000000000e+00, v21  }
.LBB2_33:
0x30b: {  	p0 =	slt.u32 s31, $0x38;
	s2 =	sadd.s32 $0x1, s30;
	v23 =	vadd.s32 s0, v8;
	v22 =	vadd.s32 v5, v22;
	v24 =	vld.idx.msk [tilespmem:v18+s16+$0x0], $0xffff;
	[tilespmem:s29+$0xFFFFFF00] =	vst v20;
	v18 =	vmul.f32 $8.000000000e+00, v14  }
0x30c: {  	s0 =	sadd.s32 $0x2, s30;
	v14 =	vadd.s32 s2, v8;
	v20 =	vadd.s32 v5, v23;
	v23 =	vld.idx.msk [tilespmem:v15+s16+$0x0], $0xffff;
	[tilespmem:s29+$0xFFFFFF80] =	vst v21;
	v15 =	vmul.f32 $8.000000000e+00, v12  }
0x30d: {  	v12 =	vadd.s32 s0, v8;
	s0 =	sadd.s32 $0x3, s30;
	v21 =	vadd.s32 v5, v14;
	v14 =	vld.idx.msk [tilespmem:v16+s16+$0x0], $0xffff;
	[tilespmem:s29+$0x0] =	vst v18;
	v16 =	vmul.f32 $8.000000000e+00, v9  }
.Ltmp18:
0x30e: {  	v18 =	vadd.s32 v5, v12;
	v9 =	vadd.s32 s0, v8;
	s0 =	sadd.s32 $0x4, s30;
	v12 =	vld.idx.msk [tilespmem:v17+s16+$0x0], $0xffff;
	v17 =	vmul.f32 $8.000000000e+00, v13;
	[tilespmem:s29+$0x80] =	vst v15;
	(pc) =	sbr.rel @p0 .LBB2_33-.Ltmp18, $4  }
0x30f: {  	v15 =	vadd.s32 v5, v9;
	v13 =	vadd.s32 s0, v8;
	s0 =	sadd.s32 $0x5, s30;
	v9 =	vld.idx.msk [tilespmem:v19+s16+$0x0], $0xffff;
	v19 =	vmul.f32 $8.000000000e+00, v10;
	[tilespmem:s29+$0x100] =	vst v16  }
0x310: {  	v16 =	vadd.s32 v5, v13;
	v10 =	vadd.s32 s0, v8;
	s0 =	sadd.s32 $0x6, s30;
	v25 =	vmul.f32 $8.000000000e+00, v11;
	v13 =	vld.idx.msk [tilespmem:v22+s16+$0x0], $0xffff;
	[tilespmem:s29+$0xFFFFFE00] =	vst v17;
	s29 =	sadd.s32 $0x400, s29  }
0x311: {  	v17 =	vadd.s32 v5, v10;
	v26 =	vadd.s32 s0, v8;
	v10 =	vld.idx.msk [tilespmem:v20+s16+$0x0], $0xffff;
	v20 =	vmul.f32 $8.000000000e+00, v24;
	[tilespmem:s29+$0x180] =	vst v19  }
0x312: {  	s0 =	sadd.s32 $0x7, s31;
	v22 =	vadd.s32 s30, v8;
	s30 =	smov.u32 s31;
	s31 =	sadd.s32 $0x8, s31;
	v19 =	vadd.s32 v5, v26;
	v11 =	vld.idx.msk [tilespmem:v21+s16+$0x0], $0xffff;
	[tilespmem:s29+$0xFFFFFE80] =	vst v25;
	v21 =	vmul.f32 $8.000000000e+00, v23  }
0x313: {  	_ =	sdelay $0x2  }
0x314: {  	[tilespmem:s29+$0xFFFFFF00] =	vst v20;
	v14 =	vmul.f32 $8.000000000e+00, v14  }
0x315: {  	s2 =	sadd.s32 $0x1, s30;
	v20 =	vadd.s32 s0, v8;
	v22 =	vadd.s32 v5, v22;
	v18 =	vld.idx.msk [tilespmem:v18+s16+$0x0], $0xffff;
	v12 =	vmul.f32 $8.000000000e+00, v12;
	[tilespmem:s29+$0xFFFFFF80] =	vst v21  }
0x316: {  	v16 =	vld.idx.msk [tilespmem:v16+s16+$0x0], $0xffff;
	v21 =	vadd.s32 s2, v8;
	s2 =	sadd.s32 $0x2, s30;
	v20 =	vadd.s32 v5, v20;
	v9 =	vmul.f32 $8.000000000e+00, v9;
	[tilespmem:s29+$0x0] =	vst v14  }
0x317: {  	v15 =	vld.idx.msk [tilespmem:v15+s16+$0x0], $0xffff;
	v14 =	vadd.s32 v5, v21;
	v21 =	vadd.s32 s2, v8;
	s2 =	sadd.s32 $0x3, s30;
	v13 =	vmul.f32 $8.000000000e+00, v13;
	[tilespmem:s29+$0x80] =	vst v12  }
0x318: {  	v19 =	vld.idx.msk [tilespmem:v19+s16+$0x0], $0xffff;
	v12 =	vadd.s32 v5, v21;
	v21 =	vadd.s32 s2, v8;
	s2 =	sadd.s32 $0x4, s30;
	v10 =	vmul.f32 $8.000000000e+00, v10;
	[tilespmem:s29+$0x100] =	vst v9  }
0x319: {  	v17 =	vld.idx.msk [tilespmem:v17+s16+$0x0], $0xffff;
	s0 =	sadd.s32 $0x5, s30;
	v9 =	vadd.s32 v5, v21;
	v21 =	vadd.s32 s2, v8;
	v11 =	vmul.f32 $8.000000000e+00, v11;
	[tilespmem:s29+$0xFFFFFE00] =	vst v13;
	s2 =	sadd.s32 $0x400, s29  }
0x31a: {  	v13 =	vadd.s32 v5, v21;
	v21 =	vadd.s32 s0, v8;
	s0 =	sadd.s32 $0x6, s30;
	v22 =	vld.idx.msk [tilespmem:v22+s16+$0x0], $0xffff;
	v18 =	vmul.f32 $8.000000000e+00, v18;
	[tilespmem:s2+$0x180] =	vst v10  }
0x31b: {  	v16 =	vmul.f32 $8.000000000e+00, v16;
	v10 =	vadd.s32 v5, v21;
	v21 =	vadd.s32 s0, v8;
	v20 =	vld.idx.msk [tilespmem:v20+s16+$0x0], $0xffff;
	[tilespmem:s2+$0xFFFFFE80] =	vst v11  }
0x31c: {  	v11 =	vmul.f32 $8.000000000e+00, v15;
	v8 =	vadd.s32 s30, v8;
	v14 =	vld.idx.msk [tilespmem:v14+s16+$0x0], $0xffff;
	v15 =	vadd.s32 v5, v21;
	[tilespmem:s2+$0xFFFFFF00] =	vst v18  }
0x31d: {  	v8 =	vadd.s32 v5, v8;
	[tilespmem:s2+$0x0] =	vst v16;
	v16 =	vmul.f32 $8.000000000e+00, v19;
	v12 =	vld.idx.msk [tilespmem:v12+s16+$0x0], $0xffff  }
0x31e: {  	[tilespmem:s2+$0xFFFFFF80] =	vst v11;
	v11 =	vmul.f32 $8.000000000e+00, v17;
	v9 =	vld.idx.msk [tilespmem:v9+s16+$0x0], $0xffff  }
0x31f: {  	[tilespmem:s2+$0x100] =	vst v16;
	v13 =	vld.idx.msk [tilespmem:v13+s16+$0x0], $0xffff;
	v17 =	vmul.f32 $8.000000000e+00, v22  }
0x320: {  	[tilespmem:s2+$0x80] =	vst v11;
	v10 =	vld.idx.msk [tilespmem:v10+s16+$0x0], $0xffff;
	v11 =	vmul.f32 $8.000000000e+00, v20  }
0x321: {  	v15 =	vld.idx.msk [tilespmem:v15+s16+$0x0], $0xffff;
	v14 =	vmul.f32 $8.000000000e+00, v14;
	[tilespmem:s2+$0xFFFFFE00] =	vst v17;
	s2 =	sadd.s32 $0x400, s2  }
0x322: {  	v8 =	vld.idx.msk [tilespmem:v8+s16+$0x0], $0xffff;
	v12 =	vmul.f32 $8.000000000e+00, v12;
	[tilespmem:s2+$0x180] =	vst v11  }
0x323: {  	[tilespmem:s2+$0xFFFFFE80] =	vst v14;
	v9 =	vmul.f32 $8.000000000e+00, v9  }
0x324: {  	[tilespmem:s2+$0xFFFFFF00] =	vst v12;
	v11 =	vmul.f32 $8.000000000e+00, v13  }
0x325: {  	[tilespmem:s2+$0xFFFFFF80] =	vst v9;
	v9 =	vmul.f32 $8.000000000e+00, v10  }
0x326: {  	[tilespmem:s2+$0x0] =	vst v11;
	v10 =	vmul.f32 $8.000000000e+00, v15  }
0x327: {  	v8 =	vmul.f32 $8.000000000e+00, v8;
	[tilespmem:s2+$0x80] =	vst v9  }
0x328: {  	[tilespmem:s2+$0x100] =	vst v10  }
0x329: {  	[tilespmem:s2+$0xFFFFFE00] =	vst v8  }
0x32a: {  	v8 =	vld [tilespmem:$0x31E0];
	_ =	sdelay $0x3  }
0x32b: {  	s0 =	simm.s32 $0x7  }
0x32c: {  	s2 =	simm.s32 $0x1;
	v9 =	vadd.s32 s0, v8  }
0x32d: {  	v10 =	vadd.s32 s2, v8;
	s2 =	simm.s32 $0x2;
	v9 =	vadd.s32 v6, v9  }
0x32e: {  	v10 =	vadd.s32 v6, v10;
	v11 =	vadd.s32 s2, v8;
	s2 =	simm.s32 $0x3  }
0x32f: {  	v11 =	vadd.s32 v6, v11;
	v12 =	vadd.s32 s2, v8;
	s2 =	simm.s32 $0x4  }
0x330: {  	v12 =	vadd.s32 v6, v12;
	v13 =	vadd.s32 s2, v8;
	s2 =	simm.s32 $0x5  }
0x331: {  	s0 =	simm.s32 $0x6;
	v13 =	vadd.s32 v6, v13;
	v14 =	vadd.s32 s2, v8  }
0x332: {  	s2 =	simm.s32 $0x0;
	v15 =	vadd.s32 v6, v14;
	v14 =	vadd.s32 s0, v8;
	v16 =	vld.idx.msk [tilespmem:v9+s16+$0x0], $0xffff  }
0x333: {  	s0 =	simm.s32 $0xF;
	v9 =	vadd.s32 s2, v8;
	v10 =	vld.idx.msk [tilespmem:v10+s16+$0x0], $0xffff;
	v17 =	vadd.s32 v6, v14  }
0x334: {  	s2 =	simm.s32 $0x9;
	v14 =	vadd.s32 s0, v8;
	v19 =	vadd.s32 v6, v9;
	v11 =	vld.idx.msk [tilespmem:v11+s16+$0x0], $0xffff  }
0x335: {  	v9 =	vadd.s32 s2, v8;
	s2 =	simm.s32 $0xA;
	v20 =	vadd.s32 v6, v14;
	v21 =	vld.idx.msk [tilespmem:v12+s16+$0x0], $0xffff  }
0x336: {  	v23 =	vadd.s32 v6, v9;
	v9 =	vadd.s32 s2, v8;
	s2 =	simm.s32 $0xB;
	v14 =	vld.idx.msk [tilespmem:v13+s16+$0x0], $0xffff  }
0x337: {  	v18 =	vadd.s32 v6, v9;
	v9 =	vadd.s32 s2, v8;
	s2 =	simm.s32 $0xC;
	v12 =	vld.idx.msk [tilespmem:v15+s16+$0x0], $0xffff  }
0x338: {  	v15 =	vadd.s32 v6, v9;
	v13 =	vadd.s32 s2, v8;
	s2 =	simm.s32 $0xD;
	v9 =	vld.idx.msk [tilespmem:v17+s16+$0x0], $0xffff;
	v22 =	vmul.f32 $8.000000000e+00, v16  }
0x339: {  	s29 =	simm.s32 $0xD460;
	s0 =	simm.s32 $0xE;
	v16 =	vadd.s32 v6, v13;
	v17 =	vadd.s32 s2, v8;
	v24 =	vmul.f32 $8.000000000e+00, v10;
	v13 =	vld.idx.msk [tilespmem:v19+s16+$0x0], $0xffff  }
0x33a: {  	s2 =	simm.s32 $0x8;
	v17 =	vadd.s32 v6, v17;
	v19 =	vadd.s32 s0, v8;
	v10 =	vld.idx.msk [tilespmem:v20+s16+$0x0], $0xffff;
	v20 =	vmul.f32 $8.000000000e+00, v11;
	[tilespmem:s29+$0x180] =	vst v22  }
0x33b: {  	s31 =	simm.s32 $0x18;
	s30 =	simm.s32 $0x10;
	s0 =	simm.s32 $0x17;
	v22 =	vadd.s32 s2, v8;
	v11 =	vld.idx.msk [tilespmem:v23+s16+$0x0], $0xffff;
	v19 =	vadd.s32 v6, v19;
	[tilespmem:s29+$0xFFFFFE80] =	vst v24;
	v21 =	vmul.f32 $8.000000000e+00, v21  }
.LBB2_35:
0x33c: {  	p0 =	slt.u32 s31, $0x38;
	s2 =	sadd.s32 $0x1, s30;
	v23 =	vadd.s32 s0, v8;
	v22 =	vadd.s32 v6, v22;
	v24 =	vld.idx.msk [tilespmem:v18+s16+$0x0], $0xffff;
	[tilespmem:s29+$0xFFFFFF00] =	vst v20;
	v18 =	vmul.f32 $8.000000000e+00, v14  }
0x33d: {  	s0 =	sadd.s32 $0x2, s30;
	v14 =	vadd.s32 s2, v8;
	v20 =	vadd.s32 v6, v23;
	v23 =	vld.idx.msk [tilespmem:v15+s16+$0x0], $0xffff;
	[tilespmem:s29+$0xFFFFFF80] =	vst v21;
	v15 =	vmul.f32 $8.000000000e+00, v12  }
0x33e: {  	v12 =	vadd.s32 s0, v8;
	s0 =	sadd.s32 $0x3, s30;
	v21 =	vadd.s32 v6, v14;
	v14 =	vld.idx.msk [tilespmem:v16+s16+$0x0], $0xffff;
	[tilespmem:s29+$0x0] =	vst v18;
	v16 =	vmul.f32 $8.000000000e+00, v9  }
.Ltmp19:
0x33f: {  	v18 =	vadd.s32 v6, v12;
	v9 =	vadd.s32 s0, v8;
	s0 =	sadd.s32 $0x4, s30;
	v12 =	vld.idx.msk [tilespmem:v17+s16+$0x0], $0xffff;
	v17 =	vmul.f32 $8.000000000e+00, v13;
	[tilespmem:s29+$0x80] =	vst v15;
	(pc) =	sbr.rel @p0 .LBB2_35-.Ltmp19, $4  }
0x340: {  	v15 =	vadd.s32 v6, v9;
	v13 =	vadd.s32 s0, v8;
	s0 =	sadd.s32 $0x5, s30;
	v9 =	vld.idx.msk [tilespmem:v19+s16+$0x0], $0xffff;
	v19 =	vmul.f32 $8.000000000e+00, v10;
	[tilespmem:s29+$0x100] =	vst v16  }
0x341: {  	v16 =	vadd.s32 v6, v13;
	v10 =	vadd.s32 s0, v8;
	s0 =	sadd.s32 $0x6, s30;
	v25 =	vmul.f32 $8.000000000e+00, v11;
	v13 =	vld.idx.msk [tilespmem:v22+s16+$0x0], $0xffff;
	[tilespmem:s29+$0xFFFFFE00] =	vst v17;
	s29 =	sadd.s32 $0x400, s29  }
0x342: {  	v17 =	vadd.s32 v6, v10;
	v26 =	vadd.s32 s0, v8;
	v10 =	vld.idx.msk [tilespmem:v20+s16+$0x0], $0xffff;
	v20 =	vmul.f32 $8.000000000e+00, v24;
	[tilespmem:s29+$0x180] =	vst v19  }
0x343: {  	s0 =	sadd.s32 $0x7, s31;
	v22 =	vadd.s32 s30, v8;
	s30 =	smov.u32 s31;
	s31 =	sadd.s32 $0x8, s31;
	v19 =	vadd.s32 v6, v26;
	v11 =	vld.idx.msk [tilespmem:v21+s16+$0x0], $0xffff;
	[tilespmem:s29+$0xFFFFFE80] =	vst v25;
	v21 =	vmul.f32 $8.000000000e+00, v23  }
0x344: {  	_ =	sdelay $0x2  }
0x345: {  	[tilespmem:s29+$0xFFFFFF00] =	vst v20;
	v14 =	vmul.f32 $8.000000000e+00, v14  }
0x346: {  	s2 =	sadd.s32 $0x1, s30;
	v20 =	vadd.s32 s0, v8;
	v22 =	vadd.s32 v6, v22;
	v18 =	vld.idx.msk [tilespmem:v18+s16+$0x0], $0xffff;
	v12 =	vmul.f32 $8.000000000e+00, v12;
	[tilespmem:s29+$0xFFFFFF80] =	vst v21  }
0x347: {  	v16 =	vld.idx.msk [tilespmem:v16+s16+$0x0], $0xffff;
	v21 =	vadd.s32 s2, v8;
	s2 =	sadd.s32 $0x2, s30;
	v20 =	vadd.s32 v6, v20;
	v9 =	vmul.f32 $8.000000000e+00, v9;
	[tilespmem:s29+$0x0] =	vst v14  }
0x348: {  	v15 =	vld.idx.msk [tilespmem:v15+s16+$0x0], $0xffff;
	v14 =	vadd.s32 v6, v21;
	v21 =	vadd.s32 s2, v8;
	s2 =	sadd.s32 $0x3, s30;
	v13 =	vmul.f32 $8.000000000e+00, v13;
	[tilespmem:s29+$0x80] =	vst v12  }
0x349: {  	v19 =	vld.idx.msk [tilespmem:v19+s16+$0x0], $0xffff;
	v12 =	vadd.s32 v6, v21;
	v21 =	vadd.s32 s2, v8;
	s2 =	sadd.s32 $0x4, s30;
	v10 =	vmul.f32 $8.000000000e+00, v10;
	[tilespmem:s29+$0x100] =	vst v9  }
0x34a: {  	v17 =	vld.idx.msk [tilespmem:v17+s16+$0x0], $0xffff;
	s0 =	sadd.s32 $0x5, s30;
	v9 =	vadd.s32 v6, v21;
	v21 =	vadd.s32 s2, v8;
	v11 =	vmul.f32 $8.000000000e+00, v11;
	[tilespmem:s29+$0xFFFFFE00] =	vst v13;
	s2 =	sadd.s32 $0x400, s29  }
0x34b: {  	v13 =	vadd.s32 v6, v21;
	v21 =	vadd.s32 s0, v8;
	s0 =	sadd.s32 $0x6, s30;
	v22 =	vld.idx.msk [tilespmem:v22+s16+$0x0], $0xffff;
	v18 =	vmul.f32 $8.000000000e+00, v18;
	[tilespmem:s2+$0x180] =	vst v10  }
0x34c: {  	v16 =	vmul.f32 $8.000000000e+00, v16;
	v10 =	vadd.s32 v6, v21;
	v21 =	vadd.s32 s0, v8;
	v20 =	vld.idx.msk [tilespmem:v20+s16+$0x0], $0xffff;
	[tilespmem:s2+$0xFFFFFE80] =	vst v11  }
0x34d: {  	v11 =	vmul.f32 $8.000000000e+00, v15;
	v8 =	vadd.s32 s30, v8;
	v14 =	vld.idx.msk [tilespmem:v14+s16+$0x0], $0xffff;
	v15 =	vadd.s32 v6, v21;
	[tilespmem:s2+$0xFFFFFF00] =	vst v18  }
0x34e: {  	v8 =	vadd.s32 v6, v8;
	[tilespmem:s2+$0x0] =	vst v16;
	v16 =	vmul.f32 $8.000000000e+00, v19;
	v12 =	vld.idx.msk [tilespmem:v12+s16+$0x0], $0xffff  }
0x34f: {  	[tilespmem:s2+$0xFFFFFF80] =	vst v11;
	v11 =	vmul.f32 $8.000000000e+00, v17;
	v9 =	vld.idx.msk [tilespmem:v9+s16+$0x0], $0xffff  }
0x350: {  	[tilespmem:s2+$0x100] =	vst v16;
	v13 =	vld.idx.msk [tilespmem:v13+s16+$0x0], $0xffff;
	v17 =	vmul.f32 $8.000000000e+00, v22  }
0x351: {  	[tilespmem:s2+$0x80] =	vst v11;
	v10 =	vld.idx.msk [tilespmem:v10+s16+$0x0], $0xffff;
	v11 =	vmul.f32 $8.000000000e+00, v20  }
0x352: {  	v15 =	vld.idx.msk [tilespmem:v15+s16+$0x0], $0xffff;
	v14 =	vmul.f32 $8.000000000e+00, v14;
	[tilespmem:s2+$0xFFFFFE00] =	vst v17;
	s2 =	sadd.s32 $0x400, s2  }
0x353: {  	v8 =	vld.idx.msk [tilespmem:v8+s16+$0x0], $0xffff;
	v12 =	vmul.f32 $8.000000000e+00, v12;
	[tilespmem:s2+$0x180] =	vst v11  }
0x354: {  	[tilespmem:s2+$0xFFFFFE80] =	vst v14;
	v9 =	vmul.f32 $8.000000000e+00, v9  }
0x355: {  	[tilespmem:s2+$0xFFFFFF00] =	vst v12;
	v11 =	vmul.f32 $8.000000000e+00, v13  }
0x356: {  	[tilespmem:s2+$0xFFFFFF80] =	vst v9;
	v9 =	vmul.f32 $8.000000000e+00, v10  }
0x357: {  	[tilespmem:s2+$0x0] =	vst v11;
	v10 =	vmul.f32 $8.000000000e+00, v15  }
0x358: {  	v8 =	vmul.f32 $8.000000000e+00, v8;
	[tilespmem:s2+$0x80] =	vst v9  }
0x359: {  	[tilespmem:s2+$0x100] =	vst v10  }
0x35a: {  	[tilespmem:s2+$0xFFFFFE00] =	vst v8  }
0x35b: {  	v8 =	vld [tilespmem:$0x31F0];
	_ =	sdelay $0x3  }
0x35c: {  	s0 =	simm.s32 $0x7  }
0x35d: {  	s2 =	simm.s32 $0x1;
	v9 =	vadd.s32 s0, v8  }
0x35e: {  	v10 =	vadd.s32 s2, v8;
	s2 =	simm.s32 $0x2;
	v9 =	vadd.s32 v7, v9  }
0x35f: {  	v10 =	vadd.s32 v7, v10;
	v11 =	vadd.s32 s2, v8;
	s2 =	simm.s32 $0x3  }
0x360: {  	v11 =	vadd.s32 v7, v11;
	v12 =	vadd.s32 s2, v8;
	s2 =	simm.s32 $0x4  }
0x361: {  	v12 =	vadd.s32 v7, v12;
	v13 =	vadd.s32 s2, v8;
	s2 =	simm.s32 $0x5  }
0x362: {  	s0 =	simm.s32 $0x6;
	v13 =	vadd.s32 v7, v13;
	v14 =	vadd.s32 s2, v8  }
0x363: {  	s2 =	simm.s32 $0x0;
	v15 =	vadd.s32 v7, v14;
	v14 =	vadd.s32 s0, v8;
	v16 =	vld.idx.msk [tilespmem:v9+s16+$0x0], $0xffff  }
0x364: {  	s0 =	simm.s32 $0xF;
	v9 =	vadd.s32 s2, v8;
	v10 =	vld.idx.msk [tilespmem:v10+s16+$0x0], $0xffff;
	v17 =	vadd.s32 v7, v14  }
0x365: {  	s2 =	simm.s32 $0x9;
	v14 =	vadd.s32 s0, v8;
	v19 =	vadd.s32 v7, v9;
	v11 =	vld.idx.msk [tilespmem:v11+s16+$0x0], $0xffff  }
0x366: {  	v9 =	vadd.s32 s2, v8;
	s2 =	simm.s32 $0xA;
	v20 =	vadd.s32 v7, v14;
	v21 =	vld.idx.msk [tilespmem:v12+s16+$0x0], $0xffff  }
0x367: {  	v23 =	vadd.s32 v7, v9;
	v9 =	vadd.s32 s2, v8;
	s2 =	simm.s32 $0xB;
	v14 =	vld.idx.msk [tilespmem:v13+s16+$0x0], $0xffff  }
0x368: {  	v18 =	vadd.s32 v7, v9;
	v9 =	vadd.s32 s2, v8;
	s2 =	simm.s32 $0xC;
	v12 =	vld.idx.msk [tilespmem:v15+s16+$0x0], $0xffff  }
0x369: {  	v15 =	vadd.s32 v7, v9;
	v13 =	vadd.s32 s2, v8;
	s2 =	simm.s32 $0xD;
	v9 =	vld.idx.msk [tilespmem:v17+s16+$0x0], $0xffff;
	v22 =	vmul.f32 $8.000000000e+00, v16  }
0x36a: {  	s29 =	simm.s32 $0xD470;
	s0 =	simm.s32 $0xE;
	v16 =	vadd.s32 v7, v13;
	v17 =	vadd.s32 s2, v8;
	v24 =	vmul.f32 $8.000000000e+00, v10;
	v13 =	vld.idx.msk [tilespmem:v19+s16+$0x0], $0xffff  }
0x36b: {  	s2 =	simm.s32 $0x8;
	v17 =	vadd.s32 v7, v17;
	v19 =	vadd.s32 s0, v8;
	v10 =	vld.idx.msk [tilespmem:v20+s16+$0x0], $0xffff;
	v20 =	vmul.f32 $8.000000000e+00, v11;
	[tilespmem:s29+$0x180] =	vst v22  }
0x36c: {  	s31 =	simm.s32 $0x18;
	s30 =	simm.s32 $0x10;
	s0 =	simm.s32 $0x17;
	v22 =	vadd.s32 s2, v8;
	v11 =	vld.idx.msk [tilespmem:v23+s16+$0x0], $0xffff;
	v19 =	vadd.s32 v7, v19;
	[tilespmem:s29+$0xFFFFFE80] =	vst v24;
	v21 =	vmul.f32 $8.000000000e+00, v21  }
.LBB2_37:
0x36d: {  	p0 =	slt.u32 s31, $0x38;
	s2 =	sadd.s32 $0x1, s30;
	v23 =	vadd.s32 s0, v8;
	v22 =	vadd.s32 v7, v22;
	v24 =	vld.idx.msk [tilespmem:v18+s16+$0x0], $0xffff;
	[tilespmem:s29+$0xFFFFFF00] =	vst v20;
	v18 =	vmul.f32 $8.000000000e+00, v14  }
0x36e: {  	s0 =	sadd.s32 $0x2, s30;
	v14 =	vadd.s32 s2, v8;
	v20 =	vadd.s32 v7, v23;
	v23 =	vld.idx.msk [tilespmem:v15+s16+$0x0], $0xffff;
	[tilespmem:s29+$0xFFFFFF80] =	vst v21;
	v15 =	vmul.f32 $8.000000000e+00, v12  }
0x36f: {  	v12 =	vadd.s32 s0, v8;
	s0 =	sadd.s32 $0x3, s30;
	v21 =	vadd.s32 v7, v14;
	v14 =	vld.idx.msk [tilespmem:v16+s16+$0x0], $0xffff;
	[tilespmem:s29+$0x0] =	vst v18;
	v16 =	vmul.f32 $8.000000000e+00, v9  }
.Ltmp20:
0x370: {  	v18 =	vadd.s32 v7, v12;
	v9 =	vadd.s32 s0, v8;
	s0 =	sadd.s32 $0x4, s30;
	v12 =	vld.idx.msk [tilespmem:v17+s16+$0x0], $0xffff;
	v17 =	vmul.f32 $8.000000000e+00, v13;
	[tilespmem:s29+$0x80] =	vst v15;
	(pc) =	sbr.rel @p0 .LBB2_37-.Ltmp20, $4  }
0x371: {  	v15 =	vadd.s32 v7, v9;
	v13 =	vadd.s32 s0, v8;
	s0 =	sadd.s32 $0x5, s30;
	v9 =	vld.idx.msk [tilespmem:v19+s16+$0x0], $0xffff;
	v19 =	vmul.f32 $8.000000000e+00, v10;
	[tilespmem:s29+$0x100] =	vst v16  }
0x372: {  	v16 =	vadd.s32 v7, v13;
	v10 =	vadd.s32 s0, v8;
	s0 =	sadd.s32 $0x6, s30;
	v25 =	vmul.f32 $8.000000000e+00, v11;
	v13 =	vld.idx.msk [tilespmem:v22+s16+$0x0], $0xffff;
	[tilespmem:s29+$0xFFFFFE00] =	vst v17;
	s29 =	sadd.s32 $0x400, s29  }
0x373: {  	v17 =	vadd.s32 v7, v10;
	v26 =	vadd.s32 s0, v8;
	v10 =	vld.idx.msk [tilespmem:v20+s16+$0x0], $0xffff;
	v20 =	vmul.f32 $8.000000000e+00, v24;
	[tilespmem:s29+$0x180] =	vst v19  }
0x374: {  	s0 =	sadd.s32 $0x7, s31;
	v22 =	vadd.s32 s30, v8;
	s30 =	smov.u32 s31;
	s31 =	sadd.s32 $0x8, s31;
	v19 =	vadd.s32 v7, v26;
	v11 =	vld.idx.msk [tilespmem:v21+s16+$0x0], $0xffff;
	[tilespmem:s29+$0xFFFFFE80] =	vst v25;
	v21 =	vmul.f32 $8.000000000e+00, v23  }
0x375: {  	_ =	sdelay $0x2  }
0x376: {  	[tilespmem:s29+$0xFFFFFF00] =	vst v20;
	v14 =	vmul.f32 $8.000000000e+00, v14  }
0x377: {  	s2 =	sadd.s32 $0x1, s30;
	v43 =	vadd.s32 s0, v8;
	v22 =	vadd.s32 v7, v22;
	v18 =	vld.idx.msk [tilespmem:v18+s16+$0x0], $0xffff;
	v12 =	vmul.f32 $8.000000000e+00, v12;
	[tilespmem:s29+$0xFFFFFF80] =	vst v21  }
0x378: {  	s31 =	sadd.s32 $0x2, s30;
	v15 =	vld.idx.msk [tilespmem:v15+s16+$0x0], $0xffff;
	v44 =	vadd.s32 s2, v8;
	v20 =	vadd.s32 v7, v43;
	v9 =	vmul.f32 $8.000000000e+00, v9;
	[tilespmem:s29+$0x0] =	vst v14  }
0x379: {  	v16 =	vld.idx.msk [tilespmem:v16+s16+$0x0], $0xffff;
	v46 =	vadd.s32 s31, v8;
	s2 =	sadd.s32 $0x3, s30;
	v45 =	vadd.s32 v7, v44;
	v13 =	vmul.f32 $8.000000000e+00, v13;
	[tilespmem:s29+$0x80] =	vst v12  }
0x37a: {  	v17 =	vld.idx.msk [tilespmem:v17+s16+$0x0], $0xffff;
	s31 =	sadd.s32 $0x4, s30;
	v47 =	vadd.s32 v7, v46;
	v48 =	vadd.s32 s2, v8;
	v10 =	vmul.f32 $8.000000000e+00, v10;
	[tilespmem:s29+$0x100] =	vst v9  }
0x37b: {  	v19 =	vld.idx.msk [tilespmem:v19+s16+$0x0], $0xffff;
	v50 =	vadd.s32 s31, v8;
	s2 =	sadd.s32 $0x5, s30;
	s31 =	sadd.s32 $0x400, s29;
	v49 =	vadd.s32 v7, v48;
	v11 =	vmul.f32 $8.000000000e+00, v11;
	[tilespmem:s29+$0xFFFFFE00] =	vst v13  }
0x37c: {  	v51 =	vadd.s32 v7, v50;
	v52 =	vadd.s32 s2, v8;
	s29 =	sadd.s32 $0x6, s30;
	v22 =	vld.idx.msk [tilespmem:v22+s16+$0x0], $0xffff;
	v18 =	vmul.f32 $8.000000000e+00, v18;
	[tilespmem:s31+$0x180] =	vst v10  }
0x37d: {  	v53 =	vadd.s32 v7, v52;
	v54 =	vadd.s32 s29, v8;
	v55 =	vmul.f32 $8.000000000e+00, v15;
	v20 =	vld.idx.msk [tilespmem:v20+s16+$0x0], $0xffff;
	[tilespmem:s31+$0xFFFFFE80] =	vst v11  }
0x37e: {  	v8 =	vadd.s32 s30, v8;
	v16 =	vmul.f32 $8.000000000e+00, v16;
	v56 =	vadd.s32 v7, v54;
	v14 =	vld.idx.msk [tilespmem:v45+s16+$0x0], $0xffff;
	[tilespmem:s31+$0xFFFFFF00] =	vst v18  }
0x37f: {  	v57 =	vmul.f32 $8.000000000e+00, v17;
	v8 =	vadd.s32 v7, v8;
	v12 =	vld.idx.msk [tilespmem:v47+s16+$0x0], $0xffff;
	[tilespmem:s31+$0xFFFFFF80] =	vst v55  }
0x380: {  	v58 =	vmul.f32 $8.000000000e+00, v19;
	[tilespmem:s31+$0x0] =	vst v16;
	v9 =	vld.idx.msk [tilespmem:v49+s16+$0x0], $0xffff  }
0x381: {  	[tilespmem:s31+$0x80] =	vst v57;
	v13 =	vld.idx.msk [tilespmem:v51+s16+$0x0], $0xffff;
	v59 =	vmul.f32 $8.000000000e+00, v22  }
0x382: {  	[tilespmem:s31+$0x100] =	vst v58;
	v10 =	vld.idx.msk [tilespmem:v53+s16+$0x0], $0xffff;
	v60 =	vmul.f32 $8.000000000e+00, v20  }
0x383: {  	s30 =	sadd.s32 $0x400, s31;
	v15 =	vld.idx.msk [tilespmem:v56+s16+$0x0], $0xffff;
	v14 =	vmul.f32 $8.000000000e+00, v14;
	[tilespmem:s31+$0xFFFFFE00] =	vst v59  }
0x384: {  	v8 =	vld.idx.msk [tilespmem:v8+s16+$0x0], $0xffff;
	v12 =	vmul.f32 $8.000000000e+00, v12;
	[tilespmem:s30+$0x180] =	vst v60  }
0x385: {  	v9 =	vmul.f32 $8.000000000e+00, v9;
	[tilespmem:s30+$0xFFFFFE80] =	vst v14  }
0x386: {  	v61 =	vmul.f32 $8.000000000e+00, v13;
	[tilespmem:s30+$0xFFFFFF00] =	vst v12  }
0x387: {  	p0 =	seq.s32 s25, $0x27;
	v62 =	vmul.f32 $8.000000000e+00, v10;
	[tilespmem:s30+$0xFFFFFF80] =	vst v9  }
.Ltmp21:
0x388: {  	[tilespmem:s30+$0x0] =	vst v61;
	v63 =	vmul.f32 $8.000000000e+00, v15;
	(pc) =	sbr.rel @p0 .LBB2_40-.Ltmp21, $4  }
0x389: {  	v8 =	vmul.f32 $8.000000000e+00, v8;
	[tilespmem:s30+$0x80] =	vst v62  }
0x38a: {  	[tilespmem:s30+$0x100] =	vst v63  }
0x38b: {  	s31 =	sadd.s32 s28, s7;
	[tilespmem:s30+$0xFFFFFE00] =	vst v8  }
0x38c: {  	[hbm4b:s31+s18] =	stream.strided.scatter [tilespmem:s22], [sflag:$0x4], $0x2000, s10, s18, $0x38;
	[tilespmem:$0xF200] =	vst v63  }
0x38d: {  	s0 =	sadd.s32 $0x3, s26  }
0x38e: {  	s2 =	sshll.u32 s0, $0x7;
	s26 =	sshll.u32 s0, $0xA  }
0x38f: {  	s0 =	sshll.u32 s0, $0x5;
	s2 =	sand.u32 $0x7000, s2;
	s26 =	sand.u32 $0xC00, s26  }
0x390: {  	s0 =	sand.u32 $0x380, s0;
	s2 =	sor.u32 s26, s2  }
0x391: {  	s0 =	sor.u32 s0, s2  }
0x392: {  	v8 =	vld [tilespmem:s0+$0x0];
	_ =	sdelay $0x4  }
0x393: {  	v9 =	vshra.s32 v8, $0x1;
	v8 =	vshll.u32 v8, $0x6  }
0x394: {  	[tilespmem:$0x3080] =	vst v9;
	v8 =	vand.u32 $0x40, v8  }
0x395: {  	[tilespmem:$0x3180] =	vst v8  }
0x396: {  	v8 =	vld [tilespmem:s0+$0x10];
	_ =	sdelay $0x4  }
0x397: {  	v57 =	vshra.s32 v8, $0x1;
	v8 =	vshll.u32 v8, $0x6  }
0x398: {  	[tilespmem:$0x3090] =	vst v57;
	v8 =	vand.u32 $0x40, v8  }
0x399: {  	[tilespmem:$0x3190] =	vst v8  }
0x39a: {  	v8 =	vld [tilespmem:s0+$0x20];
	_ =	sdelay $0x4  }
0x39b: {  	v58 =	vshra.s32 v8, $0x1;
	v8 =	vshll.u32 v8, $0x6  }
0x39c: {  	[tilespmem:$0x30A0] =	vst v58;
	v8 =	vand.u32 $0x40, v8  }
0x39d: {  	[tilespmem:$0x31A0] =	vst v8  }
0x39e: {  	v8 =	vld [tilespmem:s0+$0x30];
	_ =	sdelay $0x4  }
0x39f: {  	v59 =	vshra.s32 v8, $0x1;
	v8 =	vshll.u32 v8, $0x6  }
0x3a0: {  	[tilespmem:$0x30B0] =	vst v59;
	v8 =	vand.u32 $0x40, v8  }
0x3a1: {  	[tilespmem:$0x31B0] =	vst v8  }
0x3a2: {  	v8 =	vld [tilespmem:s0+$0x40];
	_ =	sdelay $0x4  }
0x3a3: {  	v60 =	vshra.s32 v8, $0x1;
	v8 =	vshll.u32 v8, $0x6  }
0x3a4: {  	[tilespmem:$0x30C0] =	vst v60;
	v8 =	vand.u32 $0x40, v8  }
0x3a5: {  	[tilespmem:$0x31C0] =	vst v8  }
0x3a6: {  	v8 =	vld [tilespmem:s0+$0x50];
	_ =	sdelay $0x4  }
0x3a7: {  	v61 =	vshra.s32 v8, $0x1;
	v8 =	vshll.u32 v8, $0x6  }
0x3a8: {  	[tilespmem:$0x30D0] =	vst v61;
	v8 =	vand.u32 $0x40, v8  }
0x3a9: {  	[tilespmem:$0x31D0] =	vst v8  }
0x3aa: {  	v8 =	vld [tilespmem:s0+$0x60];
	_ =	sdelay $0x4  }
0x3ab: {  	v62 =	vshra.s32 v8, $0x1;
	v8 =	vshll.u32 v8, $0x6  }
0x3ac: {  	[tilespmem:$0x30E0] =	vst v62;
	v8 =	vand.u32 $0x40, v8  }
0x3ad: {  	[tilespmem:$0x31E0] =	vst v8  }
0x3ae: {  	v8 =	vld [tilespmem:s0+$0x70];
	_ =	sdelay $0x3  }
.Ltmp22:
0x3af: {  	_ = 	snop;
	(pc) =	sbr.rel .LBB2_2-.Ltmp22, $4  }
0x3b0: {  	v63 =	vshra.s32 v8, $0x1;
	v8 =	vshll.u32 v8, $0x6  }
0x3b1: {  	[tilespmem:$0x30F0] =	vst v63;
	v8 =	vand.u32 $0x40, v8  }
0x3b2: {  	s25 =	sadd.s32 $0x1, s25;
	[tilespmem:$0x31F0] =	vst v8  }
0x3b3: {  	[tilespmem:s16], [sflag:$0x2] =	stream.indirect.gather [hbm4b:s5+s12], $0x80, s15, s12, $0xb8;
	[tilespmem:$0xF200] =	vst v63  }
.LBB2_41:
0x3b4: {  	_ =	sfence.sel $0x180000  }
0x3b5: {  	[bflag:$0x0] =	sbarrier.arrive $0xFFFF  }
0x3b6: {  	_ =	strace $0x9000004A  }
0x3b7: {  	s0 =	stileid.u32;
	[bflag:$0x2] =	sbarrier.arrive $0xFFFF  }
0x3b8: {  	p0 =	sne.s32 s0, $0x0;
	s0 =	rddreg [dreg:$0x3]  }
0x3b9: {  	s0 =	sadd.s32 @!p0 $0x100000, s0  }
0x3ba: {  	[sflag:s0] =	ssyncadd.tile.s32 @!p0 $0x1;
	_ =	shalt  }
.Lfunc_end2:
_tile_overlayer_lowered:
.L_overlay_start_2:
0x3bb: {  	(tag) =	ssettag $0x2  }
0x3bc: {  	s0 =	rddreg [dreg:$0x0];
	s2 =	stileid.u32  }
0x3bd: {  	s1 =	rddreg [dreg:$0x1];
	p0 =	sne.s32 s2, $0x0  }
0x3be: {  	s3 =	rddreg [dreg:$0x2];
	[bflag:$0x3] =	sbarrier.arrive $0xFFFF;
	s2 =	simm.s32 @!p0 $0x1C05  }
0x3bf: {  	[timem:s3], [sflag:s2] =	dma.local @!p0 [hbm:s0], s1  }
0x3c0: {  	s0 =	simm.s32 @!p0 $0x5  }
0x3c1: {  	_ =	swait.ge @!p0 [sflag:s0], s1  }
0x3c2: {  	s1 =	ssub.s32 @!p0 $0x0, s1;
	[sflag:s0] =	ssyncset.done @!p0 $0x0  }
0x3c3: {  	[sflag:s0] =	ssyncadd.s32 @!p0 s1  }
0x3c4: {  	[bflag:$0x3] =	sbarrier.arrive $0xFFFF  }
0x3c5: {  	_ =	shalt  }

</sc_bundles>
